<compile_context>
chip_gen: v7x
topology: tpu7x:2x2x1
jax: 0.10.2.dev20260603
libtpu: 0.0.44.dev20260713+nightly
codegen_flags: <defaults>
</compile_context>

<pallas_src>
import functools

import jax
import jax.numpy as jnp
from jax import lax
from jax.experimental import pallas as pl
from jax.experimental.pallas import tpu as pltpu
from jax.experimental.pallas import tpu_sc as plsc

N = 100000
D = 32
H = D // 2
E = 1600000

LANES = 128
K = 4
NTILES = 16
ROWS = 12544
EP = ROWS * LANES
ROWS_PER_TILE = ROWS // NTILES
ITERS = ROWS_PER_TILE // K
NG = ITERS // 4
NPAD = 100096
ACC_PER_TILE = NPAD // NTILES
PK = NPAD * H // LANES
PK0 = N * H // LANES
EXTRA_ROWS = ROWS - E // LANES

BM = 3128
GRID = PK // BM


def _sc_segment_sum(xs, src_all, dstp, zeros):
  mesh = plsc.VectorSubcoreMesh(core_axis_name="c", subcore_axis_name="s")

  @functools.partial(
      pl.kernel,
      out_type=jax.ShapeDtypeStruct((2 * NPAD, H), jnp.float32),
      mesh=mesh,
      scratch_types=[
          [pltpu.VMEM((K, LANES), jnp.int32) for _ in range(4)],
          [pltpu.VMEM((K, LANES), jnp.int32) for _ in range(4)],
          [pltpu.VMEM((K * LANES, H), jnp.float32) for _ in range(2)],
          pltpu.VMEM_SHARED((NPAD, H), jnp.float32),
          pltpu.SemaphoreType.DMA,
          [pltpu.SemaphoreType.DMA for _ in range(2)],
          pltpu.SemaphoreType.DMA,
      ],
      compiler_params=pltpu.CompilerParams(use_tc_tiling_on_sc=False),
  )
  def k(x_hbm, src_hbm, dst_hbm, z_hbm, nab_hbm,
        srcv, dstv, rows, acc, gsem, ssem, isem):
    c = lax.axis_index("c")
    s = lax.axis_index("s")

    zslc = pl.ds(s * ACC_PER_TILE, ACC_PER_TILE)
    pltpu.sync_copy(z_hbm.at[zslc], acc.at[zslc])
    plsc.subcore_barrier()

    sbase = c * ROWS + s * ROWS_PER_TILE
    dbase = s * ROWS_PER_TILE

    def fetch_idx(t, b):
      pltpu.async_copy(src_hbm.at[pl.ds(sbase + t * K, K)], srcv[b], isem)
      pltpu.async_copy(dst_hbm.at[pl.ds(dbase + t * K, K)], dstv[b], isem)

    def wait_idx(b):
      pltpu.make_async_copy(src_hbm.at[pl.ds(0, K)], srcv[b], isem).wait()
      pltpu.make_async_copy(dst_hbm.at[pl.ds(0, K)], dstv[b], isem).wait()

    for b in (0, 1):
      fetch_idx(b, b)

    def edge_loop():
      def drain_scatters(rb):
        for _ in range(K):
          pltpu.make_async_copy(z_hbm.at[pl.ds(0, LANES)],
                                rows[rb].at[pl.ds(0, LANES)], ssem[rb]).wait()

      def group(g, carry):
        for b in range(4):
          t = g * 4 + b
          rb = b % 2
          if b < 2:
            pl.when(g >= 1)(lambda rb=rb: drain_scatters(rb))
          else:
            drain_scatters(rb)
          if b < 2:
            fetch_idx(t + 2, (b + 2) % 4)
          else:
            pl.when(g < NG - 1)(lambda t=t, b=b: fetch_idx(t + 2, (b + 2) % 4))
          wait_idx(b)
          descs = [pltpu.async_copy(x_hbm.at[srcv[b].at[j]],
                                    rows[rb].at[pl.ds(j * LANES, LANES)], gsem)
                   for j in range(K)]
          for d in descs:
            d.wait()
          for j in range(K):
            pltpu.async_copy(rows[rb].at[pl.ds(j * LANES, LANES)],
                             acc.at[dstv[b].at[j]], ssem[rb], add=True)
        return carry
      lax.fori_loop(0, NG, group, 0)

      for rb in (0, 1):
        drain_scatters(rb)

    edge_loop()
    plsc.subcore_barrier()

    pltpu.sync_copy(
        acc.at[pl.ds(s * ACC_PER_TILE, ACC_PER_TILE)],
        nab_hbm.at[pl.ds(c * NPAD + s * ACC_PER_TILE, ACC_PER_TILE)])

  return k(xs, src_all, dstp, zeros)


def _combine_mid_body(xa_ref, xb_ref, na_ref, nb_ref, w_ref, b_ref, y_ref):
  w = w_ref[0]
  y = jnp.dot(xa_ref[...], w[:128, :], preferred_element_type=jnp.float32)
  y = y + jnp.dot(xb_ref[...], w[128:256, :],
                  preferred_element_type=jnp.float32)
  y = y + jnp.dot(na_ref[...], w[256:384, :],
                  preferred_element_type=jnp.float32)
  y = y + jnp.dot(nb_ref[...], w[384:, :],
                  preferred_element_type=jnp.float32)
  y_ref[...] = jnp.maximum(y + b_ref[0], 0.0)


def _combine_mid(xs_pk, nab_pk, wbd, bt):
  half = pl.BlockSpec((BM, LANES), lambda i, h: (i, 0))
  other = pl.BlockSpec((BM, LANES), lambda i, h: (i + GRID, 0))
  return pl.pallas_call(
      _combine_mid_body,
      grid=(GRID, 2),
      in_specs=[
          half, other, half, other,
          pl.BlockSpec((1, 512, LANES), lambda i, h: (h, 0, 0)),
          pl.BlockSpec((1, 1, LANES), lambda i, h: (h, 0, 0)),
      ],
      out_specs=pl.BlockSpec((BM, LANES), lambda i, h: (h * GRID + i, 0)),
      out_shape=jax.ShapeDtypeStruct((2 * PK, LANES), jnp.float32),
  )(xs_pk, xs_pk, nab_pk, nab_pk, wbd, bt)


def _combine_final_body(xa_ref, xb_ref, na_ref, nb_ref, w_ref, b_ref, y_ref):
  w = w_ref[...]
  y = jnp.dot(xa_ref[...], w[:128, :], preferred_element_type=jnp.float32)
  y = y + jnp.dot(xb_ref[...], w[128:256, :],
                  preferred_element_type=jnp.float32)
  y = y + jnp.dot(na_ref[...], w[256:384, :],
                  preferred_element_type=jnp.float32)
  y = y + jnp.dot(nb_ref[...], w[384:, :],
                  preferred_element_type=jnp.float32)
  y_ref[...] = y + b_ref[...]


def _combine_final(xs_pk, nab_pk, wfin, bfin):
  half = pl.BlockSpec((BM, LANES), lambda i: (i, 0))
  other = pl.BlockSpec((BM, LANES), lambda i: (i + GRID, 0))
  return pl.pallas_call(
      _combine_final_body,
      grid=(GRID,),
      in_specs=[
          half, other, half, other,
          pl.BlockSpec((512, 256), lambda i: (0, 0)),
          pl.BlockSpec((1, 256), lambda i: (0, 0)),
      ],
      out_specs=pl.BlockSpec((BM, 256), lambda i: (i, 0)),
      out_shape=jax.ShapeDtypeStruct((PK, 256), jnp.float32),
  )(xs_pk, xs_pk, nab_pk, nab_pk, wfin, bfin)


def _mid_weights(W, b):
  base = W.T.reshape(4, H, 2, H)
  eye8 = jnp.eye(8, dtype=W.dtype)
  wbd = jnp.einsum("gfho,ij->hgifjo", base, eye8).reshape(2, 512, LANES)
  bt = jnp.broadcast_to(b.reshape(2, 1, H), (2, 8, H)).reshape(2, 1, LANES)
  return wbd, bt


def _final_weights(W, b):
  base = W.T.reshape(4, H, 2, H)
  eye8 = jnp.eye(8, dtype=W.dtype)
  wfin = jnp.einsum("gfho,ij->gifjho", base, eye8).reshape(512, 256)
  bfin = jnp.broadcast_to(b.reshape(1, 2, H), (8, 2, H)).reshape(1, 256)
  return wfin, bfin


def kernel(edge_index, emb, W1, b1, W2, b2):
  edge2 = edge_index.reshape(2, E // LANES, LANES)
  padi = jnp.zeros((ROWS - E // LANES, LANES), jnp.int32)
  srcp = jnp.concatenate([edge2[1], padi])
  dstp = jnp.concatenate([edge2[0], padi + N])
  src_all = jnp.concatenate([srcp, srcp + NPAD])
  zeros = jnp.zeros((NPAD, H), jnp.float32)
  xs = jnp.concatenate([jnp.pad(emb[:, :H], ((0, NPAD - N), (0, 0))),
                        jnp.pad(emb[:, H:], ((0, NPAD - N), (0, 0)))])
  xs_pk = xs.reshape(-1, LANES)

  wbd1, bt1 = _mid_weights(W1, b1)
  wfin, bfin = _final_weights(W2, b2)

  nab = _sc_segment_sum(xs, src_all, dstp, zeros)
  yab = _combine_mid(xs_pk, nab.reshape(-1, LANES), wbd1, bt1)

  mab = _sc_segment_sum(yab.reshape(2 * NPAD, H), src_all, dstp, zeros)
  yfin = _combine_final(yab, mab.reshape(-1, LANES), wfin, bfin)
  return jnp.maximum(yfin.reshape(NPAD, D)[:N], 0.0)

# --- scband reference (transcript-rebuilt; emitter-appended) ---
"""Pipeline reference for scband-graph-sagerecommender-33131377721641 (READ-ONLY COPY).

The authoritative reference and input builder live on the scoring server;
editing this copy changes nothing except your own understanding.
"""

import jax, jax.numpy as jnp
import numpy as np

N = 100000
E = 1600000
D = 32  # embedding_dim, node_feature_dim=0 so hidden_dim=D


def setup_inputs(seed: int = 0) -> dict:
    key = jax.random.key(seed)
    k1, k2, k3, k4, k5 = jax.random.split(key, 5)
    edge_index = jax.random.randint(k1, (2, E), 0, N, dtype=jnp.int32)
    # learned parameters
    emb = jax.random.normal(k2, (N, D), dtype=jnp.float32) * 0.05  # embedding table (xavier-ish)
    W1 = jax.random.normal(k3, (D, 2 * D), dtype=jnp.float32) * (1.0 / np.sqrt(2 * D))  # torch Linear convention [out, in]
    b1 = jnp.zeros((D,), dtype=jnp.float32)
    W2 = jax.random.normal(k4, (D, 2 * D), dtype=jnp.float32) * (1.0 / np.sqrt(2 * D))
    b2 = jnp.zeros((D,), dtype=jnp.float32)
    return {"edge_index": edge_index, "emb": emb, "W1": W1, "b1": b1, "W2": W2, "b2": b2}


def reference(edge_index, emb, W1, b1, W2, b2):
    # adjacency is a binary sparse [N, N] matrix given as COO edge_index (row=dst, col=src)
    dst = edge_index[0]
    src = edge_index[1]
    x = emb  # node_features is None -> embeddings only
    for W, b in ((W1, b1), (W2, b2)):
        # torch.sparse.mm(adjacency, embeddings): sum of neighbor embeddings per dst row
        neighbor = jax.ops.segment_sum(jnp.take(x, src, axis=0), dst, num_segments=N)
        combined = jnp.concatenate([x, neighbor], axis=1)
        x = jax.nn.relu(combined @ W.T + b)
    return x

if __name__ == "__main__":
    import jax
    _d = setup_inputs()
    print(jax.jit(kernel)(*tuple(_d.values())))

</pallas_src>

<mosaic_0001>
#map = affine_map<(d0, d1) -> (0, 0)>
module attributes {stable_mosaic.version = 14 : i64} {
  func.func @k(%arg0: i32, %arg1: i32, %arg2: memref<200192x16xf32, #tpu.memory_space<hbm>>, %arg3: memref<25088x128xi32, #tpu.memory_space<hbm>>, %arg4: memref<12544x128xi32, #tpu.memory_space<hbm>>, %arg5: memref<100096x16xf32, #tpu.memory_space<hbm>>, %arg6: memref<200192x16xf32, #tpu.memory_space<hbm>>, %arg7: memref<4x128xi32, #tpu.memory_space<vmem>>, %arg8: memref<4x128xi32, #tpu.memory_space<vmem>>, %arg9: memref<4x128xi32, #tpu.memory_space<vmem>>, %arg10: memref<4x128xi32, #tpu.memory_space<vmem>>, %arg11: memref<4x128xi32, #tpu.memory_space<vmem>>, %arg12: memref<4x128xi32, #tpu.memory_space<vmem>>, %arg13: memref<4x128xi32, #tpu.memory_space<vmem>>, %arg14: memref<4x128xi32, #tpu.memory_space<vmem>>, %arg15: memref<512x16xf32, #tpu.memory_space<vmem>>, %arg16: memref<512x16xf32, #tpu.memory_space<vmem>>, %arg17: memref<100096x16xf32, #tpu.memory_space<vmem_shared>>, %arg18: memref<!tpu.dma_semaphore, #tpu.memory_space<semaphore_mem>>, %arg19: memref<!tpu.dma_semaphore, #tpu.memory_space<semaphore_mem>>, %arg20: memref<!tpu.dma_semaphore, #tpu.memory_space<semaphore_mem>>, %arg21: memref<!tpu.dma_semaphore, #tpu.memory_space<semaphore_mem>>) attributes {dimension_semantics = [#tpu.dimension_semantics<core_parallel>, #tpu.dimension_semantics<subcore_parallel>], iteration_bounds = array<i64: 2, 16>, scalar_prefetch = 0 : i64, scratch_operands = 15 : i64, tpu.core_type = #tpu.core_type<sc_vector_subcore>, window_params = [{transform_indices = #map}, {transform_indices = #map}, {transform_indices = #map}, {transform_indices = #map}, {transform_indices = #map}]} {
    %mul3A = arith.constant 6256 : i32
    %mul3A_0 = arith.muli %arg1, %mul3A : i32
    "tpu.region"() ({
      %run_scoped3A = tpu.sem_alloc : memref<!tpu.dma_semaphore, #tpu.memory_space<semaphore_mem>>
      %dma_start3A_138 = arith.constant 0 : i32
      %dma_start3A_139 = tpu.memref_slice %arg17[%mul3A_0, %dma_start3A_138] : memref<100096x16xf32, #tpu.memory_space<vmem_shared>> -> memref<6256x16xf32, #tpu.memory_space<vmem_shared>>
      %dma_start3A_140 = arith.constant 0 : i32
      %dma_start3A_141 = tpu.memref_slice %arg5[%mul3A_0, %dma_start3A_140] : memref<100096x16xf32, #tpu.memory_space<hbm>> -> memref<6256x16xf32, #tpu.memory_space<hbm>>
      tpu.enqueue_dma source(%dma_start3A_141 : memref<6256x16xf32, #tpu.memory_space<hbm>>) target(%dma_start3A_139 : memref<6256x16xf32, #tpu.memory_space<vmem_shared>>) target_semaphore(%run_scoped3A : memref<!tpu.dma_semaphore, #tpu.memory_space<semaphore_mem>>)
      %dma_wait3A_142 = arith.constant 0 : i32
      %dma_wait3A_143 = tpu.memref_slice %arg17[%mul3A_0, %dma_wait3A_142] : memref<100096x16xf32, #tpu.memory_space<vmem_shared>> -> memref<6256x16xf32, #tpu.memory_space<vmem_shared>>
      %dma_wait3A_144 = arith.constant 0 : i32
      %dma_wait3A_145 = tpu.memref_slice %arg5[%mul3A_0, %dma_wait3A_144] : memref<100096x16xf32, #tpu.memory_space<hbm>> -> memref<6256x16xf32, #tpu.memory_space<hbm>>
      tpu.wait_dma2 semaphore(%run_scoped3A : memref<!tpu.dma_semaphore, #tpu.memory_space<semaphore_mem>>) src(%dma_wait3A_145 : memref<6256x16xf32, #tpu.memory_space<hbm>>) dst(%dma_wait3A_143 : memref<6256x16xf32, #tpu.memory_space<vmem_shared>>)
      tpu.yield
    }) : () -> ()
    %barrier3A = arith.constant 0 : index
    tpu.barrier barrier_id(%barrier3A)
    %mul3A_1 = arith.constant 12544 : i32
    %mul3A_2 = arith.muli %arg0, %mul3A_1 : i32
    %mul3A_3 = arith.constant 784 : i32
    %mul3A_4 = arith.muli %arg1, %mul3A_3 : i32
    %add3A = arith.addi %mul3A_2, %mul3A_4 : i32
    %mul3A_5 = arith.constant 784 : i32
    %mul3A_6 = arith.muli %arg1, %mul3A_5 : i32
    %add3A_7 = arith.constant 0 : i32
    %add3A_8 = arith.addi %add3A, %add3A_7 : i32
    %dma_start3A = arith.constant 0 : i32
    %dma_start3A_9 = tpu.memref_slice %arg3[%add3A_8, %dma_start3A] : memref<25088x128xi32, #tpu.memory_space<hbm>> -> memref<4x128xi32, #tpu.memory_space<hbm>>
    %dma_start3A_10 = arith.constant 0 : i32
    %dma_start3A_11 = tpu.memref_slice %arg3[%add3A_8, %dma_start3A_10] : memref<25088x128xi32, #tpu.memory_space<hbm>> -> memref<4x128xi32, #tpu.memory_space<hbm>>
    tpu.enqueue_dma source(%dma_start3A_11 : memref<4x128xi32, #tpu.memory_space<hbm>>) target(%arg7 : memref<4x128xi32, #tpu.memory_space<vmem>>) target_semaphore(%arg21 : memref<!tpu.dma_semaphore, #tpu.memory_space<semaphore_mem>>)
    %add3A_12 = arith.constant 0 : i32
    %add3A_13 = arith.addi %mul3A_6, %add3A_12 : i32
    %dma_start3A_14 = arith.constant 0 : i32
    %dma_start3A_15 = tpu.memref_slice %arg4[%add3A_13, %dma_start3A_14] : memref<12544x128xi32, #tpu.memory_space<hbm>> -> memref<4x128xi32, #tpu.memory_space<hbm>>
    %dma_start3A_16 = arith.constant 0 : i32
    %dma_start3A_17 = tpu.memref_slice %arg4[%add3A_13, %dma_start3A_16] : memref<12544x128xi32, #tpu.memory_space<hbm>> -> memref<4x128xi32, #tpu.memory_space<hbm>>
    tpu.enqueue_dma source(%dma_start3A_17 : memref<4x128xi32, #tpu.memory_space<hbm>>) target(%arg11 : memref<4x128xi32, #tpu.memory_space<vmem>>) target_semaphore(%arg21 : memref<!tpu.dma_semaphore, #tpu.memory_space<semaphore_mem>>)
    %add3A_18 = arith.constant 4 : i32
    %add3A_19 = arith.addi %add3A, %add3A_18 : i32
    %dma_start3A_20 = arith.constant 0 : i32
    %dma_start3A_21 = tpu.memref_slice %arg3[%add3A_19, %dma_start3A_20] : memref<25088x128xi32, #tpu.memory_space<hbm>> -> memref<4x128xi32, #tpu.memory_space<hbm>>
    %dma_start3A_22 = arith.constant 0 : i32
    %dma_start3A_23 = tpu.memref_slice %arg3[%add3A_19, %dma_start3A_22] : memref<25088x128xi32, #tpu.memory_space<hbm>> -> memref<4x128xi32, #tpu.memory_space<hbm>>
    tpu.enqueue_dma source(%dma_start3A_23 : memref<4x128xi32, #tpu.memory_space<hbm>>) target(%arg8 : memref<4x128xi32, #tpu.memory_space<vmem>>) target_semaphore(%arg21 : memref<!tpu.dma_semaphore, #tpu.memory_space<semaphore_mem>>)
    %add3A_24 = arith.constant 4 : i32
    %add3A_25 = arith.addi %mul3A_6, %add3A_24 : i32
    %dma_start3A_26 = arith.constant 0 : i32
    %dma_start3A_27 = tpu.memref_slice %arg4[%add3A_25, %dma_start3A_26] : memref<12544x128xi32, #tpu.memory_space<hbm>> -> memref<4x128xi32, #tpu.memory_space<hbm>>
    %dma_start3A_28 = arith.constant 0 : i32
    %dma_start3A_29 = tpu.memref_slice %arg4[%add3A_25, %dma_start3A_28] : memref<12544x128xi32, #tpu.memory_space<hbm>> -> memref<4x128xi32, #tpu.memory_space<hbm>>
    tpu.enqueue_dma source(%dma_start3A_29 : memref<4x128xi32, #tpu.memory_space<hbm>>) target(%arg12 : memref<4x128xi32, #tpu.memory_space<vmem>>) target_semaphore(%arg21 : memref<!tpu.dma_semaphore, #tpu.memory_space<semaphore_mem>>)
    %scan3A = arith.constant 0 : i32
    %scan3A_30 = arith.constant 0 : i32
    %scan3A_31 = arith.constant 49 : i32
    %scan3A_32 = arith.addi %scan3A_30, %scan3A_31 : i32
    %scan3A_33 = arith.constant 1 : i32
    scf.for %scan3A_138 = %scan3A_30 to %scan3A_32 step %scan3A_33  : i32 {
      %mul3A_139 = arith.constant 4 : i32
      %mul3A_140 = arith.muli %scan3A_138, %mul3A_139 : i32
      %add3A_141 = arith.constant 0 : i32
      %add3A_142 = arith.addi %mul3A_140, %add3A_141 : i32
      %ge3A = arith.constant 1 : i32
      %ge3A_143 = arith.cmpi sge, %scan3A_138, %ge3A : i32
      %convert_element_type3A = arith.extui %ge3A_143 : i1 to i32
      %cond3A = arith.constant 0 : i32
      %cond3A_144 = arith.cmpi ne, %convert_element_type3A, %cond3A : i32
      scf.if %cond3A_144 {
        %dma_wait3A_827 = arith.constant 0 : i32
        %dma_wait3A_828 = arith.constant 0 : i32
        %dma_wait3A_829 = tpu.memref_slice %arg15[%dma_wait3A_827, %dma_wait3A_828] : memref<512x16xf32, #tpu.memory_space<vmem>> -> memref<128x16xf32, #tpu.memory_space<vmem>>
        %dma_wait3A_830 = arith.constant 0 : i32
        %dma_wait3A_831 = arith.constant 0 : i32
        %dma_wait3A_832 = tpu.memref_slice %arg5[%dma_wait3A_830, %dma_wait3A_831] : memref<100096x16xf32, #tpu.memory_space<hbm>> -> memref<128x16xf32, #tpu.memory_space<hbm>>
        %dma_wait3A_833 = arith.constant 0 : i32
        %dma_wait3A_834 = arith.constant 0 : i32
        %dma_wait3A_835 = tpu.memref_slice %arg15[%dma_wait3A_833, %dma_wait3A_834] : memref<512x16xf32, #tpu.memory_space<vmem>> -> memref<128x16xf32, #tpu.memory_space<vmem>>
        %dma_wait3A_836 = arith.constant 0 : i32
        %dma_wait3A_837 = arith.constant 0 : i32
        %dma_wait3A_838 = tpu.memref_slice %arg5[%dma_wait3A_836, %dma_wait3A_837] : memref<100096x16xf32, #tpu.memory_space<hbm>> -> memref<128x16xf32, #tpu.memory_space<hbm>>
        tpu.wait_dma2 semaphore(%arg19 : memref<!tpu.dma_semaphore, #tpu.memory_space<semaphore_mem>>) src(%dma_wait3A_838 : memref<128x16xf32, #tpu.memory_space<hbm>>) dst(%dma_wait3A_835 : memref<128x16xf32, #tpu.memory_space<vmem>>)
        %dma_wait3A_839 = arith.constant 0 : i32
        %dma_wait3A_840 = arith.constant 0 : i32
        %dma_wait3A_841 = tpu.memref_slice %arg15[%dma_wait3A_839, %dma_wait3A_840] : memref<512x16xf32, #tpu.memory_space<vmem>> -> memref<128x16xf32, #tpu.memory_space<vmem>>
        %dma_wait3A_842 = arith.constant 0 : i32
        %dma_wait3A_843 = arith.constant 0 : i32
        %dma_wait3A_844 = tpu.memref_slice %arg5[%dma_wait3A_842, %dma_wait3A_843] : memref<100096x16xf32, #tpu.memory_space<hbm>> -> memref<128x16xf32, #tpu.memory_space<hbm>>
        %dma_wait3A_845 = arith.constant 0 : i32
        %dma_wait3A_846 = arith.constant 0 : i32
        %dma_wait3A_847 = tpu.memref_slice %arg15[%dma_wait3A_845, %dma_wait3A_846] : memref<512x16xf32, #tpu.memory_space<vmem>> -> memref<128x16xf32, #tpu.memory_space<vmem>>
        %dma_wait3A_848 = arith.constant 0 : i32
        %dma_wait3A_849 = arith.constant 0 : i32
        %dma_wait3A_850 = tpu.memref_slice %arg5[%dma_wait3A_848, %dma_wait3A_849] : memref<100096x16xf32, #tpu.memory_space<hbm>> -> memref<128x16xf32, #tpu.memory_space<hbm>>
        tpu.wait_dma2 semaphore(%arg19 : memref<!tpu.dma_semaphore, #tpu.memory_space<semaphore_mem>>) src(%dma_wait3A_850 : memref<128x16xf32, #tpu.memory_space<hbm>>) dst(%dma_wait3A_847 : memref<128x16xf32, #tpu.memory_space<vmem>>)
        %dma_wait3A_851 = arith.constant 0 : i32
        %dma_wait3A_852 = arith.constant 0 : i32
        %dma_wait3A_853 = tpu.memref_slice %arg15[%dma_wait3A_851, %dma_wait3A_852] : memref<512x16xf32, #tpu.memory_space<vmem>> -> memref<128x16xf32, #tpu.memory_space<vmem>>
        %dma_wait3A_854 = arith.constant 0 : i32
        %dma_wait3A_855 = arith.constant 0 : i32
        %dma_wait3A_856 = tpu.memref_slice %arg5[%dma_wait3A_854, %dma_wait3A_855] : memref<100096x16xf32, #tpu.memory_space<hbm>> -> memref<128x16xf32, #tpu.memory_space<hbm>>
        %dma_wait3A_857 = arith.constant 0 : i32
        %dma_wait3A_858 = arith.constant 0 : i32
        %dma_wait3A_859 = tpu.memref_slice %arg15[%dma_wait3A_857, %dma_wait3A_858] : memref<512x16xf32, #tpu.memory_space<vmem>> -> memref<128x16xf32, #tpu.memory_space<vmem>>
        %dma_wait3A_860 = arith.constant 0 : i32
        %dma_wait3A_861 = arith.constant 0 : i32
        %dma_wait3A_862 = tpu.memref_slice %arg5[%dma_wait3A_860, %dma_wait3A_861] : memref<100096x16xf32, #tpu.memory_space<hbm>> -> memref<128x16xf32, #tpu.memory_space<hbm>>
        tpu.wait_dma2 semaphore(%arg19 : memref<!tpu.dma_semaphore, #tpu.memory_space<semaphore_mem>>) src(%dma_wait3A_862 : memref<128x16xf32, #tpu.memory_space<hbm>>) dst(%dma_wait3A_859 : memref<128x16xf32, #tpu.memory_space<vmem>>)
        %dma_wait3A_863 = arith.constant 0 : i32
        %dma_wait3A_864 = arith.constant 0 : i32
        %dma_wait3A_865 = tpu.memref_slice %arg15[%dma_wait3A_863, %dma_wait3A_864] : memref<512x16xf32, #tpu.memory_space<vmem>> -> memref<128x16xf32, #tpu.memory_space<vmem>>
        %dma_wait3A_866 = arith.constant 0 : i32
        %dma_wait3A_867 = arith.constant 0 : i32
        %dma_wait3A_868 = tpu.memref_slice %arg5[%dma_wait3A_866, %dma_wait3A_867] : memref<100096x16xf32, #tpu.memory_space<hbm>> -> memref<128x16xf32, #tpu.memory_space<hbm>>
        %dma_wait3A_869 = arith.constant 0 : i32
        %dma_wait3A_870 = arith.constant 0 : i32
        %dma_wait3A_871 = tpu.memref_slice %arg15[%dma_wait3A_869, %dma_wait3A_870] : memref<512x16xf32, #tpu.memory_space<vmem>> -> memref<128x16xf32, #tpu.memory_space<vmem>>
        %dma_wait3A_872 = arith.constant 0 : i32
        %dma_wait3A_873 = arith.constant 0 : i32
        %dma_wait3A_874 = tpu.memref_slice %arg5[%dma_wait3A_872, %dma_wait3A_873] : memref<100096x16xf32, #tpu.memory_space<hbm>> -> memref<128x16xf32, #tpu.memory_space<hbm>>
        tpu.wait_dma2 semaphore(%arg19 : memref<!tpu.dma_semaphore, #tpu.memory_space<semaphore_mem>>) src(%dma_wait3A_874 : memref<128x16xf32, #tpu.memory_space<hbm>>) dst(%dma_wait3A_871 : memref<128x16xf32, #tpu.memory_space<vmem>>)
      } else {
      }
      %add3A_145 = arith.constant 2 : i32
      %add3A_146 = arith.addi %add3A_142, %add3A_145 : i32
      %mul3A_147 = arith.constant 4 : i32
      %mul3A_148 = arith.muli %add3A_146, %mul3A_147 : i32
      %add3A_149 = arith.addi %add3A, %mul3A_148 : i32
      %dma_start3A_150 = arith.constant 0 : i32
      %dma_start3A_151 = tpu.memref_slice %arg3[%add3A_149, %dma_start3A_150] : memref<25088x128xi32, #tpu.memory_space<hbm>> -> memref<4x128xi32, #tpu.memory_space<hbm>>
      %dma_start3A_152 = arith.constant 0 : i32
      %dma_start3A_153 = tpu.memref_slice %arg3[%add3A_149, %dma_start3A_152] : memref<25088x128xi32, #tpu.memory_space<hbm>> -> memref<4x128xi32, #tpu.memory_space<hbm>>
      tpu.enqueue_dma source(%dma_start3A_153 : memref<4x128xi32, #tpu.memory_space<hbm>>) target(%arg9 : memref<4x128xi32, #tpu.memory_space<vmem>>) target_semaphore(%arg21 : memref<!tpu.dma_semaphore, #tpu.memory_space<semaphore_mem>>)
      %mul3A_154 = arith.constant 4 : i32
      %mul3A_155 = arith.muli %add3A_146, %mul3A_154 : i32
      %add3A_156 = arith.addi %mul3A_6, %mul3A_155 : i32
      %dma_start3A_157 = arith.constant 0 : i32
      %dma_start3A_158 = tpu.memref_slice %arg4[%add3A_156, %dma_start3A_157] : memref<12544x128xi32, #tpu.memory_space<hbm>> -> memref<4x128xi32, #tpu.memory_space<hbm>>
      %dma_start3A_159 = arith.constant 0 : i32
      %dma_start3A_160 = tpu.memref_slice %arg4[%add3A_156, %dma_start3A_159] : memref<12544x128xi32, #tpu.memory_space<hbm>> -> memref<4x128xi32, #tpu.memory_space<hbm>>
      tpu.enqueue_dma source(%dma_start3A_160 : memref<4x128xi32, #tpu.memory_space<hbm>>) target(%arg13 : memref<4x128xi32, #tpu.memory_space<vmem>>) target_semaphore(%arg21 : memref<!tpu.dma_semaphore, #tpu.memory_space<semaphore_mem>>)
      %dma_wait3A_161 = arith.constant 0 : i32
      %dma_wait3A_162 = arith.constant 0 : i32
      %dma_wait3A_163 = tpu.memref_slice %arg3[%dma_wait3A_161, %dma_wait3A_162] : memref<25088x128xi32, #tpu.memory_space<hbm>> -> memref<4x128xi32, #tpu.memory_space<hbm>>
      %dma_wait3A_164 = arith.constant 0 : i32
      %dma_wait3A_165 = arith.constant 0 : i32
      %dma_wait3A_166 = tpu.memref_slice %arg3[%dma_wait3A_164, %dma_wait3A_165] : memref<25088x128xi32, #tpu.memory_space<hbm>> -> memref<4x128xi32, #tpu.memory_space<hbm>>
      tpu.wait_dma2 semaphore(%arg21 : memref<!tpu.dma_semaphore, #tpu.memory_space<semaphore_mem>>) src(%dma_wait3A_166 : memref<4x128xi32, #tpu.memory_space<hbm>>) dst(%arg7 : memref<4x128xi32, #tpu.memory_space<vmem>>)
      %dma_wait3A_167 = arith.constant 0 : i32
      %dma_wait3A_168 = arith.constant 0 : i32
      %dma_wait3A_169 = tpu.memref_slice %arg4[%dma_wait3A_167, %dma_wait3A_168] : memref<12544x128xi32, #tpu.memory_space<hbm>> -> memref<4x128xi32, #tpu.memory_space<hbm>>
      %dma_wait3A_170 = arith.constant 0 : i32
      %dma_wait3A_171 = arith.constant 0 : i32
      %dma_wait3A_172 = tpu.memref_slice %arg4[%dma_wait3A_170, %dma_wait3A_171] : memref<12544x128xi32, #tpu.memory_space<hbm>> -> memref<4x128xi32, #tpu.memory_space<hbm>>
      tpu.wait_dma2 semaphore(%arg21 : memref<!tpu.dma_semaphore, #tpu.memory_space<semaphore_mem>>) src(%dma_wait3A_172 : memref<4x128xi32, #tpu.memory_space<hbm>>) dst(%arg11 : memref<4x128xi32, #tpu.memory_space<vmem>>)
      %dma_start3A_173 = arith.constant 0 : i32
      %dma_start3A_174 = arith.constant 0 : i32
      %dma_start3A_175 = arith.constant 0 : i32
      %dma_start3A_176 = tpu.memref_slice %arg15[%dma_start3A_174, %dma_start3A_175] : memref<512x16xf32, #tpu.memory_space<vmem>> -> memref<128x16xf32, #tpu.memory_space<vmem>>
      %dma_start3A_177 = arith.constant 0 : i32
      %dma_start3A_178 = tpu.memref_slice %arg7[%dma_start3A_173, %dma_start3A_177] : memref<4x128xi32, #tpu.memory_space<vmem>> -> memref<1x128xi32, #tpu.memory_space<vmem>>
      %dma_start3A_179 = tpu.memref_squeeze %dma_start3A_178 : memref<1x128xi32, #tpu.memory_space<vmem>> -> memref<128xi32, #tpu.memory_space<vmem>>
      %dma_start3A_180 = arith.constant 0 : i32
      %dma_start3A_181 = arith.constant 0 : i32
      %dma_start3A_182 = tpu.memref_slice %arg2[%dma_start3A_180, %dma_start3A_181] : memref<200192x16xf32, #tpu.memory_space<hbm>> -> memref<200192x16xf32, #tpu.memory_space<hbm>>
      tpu.enqueue_indirect_dma source(%dma_start3A_182 : memref<200192x16xf32, #tpu.memory_space<hbm>>) target(%dma_start3A_176 : memref<128x16xf32, #tpu.memory_space<vmem>>) offsets(%dma_start3A_179 : memref<128xi32, #tpu.memory_space<vmem>>) semaphore(%arg18 : memref<!tpu.dma_semaphore, #tpu.memory_space<semaphore_mem>>)
      %dma_start3A_183 = arith.constant 1 : i32
      %dma_start3A_184 = arith.constant 128 : i32
      %dma_start3A_185 = arith.constant 0 : i32
      %dma_start3A_186 = tpu.memref_slice %arg15[%dma_start3A_184, %dma_start3A_185] : memref<512x16xf32, #tpu.memory_space<vmem>> -> memref<128x16xf32, #tpu.memory_space<vmem>>
      %dma_start3A_187 = arith.constant 0 : i32
      %dma_start3A_188 = tpu.memref_slice %arg7[%dma_start3A_183, %dma_start3A_187] : memref<4x128xi32, #tpu.memory_space<vmem>> -> memref<1x128xi32, #tpu.memory_space<vmem>>
      %dma_start3A_189 = tpu.memref_squeeze %dma_start3A_188 : memref<1x128xi32, #tpu.memory_space<vmem>> -> memref<128xi32, #tpu.memory_space<vmem>>
      %dma_start3A_190 = arith.constant 0 : i32
      %dma_start3A_191 = arith.constant 0 : i32
      %dma_start3A_192 = tpu.memref_slice %arg2[%dma_start3A_190, %dma_start3A_191] : memref<200192x16xf32, #tpu.memory_space<hbm>> -> memref<200192x16xf32, #tpu.memory_space<hbm>>
      tpu.enqueue_indirect_dma source(%dma_start3A_192 : memref<200192x16xf32, #tpu.memory_space<hbm>>) target(%dma_start3A_186 : memref<128x16xf32, #tpu.memory_space<vmem>>) offsets(%dma_start3A_189 : memref<128xi32, #tpu.memory_space<vmem>>) semaphore(%arg18 : memref<!tpu.dma_semaphore, #tpu.memory_space<semaphore_mem>>)
      %dma_start3A_193 = arith.constant 2 : i32
      %dma_start3A_194 = arith.constant 256 : i32
      %dma_start3A_195 = arith.constant 0 : i32
      %dma_start3A_196 = tpu.memref_slice %arg15[%dma_start3A_194, %dma_start3A_195] : memref<512x16xf32, #tpu.memory_space<vmem>> -> memref<128x16xf32, #tpu.memory_space<vmem>>
      %dma_start3A_197 = arith.constant 0 : i32
      %dma_start3A_198 = tpu.memref_slice %arg7[%dma_start3A_193, %dma_start3A_197] : memref<4x128xi32, #tpu.memory_space<vmem>> -> memref<1x128xi32, #tpu.memory_space<vmem>>
      %dma_start3A_199 = tpu.memref_squeeze %dma_start3A_198 : memref<1x128xi32, #tpu.memory_space<vmem>> -> memref<128xi32, #tpu.memory_space<vmem>>
      %dma_start3A_200 = arith.constant 0 : i32
      %dma_start3A_201 = arith.constant 0 : i32
      %dma_start3A_202 = tpu.memref_slice %arg2[%dma_start3A_200, %dma_start3A_201] : memref<200192x16xf32, #tpu.memory_space<hbm>> -> memref<200192x16xf32, #tpu.memory_space<hbm>>
      tpu.enqueue_indirect_dma source(%dma_start3A_202 : memref<200192x16xf32, #tpu.memory_space<hbm>>) target(%dma_start3A_196 : memref<128x16xf32, #tpu.memory_space<vmem>>) offsets(%dma_start3A_199 : memref<128xi32, #tpu.memory_space<vmem>>) semaphore(%arg18 : memref<!tpu.dma_semaphore, #tpu.memory_space<semaphore_mem>>)
      %dma_start3A_203 = arith.constant 3 : i32
      %dma_start3A_204 = arith.constant 384 : i32
      %dma_start3A_205 = arith.constant 0 : i32
      %dma_start3A_206 = tpu.memref_slice %arg15[%dma_start3A_204, %dma_start3A_205] : memref<512x16xf32, #tpu.memory_space<vmem>> -> memref<128x16xf32, #tpu.memory_space<vmem>>
      %dma_start3A_207 = arith.constant 0 : i32
      %dma_start3A_208 = tpu.memref_slice %arg7[%dma_start3A_203, %dma_start3A_207] : memref<4x128xi32, #tpu.memory_space<vmem>> -> memref<1x128xi32, #tpu.memory_space<vmem>>
      %dma_start3A_209 = tpu.memref_squeeze %dma_start3A_208 : memref<1x128xi32, #tpu.memory_space<vmem>> -> memref<128xi32, #tpu.memory_space<vmem>>
      %dma_start3A_210 = arith.constant 0 : i32
      %dma_start3A_211 = arith.constant 0 : i32
      %dma_start3A_212 = tpu.memref_slice %arg2[%dma_start3A_210, %dma_start3A_211] : memref<200192x16xf32, #tpu.memory_space<hbm>> -> memref<200192x16xf32, #tpu.memory_space<hbm>>
      tpu.enqueue_indirect_dma source(%dma_start3A_212 : memref<200192x16xf32, #tpu.memory_space<hbm>>) target(%dma_start3A_206 : memref<128x16xf32, #tpu.memory_space<vmem>>) offsets(%dma_start3A_209 : memref<128xi32, #tpu.memory_space<vmem>>) semaphore(%arg18 : memref<!tpu.dma_semaphore, #tpu.memory_space<semaphore_mem>>)
      %dma_wait3A_213 = arith.constant 0 : i32
      %dma_wait3A_214 = arith.constant 0 : i32
      %dma_wait3A_215 = arith.constant 0 : i32
      %dma_wait3A_216 = tpu.memref_slice %arg15[%dma_wait3A_214, %dma_wait3A_215] : memref<512x16xf32, #tpu.memory_space<vmem>> -> memref<128x16xf32, #tpu.memory_space<vmem>>
      %dma_wait3A_217 = arith.constant 0 : i32
      %dma_wait3A_218 = tpu.memref_slice %arg7[%dma_wait3A_213, %dma_wait3A_217] : memref<4x128xi32, #tpu.memory_space<vmem>> -> memref<1x128xi32, #tpu.memory_space<vmem>>
      %dma_wait3A_219 = tpu.memref_squeeze %dma_wait3A_218 : memref<1x128xi32, #tpu.memory_space<vmem>> -> memref<128xi32, #tpu.memory_space<vmem>>
      %dma_wait3A_220 = arith.constant 0 : i32
      %dma_wait3A_221 = arith.constant 0 : i32
      %dma_wait3A_222 = tpu.memref_slice %arg2[%dma_wait3A_220, %dma_wait3A_221] : memref<200192x16xf32, #tpu.memory_space<hbm>> -> memref<200192x16xf32, #tpu.memory_space<hbm>>
      tpu.wait_indirect_dma semaphore(%arg18 : memref<!tpu.dma_semaphore, #tpu.memory_space<semaphore_mem>>) src(%dma_wait3A_222 : memref<200192x16xf32, #tpu.memory_space<hbm>>) dst(%dma_wait3A_216 : memref<128x16xf32, #tpu.memory_space<vmem>>)
      %dma_wait3A_223 = arith.constant 1 : i32
      %dma_wait3A_224 = arith.constant 128 : i32
      %dma_wait3A_225 = arith.constant 0 : i32
      %dma_wait3A_226 = tpu.memref_slice %arg15[%dma_wait3A_224, %dma_wait3A_225] : memref<512x16xf32, #tpu.memory_space<vmem>> -> memref<128x16xf32, #tpu.memory_space<vmem>>
      %dma_wait3A_227 = arith.constant 0 : i32
      %dma_wait3A_228 = tpu.memref_slice %arg7[%dma_wait3A_223, %dma_wait3A_227] : memref<4x128xi32, #tpu.memory_space<vmem>> -> memref<1x128xi32, #tpu.memory_space<vmem>>
      %dma_wait3A_229 = tpu.memref_squeeze %dma_wait3A_228 : memref<1x128xi32, #tpu.memory_space<vmem>> -> memref<128xi32, #tpu.memory_space<vmem>>
      %dma_wait3A_230 = arith.constant 0 : i32
      %dma_wait3A_231 = arith.constant 0 : i32
      %dma_wait3A_232 = tpu.memref_slice %arg2[%dma_wait3A_230, %dma_wait3A_231] : memref<200192x16xf32, #tpu.memory_space<hbm>> -> memref<200192x16xf32, #tpu.memory_space<hbm>>
      tpu.wait_indirect_dma semaphore(%arg18 : memref<!tpu.dma_semaphore, #tpu.memory_space<semaphore_mem>>) src(%dma_wait3A_232 : memref<200192x16xf32, #tpu.memory_space<hbm>>) dst(%dma_wait3A_226 : memref<128x16xf32, #tpu.memory_space<vmem>>)
      %dma_wait3A_233 = arith.constant 2 : i32
      %dma_wait3A_234 = arith.constant 256 : i32
      %dma_wait3A_235 = arith.constant 0 : i32
      %dma_wait3A_236 = tpu.memref_slice %arg15[%dma_wait3A_234, %dma_wait3A_235] : memref<512x16xf32, #tpu.memory_space<vmem>> -> memref<128x16xf32, #tpu.memory_space<vmem>>
      %dma_wait3A_237 = arith.constant 0 : i32
      %dma_wait3A_238 = tpu.memref_slice %arg7[%dma_wait3A_233, %dma_wait3A_237] : memref<4x128xi32, #tpu.memory_space<vmem>> -> memref<1x128xi32, #tpu.memory_space<vmem>>
      %dma_wait3A_239 = tpu.memref_squeeze %dma_wait3A_238 : memref<1x128xi32, #tpu.memory_space<vmem>> -> memref<128xi32, #tpu.memory_space<vmem>>
      %dma_wait3A_240 = arith.constant 0 : i32
      %dma_wait3A_241 = arith.constant 0 : i32
      %dma_wait3A_242 = tpu.memref_slice %arg2[%dma_wait3A_240, %dma_wait3A_241] : memref<200192x16xf32, #tpu.memory_space<hbm>> -> memref<200192x16xf32, #tpu.memory_space<hbm>>
      tpu.wait_indirect_dma semaphore(%arg18 : memref<!tpu.dma_semaphore, #tpu.memory_space<semaphore_mem>>) src(%dma_wait3A_242 : memref<200192x16xf32, #tpu.memory_space<hbm>>) dst(%dma_wait3A_236 : memref<128x16xf32, #tpu.memory_space<vmem>>)
      %dma_wait3A_243 = arith.constant 3 : i32
      %dma_wait3A_244 = arith.constant 384 : i32
      %dma_wait3A_245 = arith.constant 0 : i32
      %dma_wait3A_246 = tpu.memref_slice %arg15[%dma_wait3A_244, %dma_wait3A_245] : memref<512x16xf32, #tpu.memory_space<vmem>> -> memref<128x16xf32, #tpu.memory_space<vmem>>
      %dma_wait3A_247 = arith.constant 0 : i32
      %dma_wait3A_248 = tpu.memref_slice %arg7[%dma_wait3A_243, %dma_wait3A_247] : memref<4x128xi32, #tpu.memory_space<vmem>> -> memref<1x128xi32, #tpu.memory_space<vmem>>
      %dma_wait3A_249 = tpu.memref_squeeze %dma_wait3A_248 : memref<1x128xi32, #tpu.memory_space<vmem>> -> memref<128xi32, #tpu.memory_space<vmem>>
      %dma_wait3A_250 = arith.constant 0 : i32
      %dma_wait3A_251 = arith.constant 0 : i32
      %dma_wait3A_252 = tpu.memref_slice %arg2[%dma_wait3A_250, %dma_wait3A_251] : memref<200192x16xf32, #tpu.memory_space<hbm>> -> memref<200192x16xf32, #tpu.memory_space<hbm>>
      tpu.wait_indirect_dma semaphore(%arg18 : memref<!tpu.dma_semaphore, #tpu.memory_space<semaphore_mem>>) src(%dma_wait3A_252 : memref<200192x16xf32, #tpu.memory_space<hbm>>) dst(%dma_wait3A_246 : memref<128x16xf32, #tpu.memory_space<vmem>>)
      %dma_start3A_253 = arith.constant 0 : i32
      %dma_start3A_254 = arith.constant 0 : i32
      %dma_start3A_255 = arith.constant 0 : i32
      %dma_start3A_256 = tpu.memref_slice %arg15[%dma_start3A_254, %dma_start3A_255] : memref<512x16xf32, #tpu.memory_space<vmem>> -> memref<128x16xf32, #tpu.memory_space<vmem>>
      %dma_start3A_257 = arith.constant 0 : i32
      %dma_start3A_258 = tpu.memref_slice %arg11[%dma_start3A_253, %dma_start3A_257] : memref<4x128xi32, #tpu.memory_space<vmem>> -> memref<1x128xi32, #tpu.memory_space<vmem>>
      %dma_start3A_259 = tpu.memref_squeeze %dma_start3A_258 : memref<1x128xi32, #tpu.memory_space<vmem>> -> memref<128xi32, #tpu.memory_space<vmem>>
      %dma_start3A_260 = arith.constant 0 : i32
      %dma_start3A_261 = arith.constant 0 : i32
      %dma_start3A_262 = tpu.memref_slice %arg17[%dma_start3A_260, %dma_start3A_261] : memref<100096x16xf32, #tpu.memory_space<vmem_shared>> -> memref<100096x16xf32, #tpu.memory_space<vmem_shared>>
      tpu.enqueue_indirect_dma source(%dma_start3A_256 : memref<128x16xf32, #tpu.memory_space<vmem>>) target(%dma_start3A_262 : memref<100096x16xf32, #tpu.memory_space<vmem_shared>>) offsets(%dma_start3A_259 : memref<128xi32, #tpu.memory_space<vmem>>) semaphore(%arg19 : memref<!tpu.dma_semaphore, #tpu.memory_space<semaphore_mem>>) {add = true}
      %dma_start3A_263 = arith.constant 1 : i32
      %dma_start3A_264 = arith.constant 128 : i32
      %dma_start3A_265 = arith.constant 0 : i32
      %dma_start3A_266 = tpu.memref_slice %arg15[%dma_start3A_264, %dma_start3A_265] : memref<512x16xf32, #tpu.memory_space<vmem>> -> memref<128x16xf32, #tpu.memory_space<vmem>>
      %dma_start3A_267 = arith.constant 0 : i32
      %dma_start3A_268 = tpu.memref_slice %arg11[%dma_start3A_263, %dma_start3A_267] : memref<4x128xi32, #tpu.memory_space<vmem>> -> memref<1x128xi32, #tpu.memory_space<vmem>>
      %dma_start3A_269 = tpu.memref_squeeze %dma_start3A_268 : memref<1x128xi32, #tpu.memory_space<vmem>> -> memref<128xi32, #tpu.memory_space<vmem>>
      %dma_start3A_270 = arith.constant 0 : i32
      %dma_start3A_271 = arith.constant 0 : i32
      %dma_start3A_272 = tpu.memref_slice %arg17[%dma_start3A_270, %dma_start3A_271] : memref<100096x16xf32, #tpu.memory_space<vmem_shared>> -> memref<100096x16xf32, #tpu.memory_space<vmem_shared>>
      tpu.enqueue_indirect_dma source(%dma_start3A_266 : memref<128x16xf32, #tpu.memory_space<vmem>>) target(%dma_start3A_272 : memref<100096x16xf32, #tpu.memory_space<vmem_shared>>) offsets(%dma_start3A_269 : memref<128xi32, #tpu.memory_space<vmem>>) semaphore(%arg19 : memref<!tpu.dma_semaphore, #tpu.memory_space<semaphore_mem>>) {add = true}
      %dma_start3A_273 = arith.constant 2 : i32
      %dma_start3A_274 = arith.constant 256 : i32
      %dma_start3A_275 = arith.constant 0 : i32
      %dma_start3A_276 = tpu.memref_slice %arg15[%dma_start3A_274, %dma_start3A_275] : memref<512x16xf32, #tpu.memory_space<vmem>> -> memref<128x16xf32, #tpu.memory_space<vmem>>
      %dma_start3A_277 = arith.constant 0 : i32
      %dma_start3A_278 = tpu.memref_slice %arg11[%dma_start3A_273, %dma_start3A_277] : memref<4x128xi32, #tpu.memory_space<vmem>> -> memref<1x128xi32, #tpu.memory_space<vmem>>
      %dma_start3A_279 = tpu.memref_squeeze %dma_start3A_278 : memref<1x128xi32, #tpu.memory_space<vmem>> -> memref<128xi32, #tpu.memory_space<vmem>>
      %dma_start3A_280 = arith.constant 0 : i32
      %dma_start3A_281 = arith.constant 0 : i32
      %dma_start3A_282 = tpu.memref_slice %arg17[%dma_start3A_280, %dma_start3A_281] : memref<100096x16xf32, #tpu.memory_space<vmem_shared>> -> memref<100096x16xf32, #tpu.memory_space<vmem_shared>>
      tpu.enqueue_indirect_dma source(%dma_start3A_276 : memref<128x16xf32, #tpu.memory_space<vmem>>) target(%dma_start3A_282 : memref<100096x16xf32, #tpu.memory_space<vmem_shared>>) offsets(%dma_start3A_279 : memref<128xi32, #tpu.memory_space<vmem>>) semaphore(%arg19 : memref<!tpu.dma_semaphore, #tpu.memory_space<semaphore_mem>>) {add = true}
      %dma_start3A_283 = arith.constant 3 : i32
      %dma_start3A_284 = arith.constant 384 : i32
      %dma_start3A_285 = arith.constant 0 : i32
      %dma_start3A_286 = tpu.memref_slice %arg15[%dma_start3A_284, %dma_start3A_285] : memref<512x16xf32, #tpu.memory_space<vmem>> -> memref<128x16xf32, #tpu.memory_space<vmem>>
      %dma_start3A_287 = arith.constant 0 : i32
      %dma_start3A_288 = tpu.memref_slice %arg11[%dma_start3A_283, %dma_start3A_287] : memref<4x128xi32, #tpu.memory_space<vmem>> -> memref<1x128xi32, #tpu.memory_space<vmem>>
      %dma_start3A_289 = tpu.memref_squeeze %dma_start3A_288 : memref<1x128xi32, #tpu.memory_space<vmem>> -> memref<128xi32, #tpu.memory_space<vmem>>
      %dma_start3A_290 = arith.constant 0 : i32
      %dma_start3A_291 = arith.constant 0 : i32
      %dma_start3A_292 = tpu.memref_slice %arg17[%dma_start3A_290, %dma_start3A_291] : memref<100096x16xf32, #tpu.memory_space<vmem_shared>> -> memref<100096x16xf32, #tpu.memory_space<vmem_shared>>
      tpu.enqueue_indirect_dma source(%dma_start3A_286 : memref<128x16xf32, #tpu.memory_space<vmem>>) target(%dma_start3A_292 : memref<100096x16xf32, #tpu.memory_space<vmem_shared>>) offsets(%dma_start3A_289 : memref<128xi32, #tpu.memory_space<vmem>>) semaphore(%arg19 : memref<!tpu.dma_semaphore, #tpu.memory_space<semaphore_mem>>) {add = true}
      %mul3A_293 = arith.constant 4 : i32
      %mul3A_294 = arith.muli %scan3A_138, %mul3A_293 : i32
      %add3A_295 = arith.constant 1 : i32
      %add3A_296 = arith.addi %mul3A_294, %add3A_295 : i32
      %ge3A_297 = arith.constant 1 : i32
      %ge3A_298 = arith.cmpi sge, %scan3A_138, %ge3A_297 : i32
      %convert_element_type3A_299 = arith.extui %ge3A_298 : i1 to i32
      %cond3A_300 = arith.constant 0 : i32
      %cond3A_301 = arith.cmpi ne, %convert_element_type3A_299, %cond3A_300 : i32
      scf.if %cond3A_301 {
        %dma_wait3A_827 = arith.constant 0 : i32
        %dma_wait3A_828 = arith.constant 0 : i32
        %dma_wait3A_829 = tpu.memref_slice %arg16[%dma_wait3A_827, %dma_wait3A_828] : memref<512x16xf32, #tpu.memory_space<vmem>> -> memref<128x16xf32, #tpu.memory_space<vmem>>
        %dma_wait3A_830 = arith.constant 0 : i32
        %dma_wait3A_831 = arith.constant 0 : i32
        %dma_wait3A_832 = tpu.memref_slice %arg5[%dma_wait3A_830, %dma_wait3A_831] : memref<100096x16xf32, #tpu.memory_space<hbm>> -> memref<128x16xf32, #tpu.memory_space<hbm>>
        %dma_wait3A_833 = arith.constant 0 : i32
        %dma_wait3A_834 = arith.constant 0 : i32
        %dma_wait3A_835 = tpu.memref_slice %arg16[%dma_wait3A_833, %dma_wait3A_834] : memref<512x16xf32, #tpu.memory_space<vmem>> -> memref<128x16xf32, #tpu.memory_space<vmem>>
        %dma_wait3A_836 = arith.constant 0 : i32
        %dma_wait3A_837 = arith.constant 0 : i32
        %dma_wait3A_838 = tpu.memref_slice %arg5[%dma_wait3A_836, %dma_wait3A_837] : memref<100096x16xf32, #tpu.memory_space<hbm>> -> memref<128x16xf32, #tpu.memory_space<hbm>>
        tpu.wait_dma2 semaphore(%arg20 : memref<!tpu.dma_semaphore, #tpu.memory_space<semaphore_mem>>) src(%dma_wait3A_838 : memref<128x16xf32, #tpu.memory_space<hbm>>) dst(%dma_wait3A_835 : memref<128x16xf32, #tpu.memory_space<vmem>>)
        %dma_wait3A_839 = arith.constant 0 : i32
        %dma_wait3A_840 = arith.constant 0 : i32
        %dma_wait3A_841 = tpu.memref_slice %arg16[%dma_wait3A_839, %dma_wait3A_840] : memref<512x16xf32, #tpu.memory_space<vmem>> -> memref<128x16xf32, #tpu.memory_space<vmem>>
        %dma_wait3A_842 = arith.constant 0 : i32
        %dma_wait3A_843 = arith.constant 0 : i32
        %dma_wait3A_844 = tpu.memref_slice %arg5[%dma_wait3A_842, %dma_wait3A_843] : memref<100096x16xf32, #tpu.memory_space<hbm>> -> memref<128x16xf32, #tpu.memory_space<hbm>>
        %dma_wait3A_845 = arith.constant 0 : i32
        %dma_wait3A_846 = arith.constant 0 : i32
        %dma_wait3A_847 = tpu.memref_slice %arg16[%dma_wait3A_845, %dma_wait3A_846] : memref<512x16xf32, #tpu.memory_space<vmem>> -> memref<128x16xf32, #tpu.memory_space<vmem>>
        %dma_wait3A_848 = arith.constant 0 : i32
        %dma_wait3A_849 = arith.constant 0 : i32
        %dma_wait3A_850 = tpu.memref_slice %arg5[%dma_wait3A_848, %dma_wait3A_849] : memref<100096x16xf32, #tpu.memory_space<hbm>> -> memref<128x16xf32, #tpu.memory_space<hbm>>
        tpu.wait_dma2 semaphore(%arg20 : memref<!tpu.dma_semaphore, #tpu.memory_space<semaphore_mem>>) src(%dma_wait3A_850 : memref<128x16xf32, #tpu.memory_space<hbm>>) dst(%dma_wait3A_847 : memref<128x16xf32, #tpu.memory_space<vmem>>)
        %dma_wait3A_851 = arith.constant 0 : i32
        %dma_wait3A_852 = arith.constant 0 : i32
        %dma_wait3A_853 = tpu.memref_slice %arg16[%dma_wait3A_851, %dma_wait3A_852] : memref<512x16xf32, #tpu.memory_space<vmem>> -> memref<128x16xf32, #tpu.memory_space<vmem>>
        %dma_wait3A_854 = arith.constant 0 : i32
        %dma_wait3A_855 = arith.constant 0 : i32
        %dma_wait3A_856 = tpu.memref_slice %arg5[%dma_wait3A_854, %dma_wait3A_855] : memref<100096x16xf32, #tpu.memory_space<hbm>> -> memref<128x16xf32, #tpu.memory_space<hbm>>
        %dma_wait3A_857 = arith.constant 0 : i32
        %dma_wait3A_858 = arith.constant 0 : i32
        %dma_wait3A_859 = tpu.memref_slice %arg16[%dma_wait3A_857, %dma_wait3A_858] : memref<512x16xf32, #tpu.memory_space<vmem>> -> memref<128x16xf32, #tpu.memory_space<vmem>>
        %dma_wait3A_860 = arith.constant 0 : i32
        %dma_wait3A_861 = arith.constant 0 : i32
        %dma_wait3A_862 = tpu.memref_slice %arg5[%dma_wait3A_860, %dma_wait3A_861] : memref<100096x16xf32, #tpu.memory_space<hbm>> -> memref<128x16xf32, #tpu.memory_space<hbm>>
        tpu.wait_dma2 semaphore(%arg20 : memref<!tpu.dma_semaphore, #tpu.memory_space<semaphore_mem>>) src(%dma_wait3A_862 : memref<128x16xf32, #tpu.memory_space<hbm>>) dst(%dma_wait3A_859 : memref<128x16xf32, #tpu.memory_space<vmem>>)
        %dma_wait3A_863 = arith.constant 0 : i32
        %dma_wait3A_864 = arith.constant 0 : i32
        %dma_wait3A_865 = tpu.memref_slice %arg16[%dma_wait3A_863, %dma_wait3A_864] : memref<512x16xf32, #tpu.memory_space<vmem>> -> memref<128x16xf32, #tpu.memory_space<vmem>>
        %dma_wait3A_866 = arith.constant 0 : i32
        %dma_wait3A_867 = arith.constant 0 : i32
        %dma_wait3A_868 = tpu.memref_slice %arg5[%dma_wait3A_866, %dma_wait3A_867] : memref<100096x16xf32, #tpu.memory_space<hbm>> -> memref<128x16xf32, #tpu.memory_space<hbm>>
        %dma_wait3A_869 = arith.constant 0 : i32
        %dma_wait3A_870 = arith.constant 0 : i32
        %dma_wait3A_871 = tpu.memref_slice %arg16[%dma_wait3A_869, %dma_wait3A_870] : memref<512x16xf32, #tpu.memory_space<vmem>> -> memref<128x16xf32, #tpu.memory_space<vmem>>
        %dma_wait3A_872 = arith.constant 0 : i32
        %dma_wait3A_873 = arith.constant 0 : i32
        %dma_wait3A_874 = tpu.memref_slice %arg5[%dma_wait3A_872, %dma_wait3A_873] : memref<100096x16xf32, #tpu.memory_space<hbm>> -> memref<128x16xf32, #tpu.memory_space<hbm>>
        tpu.wait_dma2 semaphore(%arg20 : memref<!tpu.dma_semaphore, #tpu.memory_space<semaphore_mem>>) src(%dma_wait3A_874 : memref<128x16xf32, #tpu.memory_space<hbm>>) dst(%dma_wait3A_871 : memref<128x16xf32, #tpu.memory_space<vmem>>)
      } else {
      }
      %add3A_302 = arith.constant 2 : i32
      %add3A_303 = arith.addi %add3A_296, %add3A_302 : i32
      %mul3A_304 = arith.constant 4 : i32
      %mul3A_305 = arith.muli %add3A_303, %mul3A_304 : i32
      %add3A_306 = arith.addi %add3A, %mul3A_305 : i32
      %dma_start3A_307 = arith.constant 0 : i32
      %dma_start3A_308 = tpu.memref_slice %arg3[%add3A_306, %dma_start3A_307] : memref<25088x128xi32, #tpu.memory_space<hbm>> -> memref<4x128xi32, #tpu.memory_space<hbm>>
      %dma_start3A_309 = arith.constant 0 : i32
      %dma_start3A_310 = tpu.memref_slice %arg3[%add3A_306, %dma_start3A_309] : memref<25088x128xi32, #tpu.memory_space<hbm>> -> memref<4x128xi32, #tpu.memory_space<hbm>>
      tpu.enqueue_dma source(%dma_start3A_310 : memref<4x128xi32, #tpu.memory_space<hbm>>) target(%arg10 : memref<4x128xi32, #tpu.memory_space<vmem>>) target_semaphore(%arg21 : memref<!tpu.dma_semaphore, #tpu.memory_space<semaphore_mem>>)
      %mul3A_311 = arith.constant 4 : i32
      %mul3A_312 = arith.muli %add3A_303, %mul3A_311 : i32
      %add3A_313 = arith.addi %mul3A_6, %mul3A_312 : i32
      %dma_start3A_314 = arith.constant 0 : i32
      %dma_start3A_315 = tpu.memref_slice %arg4[%add3A_313, %dma_start3A_314] : memref<12544x128xi32, #tpu.memory_space<hbm>> -> memref<4x128xi32, #tpu.memory_space<hbm>>
      %dma_start3A_316 = arith.constant 0 : i32
      %dma_start3A_317 = tpu.memref_slice %arg4[%add3A_313, %dma_start3A_316] : memref<12544x128xi32, #tpu.memory_space<hbm>> -> memref<4x128xi32, #tpu.memory_space<hbm>>
      tpu.enqueue_dma source(%dma_start3A_317 : memref<4x128xi32, #tpu.memory_space<hbm>>) target(%arg14 : memref<4x128xi32, #tpu.memory_space<vmem>>) target_semaphore(%arg21 : memref<!tpu.dma_semaphore, #tpu.memory_space<semaphore_mem>>)
      %dma_wait3A_318 = arith.constant 0 : i32
      %dma_wait3A_319 = arith.constant 0 : i32
      %dma_wait3A_320 = tpu.memref_slice %arg3[%dma_wait3A_318, %dma_wait3A_319] : memref<25088x128xi32, #tpu.memory_space<hbm>> -> memref<4x128xi32, #tpu.memory_space<hbm>>
      %dma_wait3A_321 = arith.constant 0 : i32
      %dma_wait3A_322 = arith.constant 0 : i32
      %dma_wait3A_323 = tpu.memref_slice %arg3[%dma_wait3A_321, %dma_wait3A_322] : memref<25088x128xi32, #tpu.memory_space<hbm>> -> memref<4x128xi32, #tpu.memory_space<hbm>>
      tpu.wait_dma2 semaphore(%arg21 : memref<!tpu.dma_semaphore, #tpu.memory_space<semaphore_mem>>) src(%dma_wait3A_323 : memref<4x128xi32, #tpu.memory_space<hbm>>) dst(%arg8 : memref<4x128xi32, #tpu.memory_space<vmem>>)
      %dma_wait3A_324 = arith.constant 0 : i32
      %dma_wait3A_325 = arith.constant 0 : i32
      %dma_wait3A_326 = tpu.memref_slice %arg4[%dma_wait3A_324, %dma_wait3A_325] : memref<12544x128xi32, #tpu.memory_space<hbm>> -> memref<4x128xi32, #tpu.memory_space<hbm>>
      %dma_wait3A_327 = arith.constant 0 : i32
      %dma_wait3A_328 = arith.constant 0 : i32
      %dma_wait3A_329 = tpu.memref_slice %arg4[%dma_wait3A_327, %dma_wait3A_328] : memref<12544x128xi32, #tpu.memory_space<hbm>> -> memref<4x128xi32, #tpu.memory_space<hbm>>
      tpu.wait_dma2 semaphore(%arg21 : memref<!tpu.dma_semaphore, #tpu.memory_space<semaphore_mem>>) src(%dma_wait3A_329 : memref<4x128xi32, #tpu.memory_space<hbm>>) dst(%arg12 : memref<4x128xi32, #tpu.memory_space<vmem>>)
      %dma_start3A_330 = arith.constant 0 : i32
      %dma_start3A_331 = arith.constant 0 : i32
      %dma_start3A_332 = arith.constant 0 : i32
      %dma_start3A_333 = tpu.memref_slice %arg16[%dma_start3A_331, %dma_start3A_332] : memref<512x16xf32, #tpu.memory_space<vmem>> -> memref<128x16xf32, #tpu.memory_space<vmem>>
      %dma_start3A_334 = arith.constant 0 : i32
      %dma_start3A_335 = tpu.memref_slice %arg8[%dma_start3A_330, %dma_start3A_334] : memref<4x128xi32, #tpu.memory_space<vmem>> -> memref<1x128xi32, #tpu.memory_space<vmem>>
      %dma_start3A_336 = tpu.memref_squeeze %dma_start3A_335 : memref<1x128xi32, #tpu.memory_space<vmem>> -> memref<128xi32, #tpu.memory_space<vmem>>
      %dma_start3A_337 = arith.constant 0 : i32
      %dma_start3A_338 = arith.constant 0 : i32
      %dma_start3A_339 = tpu.memref_slice %arg2[%dma_start3A_337, %dma_start3A_338] : memref<200192x16xf32, #tpu.memory_space<hbm>> -> memref<200192x16xf32, #tpu.memory_space<hbm>>
      tpu.enqueue_indirect_dma source(%dma_start3A_339 : memref<200192x16xf32, #tpu.memory_space<hbm>>) target(%dma_start3A_333 : memref<128x16xf32, #tpu.memory_space<vmem>>) offsets(%dma_start3A_336 : memref<128xi32, #tpu.memory_space<vmem>>) semaphore(%arg18 : memref<!tpu.dma_semaphore, #tpu.memory_space<semaphore_mem>>)
      %dma_start3A_340 = arith.constant 1 : i32
      %dma_start3A_341 = arith.constant 128 : i32
      %dma_start3A_342 = arith.constant 0 : i32
      %dma_start3A_343 = tpu.memref_slice %arg16[%dma_start3A_341, %dma_start3A_342] : memref<512x16xf32, #tpu.memory_space<vmem>> -> memref<128x16xf32, #tpu.memory_space<vmem>>
      %dma_start3A_344 = arith.constant 0 : i32
      %dma_start3A_345 = tpu.memref_slice %arg8[%dma_start3A_340, %dma_start3A_344] : memref<4x128xi32, #tpu.memory_space<vmem>> -> memref<1x128xi32, #tpu.memory_space<vmem>>
      %dma_start3A_346 = tpu.memref_squeeze %dma_start3A_345 : memref<1x128xi32, #tpu.memory_space<vmem>> -> memref<128xi32, #tpu.memory_space<vmem>>
      %dma_start3A_347 = arith.constant 0 : i32
      %dma_start3A_348 = arith.constant 0 : i32
      %dma_start3A_349 = tpu.memref_slice %arg2[%dma_start3A_347, %dma_start3A_348] : memref<200192x16xf32, #tpu.memory_space<hbm>> -> memref<200192x16xf32, #tpu.memory_space<hbm>>
      tpu.enqueue_indirect_dma source(%dma_start3A_349 : memref<200192x16xf32, #tpu.memory_space<hbm>>) target(%dma_start3A_343 : memref<128x16xf32, #tpu.memory_space<vmem>>) offsets(%dma_start3A_346 : memref<128xi32, #tpu.memory_space<vmem>>) semaphore(%arg18 : memref<!tpu.dma_semaphore, #tpu.memory_space<semaphore_mem>>)
      %dma_start3A_350 = arith.constant 2 : i32
      %dma_start3A_351 = arith.constant 256 : i32
      %dma_start3A_352 = arith.constant 0 : i32
      %dma_start3A_353 = tpu.memref_slice %arg16[%dma_start3A_351, %dma_start3A_352] : memref<512x16xf32, #tpu.memory_space<vmem>> -> memref<128x16xf32, #tpu.memory_space<vmem>>
      %dma_start3A_354 = arith.constant 0 : i32
      %dma_start3A_355 = tpu.memref_slice %arg8[%dma_start3A_350, %dma_start3A_354] : memref<4x128xi32, #tpu.memory_space<vmem>> -> memref<1x128xi32, #tpu.memory_space<vmem>>
      %dma_start3A_356 = tpu.memref_squeeze %dma_start3A_355 : memref<1x128xi32, #tpu.memory_space<vmem>> -> memref<128xi32, #tpu.memory_space<vmem>>
      %dma_start3A_357 = arith.constant 0 : i32
      %dma_start3A_358 = arith.constant 0 : i32
      %dma_start3A_359 = tpu.memref_slice %arg2[%dma_start3A_357, %dma_start3A_358] : memref<200192x16xf32, #tpu.memory_space<hbm>> -> memref<200192x16xf32, #tpu.memory_space<hbm>>
      tpu.enqueue_indirect_dma source(%dma_start3A_359 : memref<200192x16xf32, #tpu.memory_space<hbm>>) target(%dma_start3A_353 : memref<128x16xf32, #tpu.memory_space<vmem>>) offsets(%dma_start3A_356 : memref<128xi32, #tpu.memory_space<vmem>>) semaphore(%arg18 : memref<!tpu.dma_semaphore, #tpu.memory_space<semaphore_mem>>)
      %dma_start3A_360 = arith.constant 3 : i32
      %dma_start3A_361 = arith.constant 384 : i32
      %dma_start3A_362 = arith.constant 0 : i32
      %dma_start3A_363 = tpu.memref_slice %arg16[%dma_start3A_361, %dma_start3A_362] : memref<512x16xf32, #tpu.memory_space<vmem>> -> memref<128x16xf32, #tpu.memory_space<vmem>>
      %dma_start3A_364 = arith.constant 0 : i32
      %dma_start3A_365 = tpu.memref_slice %arg8[%dma_start3A_360, %dma_start3A_364] : memref<4x128xi32, #tpu.memory_space<vmem>> -> memref<1x128xi32, #tpu.memory_space<vmem>>
      %dma_start3A_366 = tpu.memref_squeeze %dma_start3A_365 : memref<1x128xi32, #tpu.memory_space<vmem>> -> memref<128xi32, #tpu.memory_space<vmem>>
      %dma_start3A_367 = arith.constant 0 : i32
      %dma_start3A_368 = arith.constant 0 : i32
      %dma_start3A_369 = tpu.memref_slice %arg2[%dma_start3A_367, %dma_start3A_368] : memref<200192x16xf32, #tpu.memory_space<hbm>> -> memref<200192x16xf32, #tpu.memory_space<hbm>>
      tpu.enqueue_indirect_dma source(%dma_start3A_369 : memref<200192x16xf32, #tpu.memory_space<hbm>>) target(%dma_start3A_363 : memref<128x16xf32, #tpu.memory_space<vmem>>) offsets(%dma_start3A_366 : memref<128xi32, #tpu.memory_space<vmem>>) semaphore(%arg18 : memref<!tpu.dma_semaphore, #tpu.memory_space<semaphore_mem>>)
      %dma_wait3A_370 = arith.constant 0 : i32
      %dma_wait3A_371 = arith.constant 0 : i32
      %dma_wait3A_372 = arith.constant 0 : i32
      %dma_wait3A_373 = tpu.memref_slice %arg16[%dma_wait3A_371, %dma_wait3A_372] : memref<512x16xf32, #tpu.memory_space<vmem>> -> memref<128x16xf32, #tpu.memory_space<vmem>>
      %dma_wait3A_374 = arith.constant 0 : i32
      %dma_wait3A_375 = tpu.memref_slice %arg8[%dma_wait3A_370, %dma_wait3A_374] : memref<4x128xi32, #tpu.memory_space<vmem>> -> memref<1x128xi32, #tpu.memory_space<vmem>>
      %dma_wait3A_376 = tpu.memref_squeeze %dma_wait3A_375 : memref<1x128xi32, #tpu.memory_space<vmem>> -> memref<128xi32, #tpu.memory_space<vmem>>
      %dma_wait3A_377 = arith.constant 0 : i32
      %dma_wait3A_378 = arith.constant 0 : i32
      %dma_wait3A_379 = tpu.memref_slice %arg2[%dma_wait3A_377, %dma_wait3A_378] : memref<200192x16xf32, #tpu.memory_space<hbm>> -> memref<200192x16xf32, #tpu.memory_space<hbm>>
      tpu.wait_indirect_dma semaphore(%arg18 : memref<!tpu.dma_semaphore, #tpu.memory_space<semaphore_mem>>) src(%dma_wait3A_379 : memref<200192x16xf32, #tpu.memory_space<hbm>>) dst(%dma_wait3A_373 : memref<128x16xf32, #tpu.memory_space<vmem>>)
      %dma_wait3A_380 = arith.constant 1 : i32
      %dma_wait3A_381 = arith.constant 128 : i32
      %dma_wait3A_382 = arith.constant 0 : i32
      %dma_wait3A_383 = tpu.memref_slice %arg16[%dma_wait3A_381, %dma_wait3A_382] : memref<512x16xf32, #tpu.memory_space<vmem>> -> memref<128x16xf32, #tpu.memory_space<vmem>>
      %dma_wait3A_384 = arith.constant 0 : i32
      %dma_wait3A_385 = tpu.memref_slice %arg8[%dma_wait3A_380, %dma_wait3A_384] : memref<4x128xi32, #tpu.memory_space<vmem>> -> memref<1x128xi32, #tpu.memory_space<vmem>>
      %dma_wait3A_386 = tpu.memref_squeeze %dma_wait3A_385 : memref<1x128xi32, #tpu.memory_space<vmem>> -> memref<128xi32, #tpu.memory_space<vmem>>
      %dma_wait3A_387 = arith.constant 0 : i32
      %dma_wait3A_388 = arith.constant 0 : i32
      %dma_wait3A_389 = tpu.memref_slice %arg2[%dma_wait3A_387, %dma_wait3A_388] : memref<200192x16xf32, #tpu.memory_space<hbm>> -> memref<200192x16xf32, #tpu.memory_space<hbm>>
      tpu.wait_indirect_dma semaphore(%arg18 : memref<!tpu.dma_semaphore, #tpu.memory_space<semaphore_mem>>) src(%dma_wait3A_389 : memref<200192x16xf32, #tpu.memory_space<hbm>>) dst(%dma_wait3A_383 : memref<128x16xf32, #tpu.memory_space<vmem>>)
      %dma_wait3A_390 = arith.constant 2 : i32
      %dma_wait3A_391 = arith.constant 256 : i32
      %dma_wait3A_392 = arith.constant 0 : i32
      %dma_wait3A_393 = tpu.memref_slice %arg16[%dma_wait3A_391, %dma_wait3A_392] : memref<512x16xf32, #tpu.memory_space<vmem>> -> memref<128x16xf32, #tpu.memory_space<vmem>>
      %dma_wait3A_394 = arith.constant 0 : i32
      %dma_wait3A_395 = tpu.memref_slice %arg8[%dma_wait3A_390, %dma_wait3A_394] : memref<4x128xi32, #tpu.memory_space<vmem>> -> memref<1x128xi32, #tpu.memory_space<vmem>>
      %dma_wait3A_396 = tpu.memref_squeeze %dma_wait3A_395 : memref<1x128xi32, #tpu.memory_space<vmem>> -> memref<128xi32, #tpu.memory_space<vmem>>
      %dma_wait3A_397 = arith.constant 0 : i32
      %dma_wait3A_398 = arith.constant 0 : i32
      %dma_wait3A_399 = tpu.memref_slice %arg2[%dma_wait3A_397, %dma_wait3A_398] : memref<200192x16xf32, #tpu.memory_space<hbm>> -> memref<200192x16xf32, #tpu.memory_space<hbm>>
      tpu.wait_indirect_dma semaphore(%arg18 : memref<!tpu.dma_semaphore, #tpu.memory_space<semaphore_mem>>) src(%dma_wait3A_399 : memref<200192x16xf32, #tpu.memory_space<hbm>>) dst(%dma_wait3A_393 : memref<128x16xf32, #tpu.memory_space<vmem>>)
      %dma_wait3A_400 = arith.constant 3 : i32
      %dma_wait3A_401 = arith.constant 384 : i32
      %dma_wait3A_402 = arith.constant 0 : i32
      %dma_wait3A_403 = tpu.memref_slice %arg16[%dma_wait3A_401, %dma_wait3A_402] : memref<512x16xf32, #tpu.memory_space<vmem>> -> memref<128x16xf32, #tpu.memory_space<vmem>>
      %dma_wait3A_404 = arith.constant 0 : i32
      %dma_wait3A_405 = tpu.memref_slice %arg8[%dma_wait3A_400, %dma_wait3A_404] : memref<4x128xi32, #tpu.memory_space<vmem>> -> memref<1x128xi32, #tpu.memory_space<vmem>>
      %dma_wait3A_406 = tpu.memref_squeeze %dma_wait3A_405 : memref<1x128xi32, #tpu.memory_space<vmem>> -> memref<128xi32, #tpu.memory_space<vmem>>
      %dma_wait3A_407 = arith.constant 0 : i32
      %dma_wait3A_408 = arith.constant 0 : i32
      %dma_wait3A_409 = tpu.memref_slice %arg2[%dma_wait3A_407, %dma_wait3A_408] : memref<200192x16xf32, #tpu.memory_space<hbm>> -> memref<200192x16xf32, #tpu.memory_space<hbm>>
      tpu.wait_indirect_dma semaphore(%arg18 : memref<!tpu.dma_semaphore, #tpu.memory_space<semaphore_mem>>) src(%dma_wait3A_409 : memref<200192x16xf32, #tpu.memory_space<hbm>>) dst(%dma_wait3A_403 : memref<128x16xf32, #tpu.memory_space<vmem>>)
      %dma_start3A_410 = arith.constant 0 : i32
      %dma_start3A_411 = arith.constant 0 : i32
      %dma_start3A_412 = arith.constant 0 : i32
      %dma_start3A_413 = tpu.memref_slice %arg16[%dma_start3A_411, %dma_start3A_412] : memref<512x16xf32, #tpu.memory_space<vmem>> -> memref<128x16xf32, #tpu.memory_space<vmem>>
      %dma_start3A_414 = arith.constant 0 : i32
      %dma_start3A_415 = tpu.memref_slice %arg12[%dma_start3A_410, %dma_start3A_414] : memref<4x128xi32, #tpu.memory_space<vmem>> -> memref<1x128xi32, #tpu.memory_space<vmem>>
      %dma_start3A_416 = tpu.memref_squeeze %dma_start3A_415 : memref<1x128xi32, #tpu.memory_space<vmem>> -> memref<128xi32, #tpu.memory_space<vmem>>
      %dma_start3A_417 = arith.constant 0 : i32
      %dma_start3A_418 = arith.constant 0 : i32
      %dma_start3A_419 = tpu.memref_slice %arg17[%dma_start3A_417, %dma_start3A_418] : memref<100096x16xf32, #tpu.memory_space<vmem_shared>> -> memref<100096x16xf32, #tpu.memory_space<vmem_shared>>
      tpu.enqueue_indirect_dma source(%dma_start3A_413 : memref<128x16xf32, #tpu.memory_space<vmem>>) target(%dma_start3A_419 : memref<100096x16xf32, #tpu.memory_space<vmem_shared>>) offsets(%dma_start3A_416 : memref<128xi32, #tpu.memory_space<vmem>>) semaphore(%arg20 : memref<!tpu.dma_semaphore, #tpu.memory_space<semaphore_mem>>) {add = true}
      %dma_start3A_420 = arith.constant 1 : i32
      %dma_start3A_421 = arith.constant 128 : i32
      %dma_start3A_422 = arith.constant 0 : i32
      %dma_start3A_423 = tpu.memref_slice %arg16[%dma_start3A_421, %dma_start3A_422] : memref<512x16xf32, #tpu.memory_space<vmem>> -> memref<128x16xf32, #tpu.memory_space<vmem>>
      %dma_start3A_424 = arith.constant 0 : i32
      %dma_start3A_425 = tpu.memref_slice %arg12[%dma_start3A_420, %dma_start3A_424] : memref<4x128xi32, #tpu.memory_space<vmem>> -> memref<1x128xi32, #tpu.memory_space<vmem>>
      %dma_start3A_426 = tpu.memref_squeeze %dma_start3A_425 : memref<1x128xi32, #tpu.memory_space<vmem>> -> memref<128xi32, #tpu.memory_space<vmem>>
      %dma_start3A_427 = arith.constant 0 : i32
      %dma_start3A_428 = arith.constant 0 : i32
      %dma_start3A_429 = tpu.memref_slice %arg17[%dma_start3A_427, %dma_start3A_428] : memref<100096x16xf32, #tpu.memory_space<vmem_shared>> -> memref<100096x16xf32, #tpu.memory_space<vmem_shared>>
      tpu.enqueue_indirect_dma source(%dma_start3A_423 : memref<128x16xf32, #tpu.memory_space<vmem>>) target(%dma_start3A_429 : memref<100096x16xf32, #tpu.memory_space<vmem_shared>>) offsets(%dma_start3A_426 : memref<128xi32, #tpu.memory_space<vmem>>) semaphore(%arg20 : memref<!tpu.dma_semaphore, #tpu.memory_space<semaphore_mem>>) {add = true}
      %dma_start3A_430 = arith.constant 2 : i32
      %dma_start3A_431 = arith.constant 256 : i32
      %dma_start3A_432 = arith.constant 0 : i32
      %dma_start3A_433 = tpu.memref_slice %arg16[%dma_start3A_431, %dma_start3A_432] : memref<512x16xf32, #tpu.memory_space<vmem>> -> memref<128x16xf32, #tpu.memory_space<vmem>>
      %dma_start3A_434 = arith.constant 0 : i32
      %dma_start3A_435 = tpu.memref_slice %arg12[%dma_start3A_430, %dma_start3A_434] : memref<4x128xi32, #tpu.memory_space<vmem>> -> memref<1x128xi32, #tpu.memory_space<vmem>>
      %dma_start3A_436 = tpu.memref_squeeze %dma_start3A_435 : memref<1x128xi32, #tpu.memory_space<vmem>> -> memref<128xi32, #tpu.memory_space<vmem>>
      %dma_start3A_437 = arith.constant 0 : i32
      %dma_start3A_438 = arith.constant 0 : i32
      %dma_start3A_439 = tpu.memref_slice %arg17[%dma_start3A_437, %dma_start3A_438] : memref<100096x16xf32, #tpu.memory_space<vmem_shared>> -> memref<100096x16xf32, #tpu.memory_space<vmem_shared>>
      tpu.enqueue_indirect_dma source(%dma_start3A_433 : memref<128x16xf32, #tpu.memory_space<vmem>>) target(%dma_start3A_439 : memref<100096x16xf32, #tpu.memory_space<vmem_shared>>) offsets(%dma_start3A_436 : memref<128xi32, #tpu.memory_space<vmem>>) semaphore(%arg20 : memref<!tpu.dma_semaphore, #tpu.memory_space<semaphore_mem>>) {add = true}
      %dma_start3A_440 = arith.constant 3 : i32
      %dma_start3A_441 = arith.constant 384 : i32
      %dma_start3A_442 = arith.constant 0 : i32
      %dma_start3A_443 = tpu.memref_slice %arg16[%dma_start3A_441, %dma_start3A_442] : memref<512x16xf32, #tpu.memory_space<vmem>> -> memref<128x16xf32, #tpu.memory_space<vmem>>
      %dma_start3A_444 = arith.constant 0 : i32
      %dma_start3A_445 = tpu.memref_slice %arg12[%dma_start3A_440, %dma_start3A_444] : memref<4x128xi32, #tpu.memory_space<vmem>> -> memref<1x128xi32, #tpu.memory_space<vmem>>
      %dma_start3A_446 = tpu.memref_squeeze %dma_start3A_445 : memref<1x128xi32, #tpu.memory_space<vmem>> -> memref<128xi32, #tpu.memory_space<vmem>>
      %dma_start3A_447 = arith.constant 0 : i32
      %dma_start3A_448 = arith.constant 0 : i32
      %dma_start3A_449 = tpu.memref_slice %arg17[%dma_start3A_447, %dma_start3A_448] : memref<100096x16xf32, #tpu.memory_space<vmem_shared>> -> memref<100096x16xf32, #tpu.memory_space<vmem_shared>>
      tpu.enqueue_indirect_dma source(%dma_start3A_443 : memref<128x16xf32, #tpu.memory_space<vmem>>) target(%dma_start3A_449 : memref<100096x16xf32, #tpu.memory_space<vmem_shared>>) offsets(%dma_start3A_446 : memref<128xi32, #tpu.memory_space<vmem>>) semaphore(%arg20 : memref<!tpu.dma_semaphore, #tpu.memory_space<semaphore_mem>>) {add = true}
      %mul3A_450 = arith.constant 4 : i32
      %mul3A_451 = arith.muli %scan3A_138, %mul3A_450 : i32
      %add3A_452 = arith.constant 2 : i32
      %add3A_453 = arith.addi %mul3A_451, %add3A_452 : i32
      %dma_wait3A_454 = arith.constant 0 : i32
      %dma_wait3A_455 = arith.constant 0 : i32
      %dma_wait3A_456 = tpu.memref_slice %arg15[%dma_wait3A_454, %dma_wait3A_455] : memref<512x16xf32, #tpu.memory_space<vmem>> -> memref<128x16xf32, #tpu.memory_space<vmem>>
      %dma_wait3A_457 = arith.constant 0 : i32
      %dma_wait3A_458 = arith.constant 0 : i32
      %dma_wait3A_459 = tpu.memref_slice %arg5[%dma_wait3A_457, %dma_wait3A_458] : memref<100096x16xf32, #tpu.memory_space<hbm>> -> memref<128x16xf32, #tpu.memory_space<hbm>>
      %dma_wait3A_460 = arith.constant 0 : i32
      %dma_wait3A_461 = arith.constant 0 : i32
      %dma_wait3A_462 = tpu.memref_slice %arg15[%dma_wait3A_460, %dma_wait3A_461] : memref<512x16xf32, #tpu.memory_space<vmem>> -> memref<128x16xf32, #tpu.memory_space<vmem>>
      %dma_wait3A_463 = arith.constant 0 : i32
      %dma_wait3A_464 = arith.constant 0 : i32
      %dma_wait3A_465 = tpu.memref_slice %arg5[%dma_wait3A_463, %dma_wait3A_464] : memref<100096x16xf32, #tpu.memory_space<hbm>> -> memref<128x16xf32, #tpu.memory_space<hbm>>
      tpu.wait_dma2 semaphore(%arg19 : memref<!tpu.dma_semaphore, #tpu.memory_space<semaphore_mem>>) src(%dma_wait3A_465 : memref<128x16xf32, #tpu.memory_space<hbm>>) dst(%dma_wait3A_462 : memref<128x16xf32, #tpu.memory_space<vmem>>)
      %dma_wait3A_466 = arith.constant 0 : i32
      %dma_wait3A_467 = arith.constant 0 : i32
      %dma_wait3A_468 = tpu.memref_slice %arg15[%dma_wait3A_466, %dma_wait3A_467] : memref<512x16xf32, #tpu.memory_space<vmem>> -> memref<128x16xf32, #tpu.memory_space<vmem>>
      %dma_wait3A_469 = arith.constant 0 : i32
      %dma_wait3A_470 = arith.constant 0 : i32
      %dma_wait3A_471 = tpu.memref_slice %arg5[%dma_wait3A_469, %dma_wait3A_470] : memref<100096x16xf32, #tpu.memory_space<hbm>> -> memref<128x16xf32, #tpu.memory_space<hbm>>
      %dma_wait3A_472 = arith.constant 0 : i32
      %dma_wait3A_473 = arith.constant 0 : i32
      %dma_wait3A_474 = tpu.memref_slice %arg15[%dma_wait3A_472, %dma_wait3A_473] : memref<512x16xf32, #tpu.memory_space<vmem>> -> memref<128x16xf32, #tpu.memory_space<vmem>>
      %dma_wait3A_475 = arith.constant 0 : i32
      %dma_wait3A_476 = arith.constant 0 : i32
      %dma_wait3A_477 = tpu.memref_slice %arg5[%dma_wait3A_475, %dma_wait3A_476] : memref<100096x16xf32, #tpu.memory_space<hbm>> -> memref<128x16xf32, #tpu.memory_space<hbm>>
      tpu.wait_dma2 semaphore(%arg19 : memref<!tpu.dma_semaphore, #tpu.memory_space<semaphore_mem>>) src(%dma_wait3A_477 : memref<128x16xf32, #tpu.memory_space<hbm>>) dst(%dma_wait3A_474 : memref<128x16xf32, #tpu.memory_space<vmem>>)
      %dma_wait3A_478 = arith.constant 0 : i32
      %dma_wait3A_479 = arith.constant 0 : i32
      %dma_wait3A_480 = tpu.memref_slice %arg15[%dma_wait3A_478, %dma_wait3A_479] : memref<512x16xf32, #tpu.memory_space<vmem>> -> memref<128x16xf32, #tpu.memory_space<vmem>>
      %dma_wait3A_481 = arith.constant 0 : i32
      %dma_wait3A_482 = arith.constant 0 : i32
      %dma_wait3A_483 = tpu.memref_slice %arg5[%dma_wait3A_481, %dma_wait3A_482] : memref<100096x16xf32, #tpu.memory_space<hbm>> -> memref<128x16xf32, #tpu.memory_space<hbm>>
      %dma_wait3A_484 = arith.constant 0 : i32
      %dma_wait3A_485 = arith.constant 0 : i32
      %dma_wait3A_486 = tpu.memref_slice %arg15[%dma_wait3A_484, %dma_wait3A_485] : memref<512x16xf32, #tpu.memory_space<vmem>> -> memref<128x16xf32, #tpu.memory_space<vmem>>
      %dma_wait3A_487 = arith.constant 0 : i32
      %dma_wait3A_488 = arith.constant 0 : i32
      %dma_wait3A_489 = tpu.memref_slice %arg5[%dma_wait3A_487, %dma_wait3A_488] : memref<100096x16xf32, #tpu.memory_space<hbm>> -> memref<128x16xf32, #tpu.memory_space<hbm>>
      tpu.wait_dma2 semaphore(%arg19 : memref<!tpu.dma_semaphore, #tpu.memory_space<semaphore_mem>>) src(%dma_wait3A_489 : memref<128x16xf32, #tpu.memory_space<hbm>>) dst(%dma_wait3A_486 : memref<128x16xf32, #tpu.memory_space<vmem>>)
      %dma_wait3A_490 = arith.constant 0 : i32
      %dma_wait3A_491 = arith.constant 0 : i32
      %dma_wait3A_492 = tpu.memref_slice %arg15[%dma_wait3A_490, %dma_wait3A_491] : memref<512x16xf32, #tpu.memory_space<vmem>> -> memref<128x16xf32, #tpu.memory_space<vmem>>
      %dma_wait3A_493 = arith.constant 0 : i32
      %dma_wait3A_494 = arith.constant 0 : i32
      %dma_wait3A_495 = tpu.memref_slice %arg5[%dma_wait3A_493, %dma_wait3A_494] : memref<100096x16xf32, #tpu.memory_space<hbm>> -> memref<128x16xf32, #tpu.memory_space<hbm>>
      %dma_wait3A_496 = arith.constant 0 : i32
      %dma_wait3A_497 = arith.constant 0 : i32
      %dma_wait3A_498 = tpu.memref_slice %arg15[%dma_wait3A_496, %dma_wait3A_497] : memref<512x16xf32, #tpu.memory_space<vmem>> -> memref<128x16xf32, #tpu.memory_space<vmem>>
      %dma_wait3A_499 = arith.constant 0 : i32
      %dma_wait3A_500 = arith.constant 0 : i32
      %dma_wait3A_501 = tpu.memref_slice %arg5[%dma_wait3A_499, %dma_wait3A_500] : memref<100096x16xf32, #tpu.memory_space<hbm>> -> memref<128x16xf32, #tpu.memory_space<hbm>>
      tpu.wait_dma2 semaphore(%arg19 : memref<!tpu.dma_semaphore, #tpu.memory_space<semaphore_mem>>) src(%dma_wait3A_501 : memref<128x16xf32, #tpu.memory_space<hbm>>) dst(%dma_wait3A_498 : memref<128x16xf32, #tpu.memory_space<vmem>>)
      %lt3A = arith.constant 48 : i32
      %lt3A_502 = arith.cmpi slt, %scan3A_138, %lt3A : i32
      %convert_element_type3A_503 = arith.extui %lt3A_502 : i1 to i32
      %cond3A_504 = arith.constant 0 : i32
      %cond3A_505 = arith.cmpi ne, %convert_element_type3A_503, %cond3A_504 : i32
      scf.if %cond3A_505 {
        %add3A_827 = arith.constant 2 : i32
        %add3A_828 = arith.addi %add3A_453, %add3A_827 : i32
        %mul3A_829 = arith.constant 4 : i32
        %mul3A_830 = arith.muli %add3A_828, %mul3A_829 : i32
        %add3A_831 = arith.addi %add3A, %mul3A_830 : i32
        %dma_start3A_832 = arith.constant 0 : i32
        %dma_start3A_833 = tpu.memref_slice %arg3[%add3A_831, %dma_start3A_832] : memref<25088x128xi32, #tpu.memory_space<hbm>> -> memref<4x128xi32, #tpu.memory_space<hbm>>
        %dma_start3A_834 = arith.constant 0 : i32
        %dma_start3A_835 = tpu.memref_slice %arg3[%add3A_831, %dma_start3A_834] : memref<25088x128xi32, #tpu.memory_space<hbm>> -> memref<4x128xi32, #tpu.memory_space<hbm>>
        tpu.enqueue_dma source(%dma_start3A_835 : memref<4x128xi32, #tpu.memory_space<hbm>>) target(%arg7 : memref<4x128xi32, #tpu.memory_space<vmem>>) target_semaphore(%arg21 : memref<!tpu.dma_semaphore, #tpu.memory_space<semaphore_mem>>)
        %mul3A_836 = arith.constant 4 : i32
        %mul3A_837 = arith.muli %add3A_828, %mul3A_836 : i32
        %add3A_838 = arith.addi %mul3A_6, %mul3A_837 : i32
        %dma_start3A_839 = arith.constant 0 : i32
        %dma_start3A_840 = tpu.memref_slice %arg4[%add3A_838, %dma_start3A_839] : memref<12544x128xi32, #tpu.memory_space<hbm>> -> memref<4x128xi32, #tpu.memory_space<hbm>>
        %dma_start3A_841 = arith.constant 0 : i32
        %dma_start3A_842 = tpu.memref_slice %arg4[%add3A_838, %dma_start3A_841] : memref<12544x128xi32, #tpu.memory_space<hbm>> -> memref<4x128xi32, #tpu.memory_space<hbm>>
        tpu.enqueue_dma source(%dma_start3A_842 : memref<4x128xi32, #tpu.memory_space<hbm>>) target(%arg11 : memref<4x128xi32, #tpu.memory_space<vmem>>) target_semaphore(%arg21 : memref<!tpu.dma_semaphore, #tpu.memory_space<semaphore_mem>>)
      } else {
      }
      %dma_wait3A_506 = arith.constant 0 : i32
      %dma_wait3A_507 = arith.constant 0 : i32
      %dma_wait3A_508 = tpu.memref_slice %arg3[%dma_wait3A_506, %dma_wait3A_507] : memref<25088x128xi32, #tpu.memory_space<hbm>> -> memref<4x128xi32, #tpu.memory_space<hbm>>
      %dma_wait3A_509 = arith.constant 0 : i32
      %dma_wait3A_510 = arith.constant 0 : i32
      %dma_wait3A_511 = tpu.memref_slice %arg3[%dma_wait3A_509, %dma_wait3A_510] : memref<25088x128xi32, #tpu.memory_space<hbm>> -> memref<4x128xi32, #tpu.memory_space<hbm>>
      tpu.wait_dma2 semaphore(%arg21 : memref<!tpu.dma_semaphore, #tpu.memory_space<semaphore_mem>>) src(%dma_wait3A_511 : memref<4x128xi32, #tpu.memory_space<hbm>>) dst(%arg9 : memref<4x128xi32, #tpu.memory_space<vmem>>)
      %dma_wait3A_512 = arith.constant 0 : i32
      %dma_wait3A_513 = arith.constant 0 : i32
      %dma_wait3A_514 = tpu.memref_slice %arg4[%dma_wait3A_512, %dma_wait3A_513] : memref<12544x128xi32, #tpu.memory_space<hbm>> -> memref<4x128xi32, #tpu.memory_space<hbm>>
      %dma_wait3A_515 = arith.constant 0 : i32
      %dma_wait3A_516 = arith.constant 0 : i32
      %dma_wait3A_517 = tpu.memref_slice %arg4[%dma_wait3A_515, %dma_wait3A_516] : memref<12544x128xi32, #tpu.memory_space<hbm>> -> memref<4x128xi32, #tpu.memory_space<hbm>>
      tpu.wait_dma2 semaphore(%arg21 : memref<!tpu.dma_semaphore, #tpu.memory_space<semaphore_mem>>) src(%dma_wait3A_517 : memref<4x128xi32, #tpu.memory_space<hbm>>) dst(%arg13 : memref<4x128xi32, #tpu.memory_space<vmem>>)
      %dma_start3A_518 = arith.constant 0 : i32
      %dma_start3A_519 = arith.constant 0 : i32
      %dma_start3A_520 = arith.constant 0 : i32
      %dma_start3A_521 = tpu.memref_slice %arg15[%dma_start3A_519, %dma_start3A_520] : memref<512x16xf32, #tpu.memory_space<vmem>> -> memref<128x16xf32, #tpu.memory_space<vmem>>
      %dma_start3A_522 = arith.constant 0 : i32
      %dma_start3A_523 = tpu.memref_slice %arg9[%dma_start3A_518, %dma_start3A_522] : memref<4x128xi32, #tpu.memory_space<vmem>> -> memref<1x128xi32, #tpu.memory_space<vmem>>
      %dma_start3A_524 = tpu.memref_squeeze %dma_start3A_523 : memref<1x128xi32, #tpu.memory_space<vmem>> -> memref<128xi32, #tpu.memory_space<vmem>>
      %dma_start3A_525 = arith.constant 0 : i32
      %dma_start3A_526 = arith.constant 0 : i32
      %dma_start3A_527 = tpu.memref_slice %arg2[%dma_start3A_525, %dma_start3A_526] : memref<200192x16xf32, #tpu.memory_space<hbm>> -> memref<200192x16xf32, #tpu.memory_space<hbm>>
      tpu.enqueue_indirect_dma source(%dma_start3A_527 : memref<200192x16xf32, #tpu.memory_space<hbm>>) target(%dma_start3A_521 : memref<128x16xf32, #tpu.memory_space<vmem>>) offsets(%dma_start3A_524 : memref<128xi32, #tpu.memory_space<vmem>>) semaphore(%arg18 : memref<!tpu.dma_semaphore, #tpu.memory_space<semaphore_mem>>)
      %dma_start3A_528 = arith.constant 1 : i32
      %dma_start3A_529 = arith.constant 128 : i32
      %dma_start3A_530 = arith.constant 0 : i32
      %dma_start3A_531 = tpu.memref_slice %arg15[%dma_start3A_529, %dma_start3A_530] : memref<512x16xf32, #tpu.memory_space<vmem>> -> memref<128x16xf32, #tpu.memory_space<vmem>>
      %dma_start3A_532 = arith.constant 0 : i32
      %dma_start3A_533 = tpu.memref_slice %arg9[%dma_start3A_528, %dma_start3A_532] : memref<4x128xi32, #tpu.memory_space<vmem>> -> memref<1x128xi32, #tpu.memory_space<vmem>>
      %dma_start3A_534 = tpu.memref_squeeze %dma_start3A_533 : memref<1x128xi32, #tpu.memory_space<vmem>> -> memref<128xi32, #tpu.memory_space<vmem>>
      %dma_start3A_535 = arith.constant 0 : i32
      %dma_start3A_536 = arith.constant 0 : i32
      %dma_start3A_537 = tpu.memref_slice %arg2[%dma_start3A_535, %dma_start3A_536] : memref<200192x16xf32, #tpu.memory_space<hbm>> -> memref<200192x16xf32, #tpu.memory_space<hbm>>
      tpu.enqueue_indirect_dma source(%dma_start3A_537 : memref<200192x16xf32, #tpu.memory_space<hbm>>) target(%dma_start3A_531 : memref<128x16xf32, #tpu.memory_space<vmem>>) offsets(%dma_start3A_534 : memref<128xi32, #tpu.memory_space<vmem>>) semaphore(%arg18 : memref<!tpu.dma_semaphore, #tpu.memory_space<semaphore_mem>>)
      %dma_start3A_538 = arith.constant 2 : i32
      %dma_start3A_539 = arith.constant 256 : i32
      %dma_start3A_540 = arith.constant 0 : i32
      %dma_start3A_541 = tpu.memref_slice %arg15[%dma_start3A_539, %dma_start3A_540] : memref<512x16xf32, #tpu.memory_space<vmem>> -> memref<128x16xf32, #tpu.memory_space<vmem>>
      %dma_start3A_542 = arith.constant 0 : i32
      %dma_start3A_543 = tpu.memref_slice %arg9[%dma_start3A_538, %dma_start3A_542] : memref<4x128xi32, #tpu.memory_space<vmem>> -> memref<1x128xi32, #tpu.memory_space<vmem>>
      %dma_start3A_544 = tpu.memref_squeeze %dma_start3A_543 : memref<1x128xi32, #tpu.memory_space<vmem>> -> memref<128xi32, #tpu.memory_space<vmem>>
      %dma_start3A_545 = arith.constant 0 : i32
      %dma_start3A_546 = arith.constant 0 : i32
      %dma_start3A_547 = tpu.memref_slice %arg2[%dma_start3A_545, %dma_start3A_546] : memref<200192x16xf32, #tpu.memory_space<hbm>> -> memref<200192x16xf32, #tpu.memory_space<hbm>>
      tpu.enqueue_indirect_dma source(%dma_start3A_547 : memref<200192x16xf32, #tpu.memory_space<hbm>>) target(%dma_start3A_541 : memref<128x16xf32, #tpu.memory_space<vmem>>) offsets(%dma_start3A_544 : memref<128xi32, #tpu.memory_space<vmem>>) semaphore(%arg18 : memref<!tpu.dma_semaphore, #tpu.memory_space<semaphore_mem>>)
      %dma_start3A_548 = arith.constant 3 : i32
      %dma_start3A_549 = arith.constant 384 : i32
      %dma_start3A_550 = arith.constant 0 : i32
      %dma_start3A_551 = tpu.memref_slice %arg15[%dma_start3A_549, %dma_start3A_550] : memref<512x16xf32, #tpu.memory_space<vmem>> -> memref<128x16xf32, #tpu.memory_space<vmem>>
      %dma_start3A_552 = arith.constant 0 : i32
      %dma_start3A_553 = tpu.memref_slice %arg9[%dma_start3A_548, %dma_start3A_552] : memref<4x128xi32, #tpu.memory_space<vmem>> -> memref<1x128xi32, #tpu.memory_space<vmem>>
      %dma_start3A_554 = tpu.memref_squeeze %dma_start3A_553 : memref<1x128xi32, #tpu.memory_space<vmem>> -> memref<128xi32, #tpu.memory_space<vmem>>
      %dma_start3A_555 = arith.constant 0 : i32
      %dma_start3A_556 = arith.constant 0 : i32
      %dma_start3A_557 = tpu.memref_slice %arg2[%dma_start3A_555, %dma_start3A_556] : memref<200192x16xf32, #tpu.memory_space<hbm>> -> memref<200192x16xf32, #tpu.memory_space<hbm>>
      tpu.enqueue_indirect_dma source(%dma_start3A_557 : memref<200192x16xf32, #tpu.memory_space<hbm>>) target(%dma_start3A_551 : memref<128x16xf32, #tpu.memory_space<vmem>>) offsets(%dma_start3A_554 : memref<128xi32, #tpu.memory_space<vmem>>) semaphore(%arg18 : memref<!tpu.dma_semaphore, #tpu.memory_space<semaphore_mem>>)
      %dma_wait3A_558 = arith.constant 0 : i32
      %dma_wait3A_559 = arith.constant 0 : i32
      %dma_wait3A_560 = arith.constant 0 : i32
      %dma_wait3A_561 = tpu.memref_slice %arg15[%dma_wait3A_559, %dma_wait3A_560] : memref<512x16xf32, #tpu.memory_space<vmem>> -> memref<128x16xf32, #tpu.memory_space<vmem>>
      %dma_wait3A_562 = arith.constant 0 : i32
      %dma_wait3A_563 = tpu.memref_slice %arg9[%dma_wait3A_558, %dma_wait3A_562] : memref<4x128xi32, #tpu.memory_space<vmem>> -> memref<1x128xi32, #tpu.memory_space<vmem>>
      %dma_wait3A_564 = tpu.memref_squeeze %dma_wait3A_563 : memref<1x128xi32, #tpu.memory_space<vmem>> -> memref<128xi32, #tpu.memory_space<vmem>>
      %dma_wait3A_565 = arith.constant 0 : i32
      %dma_wait3A_566 = arith.constant 0 : i32
      %dma_wait3A_567 = tpu.memref_slice %arg2[%dma_wait3A_565, %dma_wait3A_566] : memref<200192x16xf32, #tpu.memory_space<hbm>> -> memref<200192x16xf32, #tpu.memory_space<hbm>>
      tpu.wait_indirect_dma semaphore(%arg18 : memref<!tpu.dma_semaphore, #tpu.memory_space<semaphore_mem>>) src(%dma_wait3A_567 : memref<200192x16xf32, #tpu.memory_space<hbm>>) dst(%dma_wait3A_561 : memref<128x16xf32, #tpu.memory_space<vmem>>)
      %dma_wait3A_568 = arith.constant 1 : i32
      %dma_wait3A_569 = arith.constant 128 : i32
      %dma_wait3A_570 = arith.constant 0 : i32
      %dma_wait3A_571 = tpu.memref_slice %arg15[%dma_wait3A_569, %dma_wait3A_570] : memref<512x16xf32, #tpu.memory_space<vmem>> -> memref<128x16xf32, #tpu.memory_space<vmem>>
      %dma_wait3A_572 = arith.constant 0 : i32
      %dma_wait3A_573 = tpu.memref_slice %arg9[%dma_wait3A_568, %dma_wait3A_572] : memref<4x128xi32, #tpu.memory_space<vmem>> -> memref<1x128xi32, #tpu.memory_space<vmem>>
      %dma_wait3A_574 = tpu.memref_squeeze %dma_wait3A_573 : memref<1x128xi32, #tpu.memory_space<vmem>> -> memref<128xi32, #tpu.memory_space<vmem>>
      %dma_wait3A_575 = arith.constant 0 : i32
      %dma_wait3A_576 = arith.constant 0 : i32
      %dma_wait3A_577 = tpu.memref_slice %arg2[%dma_wait3A_575, %dma_wait3A_576] : memref<200192x16xf32, #tpu.memory_space<hbm>> -> memref<200192x16xf32, #tpu.memory_space<hbm>>
      tpu.wait_indirect_dma semaphore(%arg18 : memref<!tpu.dma_semaphore, #tpu.memory_space<semaphore_mem>>) src(%dma_wait3A_577 : memref<200192x16xf32, #tpu.memory_space<hbm>>) dst(%dma_wait3A_571 : memref<128x16xf32, #tpu.memory_space<vmem>>)
      %dma_wait3A_578 = arith.constant 2 : i32
      %dma_wait3A_579 = arith.constant 256 : i32
      %dma_wait3A_580 = arith.constant 0 : i32
      %dma_wait3A_581 = tpu.memref_slice %arg15[%dma_wait3A_579, %dma_wait3A_580] : memref<512x16xf32, #tpu.memory_space<vmem>> -> memref<128x16xf32, #tpu.memory_space<vmem>>
      %dma_wait3A_582 = arith.constant 0 : i32
      %dma_wait3A_583 = tpu.memref_slice %arg9[%dma_wait3A_578, %dma_wait3A_582] : memref<4x128xi32, #tpu.memory_space<vmem>> -> memref<1x128xi32, #tpu.memory_space<vmem>>
      %dma_wait3A_584 = tpu.memref_squeeze %dma_wait3A_583 : memref<1x128xi32, #tpu.memory_space<vmem>> -> memref<128xi32, #tpu.memory_space<vmem>>
      %dma_wait3A_585 = arith.constant 0 : i32
      %dma_wait3A_586 = arith.constant 0 : i32
      %dma_wait3A_587 = tpu.memref_slice %arg2[%dma_wait3A_585, %dma_wait3A_586] : memref<200192x16xf32, #tpu.memory_space<hbm>> -> memref<200192x16xf32, #tpu.memory_space<hbm>>
      tpu.wait_indirect_dma semaphore(%arg18 : memref<!tpu.dma_semaphore, #tpu.memory_space<semaphore_mem>>) src(%dma_wait3A_587 : memref<200192x16xf32, #tpu.memory_space<hbm>>) dst(%dma_wait3A_581 : memref<128x16xf32, #tpu.memory_space<vmem>>)
      %dma_wait3A_588 = arith.constant 3 : i32
      %dma_wait3A_589 = arith.constant 384 : i32
      %dma_wait3A_590 = arith.constant 0 : i32
      %dma_wait3A_591 = tpu.memref_slice %arg15[%dma_wait3A_589, %dma_wait3A_590] : memref<512x16xf32, #tpu.memory_space<vmem>> -> memref<128x16xf32, #tpu.memory_space<vmem>>
      %dma_wait3A_592 = arith.constant 0 : i32
      %dma_wait3A_593 = tpu.memref_slice %arg9[%dma_wait3A_588, %dma_wait3A_592] : memref<4x128xi32, #tpu.memory_space<vmem>> -> memref<1x128xi32, #tpu.memory_space<vmem>>
      %dma_wait3A_594 = tpu.memref_squeeze %dma_wait3A_593 : memref<1x128xi32, #tpu.memory_space<vmem>> -> memref<128xi32, #tpu.memory_space<vmem>>
      %dma_wait3A_595 = arith.constant 0 : i32
      %dma_wait3A_596 = arith.constant 0 : i32
      %dma_wait3A_597 = tpu.memref_slice %arg2[%dma_wait3A_595, %dma_wait3A_596] : memref<200192x16xf32, #tpu.memory_space<hbm>> -> memref<200192x16xf32, #tpu.memory_space<hbm>>
      tpu.wait_indirect_dma semaphore(%arg18 : memref<!tpu.dma_semaphore, #tpu.memory_space<semaphore_mem>>) src(%dma_wait3A_597 : memref<200192x16xf32, #tpu.memory_space<hbm>>) dst(%dma_wait3A_591 : memref<128x16xf32, #tpu.memory_space<vmem>>)
      %dma_start3A_598 = arith.constant 0 : i32
      %dma_start3A_599 = arith.constant 0 : i32
      %dma_start3A_600 = arith.constant 0 : i32
      %dma_start3A_601 = tpu.memref_slice %arg15[%dma_start3A_599, %dma_start3A_600] : memref<512x16xf32, #tpu.memory_space<vmem>> -> memref<128x16xf32, #tpu.memory_space<vmem>>
      %dma_start3A_602 = arith.constant 0 : i32
      %dma_start3A_603 = tpu.memref_slice %arg13[%dma_start3A_598, %dma_start3A_602] : memref<4x128xi32, #tpu.memory_space<vmem>> -> memref<1x128xi32, #tpu.memory_space<vmem>>
      %dma_start3A_604 = tpu.memref_squeeze %dma_start3A_603 : memref<1x128xi32, #tpu.memory_space<vmem>> -> memref<128xi32, #tpu.memory_space<vmem>>
      %dma_start3A_605 = arith.constant 0 : i32
      %dma_start3A_606 = arith.constant 0 : i32
      %dma_start3A_607 = tpu.memref_slice %arg17[%dma_start3A_605, %dma_start3A_606] : memref<100096x16xf32, #tpu.memory_space<vmem_shared>> -> memref<100096x16xf32, #tpu.memory_space<vmem_shared>>
      tpu.enqueue_indirect_dma source(%dma_start3A_601 : memref<128x16xf32, #tpu.memory_space<vmem>>) target(%dma_start3A_607 : memref<100096x16xf32, #tpu.memory_space<vmem_shared>>) offsets(%dma_start3A_604 : memref<128xi32, #tpu.memory_space<vmem>>) semaphore(%arg19 : memref<!tpu.dma_semaphore, #tpu.memory_space<semaphore_mem>>) {add = true}
      %dma_start3A_608 = arith.constant 1 : i32
      %dma_start3A_609 = arith.constant 128 : i32
      %dma_start3A_610 = arith.constant 0 : i32
      %dma_start3A_611 = tpu.memref_slice %arg15[%dma_start3A_609, %dma_start3A_610] : memref<512x16xf32, #tpu.memory_space<vmem>> -> memref<128x16xf32, #tpu.memory_space<vmem>>
      %dma_start3A_612 = arith.constant 0 : i32
      %dma_start3A_613 = tpu.memref_slice %arg13[%dma_start3A_608, %dma_start3A_612] : memref<4x128xi32, #tpu.memory_space<vmem>> -> memref<1x128xi32, #tpu.memory_space<vmem>>
      %dma_start3A_614 = tpu.memref_squeeze %dma_start3A_613 : memref<1x128xi32, #tpu.memory_space<vmem>> -> memref<128xi32, #tpu.memory_space<vmem>>
      %dma_start3A_615 = arith.constant 0 : i32
      %dma_start3A_616 = arith.constant 0 : i32
      %dma_start3A_617 = tpu.memref_slice %arg17[%dma_start3A_615, %dma_start3A_616] : memref<100096x16xf32, #tpu.memory_space<vmem_shared>> -> memref<100096x16xf32, #tpu.memory_space<vmem_shared>>
      tpu.enqueue_indirect_dma source(%dma_start3A_611 : memref<128x16xf32, #tpu.memory_space<vmem>>) target(%dma_start3A_617 : memref<100096x16xf32, #tpu.memory_space<vmem_shared>>) offsets(%dma_start3A_614 : memref<128xi32, #tpu.memory_space<vmem>>) semaphore(%arg19 : memref<!tpu.dma_semaphore, #tpu.memory_space<semaphore_mem>>) {add = true}
      %dma_start3A_618 = arith.constant 2 : i32
      %dma_start3A_619 = arith.constant 256 : i32
      %dma_start3A_620 = arith.constant 0 : i32
      %dma_start3A_621 = tpu.memref_slice %arg15[%dma_start3A_619, %dma_start3A_620] : memref<512x16xf32, #tpu.memory_space<vmem>> -> memref<128x16xf32, #tpu.memory_space<vmem>>
      %dma_start3A_622 = arith.constant 0 : i32
      %dma_start3A_623 = tpu.memref_slice %arg13[%dma_start3A_618, %dma_start3A_622] : memref<4x128xi32, #tpu.memory_space<vmem>> -> memref<1x128xi32, #tpu.memory_space<vmem>>
      %dma_start3A_624 = tpu.memref_squeeze %dma_start3A_623 : memref<1x128xi32, #tpu.memory_space<vmem>> -> memref<128xi32, #tpu.memory_space<vmem>>
      %dma_start3A_625 = arith.constant 0 : i32
      %dma_start3A_626 = arith.constant 0 : i32
      %dma_start3A_627 = tpu.memref_slice %arg17[%dma_start3A_625, %dma_start3A_626] : memref<100096x16xf32, #tpu.memory_space<vmem_shared>> -> memref<100096x16xf32, #tpu.memory_space<vmem_shared>>
      tpu.enqueue_indirect_dma source(%dma_start3A_621 : memref<128x16xf32, #tpu.memory_space<vmem>>) target(%dma_start3A_627 : memref<100096x16xf32, #tpu.memory_space<vmem_shared>>) offsets(%dma_start3A_624 : memref<128xi32, #tpu.memory_space<vmem>>) semaphore(%arg19 : memref<!tpu.dma_semaphore, #tpu.memory_space<semaphore_mem>>) {add = true}
      %dma_start3A_628 = arith.constant 3 : i32
      %dma_start3A_629 = arith.constant 384 : i32
      %dma_start3A_630 = arith.constant 0 : i32
      %dma_start3A_631 = tpu.memref_slice %arg15[%dma_start3A_629, %dma_start3A_630] : memref<512x16xf32, #tpu.memory_space<vmem>> -> memref<128x16xf32, #tpu.memory_space<vmem>>
      %dma_start3A_632 = arith.constant 0 : i32
      %dma_start3A_633 = tpu.memref_slice %arg13[%dma_start3A_628, %dma_start3A_632] : memref<4x128xi32, #tpu.memory_space<vmem>> -> memref<1x128xi32, #tpu.memory_space<vmem>>
      %dma_start3A_634 = tpu.memref_squeeze %dma_start3A_633 : memref<1x128xi32, #tpu.memory_space<vmem>> -> memref<128xi32, #tpu.memory_space<vmem>>
      %dma_start3A_635 = arith.constant 0 : i32
      %dma_start3A_636 = arith.constant 0 : i32
      %dma_start3A_637 = tpu.memref_slice %arg17[%dma_start3A_635, %dma_start3A_636] : memref<100096x16xf32, #tpu.memory_space<vmem_shared>> -> memref<100096x16xf32, #tpu.memory_space<vmem_shared>>
      tpu.enqueue_indirect_dma source(%dma_start3A_631 : memref<128x16xf32, #tpu.memory_space<vmem>>) target(%dma_start3A_637 : memref<100096x16xf32, #tpu.memory_space<vmem_shared>>) offsets(%dma_start3A_634 : memref<128xi32, #tpu.memory_space<vmem>>) semaphore(%arg19 : memref<!tpu.dma_semaphore, #tpu.memory_space<semaphore_mem>>) {add = true}
      %mul3A_638 = arith.constant 4 : i32
      %mul3A_639 = arith.muli %scan3A_138, %mul3A_638 : i32
      %add3A_640 = arith.constant 3 : i32
      %add3A_641 = arith.addi %mul3A_639, %add3A_640 : i32
      %dma_wait3A_642 = arith.constant 0 : i32
      %dma_wait3A_643 = arith.constant 0 : i32
      %dma_wait3A_644 = tpu.memref_slice %arg16[%dma_wait3A_642, %dma_wait3A_643] : memref<512x16xf32, #tpu.memory_space<vmem>> -> memref<128x16xf32, #tpu.memory_space<vmem>>
      %dma_wait3A_645 = arith.constant 0 : i32
      %dma_wait3A_646 = arith.constant 0 : i32
      %dma_wait3A_647 = tpu.memref_slice %arg5[%dma_wait3A_645, %dma_wait3A_646] : memref<100096x16xf32, #tpu.memory_space<hbm>> -> memref<128x16xf32, #tpu.memory_space<hbm>>
      %dma_wait3A_648 = arith.constant 0 : i32
      %dma_wait3A_649 = arith.constant 0 : i32
      %dma_wait3A_650 = tpu.memref_slice %arg16[%dma_wait3A_648, %dma_wait3A_649] : memref<512x16xf32, #tpu.memory_space<vmem>> -> memref<128x16xf32, #tpu.memory_space<vmem>>
      %dma_wait3A_651 = arith.constant 0 : i32
      %dma_wait3A_652 = arith.constant 0 : i32
      %dma_wait3A_653 = tpu.memref_slice %arg5[%dma_wait3A_651, %dma_wait3A_652] : memref<100096x16xf32, #tpu.memory_space<hbm>> -> memref<128x16xf32, #tpu.memory_space<hbm>>
      tpu.wait_dma2 semaphore(%arg20 : memref<!tpu.dma_semaphore, #tpu.memory_space<semaphore_mem>>) src(%dma_wait3A_653 : memref<128x16xf32, #tpu.memory_space<hbm>>) dst(%dma_wait3A_650 : memref<128x16xf32, #tpu.memory_space<vmem>>)
      %dma_wait3A_654 = arith.constant 0 : i32
      %dma_wait3A_655 = arith.constant 0 : i32
      %dma_wait3A_656 = tpu.memref_slice %arg16[%dma_wait3A_654, %dma_wait3A_655] : memref<512x16xf32, #tpu.memory_space<vmem>> -> memref<128x16xf32, #tpu.memory_space<vmem>>
      %dma_wait3A_657 = arith.constant 0 : i32
      %dma_wait3A_658 = arith.constant 0 : i32
      %dma_wait3A_659 = tpu.memref_slice %arg5[%dma_wait3A_657, %dma_wait3A_658] : memref<100096x16xf32, #tpu.memory_space<hbm>> -> memref<128x16xf32, #tpu.memory_space<hbm>>
      %dma_wait3A_660 = arith.constant 0 : i32
      %dma_wait3A_661 = arith.constant 0 : i32
      %dma_wait3A_662 = tpu.memref_slice %arg16[%dma_wait3A_660, %dma_wait3A_661] : memref<512x16xf32, #tpu.memory_space<vmem>> -> memref<128x16xf32, #tpu.memory_space<vmem>>
      %dma_wait3A_663 = arith.constant 0 : i32
      %dma_wait3A_664 = arith.constant 0 : i32
      %dma_wait3A_665 = tpu.memref_slice %arg5[%dma_wait3A_663, %dma_wait3A_664] : memref<100096x16xf32, #tpu.memory_space<hbm>> -> memref<128x16xf32, #tpu.memory_space<hbm>>
      tpu.wait_dma2 semaphore(%arg20 : memref<!tpu.dma_semaphore, #tpu.memory_space<semaphore_mem>>) src(%dma_wait3A_665 : memref<128x16xf32, #tpu.memory_space<hbm>>) dst(%dma_wait3A_662 : memref<128x16xf32, #tpu.memory_space<vmem>>)
      %dma_wait3A_666 = arith.constant 0 : i32
      %dma_wait3A_667 = arith.constant 0 : i32
      %dma_wait3A_668 = tpu.memref_slice %arg16[%dma_wait3A_666, %dma_wait3A_667] : memref<512x16xf32, #tpu.memory_space<vmem>> -> memref<128x16xf32, #tpu.memory_space<vmem>>
      %dma_wait3A_669 = arith.constant 0 : i32
      %dma_wait3A_670 = arith.constant 0 : i32
      %dma_wait3A_671 = tpu.memref_slice %arg5[%dma_wait3A_669, %dma_wait3A_670] : memref<100096x16xf32, #tpu.memory_space<hbm>> -> memref<128x16xf32, #tpu.memory_space<hbm>>
      %dma_wait3A_672 = arith.constant 0 : i32
      %dma_wait3A_673 = arith.constant 0 : i32
      %dma_wait3A_674 = tpu.memref_slice %arg16[%dma_wait3A_672, %dma_wait3A_673] : memref<512x16xf32, #tpu.memory_space<vmem>> -> memref<128x16xf32, #tpu.memory_space<vmem>>
      %dma_wait3A_675 = arith.constant 0 : i32
      %dma_wait3A_676 = arith.constant 0 : i32
      %dma_wait3A_677 = tpu.memref_slice %arg5[%dma_wait3A_675, %dma_wait3A_676] : memref<100096x16xf32, #tpu.memory_space<hbm>> -> memref<128x16xf32, #tpu.memory_space<hbm>>
      tpu.wait_dma2 semaphore(%arg20 : memref<!tpu.dma_semaphore, #tpu.memory_space<semaphore_mem>>) src(%dma_wait3A_677 : memref<128x16xf32, #tpu.memory_space<hbm>>) dst(%dma_wait3A_674 : memref<128x16xf32, #tpu.memory_space<vmem>>)
      %dma_wait3A_678 = arith.constant 0 : i32
      %dma_wait3A_679 = arith.constant 0 : i32
      %dma_wait3A_680 = tpu.memref_slice %arg16[%dma_wait3A_678, %dma_wait3A_679] : memref<512x16xf32, #tpu.memory_space<vmem>> -> memref<128x16xf32, #tpu.memory_space<vmem>>
      %dma_wait3A_681 = arith.constant 0 : i32
      %dma_wait3A_682 = arith.constant 0 : i32
      %dma_wait3A_683 = tpu.memref_slice %arg5[%dma_wait3A_681, %dma_wait3A_682] : memref<100096x16xf32, #tpu.memory_space<hbm>> -> memref<128x16xf32, #tpu.memory_space<hbm>>
      %dma_wait3A_684 = arith.constant 0 : i32
      %dma_wait3A_685 = arith.constant 0 : i32
      %dma_wait3A_686 = tpu.memref_slice %arg16[%dma_wait3A_684, %dma_wait3A_685] : memref<512x16xf32, #tpu.memory_space<vmem>> -> memref<128x16xf32, #tpu.memory_space<vmem>>
      %dma_wait3A_687 = arith.constant 0 : i32
      %dma_wait3A_688 = arith.constant 0 : i32
      %dma_wait3A_689 = tpu.memref_slice %arg5[%dma_wait3A_687, %dma_wait3A_688] : memref<100096x16xf32, #tpu.memory_space<hbm>> -> memref<128x16xf32, #tpu.memory_space<hbm>>
      tpu.wait_dma2 semaphore(%arg20 : memref<!tpu.dma_semaphore, #tpu.memory_space<semaphore_mem>>) src(%dma_wait3A_689 : memref<128x16xf32, #tpu.memory_space<hbm>>) dst(%dma_wait3A_686 : memref<128x16xf32, #tpu.memory_space<vmem>>)
      %lt3A_690 = arith.constant 48 : i32
      %lt3A_691 = arith.cmpi slt, %scan3A_138, %lt3A_690 : i32
      %convert_element_type3A_692 = arith.extui %lt3A_691 : i1 to i32
      %cond3A_693 = arith.constant 0 : i32
      %cond3A_694 = arith.cmpi ne, %convert_element_type3A_692, %cond3A_693 : i32
      scf.if %cond3A_694 {
        %add3A_827 = arith.constant 2 : i32
        %add3A_828 = arith.addi %add3A_641, %add3A_827 : i32
        %mul3A_829 = arith.constant 4 : i32
        %mul3A_830 = arith.muli %add3A_828, %mul3A_829 : i32
        %add3A_831 = arith.addi %add3A, %mul3A_830 : i32
        %dma_start3A_832 = arith.constant 0 : i32
        %dma_start3A_833 = tpu.memref_slice %arg3[%add3A_831, %dma_start3A_832] : memref<25088x128xi32, #tpu.memory_space<hbm>> -> memref<4x128xi32, #tpu.memory_space<hbm>>
        %dma_start3A_834 = arith.constant 0 : i32
        %dma_start3A_835 = tpu.memref_slice %arg3[%add3A_831, %dma_start3A_834] : memref<25088x128xi32, #tpu.memory_space<hbm>> -> memref<4x128xi32, #tpu.memory_space<hbm>>
        tpu.enqueue_dma source(%dma_start3A_835 : memref<4x128xi32, #tpu.memory_space<hbm>>) target(%arg8 : memref<4x128xi32, #tpu.memory_space<vmem>>) target_semaphore(%arg21 : memref<!tpu.dma_semaphore, #tpu.memory_space<semaphore_mem>>)
        %mul3A_836 = arith.constant 4 : i32
        %mul3A_837 = arith.muli %add3A_828, %mul3A_836 : i32
        %add3A_838 = arith.addi %mul3A_6, %mul3A_837 : i32
        %dma_start3A_839 = arith.constant 0 : i32
        %dma_start3A_840 = tpu.memref_slice %arg4[%add3A_838, %dma_start3A_839] : memref<12544x128xi32, #tpu.memory_space<hbm>> -> memref<4x128xi32, #tpu.memory_space<hbm>>
        %dma_start3A_841 = arith.constant 0 : i32
        %dma_start3A_842 = tpu.memref_slice %arg4[%add3A_838, %dma_start3A_841] : memref<12544x128xi32, #tpu.memory_space<hbm>> -> memref<4x128xi32, #tpu.memory_space<hbm>>
        tpu.enqueue_dma source(%dma_start3A_842 : memref<4x128xi32, #tpu.memory_space<hbm>>) target(%arg12 : memref<4x128xi32, #tpu.memory_space<vmem>>) target_semaphore(%arg21 : memref<!tpu.dma_semaphore, #tpu.memory_space<semaphore_mem>>)
      } else {
      }
      %dma_wait3A_695 = arith.constant 0 : i32
      %dma_wait3A_696 = arith.constant 0 : i32
      %dma_wait3A_697 = tpu.memref_slice %arg3[%dma_wait3A_695, %dma_wait3A_696] : memref<25088x128xi32, #tpu.memory_space<hbm>> -> memref<4x128xi32, #tpu.memory_space<hbm>>
      %dma_wait3A_698 = arith.constant 0 : i32
      %dma_wait3A_699 = arith.constant 0 : i32
      %dma_wait3A_700 = tpu.memref_slice %arg3[%dma_wait3A_698, %dma_wait3A_699] : memref<25088x128xi32, #tpu.memory_space<hbm>> -> memref<4x128xi32, #tpu.memory_space<hbm>>
      tpu.wait_dma2 semaphore(%arg21 : memref<!tpu.dma_semaphore, #tpu.memory_space<semaphore_mem>>) src(%dma_wait3A_700 : memref<4x128xi32, #tpu.memory_space<hbm>>) dst(%arg10 : memref<4x128xi32, #tpu.memory_space<vmem>>)
      %dma_wait3A_701 = arith.constant 0 : i32
      %dma_wait3A_702 = arith.constant 0 : i32
      %dma_wait3A_703 = tpu.memref_slice %arg4[%dma_wait3A_701, %dma_wait3A_702] : memref<12544x128xi32, #tpu.memory_space<hbm>> -> memref<4x128xi32, #tpu.memory_space<hbm>>
      %dma_wait3A_704 = arith.constant 0 : i32
      %dma_wait3A_705 = arith.constant 0 : i32
      %dma_wait3A_706 = tpu.memref_slice %arg4[%dma_wait3A_704, %dma_wait3A_705] : memref<12544x128xi32, #tpu.memory_space<hbm>> -> memref<4x128xi32, #tpu.memory_space<hbm>>
      tpu.wait_dma2 semaphore(%arg21 : memref<!tpu.dma_semaphore, #tpu.memory_space<semaphore_mem>>) src(%dma_wait3A_706 : memref<4x128xi32, #tpu.memory_space<hbm>>) dst(%arg14 : memref<4x128xi32, #tpu.memory_space<vmem>>)
      %dma_start3A_707 = arith.constant 0 : i32
      %dma_start3A_708 = arith.constant 0 : i32
      %dma_start3A_709 = arith.constant 0 : i32
      %dma_start3A_710 = tpu.memref_slice %arg16[%dma_start3A_708, %dma_start3A_709] : memref<512x16xf32, #tpu.memory_space<vmem>> -> memref<128x16xf32, #tpu.memory_space<vmem>>
      %dma_start3A_711 = arith.constant 0 : i32
      %dma_start3A_712 = tpu.memref_slice %arg10[%dma_start3A_707, %dma_start3A_711] : memref<4x128xi32, #tpu.memory_space<vmem>> -> memref<1x128xi32, #tpu.memory_space<vmem>>
      %dma_start3A_713 = tpu.memref_squeeze %dma_start3A_712 : memref<1x128xi32, #tpu.memory_space<vmem>> -> memref<128xi32, #tpu.memory_space<vmem>>
      %dma_start3A_714 = arith.constant 0 : i32
      %dma_start3A_715 = arith.constant 0 : i32
      %dma_start3A_716 = tpu.memref_slice %arg2[%dma_start3A_714, %dma_start3A_715] : memref<200192x16xf32, #tpu.memory_space<hbm>> -> memref<200192x16xf32, #tpu.memory_space<hbm>>
      tpu.enqueue_indirect_dma source(%dma_start3A_716 : memref<200192x16xf32, #tpu.memory_space<hbm>>) target(%dma_start3A_710 : memref<128x16xf32, #tpu.memory_space<vmem>>) offsets(%dma_start3A_713 : memref<128xi32, #tpu.memory_space<vmem>>) semaphore(%arg18 : memref<!tpu.dma_semaphore, #tpu.memory_space<semaphore_mem>>)
      %dma_start3A_717 = arith.constant 1 : i32
      %dma_start3A_718 = arith.constant 128 : i32
      %dma_start3A_719 = arith.constant 0 : i32
      %dma_start3A_720 = tpu.memref_slice %arg16[%dma_start3A_718, %dma_start3A_719] : memref<512x16xf32, #tpu.memory_space<vmem>> -> memref<128x16xf32, #tpu.memory_space<vmem>>
      %dma_start3A_721 = arith.constant 0 : i32
      %dma_start3A_722 = tpu.memref_slice %arg10[%dma_start3A_717, %dma_start3A_721] : memref<4x128xi32, #tpu.memory_space<vmem>> -> memref<1x128xi32, #tpu.memory_space<vmem>>
      %dma_start3A_723 = tpu.memref_squeeze %dma_start3A_722 : memref<1x128xi32, #tpu.memory_space<vmem>> -> memref<128xi32, #tpu.memory_space<vmem>>
      %dma_start3A_724 = arith.constant 0 : i32
      %dma_start3A_725 = arith.constant 0 : i32
      %dma_start3A_726 = tpu.memref_slice %arg2[%dma_start3A_724, %dma_start3A_725] : memref<200192x16xf32, #tpu.memory_space<hbm>> -> memref<200192x16xf32, #tpu.memory_space<hbm>>
      tpu.enqueue_indirect_dma source(%dma_start3A_726 : memref<200192x16xf32, #tpu.memory_space<hbm>>) target(%dma_start3A_720 : memref<128x16xf32, #tpu.memory_space<vmem>>) offsets(%dma_start3A_723 : memref<128xi32, #tpu.memory_space<vmem>>) semaphore(%arg18 : memref<!tpu.dma_semaphore, #tpu.memory_space<semaphore_mem>>)
      %dma_start3A_727 = arith.constant 2 : i32
      %dma_start3A_728 = arith.constant 256 : i32
      %dma_start3A_729 = arith.constant 0 : i32
      %dma_start3A_730 = tpu.memref_slice %arg16[%dma_start3A_728, %dma_start3A_729] : memref<512x16xf32, #tpu.memory_space<vmem>> -> memref<128x16xf32, #tpu.memory_space<vmem>>
      %dma_start3A_731 = arith.constant 0 : i32
      %dma_start3A_732 = tpu.memref_slice %arg10[%dma_start3A_727, %dma_start3A_731] : memref<4x128xi32, #tpu.memory_space<vmem>> -> memref<1x128xi32, #tpu.memory_space<vmem>>
      %dma_start3A_733 = tpu.memref_squeeze %dma_start3A_732 : memref<1x128xi32, #tpu.memory_space<vmem>> -> memref<128xi32, #tpu.memory_space<vmem>>
      %dma_start3A_734 = arith.constant 0 : i32
      %dma_start3A_735 = arith.constant 0 : i32
      %dma_start3A_736 = tpu.memref_slice %arg2[%dma_start3A_734, %dma_start3A_735] : memref<200192x16xf32, #tpu.memory_space<hbm>> -> memref<200192x16xf32, #tpu.memory_space<hbm>>
      tpu.enqueue_indirect_dma source(%dma_start3A_736 : memref<200192x16xf32, #tpu.memory_space<hbm>>) target(%dma_start3A_730 : memref<128x16xf32, #tpu.memory_space<vmem>>) offsets(%dma_start3A_733 : memref<128xi32, #tpu.memory_space<vmem>>) semaphore(%arg18 : memref<!tpu.dma_semaphore, #tpu.memory_space<semaphore_mem>>)
      %dma_start3A_737 = arith.constant 3 : i32
      %dma_start3A_738 = arith.constant 384 : i32
      %dma_start3A_739 = arith.constant 0 : i32
      %dma_start3A_740 = tpu.memref_slice %arg16[%dma_start3A_738, %dma_start3A_739] : memref<512x16xf32, #tpu.memory_space<vmem>> -> memref<128x16xf32, #tpu.memory_space<vmem>>
      %dma_start3A_741 = arith.constant 0 : i32
      %dma_start3A_742 = tpu.memref_slice %arg10[%dma_start3A_737, %dma_start3A_741] : memref<4x128xi32, #tpu.memory_space<vmem>> -> memref<1x128xi32, #tpu.memory_space<vmem>>
      %dma_start3A_743 = tpu.memref_squeeze %dma_start3A_742 : memref<1x128xi32, #tpu.memory_space<vmem>> -> memref<128xi32, #tpu.memory_space<vmem>>
      %dma_start3A_744 = arith.constant 0 : i32
      %dma_start3A_745 = arith.constant 0 : i32
      %dma_start3A_746 = tpu.memref_slice %arg2[%dma_start3A_744, %dma_start3A_745] : memref<200192x16xf32, #tpu.memory_space<hbm>> -> memref<200192x16xf32, #tpu.memory_space<hbm>>
      tpu.enqueue_indirect_dma source(%dma_start3A_746 : memref<200192x16xf32, #tpu.memory_space<hbm>>) target(%dma_start3A_740 : memref<128x16xf32, #tpu.memory_space<vmem>>) offsets(%dma_start3A_743 : memref<128xi32, #tpu.memory_space<vmem>>) semaphore(%arg18 : memref<!tpu.dma_semaphore, #tpu.memory_space<semaphore_mem>>)
      %dma_wait3A_747 = arith.constant 0 : i32
      %dma_wait3A_748 = arith.constant 0 : i32
      %dma_wait3A_749 = arith.constant 0 : i32
      %dma_wait3A_750 = tpu.memref_slice %arg16[%dma_wait3A_748, %dma_wait3A_749] : memref<512x16xf32, #tpu.memory_space<vmem>> -> memref<128x16xf32, #tpu.memory_space<vmem>>
      %dma_wait3A_751 = arith.constant 0 : i32
      %dma_wait3A_752 = tpu.memref_slice %arg10[%dma_wait3A_747, %dma_wait3A_751] : memref<4x128xi32, #tpu.memory_space<vmem>> -> memref<1x128xi32, #tpu.memory_space<vmem>>
      %dma_wait3A_753 = tpu.memref_squeeze %dma_wait3A_752 : memref<1x128xi32, #tpu.memory_space<vmem>> -> memref<128xi32, #tpu.memory_space<vmem>>
      %dma_wait3A_754 = arith.constant 0 : i32
      %dma_wait3A_755 = arith.constant 0 : i32
      %dma_wait3A_756 = tpu.memref_slice %arg2[%dma_wait3A_754, %dma_wait3A_755] : memref<200192x16xf32, #tpu.memory_space<hbm>> -> memref<200192x16xf32, #tpu.memory_space<hbm>>
      tpu.wait_indirect_dma semaphore(%arg18 : memref<!tpu.dma_semaphore, #tpu.memory_space<semaphore_mem>>) src(%dma_wait3A_756 : memref<200192x16xf32, #tpu.memory_space<hbm>>) dst(%dma_wait3A_750 : memref<128x16xf32, #tpu.memory_space<vmem>>)
      %dma_wait3A_757 = arith.constant 1 : i32
      %dma_wait3A_758 = arith.constant 128 : i32
      %dma_wait3A_759 = arith.constant 0 : i32
      %dma_wait3A_760 = tpu.memref_slice %arg16[%dma_wait3A_758, %dma_wait3A_759] : memref<512x16xf32, #tpu.memory_space<vmem>> -> memref<128x16xf32, #tpu.memory_space<vmem>>
      %dma_wait3A_761 = arith.constant 0 : i32
      %dma_wait3A_762 = tpu.memref_slice %arg10[%dma_wait3A_757, %dma_wait3A_761] : memref<4x128xi32, #tpu.memory_space<vmem>> -> memref<1x128xi32, #tpu.memory_space<vmem>>
      %dma_wait3A_763 = tpu.memref_squeeze %dma_wait3A_762 : memref<1x128xi32, #tpu.memory_space<vmem>> -> memref<128xi32, #tpu.memory_space<vmem>>
      %dma_wait3A_764 = arith.constant 0 : i32
      %dma_wait3A_765 = arith.constant 0 : i32
      %dma_wait3A_766 = tpu.memref_slice %arg2[%dma_wait3A_764, %dma_wait3A_765] : memref<200192x16xf32, #tpu.memory_space<hbm>> -> memref<200192x16xf32, #tpu.memory_space<hbm>>
      tpu.wait_indirect_dma semaphore(%arg18 : memref<!tpu.dma_semaphore, #tpu.memory_space<semaphore_mem>>) src(%dma_wait3A_766 : memref<200192x16xf32, #tpu.memory_space<hbm>>) dst(%dma_wait3A_760 : memref<128x16xf32, #tpu.memory_space<vmem>>)
      %dma_wait3A_767 = arith.constant 2 : i32
      %dma_wait3A_768 = arith.constant 256 : i32
      %dma_wait3A_769 = arith.constant 0 : i32
      %dma_wait3A_770 = tpu.memref_slice %arg16[%dma_wait3A_768, %dma_wait3A_769] : memref<512x16xf32, #tpu.memory_space<vmem>> -> memref<128x16xf32, #tpu.memory_space<vmem>>
      %dma_wait3A_771 = arith.constant 0 : i32
      %dma_wait3A_772 = tpu.memref_slice %arg10[%dma_wait3A_767, %dma_wait3A_771] : memref<4x128xi32, #tpu.memory_space<vmem>> -> memref<1x128xi32, #tpu.memory_space<vmem>>
      %dma_wait3A_773 = tpu.memref_squeeze %dma_wait3A_772 : memref<1x128xi32, #tpu.memory_space<vmem>> -> memref<128xi32, #tpu.memory_space<vmem>>
      %dma_wait3A_774 = arith.constant 0 : i32
      %dma_wait3A_775 = arith.constant 0 : i32
      %dma_wait3A_776 = tpu.memref_slice %arg2[%dma_wait3A_774, %dma_wait3A_775] : memref<200192x16xf32, #tpu.memory_space<hbm>> -> memref<200192x16xf32, #tpu.memory_space<hbm>>
      tpu.wait_indirect_dma semaphore(%arg18 : memref<!tpu.dma_semaphore, #tpu.memory_space<semaphore_mem>>) src(%dma_wait3A_776 : memref<200192x16xf32, #tpu.memory_space<hbm>>) dst(%dma_wait3A_770 : memref<128x16xf32, #tpu.memory_space<vmem>>)
      %dma_wait3A_777 = arith.constant 3 : i32
      %dma_wait3A_778 = arith.constant 384 : i32
      %dma_wait3A_779 = arith.constant 0 : i32
      %dma_wait3A_780 = tpu.memref_slice %arg16[%dma_wait3A_778, %dma_wait3A_779] : memref<512x16xf32, #tpu.memory_space<vmem>> -> memref<128x16xf32, #tpu.memory_space<vmem>>
      %dma_wait3A_781 = arith.constant 0 : i32
      %dma_wait3A_782 = tpu.memref_slice %arg10[%dma_wait3A_777, %dma_wait3A_781] : memref<4x128xi32, #tpu.memory_space<vmem>> -> memref<1x128xi32, #tpu.memory_space<vmem>>
      %dma_wait3A_783 = tpu.memref_squeeze %dma_wait3A_782 : memref<1x128xi32, #tpu.memory_space<vmem>> -> memref<128xi32, #tpu.memory_space<vmem>>
      %dma_wait3A_784 = arith.constant 0 : i32
      %dma_wait3A_785 = arith.constant 0 : i32
      %dma_wait3A_786 = tpu.memref_slice %arg2[%dma_wait3A_784, %dma_wait3A_785] : memref<200192x16xf32, #tpu.memory_space<hbm>> -> memref<200192x16xf32, #tpu.memory_space<hbm>>
      tpu.wait_indirect_dma semaphore(%arg18 : memref<!tpu.dma_semaphore, #tpu.memory_space<semaphore_mem>>) src(%dma_wait3A_786 : memref<200192x16xf32, #tpu.memory_space<hbm>>) dst(%dma_wait3A_780 : memref<128x16xf32, #tpu.memory_space<vmem>>)
      %dma_start3A_787 = arith.constant 0 : i32
      %dma_start3A_788 = arith.constant 0 : i32
      %dma_start3A_789 = arith.constant 0 : i32
      %dma_start3A_790 = tpu.memref_slice %arg16[%dma_start3A_788, %dma_start3A_789] : memref<512x16xf32, #tpu.memory_space<vmem>> -> memref<128x16xf32, #tpu.memory_space<vmem>>
      %dma_start3A_791 = arith.constant 0 : i32
      %dma_start3A_792 = tpu.memref_slice %arg14[%dma_start3A_787, %dma_start3A_791] : memref<4x128xi32, #tpu.memory_space<vmem>> -> memref<1x128xi32, #tpu.memory_space<vmem>>
      %dma_start3A_793 = tpu.memref_squeeze %dma_start3A_792 : memref<1x128xi32, #tpu.memory_space<vmem>> -> memref<128xi32, #tpu.memory_space<vmem>>
      %dma_start3A_794 = arith.constant 0 : i32
      %dma_start3A_795 = arith.constant 0 : i32
      %dma_start3A_796 = tpu.memref_slice %arg17[%dma_start3A_794, %dma_start3A_795] : memref<100096x16xf32, #tpu.memory_space<vmem_shared>> -> memref<100096x16xf32, #tpu.memory_space<vmem_shared>>
      tpu.enqueue_indirect_dma source(%dma_start3A_790 : memref<128x16xf32, #tpu.memory_space<vmem>>) target(%dma_start3A_796 : memref<100096x16xf32, #tpu.memory_space<vmem_shared>>) offsets(%dma_start3A_793 : memref<128xi32, #tpu.memory_space<vmem>>) semaphore(%arg20 : memref<!tpu.dma_semaphore, #tpu.memory_space<semaphore_mem>>) {add = true}
      %dma_start3A_797 = arith.constant 1 : i32
      %dma_start3A_798 = arith.constant 128 : i32
      %dma_start3A_799 = arith.constant 0 : i32
      %dma_start3A_800 = tpu.memref_slice %arg16[%dma_start3A_798, %dma_start3A_799] : memref<512x16xf32, #tpu.memory_space<vmem>> -> memref<128x16xf32, #tpu.memory_space<vmem>>
      %dma_start3A_801 = arith.constant 0 : i32
      %dma_start3A_802 = tpu.memref_slice %arg14[%dma_start3A_797, %dma_start3A_801] : memref<4x128xi32, #tpu.memory_space<vmem>> -> memref<1x128xi32, #tpu.memory_space<vmem>>
      %dma_start3A_803 = tpu.memref_squeeze %dma_start3A_802 : memref<1x128xi32, #tpu.memory_space<vmem>> -> memref<128xi32, #tpu.memory_space<vmem>>
      %dma_start3A_804 = arith.constant 0 : i32
      %dma_start3A_805 = arith.constant 0 : i32
      %dma_start3A_806 = tpu.memref_slice %arg17[%dma_start3A_804, %dma_start3A_805] : memref<100096x16xf32, #tpu.memory_space<vmem_shared>> -> memref<100096x16xf32, #tpu.memory_space<vmem_shared>>
      tpu.enqueue_indirect_dma source(%dma_start3A_800 : memref<128x16xf32, #tpu.memory_space<vmem>>) target(%dma_start3A_806 : memref<100096x16xf32, #tpu.memory_space<vmem_shared>>) offsets(%dma_start3A_803 : memref<128xi32, #tpu.memory_space<vmem>>) semaphore(%arg20 : memref<!tpu.dma_semaphore, #tpu.memory_space<semaphore_mem>>) {add = true}
      %dma_start3A_807 = arith.constant 2 : i32
      %dma_start3A_808 = arith.constant 256 : i32
      %dma_start3A_809 = arith.constant 0 : i32
      %dma_start3A_810 = tpu.memref_slice %arg16[%dma_start3A_808, %dma_start3A_809] : memref<512x16xf32, #tpu.memory_space<vmem>> -> memref<128x16xf32, #tpu.memory_space<vmem>>
      %dma_start3A_811 = arith.constant 0 : i32
      %dma_start3A_812 = tpu.memref_slice %arg14[%dma_start3A_807, %dma_start3A_811] : memref<4x128xi32, #tpu.memory_space<vmem>> -> memref<1x128xi32, #tpu.memory_space<vmem>>
      %dma_start3A_813 = tpu.memref_squeeze %dma_start3A_812 : memref<1x128xi32, #tpu.memory_space<vmem>> -> memref<128xi32, #tpu.memory_space<vmem>>
      %dma_start3A_814 = arith.constant 0 : i32
      %dma_start3A_815 = arith.constant 0 : i32
      %dma_start3A_816 = tpu.memref_slice %arg17[%dma_start3A_814, %dma_start3A_815] : memref<100096x16xf32, #tpu.memory_space<vmem_shared>> -> memref<100096x16xf32, #tpu.memory_space<vmem_shared>>
      tpu.enqueue_indirect_dma source(%dma_start3A_810 : memref<128x16xf32, #tpu.memory_space<vmem>>) target(%dma_start3A_816 : memref<100096x16xf32, #tpu.memory_space<vmem_shared>>) offsets(%dma_start3A_813 : memref<128xi32, #tpu.memory_space<vmem>>) semaphore(%arg20 : memref<!tpu.dma_semaphore, #tpu.memory_space<semaphore_mem>>) {add = true}
      %dma_start3A_817 = arith.constant 3 : i32
      %dma_start3A_818 = arith.constant 384 : i32
      %dma_start3A_819 = arith.constant 0 : i32
      %dma_start3A_820 = tpu.memref_slice %arg16[%dma_start3A_818, %dma_start3A_819] : memref<512x16xf32, #tpu.memory_space<vmem>> -> memref<128x16xf32, #tpu.memory_space<vmem>>
      %dma_start3A_821 = arith.constant 0 : i32
      %dma_start3A_822 = tpu.memref_slice %arg14[%dma_start3A_817, %dma_start3A_821] : memref<4x128xi32, #tpu.memory_space<vmem>> -> memref<1x128xi32, #tpu.memory_space<vmem>>
      %dma_start3A_823 = tpu.memref_squeeze %dma_start3A_822 : memref<1x128xi32, #tpu.memory_space<vmem>> -> memref<128xi32, #tpu.memory_space<vmem>>
      %dma_start3A_824 = arith.constant 0 : i32
      %dma_start3A_825 = arith.constant 0 : i32
      %dma_start3A_826 = tpu.memref_slice %arg17[%dma_start3A_824, %dma_start3A_825] : memref<100096x16xf32, #tpu.memory_space<vmem_shared>> -> memref<100096x16xf32, #tpu.memory_space<vmem_shared>>
      tpu.enqueue_indirect_dma source(%dma_start3A_820 : memref<128x16xf32, #tpu.memory_space<vmem>>) target(%dma_start3A_826 : memref<100096x16xf32, #tpu.memory_space<vmem_shared>>) offsets(%dma_start3A_823 : memref<128xi32, #tpu.memory_space<vmem>>) semaphore(%arg20 : memref<!tpu.dma_semaphore, #tpu.memory_space<semaphore_mem>>) {add = true}
    }
    %scan3A_34 = arith.constant 49 : i32
    %dma_wait3A = arith.constant 0 : i32
    %dma_wait3A_35 = arith.constant 0 : i32
    %dma_wait3A_36 = tpu.memref_slice %arg15[%dma_wait3A, %dma_wait3A_35] : memref<512x16xf32, #tpu.memory_space<vmem>> -> memref<128x16xf32, #tpu.memory_space<vmem>>
    %dma_wait3A_37 = arith.constant 0 : i32
    %dma_wait3A_38 = arith.constant 0 : i32
    %dma_wait3A_39 = tpu.memref_slice %arg5[%dma_wait3A_37, %dma_wait3A_38] : memref<100096x16xf32, #tpu.memory_space<hbm>> -> memref<128x16xf32, #tpu.memory_space<hbm>>
    %dma_wait3A_40 = arith.constant 0 : i32
    %dma_wait3A_41 = arith.constant 0 : i32
    %dma_wait3A_42 = tpu.memref_slice %arg15[%dma_wait3A_40, %dma_wait3A_41] : memref<512x16xf32, #tpu.memory_space<vmem>> -> memref<128x16xf32, #tpu.memory_space<vmem>>
    %dma_wait3A_43 = arith.constant 0 : i32
    %dma_wait3A_44 = arith.constant 0 : i32
    %dma_wait3A_45 = tpu.memref_slice %arg5[%dma_wait3A_43, %dma_wait3A_44] : memref<100096x16xf32, #tpu.memory_space<hbm>> -> memref<128x16xf32, #tpu.memory_space<hbm>>
    tpu.wait_dma2 semaphore(%arg19 : memref<!tpu.dma_semaphore, #tpu.memory_space<semaphore_mem>>) src(%dma_wait3A_45 : memref<128x16xf32, #tpu.memory_space<hbm>>) dst(%dma_wait3A_42 : memref<128x16xf32, #tpu.memory_space<vmem>>)
    %dma_wait3A_46 = arith.constant 0 : i32
    %dma_wait3A_47 = arith.constant 0 : i32
    %dma_wait3A_48 = tpu.memref_slice %arg15[%dma_wait3A_46, %dma_wait3A_47] : memref<512x16xf32, #tpu.memory_space<vmem>> -> memref<128x16xf32, #tpu.memory_space<vmem>>
    %dma_wait3A_49 = arith.constant 0 : i32
    %dma_wait3A_50 = arith.constant 0 : i32
    %dma_wait3A_51 = tpu.memref_slice %arg5[%dma_wait3A_49, %dma_wait3A_50] : memref<100096x16xf32, #tpu.memory_space<hbm>> -> memref<128x16xf32, #tpu.memory_space<hbm>>
    %dma_wait3A_52 = arith.constant 0 : i32
    %dma_wait3A_53 = arith.constant 0 : i32
    %dma_wait3A_54 = tpu.memref_slice %arg15[%dma_wait3A_52, %dma_wait3A_53] : memref<512x16xf32, #tpu.memory_space<vmem>> -> memref<128x16xf32, #tpu.memory_space<vmem>>
    %dma_wait3A_55 = arith.constant 0 : i32
    %dma_wait3A_56 = arith.constant 0 : i32
    %dma_wait3A_57 = tpu.memref_slice %arg5[%dma_wait3A_55, %dma_wait3A_56] : memref<100096x16xf32, #tpu.memory_space<hbm>> -> memref<128x16xf32, #tpu.memory_space<hbm>>
    tpu.wait_dma2 semaphore(%arg19 : memref<!tpu.dma_semaphore, #tpu.memory_space<semaphore_mem>>) src(%dma_wait3A_57 : memref<128x16xf32, #tpu.memory_space<hbm>>) dst(%dma_wait3A_54 : memref<128x16xf32, #tpu.memory_space<vmem>>)
    %dma_wait3A_58 = arith.constant 0 : i32
    %dma_wait3A_59 = arith.constant 0 : i32
    %dma_wait3A_60 = tpu.memref_slice %arg15[%dma_wait3A_58, %dma_wait3A_59] : memref<512x16xf32, #tpu.memory_space<vmem>> -> memref<128x16xf32, #tpu.memory_space<vmem>>
    %dma_wait3A_61 = arith.constant 0 : i32
    %dma_wait3A_62 = arith.constant 0 : i32
    %dma_wait3A_63 = tpu.memref_slice %arg5[%dma_wait3A_61, %dma_wait3A_62] : memref<100096x16xf32, #tpu.memory_space<hbm>> -> memref<128x16xf32, #tpu.memory_space<hbm>>
    %dma_wait3A_64 = arith.constant 0 : i32
    %dma_wait3A_65 = arith.constant 0 : i32
    %dma_wait3A_66 = tpu.memref_slice %arg15[%dma_wait3A_64, %dma_wait3A_65] : memref<512x16xf32, #tpu.memory_space<vmem>> -> memref<128x16xf32, #tpu.memory_space<vmem>>
    %dma_wait3A_67 = arith.constant 0 : i32
    %dma_wait3A_68 = arith.constant 0 : i32
    %dma_wait3A_69 = tpu.memref_slice %arg5[%dma_wait3A_67, %dma_wait3A_68] : memref<100096x16xf32, #tpu.memory_space<hbm>> -> memref<128x16xf32, #tpu.memory_space<hbm>>
    tpu.wait_dma2 semaphore(%arg19 : memref<!tpu.dma_semaphore, #tpu.memory_space<semaphore_mem>>) src(%dma_wait3A_69 : memref<128x16xf32, #tpu.memory_space<hbm>>) dst(%dma_wait3A_66 : memref<128x16xf32, #tpu.memory_space<vmem>>)
    %dma_wait3A_70 = arith.constant 0 : i32
    %dma_wait3A_71 = arith.constant 0 : i32
    %dma_wait3A_72 = tpu.memref_slice %arg15[%dma_wait3A_70, %dma_wait3A_71] : memref<512x16xf32, #tpu.memory_space<vmem>> -> memref<128x16xf32, #tpu.memory_space<vmem>>
    %dma_wait3A_73 = arith.constant 0 : i32
    %dma_wait3A_74 = arith.constant 0 : i32
    %dma_wait3A_75 = tpu.memref_slice %arg5[%dma_wait3A_73, %dma_wait3A_74] : memref<100096x16xf32, #tpu.memory_space<hbm>> -> memref<128x16xf32, #tpu.memory_space<hbm>>
    %dma_wait3A_76 = arith.constant 0 : i32
    %dma_wait3A_77 = arith.constant 0 : i32
    %dma_wait3A_78 = tpu.memref_slice %arg15[%dma_wait3A_76, %dma_wait3A_77] : memref<512x16xf32, #tpu.memory_space<vmem>> -> memref<128x16xf32, #tpu.memory_space<vmem>>
    %dma_wait3A_79 = arith.constant 0 : i32
    %dma_wait3A_80 = arith.constant 0 : i32
    %dma_wait3A_81 = tpu.memref_slice %arg5[%dma_wait3A_79, %dma_wait3A_80] : memref<100096x16xf32, #tpu.memory_space<hbm>> -> memref<128x16xf32, #tpu.memory_space<hbm>>
    tpu.wait_dma2 semaphore(%arg19 : memref<!tpu.dma_semaphore, #tpu.memory_space<semaphore_mem>>) src(%dma_wait3A_81 : memref<128x16xf32, #tpu.memory_space<hbm>>) dst(%dma_wait3A_78 : memref<128x16xf32, #tpu.memory_space<vmem>>)
    %dma_wait3A_82 = arith.constant 0 : i32
    %dma_wait3A_83 = arith.constant 0 : i32
    %dma_wait3A_84 = tpu.memref_slice %arg16[%dma_wait3A_82, %dma_wait3A_83] : memref<512x16xf32, #tpu.memory_space<vmem>> -> memref<128x16xf32, #tpu.memory_space<vmem>>
    %dma_wait3A_85 = arith.constant 0 : i32
    %dma_wait3A_86 = arith.constant 0 : i32
    %dma_wait3A_87 = tpu.memref_slice %arg5[%dma_wait3A_85, %dma_wait3A_86] : memref<100096x16xf32, #tpu.memory_space<hbm>> -> memref<128x16xf32, #tpu.memory_space<hbm>>
    %dma_wait3A_88 = arith.constant 0 : i32
    %dma_wait3A_89 = arith.constant 0 : i32
    %dma_wait3A_90 = tpu.memref_slice %arg16[%dma_wait3A_88, %dma_wait3A_89] : memref<512x16xf32, #tpu.memory_space<vmem>> -> memref<128x16xf32, #tpu.memory_space<vmem>>
    %dma_wait3A_91 = arith.constant 0 : i32
    %dma_wait3A_92 = arith.constant 0 : i32
    %dma_wait3A_93 = tpu.memref_slice %arg5[%dma_wait3A_91, %dma_wait3A_92] : memref<100096x16xf32, #tpu.memory_space<hbm>> -> memref<128x16xf32, #tpu.memory_space<hbm>>
    tpu.wait_dma2 semaphore(%arg20 : memref<!tpu.dma_semaphore, #tpu.memory_space<semaphore_mem>>) src(%dma_wait3A_93 : memref<128x16xf32, #tpu.memory_space<hbm>>) dst(%dma_wait3A_90 : memref<128x16xf32, #tpu.memory_space<vmem>>)
    %dma_wait3A_94 = arith.constant 0 : i32
    %dma_wait3A_95 = arith.constant 0 : i32
    %dma_wait3A_96 = tpu.memref_slice %arg16[%dma_wait3A_94, %dma_wait3A_95] : memref<512x16xf32, #tpu.memory_space<vmem>> -> memref<128x16xf32, #tpu.memory_space<vmem>>
    %dma_wait3A_97 = arith.constant 0 : i32
    %dma_wait3A_98 = arith.constant 0 : i32
    %dma_wait3A_99 = tpu.memref_slice %arg5[%dma_wait3A_97, %dma_wait3A_98] : memref<100096x16xf32, #tpu.memory_space<hbm>> -> memref<128x16xf32, #tpu.memory_space<hbm>>
    %dma_wait3A_100 = arith.constant 0 : i32
    %dma_wait3A_101 = arith.constant 0 : i32
    %dma_wait3A_102 = tpu.memref_slice %arg16[%dma_wait3A_100, %dma_wait3A_101] : memref<512x16xf32, #tpu.memory_space<vmem>> -> memref<128x16xf32, #tpu.memory_space<vmem>>
    %dma_wait3A_103 = arith.constant 0 : i32
    %dma_wait3A_104 = arith.constant 0 : i32
    %dma_wait3A_105 = tpu.memref_slice %arg5[%dma_wait3A_103, %dma_wait3A_104] : memref<100096x16xf32, #tpu.memory_space<hbm>> -> memref<128x16xf32, #tpu.memory_space<hbm>>
    tpu.wait_dma2 semaphore(%arg20 : memref<!tpu.dma_semaphore, #tpu.memory_space<semaphore_mem>>) src(%dma_wait3A_105 : memref<128x16xf32, #tpu.memory_space<hbm>>) dst(%dma_wait3A_102 : memref<128x16xf32, #tpu.memory_space<vmem>>)
    %dma_wait3A_106 = arith.constant 0 : i32
    %dma_wait3A_107 = arith.constant 0 : i32
    %dma_wait3A_108 = tpu.memref_slice %arg16[%dma_wait3A_106, %dma_wait3A_107] : memref<512x16xf32, #tpu.memory_space<vmem>> -> memref<128x16xf32, #tpu.memory_space<vmem>>
    %dma_wait3A_109 = arith.constant 0 : i32
    %dma_wait3A_110 = arith.constant 0 : i32
    %dma_wait3A_111 = tpu.memref_slice %arg5[%dma_wait3A_109, %dma_wait3A_110] : memref<100096x16xf32, #tpu.memory_space<hbm>> -> memref<128x16xf32, #tpu.memory_space<hbm>>
    %dma_wait3A_112 = arith.constant 0 : i32
    %dma_wait3A_113 = arith.constant 0 : i32
    %dma_wait3A_114 = tpu.memref_slice %arg16[%dma_wait3A_112, %dma_wait3A_113] : memref<512x16xf32, #tpu.memory_space<vmem>> -> memref<128x16xf32, #tpu.memory_space<vmem>>
    %dma_wait3A_115 = arith.constant 0 : i32
    %dma_wait3A_116 = arith.constant 0 : i32
    %dma_wait3A_117 = tpu.memref_slice %arg5[%dma_wait3A_115, %dma_wait3A_116] : memref<100096x16xf32, #tpu.memory_space<hbm>> -> memref<128x16xf32, #tpu.memory_space<hbm>>
    tpu.wait_dma2 semaphore(%arg20 : memref<!tpu.dma_semaphore, #tpu.memory_space<semaphore_mem>>) src(%dma_wait3A_117 : memref<128x16xf32, #tpu.memory_space<hbm>>) dst(%dma_wait3A_114 : memref<128x16xf32, #tpu.memory_space<vmem>>)
    %dma_wait3A_118 = arith.constant 0 : i32
    %dma_wait3A_119 = arith.constant 0 : i32
    %dma_wait3A_120 = tpu.memref_slice %arg16[%dma_wait3A_118, %dma_wait3A_119] : memref<512x16xf32, #tpu.memory_space<vmem>> -> memref<128x16xf32, #tpu.memory_space<vmem>>
    %dma_wait3A_121 = arith.constant 0 : i32
    %dma_wait3A_122 = arith.constant 0 : i32
    %dma_wait3A_123 = tpu.memref_slice %arg5[%dma_wait3A_121, %dma_wait3A_122] : memref<100096x16xf32, #tpu.memory_space<hbm>> -> memref<128x16xf32, #tpu.memory_space<hbm>>
    %dma_wait3A_124 = arith.constant 0 : i32
    %dma_wait3A_125 = arith.constant 0 : i32
    %dma_wait3A_126 = tpu.memref_slice %arg16[%dma_wait3A_124, %dma_wait3A_125] : memref<512x16xf32, #tpu.memory_space<vmem>> -> memref<128x16xf32, #tpu.memory_space<vmem>>
    %dma_wait3A_127 = arith.constant 0 : i32
    %dma_wait3A_128 = arith.constant 0 : i32
    %dma_wait3A_129 = tpu.memref_slice %arg5[%dma_wait3A_127, %dma_wait3A_128] : memref<100096x16xf32, #tpu.memory_space<hbm>> -> memref<128x16xf32, #tpu.memory_space<hbm>>
    tpu.wait_dma2 semaphore(%arg20 : memref<!tpu.dma_semaphore, #tpu.memory_space<semaphore_mem>>) src(%dma_wait3A_129 : memref<128x16xf32, #tpu.memory_space<hbm>>) dst(%dma_wait3A_126 : memref<128x16xf32, #tpu.memory_space<vmem>>)
    %barrier3A_130 = arith.constant 0 : index
    tpu.barrier barrier_id(%barrier3A_130)
    %mul3A_131 = arith.constant 6256 : i32
    %mul3A_132 = arith.muli %arg1, %mul3A_131 : i32
    %mul3A_133 = arith.constant 100096 : i32
    %mul3A_134 = arith.muli %arg0, %mul3A_133 : i32
    %mul3A_135 = arith.constant 6256 : i32
    %mul3A_136 = arith.muli %arg1, %mul3A_135 : i32
    %add3A_137 = arith.addi %mul3A_134, %mul3A_136 : i32
    "tpu.region"() ({
      %run_scoped3A = tpu.sem_alloc : memref<!tpu.dma_semaphore, #tpu.memory_space<semaphore_mem>>
      %dma_start3A_138 = arith.constant 0 : i32
      %dma_start3A_139 = tpu.memref_slice %arg6[%add3A_137, %dma_start3A_138] : memref<200192x16xf32, #tpu.memory_space<hbm>> -> memref<6256x16xf32, #tpu.memory_space<hbm>>
      %dma_start3A_140 = arith.constant 0 : i32
      %dma_start3A_141 = tpu.memref_slice %arg17[%mul3A_132, %dma_start3A_140] : memref<100096x16xf32, #tpu.memory_space<vmem_shared>> -> memref<6256x16xf32, #tpu.memory_space<vmem_shared>>
      tpu.enqueue_dma source(%dma_start3A_141 : memref<6256x16xf32, #tpu.memory_space<vmem_shared>>) target(%dma_start3A_139 : memref<6256x16xf32, #tpu.memory_space<hbm>>) target_semaphore(%run_scoped3A : memref<!tpu.dma_semaphore, #tpu.memory_space<semaphore_mem>>)
      %dma_wait3A_142 = arith.constant 0 : i32
      %dma_wait3A_143 = tpu.memref_slice %arg6[%add3A_137, %dma_wait3A_142] : memref<200192x16xf32, #tpu.memory_space<hbm>> -> memref<6256x16xf32, #tpu.memory_space<hbm>>
      %dma_wait3A_144 = arith.constant 0 : i32
      %dma_wait3A_145 = tpu.memref_slice %arg17[%mul3A_132, %dma_wait3A_144] : memref<100096x16xf32, #tpu.memory_space<vmem_shared>> -> memref<6256x16xf32, #tpu.memory_space<vmem_shared>>
      tpu.wait_dma2 semaphore(%run_scoped3A : memref<!tpu.dma_semaphore, #tpu.memory_space<semaphore_mem>>) src(%dma_wait3A_145 : memref<6256x16xf32, #tpu.memory_space<vmem_shared>>) dst(%dma_wait3A_143 : memref<6256x16xf32, #tpu.memory_space<hbm>>)
      tpu.yield
    }) : () -> ()
    return
  }
}

#map = affine_map<(d0, d1) -> (0, 0)>
module attributes {stable_mosaic.version = 14 : i64} {
  func.func @k(%arg0: i32, %arg1: i32, %arg2: memref<200192x16xf32, #tpu.memory_space<hbm>>, %arg3: memref<25088x128xi32, #tpu.memory_space<hbm>>, %arg4: memref<12544x128xi32, #tpu.memory_space<hbm>>, %arg5: memref<100096x16xf32, #tpu.memory_space<hbm>>, %arg6: memref<200192x16xf32, #tpu.memory_space<hbm>>, %arg7: memref<4x128xi32, #tpu.memory_space<vmem>>, %arg8: memref<4x128xi32, #tpu.memory_space<vmem>>, %arg9: memref<4x128xi32, #tpu.memory_space<vmem>>, %arg10: memref<4x128xi32, #tpu.memory_space<vmem>>, %arg11: memref<4x128xi32, #tpu.memory_space<vmem>>, %arg12: memref<4x128xi32, #tpu.memory_space<vmem>>, %arg13: memref<4x128xi32, #tpu.memory_space<vmem>>, %arg14: memref<4x128xi32, #tpu.memory_space<vmem>>, %arg15: memref<512x16xf32, #tpu.memory_space<vmem>>, %arg16: memref<512x16xf32, #tpu.memory_space<vmem>>, %arg17: memref<100096x16xf32, #tpu.memory_space<vmem_shared>>, %arg18: memref<!tpu.dma_semaphore, #tpu.memory_space<semaphore_mem>>, %arg19: memref<!tpu.dma_semaphore, #tpu.memory_space<semaphore_mem>>, %arg20: memref<!tpu.dma_semaphore, #tpu.memory_space<semaphore_mem>>, %arg21: memref<!tpu.dma_semaphore, #tpu.memory_space<semaphore_mem>>) attributes {dimension_semantics = [#tpu.dimension_semantics<core_parallel>, #tpu.dimension_semantics<subcore_parallel>], iteration_bounds = array<i64: 2, 16>, scalar_prefetch = 0 : i64, scratch_operands = 15 : i64, tpu.core_type = #tpu.core_type<sc_vector_subcore>, window_params = [{transform_indices = #map}, {transform_indices = #map}, {transform_indices = #map}, {transform_indices = #map}, {transform_indices = #map}]} {
    %mul3A = arith.constant 6256 : i32
    %mul3A_0 = arith.muli %arg1, %mul3A : i32
    "tpu.region"() ({
      %run_scoped3A = tpu.sem_alloc : memref<!tpu.dma_semaphore, #tpu.memory_space<semaphore_mem>>
      %dma_start3A_138 = arith.constant 0 : i32
      %dma_start3A_139 = tpu.memref_slice %arg17[%mul3A_0, %dma_start3A_138] : memref<100096x16xf32, #tpu.memory_space<vmem_shared>> -> memref<6256x16xf32, #tpu.memory_space<vmem_shared>>
      %dma_start3A_140 = arith.constant 0 : i32
      %dma_start3A_141 = tpu.memref_slice %arg5[%mul3A_0, %dma_start3A_140] : memref<100096x16xf32, #tpu.memory_space<hbm>> -> memref<6256x16xf32, #tpu.memory_space<hbm>>
      tpu.enqueue_dma source(%dma_start3A_141 : memref<6256x16xf32, #tpu.memory_space<hbm>>) target(%dma_start3A_139 : memref<6256x16xf32, #tpu.memory_space<vmem_shared>>) target_semaphore(%run_scoped3A : memref<!tpu.dma_semaphore, #tpu.memory_space<semaphore_mem>>)
      %dma_wait3A_142 = arith.constant 0 : i32
      %dma_wait3A_143 = tpu.memref_slice %arg17[%mul3A_0, %dma_wait3A_142] : memref<100096x16xf32, #tpu.memory_space<vmem_shared>> -> memref<6256x16xf32, #tpu.memory_space<vmem_shared>>
      %dma_wait3A_144 = arith.constant 0 : i32
      %dma_wait3A_145 = tpu.memref_slice %arg5[%mul3A_0, %dma_wait3A_144] : memref<100096x16xf32, #tpu.memory_space<hbm>> -> memref<6256x16xf32, #tpu.memory_space<hbm>>
      tpu.wait_dma2 semaphore(%run_scoped3A : memref<!tpu.dma_semaphore, #tpu.memory_space<semaphore_mem>>) src(%dma_wait3A_145 : memref<6256x16xf32, #tpu.memory_space<hbm>>) dst(%dma_wait3A_143 : memref<6256x16xf32, #tpu.memory_space<vmem_shared>>)
      tpu.yield
    }) : () -> ()
    %barrier3A = arith.constant 0 : index
    tpu.barrier barrier_id(%barrier3A)
    %mul3A_1 = arith.constant 12544 : i32
    %mul3A_2 = arith.muli %arg0, %mul3A_1 : i32
    %mul3A_3 = arith.constant 784 : i32
    %mul3A_4 = arith.muli %arg1, %mul3A_3 : i32
    %add3A = arith.addi %mul3A_2, %mul3A_4 : i32
    %mul3A_5 = arith.constant 784 : i32
    %mul3A_6 = arith.muli %arg1, %mul3A_5 : i32
    %add3A_7 = arith.constant 0 : i32
    %add3A_8 = arith.addi %add3A, %add3A_7 : i32
    %dma_start3A = arith.constant 0 : i32
    %dma_start3A_9 = tpu.memref_slice %arg3[%add3A_8, %dma_start3A] : memref<25088x128xi32, #tpu.memory_space<hbm>> -> memref<4x128xi32, #tpu.memory_space<hbm>>
    %dma_start3A_10 = arith.constant 0 : i32
    %dma_start3A_11 = tpu.memref_slice %arg3[%add3A_8, %dma_start3A_10] : memref<25088x128xi32, #tpu.memory_space<hbm>> -> memref<4x128xi32, #tpu.memory_space<hbm>>
    tpu.enqueue_dma source(%dma_start3A_11 : memref<4x128xi32, #tpu.memory_space<hbm>>) target(%arg7 : memref<4x128xi32, #tpu.memory_space<vmem>>) target_semaphore(%arg21 : memref<!tpu.dma_semaphore, #tpu.memory_space<semaphore_mem>>)
    %add3A_12 = arith.constant 0 : i32
    %add3A_13 = arith.addi %mul3A_6, %add3A_12 : i32
    %dma_start3A_14 = arith.constant 0 : i32
    %dma_start3A_15 = tpu.memref_slice %arg4[%add3A_13, %dma_start3A_14] : memref<12544x128xi32, #tpu.memory_space<hbm>> -> memref<4x128xi32, #tpu.memory_space<hbm>>
    %dma_start3A_16 = arith.constant 0 : i32
    %dma_start3A_17 = tpu.memref_slice %arg4[%add3A_13, %dma_start3A_16] : memref<12544x128xi32, #tpu.memory_space<hbm>> -> memref<4x128xi32, #tpu.memory_space<hbm>>
    tpu.enqueue_dma source(%dma_start3A_17 : memref<4x128xi32, #tpu.memory_space<hbm>>) target(%arg11 : memref<4x128xi32, #tpu.memory_space<vmem>>) target_semaphore(%arg21 : memref<!tpu.dma_semaphore, #tpu.memory_space<semaphore_mem>>)
    %add3A_18 = arith.constant 4 : i32
    %add3A_19 = arith.addi %add3A, %add3A_18 : i32
    %dma_start3A_20 = arith.constant 0 : i32
    %dma_start3A_21 = tpu.memref_slice %arg3[%add3A_19, %dma_start3A_20] : memref<25088x128xi32, #tpu.memory_space<hbm>> -> memref<4x128xi32, #tpu.memory_space<hbm>>
    %dma_start3A_22 = arith.constant 0 : i32
    %dma_start3A_23 = tpu.memref_slice %arg3[%add3A_19, %dma_start3A_22] : memref<25088x128xi32, #tpu.memory_space<hbm>> -> memref<4x128xi32, #tpu.memory_space<hbm>>
    tpu.enqueue_dma source(%dma_start3A_23 : memref<4x128xi32, #tpu.memory_space<hbm>>) target(%arg8 : memref<4x128xi32, #tpu.memory_space<vmem>>) target_semaphore(%arg21 : memref<!tpu.dma_semaphore, #tpu.memory_space<semaphore_mem>>)
    %add3A_24 = arith.constant 4 : i32
    %add3A_25 = arith.addi %mul3A_6, %add3A_24 : i32
    %dma_start3A_26 = arith.constant 0 : i32
    %dma_start3A_27 = tpu.memref_slice %arg4[%add3A_25, %dma_start3A_26] : memref<12544x128xi32, #tpu.memory_space<hbm>> -> memref<4x128xi32, #tpu.memory_space<hbm>>
    %dma_start3A_28 = arith.constant 0 : i32
    %dma_start3A_29 = tpu.memref_slice %arg4[%add3A_25, %dma_start3A_28] : memref<12544x128xi32, #tpu.memory_space<hbm>> -> memref<4x128xi32, #tpu.memory_space<hbm>>
    tpu.enqueue_dma source(%dma_start3A_29 : memref<4x128xi32, #tpu.memory_space<hbm>>) target(%arg12 : memref<4x128xi32, #tpu.memory_space<vmem>>) target_semaphore(%arg21 : memref<!tpu.dma_semaphore, #tpu.memory_space<semaphore_mem>>)
    %scan3A = arith.constant 0 : i32
    %scan3A_30 = arith.constant 0 : i32
    %scan3A_31 = arith.constant 49 : i32
    %scan3A_32 = arith.addi %scan3A_30, %scan3A_31 : i32
    %scan3A_33 = arith.constant 1 : i32
    scf.for %scan3A_138 = %scan3A_30 to %scan3A_32 step %scan3A_33  : i32 {
      %mul3A_139 = arith.constant 4 : i32
      %mul3A_140 = arith.muli %scan3A_138, %mul3A_139 : i32
      %add3A_141 = arith.constant 0 : i32
      %add3A_142 = arith.addi %mul3A_140, %add3A_141 : i32
      %ge3A = arith.constant 1 : i32
      %ge3A_143 = arith.cmpi sge, %scan3A_138, %ge3A : i32
      %convert_element_type3A = arith.extui %ge3A_143 : i1 to i32
      %cond3A = arith.constant 0 : i32
      %cond3A_144 = arith.cmpi ne, %convert_element_type3A, %cond3A : i32
      scf.if %cond3A_144 {
        %dma_wait3A_827 = arith.constant 0 : i32
        %dma_wait3A_828 = arith.constant 0 : i32
        %dma_wait3A_829 = tpu.memref_slice %arg15[%dma_wait3A_827, %dma_wait3A_828] : memref<512x16xf32, #tpu.memory_space<vmem>> -> memref<128x16xf32, #tpu.memory_space<vmem>>
        %dma_wait3A_830 = arith.constant 0 : i32
        %dma_wait3A_831 = arith.constant 0 : i32
        %dma_wait3A_832 = tpu.memref_slice %arg5[%dma_wait3A_830, %dma_wait3A_831] : memref<100096x16xf32, #tpu.memory_space<hbm>> -> memref<128x16xf32, #tpu.memory_space<hbm>>
        %dma_wait3A_833 = arith.constant 0 : i32
        %dma_wait3A_834 = arith.constant 0 : i32
        %dma_wait3A_835 = tpu.memref_slice %arg15[%dma_wait3A_833, %dma_wait3A_834] : memref<512x16xf32, #tpu.memory_space<vmem>> -> memref<128x16xf32, #tpu.memory_space<vmem>>
        %dma_wait3A_836 = arith.constant 0 : i32
        %dma_wait3A_837 = arith.constant 0 : i32
        %dma_wait3A_838 = tpu.memref_slice %arg5[%dma_wait3A_836, %dma_wait3A_837] : memref<100096x16xf32, #tpu.memory_space<hbm>> -> memref<128x16xf32, #tpu.memory_space<hbm>>
        tpu.wait_dma2 semaphore(%arg19 : memref<!tpu.dma_semaphore, #tpu.memory_space<semaphore_mem>>) src(%dma_wait3A_838 : memref<128x16xf32, #tpu.memory_space<hbm>>) dst(%dma_wait3A_835 : memref<128x16xf32, #tpu.memory_space<vmem>>)
        %dma_wait3A_839 = arith.constant 0 : i32
        %dma_wait3A_840 = arith.constant 0 : i32
        %dma_wait3A_841 = tpu.memref_slice %arg15[%dma_wait3A_839, %dma_wait3A_840] : memref<512x16xf32, #tpu.memory_space<vmem>> -> memref<128x16xf32, #tpu.memory_space<vmem>>
        %dma_wait3A_842 = arith.constant 0 : i32
        %dma_wait3A_843 = arith.constant 0 : i32
        %dma_wait3A_844 = tpu.memref_slice %arg5[%dma_wait3A_842, %dma_wait3A_843] : memref<100096x16xf32, #tpu.memory_space<hbm>> -> memref<128x16xf32, #tpu.memory_space<hbm>>
        %dma_wait3A_845 = arith.constant 0 : i32
        %dma_wait3A_846 = arith.constant 0 : i32
        %dma_wait3A_847 = tpu.memref_slice %arg15[%dma_wait3A_845, %dma_wait3A_846] : memref<512x16xf32, #tpu.memory_space<vmem>> -> memref<128x16xf32, #tpu.memory_space<vmem>>
        %dma_wait3A_848 = arith.constant 0 : i32
        %dma_wait3A_849 = arith.constant 0 : i32
        %dma_wait3A_850 = tpu.memref_slice %arg5[%dma_wait3A_848, %dma_wait3A_849] : memref<100096x16xf32, #tpu.memory_space<hbm>> -> memref<128x16xf32, #tpu.memory_space<hbm>>
        tpu.wait_dma2 semaphore(%arg19 : memref<!tpu.dma_semaphore, #tpu.memory_space<semaphore_mem>>) src(%dma_wait3A_850 : memref<128x16xf32, #tpu.memory_space<hbm>>) dst(%dma_wait3A_847 : memref<128x16xf32, #tpu.memory_space<vmem>>)
        %dma_wait3A_851 = arith.constant 0 : i32
        %dma_wait3A_852 = arith.constant 0 : i32
        %dma_wait3A_853 = tpu.memref_slice %arg15[%dma_wait3A_851, %dma_wait3A_852] : memref<512x16xf32, #tpu.memory_space<vmem>> -> memref<128x16xf32, #tpu.memory_space<vmem>>
        %dma_wait3A_854 = arith.constant 0 : i32
        %dma_wait3A_855 = arith.constant 0 : i32
        %dma_wait3A_856 = tpu.memref_slice %arg5[%dma_wait3A_854, %dma_wait3A_855] : memref<100096x16xf32, #tpu.memory_space<hbm>> -> memref<128x16xf32, #tpu.memory_space<hbm>>
        %dma_wait3A_857 = arith.constant 0 : i32
        %dma_wait3A_858 = arith.constant 0 : i32
        %dma_wait3A_859 = tpu.memref_slice %arg15[%dma_wait3A_857, %dma_wait3A_858] : memref<512x16xf32, #tpu.memory_space<vmem>> -> memref<128x16xf32, #tpu.memory_space<vmem>>
        %dma_wait3A_860 = arith.constant 0 : i32
        %dma_wait3A_861 = arith.constant 0 : i32
        %dma_wait3A_862 = tpu.memref_slice %arg5[%dma_wait3A_860, %dma_wait3A_861] : memref<100096x16xf32, #tpu.memory_space<hbm>> -> memref<128x16xf32, #tpu.memory_space<hbm>>
        tpu.wait_dma2 semaphore(%arg19 : memref<!tpu.dma_semaphore, #tpu.memory_space<semaphore_mem>>) src(%dma_wait3A_862 : memref<128x16xf32, #tpu.memory_space<hbm>>) dst(%dma_wait3A_859 : memref<128x16xf32, #tpu.memory_space<vmem>>)
        %dma_wait3A_863 = arith.constant 0 : i32
        %dma_wait3A_864 = arith.constant 0 : i32
        %dma_wait3A_865 = tpu.memref_slice %arg15[%dma_wait3A_863, %dma_wait3A_864] : memref<512x16xf32, #tpu.memory_space<vmem>> -> memref<128x16xf32, #tpu.memory_space<vmem>>
        %dma_wait3A_866 = arith.constant 0 : i32
        %dma_wait3A_867 = arith.constant 0 : i32
        %dma_wait3A_868 = tpu.memref_slice %arg5[%dma_wait3A_866, %dma_wait3A_867] : memref<100096x16xf32, #tpu.memory_space<hbm>> -> memref<128x16xf32, #tpu.memory_space<hbm>>
        %dma_wait3A_869 = arith.constant 0 : i32
        %dma_wait3A_870 = arith.constant 0 : i32
        %dma_wait3A_871 = tpu.memref_slice %arg15[%dma_wait3A_869, %dma_wait3A_870] : memref<512x16xf32, #tpu.memory_space<vmem>> -> memref<128x16xf32, #tpu.memory_space<vmem>>
        %dma_wait3A_872 = arith.constant 0 : i32
        %dma_wait3A_873 = arith.constant 0 : i32
        %dma_wait3A_874 = tpu.memref_slice %arg5[%dma_wait3A_872, %dma_wait3A_873] : memref<100096x16xf32, #tpu.memory_space<hbm>> -> memref<128x16xf32, #tpu.memory_space<hbm>>
        tpu.wait_dma2 semaphore(%arg19 : memref<!tpu.dma_semaphore, #tpu.memory_space<semaphore_mem>>) src(%dma_wait3A_874 : memref<128x16xf32, #tpu.memory_space<hbm>>) dst(%dma_wait3A_871 : memref<128x16xf32, #tpu.memory_space<vmem>>)
      } else {
      }
      %add3A_145 = arith.constant 2 : i32
      %add3A_146 = arith.addi %add3A_142, %add3A_145 : i32
      %mul3A_147 = arith.constant 4 : i32
      %mul3A_148 = arith.muli %add3A_146, %mul3A_147 : i32
      %add3A_149 = arith.addi %add3A, %mul3A_148 : i32
      %dma_start3A_150 = arith.constant 0 : i32
      %dma_start3A_151 = tpu.memref_slice %arg3[%add3A_149, %dma_start3A_150] : memref<25088x128xi32, #tpu.memory_space<hbm>> -> memref<4x128xi32, #tpu.memory_space<hbm>>
      %dma_start3A_152 = arith.constant 0 : i32
      %dma_start3A_153 = tpu.memref_slice %arg3[%add3A_149, %dma_start3A_152] : memref<25088x128xi32, #tpu.memory_space<hbm>> -> memref<4x128xi32, #tpu.memory_space<hbm>>
      tpu.enqueue_dma source(%dma_start3A_153 : memref<4x128xi32, #tpu.memory_space<hbm>>) target(%arg9 : memref<4x128xi32, #tpu.memory_space<vmem>>) target_semaphore(%arg21 : memref<!tpu.dma_semaphore, #tpu.memory_space<semaphore_mem>>)
      %mul3A_154 = arith.constant 4 : i32
      %mul3A_155 = arith.muli %add3A_146, %mul3A_154 : i32
      %add3A_156 = arith.addi %mul3A_6, %mul3A_155 : i32
      %dma_start3A_157 = arith.constant 0 : i32
      %dma_start3A_158 = tpu.memref_slice %arg4[%add3A_156, %dma_start3A_157] : memref<12544x128xi32, #tpu.memory_space<hbm>> -> memref<4x128xi32, #tpu.memory_space<hbm>>
      %dma_start3A_159 = arith.constant 0 : i32
      %dma_start3A_160 = tpu.memref_slice %arg4[%add3A_156, %dma_start3A_159] : memref<12544x128xi32, #tpu.memory_space<hbm>> -> memref<4x128xi32, #tpu.memory_space<hbm>>
      tpu.enqueue_dma source(%dma_start3A_160 : memref<4x128xi32, #tpu.memory_space<hbm>>) target(%arg13 : memref<4x128xi32, #tpu.memory_space<vmem>>) target_semaphore(%arg21 : memref<!tpu.dma_semaphore, #tpu.memory_space<semaphore_mem>>)
      %dma_wait3A_161 = arith.constant 0 : i32
      %dma_wait3A_162 = arith.constant 0 : i32
      %dma_wait3A_163 = tpu.memref_slice %arg3[%dma_wait3A_161, %dma_wait3A_162] : memref<25088x128xi32, #tpu.memory_space<hbm>> -> memref<4x128xi32, #tpu.memory_space<hbm>>
      %dma_wait3A_164 = arith.constant 0 : i32
      %dma_wait3A_165 = arith.constant 0 : i32
      %dma_wait3A_166 = tpu.memref_slice %arg3[%dma_wait3A_164, %dma_wait3A_165] : memref<25088x128xi32, #tpu.memory_space<hbm>> -> memref<4x128xi32, #tpu.memory_space<hbm>>
      tpu.wait_dma2 semaphore(%arg21 : memref<!tpu.dma_semaphore, #tpu.memory_space<semaphore_mem>>) src(%dma_wait3A_166 : memref<4x128xi32, #tpu.memory_space<hbm>>) dst(%arg7 : memref<4x128xi32, #tpu.memory_space<vmem>>)
      %dma_wait3A_167 = arith.constant 0 : i32
      %dma_wait3A_168 = arith.constant 0 : i32
      %dma_wait3A_169 = tpu.memref_slice %arg4[%dma_wait3A_167, %dma_wait3A_168] : memref<12544x128xi32, #tpu.memory_space<hbm>> -> memref<4x128xi32, #tpu.memory_space<hbm>>
      %dma_wait3A_170 = arith.constant 0 : i32
      %dma_wait3A_171 = arith.constant 0 : i32
      %dma_wait3A_172 = tpu.memref_slice %arg4[%dma_wait3A_170, %dma_wait3A_171] : memref<12544x128xi32, #tpu.memory_space<hbm>> -> memref<4x128xi32, #tpu.memory_space<hbm>>
      tpu.wait_dma2 semaphore(%arg21 : memref<!tpu.dma_semaphore, #tpu.memory_space<semaphore_mem>>) src(%dma_wait3A_172 : memref<4x128xi32, #tpu.memory_space<hbm>>) dst(%arg11 : memref<4x128xi32, #tpu.memory_space<vmem>>)
      %dma_start3A_173 = arith.constant 0 : i32
      %dma_start3A_174 = arith.constant 0 : i32
      %dma_start3A_175 = arith.constant 0 : i32
      %dma_start3A_176 = tpu.memref_slice %arg15[%dma_start3A_174, %dma_start3A_175] : memref<512x16xf32, #tpu.memory_space<vmem>> -> memref<128x16xf32, #tpu.memory_space<vmem>>
      %dma_start3A_177 = arith.constant 0 : i32
      %dma_start3A_178 = tpu.memref_slice %arg7[%dma_start3A_173, %dma_start3A_177] : memref<4x128xi32, #tpu.memory_space<vmem>> -> memref<1x128xi32, #tpu.memory_space<vmem>>
      %dma_start3A_179 = tpu.memref_squeeze %dma_start3A_178 : memref<1x128xi32, #tpu.memory_space<vmem>> -> memref<128xi32, #tpu.memory_space<vmem>>
      %dma_start3A_180 = arith.constant 0 : i32
      %dma_start3A_181 = arith.constant 0 : i32
      %dma_start3A_182 = tpu.memref_slice %arg2[%dma_start3A_180, %dma_start3A_181] : memref<200192x16xf32, #tpu.memory_space<hbm>> -> memref<200192x16xf32, #tpu.memory_space<hbm>>
      tpu.enqueue_indirect_dma source(%dma_start3A_182 : memref<200192x16xf32, #tpu.memory_space<hbm>>) target(%dma_start3A_176 : memref<128x16xf32, #tpu.memory_space<vmem>>) offsets(%dma_start3A_179 : memref<128xi32, #tpu.memory_space<vmem>>) semaphore(%arg18 : memref<!tpu.dma_semaphore, #tpu.memory_space<semaphore_mem>>)
      %dma_start3A_183 = arith.constant 1 : i32
      %dma_start3A_184 = arith.constant 128 : i32
      %dma_start3A_185 = arith.constant 0 : i32
      %dma_start3A_186 = tpu.memref_slice %arg15[%dma_start3A_184, %dma_start3A_185] : memref<512x16xf32, #tpu.memory_space<vmem>> -> memref<128x16xf32, #tpu.memory_space<vmem>>
      %dma_start3A_187 = arith.constant 0 : i32
      %dma_start3A_188 = tpu.memref_slice %arg7[%dma_start3A_183, %dma_start3A_187] : memref<4x128xi32, #tpu.memory_space<vmem>> -> memref<1x128xi32, #tpu.memory_space<vmem>>
      %dma_start3A_189 = tpu.memref_squeeze %dma_start3A_188 : memref<1x128xi32, #tpu.memory_space<vmem>> -> memref<128xi32, #tpu.memory_space<vmem>>
      %dma_start3A_190 = arith.constant 0 : i32
      %dma_start3A_191 = arith.constant 0 : i32
      %dma_start3A_192 = tpu.memref_slice %arg2[%dma_start3A_190, %dma_start3A_191] : memref<200192x16xf32, #tpu.memory_space<hbm>> -> memref<200192x16xf32, #tpu.memory_space<hbm>>
      tpu.enqueue_indirect_dma source(%dma_start3A_192 : memref<200192x16xf32, #tpu.memory_space<hbm>>) target(%dma_start3A_186 : memref<128x16xf32, #tpu.memory_space<vmem>>) offsets(%dma_start3A_189 : memref<128xi32, #tpu.memory_space<vmem>>) semaphore(%arg18 : memref<!tpu.dma_semaphore, #tpu.memory_space<semaphore_mem>>)
      %dma_start3A_193 = arith.constant 2 : i32
      %dma_start3A_194 = arith.constant 256 : i32
      %dma_start3A_195 = arith.constant 0 : i32
      %dma_start3A_196 = tpu.memref_slice %arg15[%dma_start3A_194, %dma_start3A_195] : memref<512x16xf32, #tpu.memory_space<vmem>> -> memref<128x16xf32, #tpu.memory_space<vmem>>
      %dma_start3A_197 = arith.constant 0 : i32
      %dma_start3A_198 = tpu.memref_slice %arg7[%dma_start3A_193, %dma_start3A_197] : memref<4x128xi32, #tpu.memory_space<vmem>> -> memref<1x128xi32, #tpu.memory_space<vmem>>
      %dma_start3A_199 = tpu.memref_squeeze %dma_start3A_198 : memref<1x128xi32, #tpu.memory_space<vmem>> -> memref<128xi32, #tpu.memory_space<vmem>>
      %dma_start3A_200 = arith.constant 0 : i32
      %dma_start3A_201 = arith.constant 0 : i32
      %dma_start3A_202 = tpu.memref_slice %arg2[%dma_start3A_200, %dma_start3A_201] : memref<200192x16xf32, #tpu.memory_space<hbm>> -> memref<200192x16xf32, #tpu.memory_space<hbm>>
      tpu.enqueue_indirect_dma source(%dma_start3A_202 : memref<200192x16xf32, #tpu.memory_space<hbm>>) target(%dma_start3A_196 : memref<128x16xf32, #tpu.memory_space<vmem>>) offsets(%dma_start3A_199 : memref<128xi32, #tpu.memory_space<vmem>>) semaphore(%arg18 : memref<!tpu.dma_semaphore, #tpu.memory_space<semaphore_mem>>)
      %dma_start3A_203 = arith.constant 3 : i32
      %dma_start3A_204 = arith.constant 384 : i32
      %dma_start3A_205 = arith.constant 0 : i32
      %dma_start3A_206 = tpu.memref_slice %arg15[%dma_start3A_204, %dma_start3A_205] : memref<512x16xf32, #tpu.memory_space<vmem>> -> memref<128x16xf32, #tpu.memory_space<vmem>>
      %dma_start3A_207 = arith.constant 0 : i32
      %dma_start3A_208 = tpu.memref_slice %arg7[%dma_start3A_203, %dma_start3A_207] : memref<4x128xi32, #tpu.memory_space<vmem>> -> memref<1x128xi32, #tpu.memory_space<vmem>>
      %dma_start3A_209 = tpu.memref_squeeze %dma_start3A_208 : memref<1x128xi32, #tpu.memory_space<vmem>> -> memref<128xi32, #tpu.memory_space<vmem>>
      %dma_start3A_210 = arith.constant 0 : i32
      %dma_start3A_211 = arith.constant 0 : i32
      %dma_start3A_212 = tpu.memref_slice %arg2[%dma_start3A_210, %dma_start3A_211] : memref<200192x16xf32, #tpu.memory_space<hbm>> -> memref<200192x16xf32, #tpu.memory_space<hbm>>
      tpu.enqueue_indirect_dma source(%dma_start3A_212 : memref<200192x16xf32, #tpu.memory_space<hbm>>) target(%dma_start3A_206 : memref<128x16xf32, #tpu.memory_space<vmem>>) offsets(%dma_start3A_209 : memref<128xi32, #tpu.memory_space<vmem>>) semaphore(%arg18 : memref<!tpu.dma_semaphore, #tpu.memory_space<semaphore_mem>>)
      %dma_wait3A_213 = arith.constant 0 : i32
      %dma_wait3A_214 = arith.constant 0 : i32
      %dma_wait3A_215 = arith.constant 0 : i32
      %dma_wait3A_216 = tpu.memref_slice %arg15[%dma_wait3A_214, %dma_wait3A_215] : memref<512x16xf32, #tpu.memory_space<vmem>> -> memref<128x16xf32, #tpu.memory_space<vmem>>
      %dma_wait3A_217 = arith.constant 0 : i32
      %dma_wait3A_218 = tpu.memref_slice %arg7[%dma_wait3A_213, %dma_wait3A_217] : memref<4x128xi32, #tpu.memory_space<vmem>> -> memref<1x128xi32, #tpu.memory_space<vmem>>
      %dma_wait3A_219 = tpu.memref_squeeze %dma_wait3A_218 : memref<1x128xi32, #tpu.memory_space<vmem>> -> memref<128xi32, #tpu.memory_space<vmem>>
      %dma_wait3A_220 = arith.constant 0 : i32
      %dma_wait3A_221 = arith.constant 0 : i32
      %dma_wait3A_222 = tpu.memref_slice %arg2[%dma_wait3A_220, %dma_wait3A_221] : memref<200192x16xf32, #tpu.memory_space<hbm>> -> memref<200192x16xf32, #tpu.memory_space<hbm>>
      tpu.wait_indirect_dma semaphore(%arg18 : memref<!tpu.dma_semaphore, #tpu.memory_space<semaphore_mem>>) src(%dma_wait3A_222 : memref<200192x16xf32, #tpu.memory_space<hbm>>) dst(%dma_wait3A_216 : memref<128x16xf32, #tpu.memory_space<vmem>>)
      %dma_wait3A_223 = arith.constant 1 : i32
      %dma_wait3A_224 = arith.constant 128 : i32
      %dma_wait3A_225 = arith.constant 0 : i32
      %dma_wait3A_226 = tpu.memref_slice %arg15[%dma_wait3A_224, %dma_wait3A_225] : memref<512x16xf32, #tpu.memory_space<vmem>> -> memref<128x16xf32, #tpu.memory_space<vmem>>
      %dma_wait3A_227 = arith.constant 0 : i32
      %dma_wait3A_228 = tpu.memref_slice %arg7[%dma_wait3A_223, %dma_wait3A_227] : memref<4x128xi32, #tpu.memory_space<vmem>> -> memref<1x128xi32, #tpu.memory_space<vmem>>
      %dma_wait3A_229 = tpu.memref_squeeze %dma_wait3A_228 : memref<1x128xi32, #tpu.memory_space<vmem>> -> memref<128xi32, #tpu.memory_space<vmem>>
      %dma_wait3A_230 = arith.constant 0 : i32
      %dma_wait3A_231 = arith.constant 0 : i32
      %dma_wait3A_232 = tpu.memref_slice %arg2[%dma_wait3A_230, %dma_wait3A_231] : memref<200192x16xf32, #tpu.memory_space<hbm>> -> memref<200192x16xf32, #tpu.memory_space<hbm>>
      tpu.wait_indirect_dma semaphore(%arg18 : memref<!tpu.dma_semaphore, #tpu.memory_space<semaphore_mem>>) src(%dma_wait3A_232 : memref<200192x16xf32, #tpu.memory_space<hbm>>) dst(%dma_wait3A_226 : memref<128x16xf32, #tpu.memory_space<vmem>>)
      %dma_wait3A_233 = arith.constant 2 : i32
      %dma_wait3A_234 = arith.constant 256 : i32
      %dma_wait3A_235 = arith.constant 0 : i32
      %dma_wait3A_236 = tpu.memref_slice %arg15[%dma_wait3A_234, %dma_wait3A_235] : memref<512x16xf32, #tpu.memory_space<vmem>> -> memref<128x16xf32, #tpu.memory_space<vmem>>
      %dma_wait3A_237 = arith.constant 0 : i32
      %dma_wait3A_238 = tpu.memref_slice %arg7[%dma_wait3A_233, %dma_wait3A_237] : memref<4x128xi32, #tpu.memory_space<vmem>> -> memref<1x128xi32, #tpu.memory_space<vmem>>
      %dma_wait3A_239 = tpu.memref_squeeze %dma_wait3A_238 : memref<1x128xi32, #tpu.memory_space<vmem>> -> memref<128xi32, #tpu.memory_space<vmem>>
      %dma_wait3A_240 = arith.constant 0 : i32
      %dma_wait3A_241 = arith.constant 0 : i32
      %dma_wait3A_242 = tpu.memref_slice %arg2[%dma_wait3A_240, %dma_wait3A_241] : memref<200192x16xf32, #tpu.memory_space<hbm>> -> memref<200192x16xf32, #tpu.memory_space<hbm>>
      tpu.wait_indirect_dma semaphore(%arg18 : memref<!tpu.dma_semaphore, #tpu.memory_space<semaphore_mem>>) src(%dma_wait3A_242 : memref<200192x16xf32, #tpu.memory_space<hbm>>) dst(%dma_wait3A_236 : memref<128x16xf32, #tpu.memory_space<vmem>>)
      %dma_wait3A_243 = arith.constant 3 : i32
      %dma_wait3A_244 = arith.constant 384 : i32
      %dma_wait3A_245 = arith.constant 0 : i32
      %dma_wait3A_246 = tpu.memref_slice %arg15[%dma_wait3A_244, %dma_wait3A_245] : memref<512x16xf32, #tpu.memory_space<vmem>> -> memref<128x16xf32, #tpu.memory_space<vmem>>
      %dma_wait3A_247 = arith.constant 0 : i32
      %dma_wait3A_248 = tpu.memref_slice %arg7[%dma_wait3A_243, %dma_wait3A_247] : memref<4x128xi32, #tpu.memory_space<vmem>> -> memref<1x128xi32, #tpu.memory_space<vmem>>
      %dma_wait3A_249 = tpu.memref_squeeze %dma_wait3A_248 : memref<1x128xi32, #tpu.memory_space<vmem>> -> memref<128xi32, #tpu.memory_space<vmem>>
      %dma_wait3A_250 = arith.constant 0 : i32
      %dma_wait3A_251 = arith.constant 0 : i32
      %dma_wait3A_252 = tpu.memref_slice %arg2[%dma_wait3A_250, %dma_wait3A_251] : memref<200192x16xf32, #tpu.memory_space<hbm>> -> memref<200192x16xf32, #tpu.memory_space<hbm>>
      tpu.wait_indirect_dma semaphore(%arg18 : memref<!tpu.dma_semaphore, #tpu.memory_space<semaphore_mem>>) src(%dma_wait3A_252 : memref<200192x16xf32, #tpu.memory_space<hbm>>) dst(%dma_wait3A_246 : memref<128x16xf32, #tpu.memory_space<vmem>>)
      %dma_start3A_253 = arith.constant 0 : i32
      %dma_start3A_254 = arith.constant 0 : i32
      %dma_start3A_255 = arith.constant 0 : i32
      %dma_start3A_256 = tpu.memref_slice %arg15[%dma_start3A_254, %dma_start3A_255] : memref<512x16xf32, #tpu.memory_space<vmem>> -> memref<128x16xf32, #tpu.memory_space<vmem>>
      %dma_start3A_257 = arith.constant 0 : i32
      %dma_start3A_258 = tpu.memref_slice %arg11[%dma_start3A_253, %dma_start3A_257] : memref<4x128xi32, #tpu.memory_space<vmem>> -> memref<1x128xi32, #tpu.memory_space<vmem>>
      %dma_start3A_259 = tpu.memref_squeeze %dma_start3A_258 : memref<1x128xi32, #tpu.memory_space<vmem>> -> memref<128xi32, #tpu.memory_space<vmem>>
      %dma_start3A_260 = arith.constant 0 : i32
      %dma_start3A_261 = arith.constant 0 : i32
      %dma_start3A_262 = tpu.memref_slice %arg17[%dma_start3A_260, %dma_start3A_261] : memref<100096x16xf32, #tpu.memory_space<vmem_shared>> -> memref<100096x16xf32, #tpu.memory_space<vmem_shared>>
      tpu.enqueue_indirect_dma source(%dma_start3A_256 : memref<128x16xf32, #tpu.memory_space<vmem>>) target(%dma_start3A_262 : memref<100096x16xf32, #tpu.memory_space<vmem_shared>>) offsets(%dma_start3A_259 : memref<128xi32, #tpu.memory_space<vmem>>) semaphore(%arg19 : memref<!tpu.dma_semaphore, #tpu.memory_space<semaphore_mem>>) {add = true}
      %dma_start3A_263 = arith.constant 1 : i32
      %dma_start3A_264 = arith.constant 128 : i32
      %dma_start3A_265 = arith.constant 0 : i32
      %dma_start3A_266 = tpu.memref_slice %arg15[%dma_start3A_264, %dma_start3A_265] : memref<512x16xf32, #tpu.memory_space<vmem>> -> memref<128x16xf32, #tpu.memory_space<vmem>>
      %dma_start3A_267 = arith.constant 0 : i32
      %dma_start3A_268 = tpu.memref_slice %arg11[%dma_start3A_263, %dma_start3A_267] : memref<4x128xi32, #tpu.memory_space<vmem>> -> memref<1x128xi32, #tpu.memory_space<vmem>>
      %dma_start3A_269 = tpu.memref_squeeze %dma_start3A_268 : memref<1x128xi32, #tpu.memory_space<vmem>> -> memref<128xi32, #tpu.memory_space<vmem>>
      %dma_start3A_270 = arith.constant 0 : i32
      %dma_start3A_271 = arith.constant 0 : i32
      %dma_start3A_272 = tpu.memref_slice %arg17[%dma_start3A_270, %dma_start3A_271] : memref<100096x16xf32, #tpu.memory_space<vmem_shared>> -> memref<100096x16xf32, #tpu.memory_space<vmem_shared>>
      tpu.enqueue_indirect_dma source(%dma_start3A_266 : memref<128x16xf32, #tpu.memory_space<vmem>>) target(%dma_start3A_272 : memref<100096x16xf32, #tpu.memory_space<vmem_shared>>) offsets(%dma_start3A_269 : memref<128xi32, #tpu.memory_space<vmem>>) semaphore(%arg19 : memref<!tpu.dma_semaphore, #tpu.memory_space<semaphore_mem>>) {add = true}
      %dma_start3A_273 = arith.constant 2 : i32
      %dma_start3A_274 = arith.constant 256 : i32
      %dma_start3A_275 = arith.constant 0 : i32
      %dma_start3A_276 = tpu.memref_slice %arg15[%dma_start3A_274, %dma_start3A_275] : memref<512x16xf32, #tpu.memory_space<vmem>> -> memref<128x16xf32, #tpu.memory_space<vmem>>
      %dma_start3A_277 = arith.constant 0 : i32
      %dma_start3A_278 = tpu.memref_slice %arg11[%dma_start3A_273, %dma_start3A_277] : memref<4x128xi32, #tpu.memory_space<vmem>> -> memref<1x128xi32, #tpu.memory_space<vmem>>
      %dma_start3A_279 = tpu.memref_squeeze %dma_start3A_278 : memref<1x128xi32, #tpu.memory_space<vmem>> -> memref<128xi32, #tpu.memory_space<vmem>>
      %dma_start3A_280 = arith.constant 0 : i32
      %dma_start3A_281 = arith.constant 0 : i32
      %dma_start3A_282 = tpu.memref_slice %arg17[%dma_start3A_280, %dma_start3A_281] : memref<100096x16xf32, #tpu.memory_space<vmem_shared>> -> memref<100096x16xf32, #tpu.memory_space<vmem_shared>>
      tpu.enqueue_indirect_dma source(%dma_start3A_276 : memref<128x16xf32, #tpu.memory_space<vmem>>) target(%dma_start3A_282 : memref<100096x16xf32, #tpu.memory_space<vmem_shared>>) offsets(%dma_start3A_279 : memref<128xi32, #tpu.memory_space<vmem>>) semaphore(%arg19 : memref<!tpu.dma_semaphore, #tpu.memory_space<semaphore_mem>>) {add = true}
      %dma_start3A_283 = arith.constant 3 : i32
      %dma_start3A_284 = arith.constant 384 : i32
      %dma_start3A_285 = arith.constant 0 : i32
      %dma_start3A_286 = tpu.memref_slice %arg15[%dma_start3A_284, %dma_start3A_285] : memref<512x16xf32, #tpu.memory_space<vmem>> -> memref<128x16xf32, #tpu.memory_space<vmem>>
      %dma_start3A_287 = arith.constant 0 : i32
      %dma_start3A_288 = tpu.memref_slice %arg11[%dma_start3A_283, %dma_start3A_287] : memref<4x128xi32, #tpu.memory_space<vmem>> -> memref<1x128xi32, #tpu.memory_space<vmem>>
      %dma_start3A_289 = tpu.memref_squeeze %dma_start3A_288 : memref<1x128xi32, #tpu.memory_space<vmem>> -> memref<128xi32, #tpu.memory_space<vmem>>
      %dma_start3A_290 = arith.constant 0 : i32
      %dma_start3A_291 = arith.constant 0 : i32
      %dma_start3A_292 = tpu.memref_slice %arg17[%dma_start3A_290, %dma_start3A_291] : memref<100096x16xf32, #tpu.memory_space<vmem_shared>> -> memref<100096x16xf32, #tpu.memory_space<vmem_shared>>
      tpu.enqueue_indirect_dma source(%dma_start3A_286 : memref<128x16xf32, #tpu.memory_space<vmem>>) target(%dma_start3A_292 : memref<100096x16xf32, #tpu.memory_space<vmem_shared>>) offsets(%dma_start3A_289 : memref<128xi32, #tpu.memory_space<vmem>>) semaphore(%arg19 : memref<!tpu.dma_semaphore, #tpu.memory_space<semaphore_mem>>) {add = true}
      %mul3A_293 = arith.constant 4 : i32
      %mul3A_294 = arith.muli %scan3A_138, %mul3A_293 : i32
      %add3A_295 = arith.constant 1 : i32
      %add3A_296 = arith.addi %mul3A_294, %add3A_295 : i32
      %ge3A_297 = arith.constant 1 : i32
      %ge3A_298 = arith.cmpi sge, %scan3A_138, %ge3A_297 : i32
      %convert_element_type3A_299 = arith.extui %ge3A_298 : i1 to i32
      %cond3A_300 = arith.constant 0 : i32
      %cond3A_301 = arith.cmpi ne, %convert_element_type3A_299, %cond3A_300 : i32
      scf.if %cond3A_301 {
        %dma_wait3A_827 = arith.constant 0 : i32
        %dma_wait3A_828 = arith.constant 0 : i32
        %dma_wait3A_829 = tpu.memref_slice %arg16[%dma_wait3A_827, %dma_wait3A_828] : memref<512x16xf32, #tpu.memory_space<vmem>> -> memref<128x16xf32, #tpu.memory_space<vmem>>
        %dma_wait3A_830 = arith.constant 0 : i32
        %dma_wait3A_831 = arith.constant 0 : i32
        %dma_wait3A_832 = tpu.memref_slice %arg5[%dma_wait3A_830, %dma_wait3A_831] : memref<100096x16xf32, #tpu.memory_space<hbm>> -> memref<128x16xf32, #tpu.memory_space<hbm>>
        %dma_wait3A_833 = arith.constant 0 : i32
        %dma_wait3A_834 = arith.constant 0 : i32
        %dma_wait3A_835 = tpu.memref_slice %arg16[%dma_wait3A_833, %dma_wait3A_834] : memref<512x16xf32, #tpu.memory_space<vmem>> -> memref<128x16xf32, #tpu.memory_space<vmem>>
        %dma_wait3A_836 = arith.constant 0 : i32
        %dma_wait3A_837 = arith.constant 0 : i32
        %dma_wait3A_838 = tpu.memref_slice %arg5[%dma_wait3A_836, %dma_wait3A_837] : memref<100096x16xf32, #tpu.memory_space<hbm>> -> memref<128x16xf32, #tpu.memory_space<hbm>>
        tpu.wait_dma2 semaphore(%arg20 : memref<!tpu.dma_semaphore, #tpu.memory_space<semaphore_mem>>) src(%dma_wait3A_838 : memref<128x16xf32, #tpu.memory_space<hbm>>) dst(%dma_wait3A_835 : memref<128x16xf32, #tpu.memory_space<vmem>>)
        %dma_wait3A_839 = arith.constant 0 : i32
        %dma_wait3A_840 = arith.constant 0 : i32
        %dma_wait3A_841 = tpu.memref_slice %arg16[%dma_wait3A_839, %dma_wait3A_840] : memref<512x16xf32, #tpu.memory_space<vmem>> -> memref<128x16xf32, #tpu.memory_space<vmem>>
        %dma_wait3A_842 = arith.constant 0 : i32
        %dma_wait3A_843 = arith.constant 0 : i32
        %dma_wait3A_844 = tpu.memref_slice %arg5[%dma_wait3A_842, %dma_wait3A_843] : memref<100096x16xf32, #tpu.memory_space<hbm>> -> memref<128x16xf32, #tpu.memory_space<hbm>>
        %dma_wait3A_845 = arith.constant 0 : i32
        %dma_wait3A_846 = arith.constant 0 : i32
        %dma_wait3A_847 = tpu.memref_slice %arg16[%dma_wait3A_845, %dma_wait3A_846] : memref<512x16xf32, #tpu.memory_space<vmem>> -> memref<128x16xf32, #tpu.memory_space<vmem>>
        %dma_wait3A_848 = arith.constant 0 : i32
        %dma_wait3A_849 = arith.constant 0 : i32
        %dma_wait3A_850 = tpu.memref_slice %arg5[%dma_wait3A_848, %dma_wait3A_849] : memref<100096x16xf32, #tpu.memory_space<hbm>> -> memref<128x16xf32, #tpu.memory_space<hbm>>
        tpu.wait_dma2 semaphore(%arg20 : memref<!tpu.dma_semaphore, #tpu.memory_space<semaphore_mem>>) src(%dma_wait3A_850 : memref<128x16xf32, #tpu.memory_space<hbm>>) dst(%dma_wait3A_847 : memref<128x16xf32, #tpu.memory_space<vmem>>)
        %dma_wait3A_851 = arith.constant 0 : i32
        %dma_wait3A_852 = arith.constant 0 : i32
        %dma_wait3A_853 = tpu.memref_slice %arg16[%dma_wait3A_851, %dma_wait3A_852] : memref<512x16xf32, #tpu.memory_space<vmem>> -> memref<128x16xf32, #tpu.memory_space<vmem>>
        %dma_wait3A_854 = arith.constant 0 : i32
        %dma_wait3A_855 = arith.constant 0 : i32
        %dma_wait3A_856 = tpu.memref_slice %arg5[%dma_wait3A_854, %dma_wait3A_855] : memref<100096x16xf32, #tpu.memory_space<hbm>> -> memref<128x16xf32, #tpu.memory_space<hbm>>
        %dma_wait3A_857 = arith.constant 0 : i32
        %dma_wait3A_858 = arith.constant 0 : i32
        %dma_wait3A_859 = tpu.memref_slice %arg16[%dma_wait3A_857, %dma_wait3A_858] : memref<512x16xf32, #tpu.memory_space<vmem>> -> memref<128x16xf32, #tpu.memory_space<vmem>>
        %dma_wait3A_860 = arith.constant 0 : i32
        %dma_wait3A_861 = arith.constant 0 : i32
        %dma_wait3A_862 = tpu.memref_slice %arg5[%dma_wait3A_860, %dma_wait3A_861] : memref<100096x16xf32, #tpu.memory_space<hbm>> -> memref<128x16xf32, #tpu.memory_space<hbm>>
        tpu.wait_dma2 semaphore(%arg20 : memref<!tpu.dma_semaphore, #tpu.memory_space<semaphore_mem>>) src(%dma_wait3A_862 : memref<128x16xf32, #tpu.memory_space<hbm>>) dst(%dma_wait3A_859 : memref<128x16xf32, #tpu.memory_space<vmem>>)
        %dma_wait3A_863 = arith.constant 0 : i32
        %dma_wait3A_864 = arith.constant 0 : i32
        %dma_wait3A_865 = tpu.memref_slice %arg16[%dma_wait3A_863, %dma_wait3A_864] : memref<512x16xf32, #tpu.memory_space<vmem>> -> memref<128x16xf32, #tpu.memory_space<vmem>>
        %dma_wait3A_866 = arith.constant 0 : i32
        %dma_wait3A_867 = arith.constant 0 : i32
        %dma_wait3A_868 = tpu.memref_slice %arg5[%dma_wait3A_866, %dma_wait3A_867] : memref<100096x16xf32, #tpu.memory_space<hbm>> -> memref<128x16xf32, #tpu.memory_space<hbm>>
        %dma_wait3A_869 = arith.constant 0 : i32
        %dma_wait3A_870 = arith.constant 0 : i32
        %dma_wait3A_871 = tpu.memref_slice %arg16[%dma_wait3A_869, %dma_wait3A_870] : memref<512x16xf32, #tpu.memory_space<vmem>> -> memref<128x16xf32, #tpu.memory_space<vmem>>
        %dma_wait3A_872 = arith.constant 0 : i32
        %dma_wait3A_873 = arith.constant 0 : i32
        %dma_wait3A_874 = tpu.memref_slice %arg5[%dma_wait3A_872, %dma_wait3A_873] : memref<100096x16xf32, #tpu.memory_space<hbm>> -> memref<128x16xf32, #tpu.memory_space<hbm>>
        tpu.wait_dma2 semaphore(%arg20 : memref<!tpu.dma_semaphore, #tpu.memory_space<semaphore_mem>>) src(%dma_wait3A_874 : memref<128x16xf32, #tpu.memory_space<hbm>>) dst(%dma_wait3A_871 : memref<128x16xf32, #tpu.memory_space<vmem>>)
      } else {
      }
      %add3A_302 = arith.constant 2 : i32
      %add3A_303 = arith.addi %add3A_296, %add3A_302 : i32
      %mul3A_304 = arith.constant 4 : i32
      %mul3A_305 = arith.muli %add3A_303, %mul3A_304 : i32
      %add3A_306 = arith.addi %add3A, %mul3A_305 : i32
      %dma_start3A_307 = arith.constant 0 : i32
      %dma_start3A_308 = tpu.memref_slice %arg3[%add3A_306, %dma_start3A_307] : memref<25088x128xi32, #tpu.memory_space<hbm>> -> memref<4x128xi32, #tpu.memory_space<hbm>>
      %dma_start3A_309 = arith.constant 0 : i32
      %dma_start3A_310 = tpu.memref_slice %arg3[%add3A_306, %dma_start3A_309] : memref<25088x128xi32, #tpu.memory_space<hbm>> -> memref<4x128xi32, #tpu.memory_space<hbm>>
      tpu.enqueue_dma source(%dma_start3A_310 : memref<4x128xi32, #tpu.memory_space<hbm>>) target(%arg10 : memref<4x128xi32, #tpu.memory_space<vmem>>) target_semaphore(%arg21 : memref<!tpu.dma_semaphore, #tpu.memory_space<semaphore_mem>>)
      %mul3A_311 = arith.constant 4 : i32
      %mul3A_312 = arith.muli %add3A_303, %mul3A_311 : i32
      %add3A_313 = arith.addi %mul3A_6, %mul3A_312 : i32
      %dma_start3A_314 = arith.constant 0 : i32
      %dma_start3A_315 = tpu.memref_slice %arg4[%add3A_313, %dma_start3A_314] : memref<12544x128xi32, #tpu.memory_space<hbm>> -> memref<4x128xi32, #tpu.memory_space<hbm>>
      %dma_start3A_316 = arith.constant 0 : i32
      %dma_start3A_317 = tpu.memref_slice %arg4[%add3A_313, %dma_start3A_316] : memref<12544x128xi32, #tpu.memory_space<hbm>> -> memref<4x128xi32, #tpu.memory_space<hbm>>
      tpu.enqueue_dma source(%dma_start3A_317 : memref<4x128xi32, #tpu.memory_space<hbm>>) target(%arg14 : memref<4x128xi32, #tpu.memory_space<vmem>>) target_semaphore(%arg21 : memref<!tpu.dma_semaphore, #tpu.memory_space<semaphore_mem>>)
      %dma_wait3A_318 = arith.constant 0 : i32
      %dma_wait3A_319 = arith.constant 0 : i32
      %dma_wait3A_320 = tpu.memref_slice %arg3[%dma_wait3A_318, %dma_wait3A_319] : memref<25088x128xi32, #tpu.memory_space<hbm>> -> memref<4x128xi32, #tpu.memory_space<hbm>>
      %dma_wait3A_321 = arith.constant 0 : i32
      %dma_wait3A_322 = arith.constant 0 : i32
      %dma_wait3A_323 = tpu.memref_slice %arg3[%dma_wait3A_321, %dma_wait3A_322] : memref<25088x128xi32, #tpu.memory_space<hbm>> -> memref<4x128xi32, #tpu.memory_space<hbm>>
      tpu.wait_dma2 semaphore(%arg21 : memref<!tpu.dma_semaphore, #tpu.memory_space<semaphore_mem>>) src(%dma_wait3A_323 : memref<4x128xi32, #tpu.memory_space<hbm>>) dst(%arg8 : memref<4x128xi32, #tpu.memory_space<vmem>>)
      %dma_wait3A_324 = arith.constant 0 : i32
      %dma_wait3A_325 = arith.constant 0 : i32
      %dma_wait3A_326 = tpu.memref_slice %arg4[%dma_wait3A_324, %dma_wait3A_325] : memref<12544x128xi32, #tpu.memory_space<hbm>> -> memref<4x128xi32, #tpu.memory_space<hbm>>
      %dma_wait3A_327 = arith.constant 0 : i32
      %dma_wait3A_328 = arith.constant 0 : i32
      %dma_wait3A_329 = tpu.memref_slice %arg4[%dma_wait3A_327, %dma_wait3A_328] : memref<12544x128xi32, #tpu.memory_space<hbm>> -> memref<4x128xi32, #tpu.memory_space<hbm>>
      tpu.wait_dma2 semaphore(%arg21 : memref<!tpu.dma_semaphore, #tpu.memory_space<semaphore_mem>>) src(%dma_wait3A_329 : memref<4x128xi32, #tpu.memory_space<hbm>>) dst(%arg12 : memref<4x128xi32, #tpu.memory_space<vmem>>)
      %dma_start3A_330 = arith.constant 0 : i32
      %dma_start3A_331 = arith.constant 0 : i32
      %dma_start3A_332 = arith.constant 0 : i32
      %dma_start3A_333 = tpu.memref_slice %arg16[%dma_start3A_331, %dma_start3A_332] : memref<512x16xf32, #tpu.memory_space<vmem>> -> memref<128x16xf32, #tpu.memory_space<vmem>>
      %dma_start3A_334 = arith.constant 0 : i32
      %dma_start3A_335 = tpu.memref_slice %arg8[%dma_start3A_330, %dma_start3A_334] : memref<4x128xi32, #tpu.memory_space<vmem>> -> memref<1x128xi32, #tpu.memory_space<vmem>>
      %dma_start3A_336 = tpu.memref_squeeze %dma_start3A_335 : memref<1x128xi32, #tpu.memory_space<vmem>> -> memref<128xi32, #tpu.memory_space<vmem>>
      %dma_start3A_337 = arith.constant 0 : i32
      %dma_start3A_338 = arith.constant 0 : i32
      %dma_start3A_339 = tpu.memref_slice %arg2[%dma_start3A_337, %dma_start3A_338] : memref<200192x16xf32, #tpu.memory_space<hbm>> -> memref<200192x16xf32, #tpu.memory_space<hbm>>
      tpu.enqueue_indirect_dma source(%dma_start3A_339 : memref<200192x16xf32, #tpu.memory_space<hbm>>) target(%dma_start3A_333 : memref<128x16xf32, #tpu.memory_space<vmem>>) offsets(%dma_start3A_336 : memref<128xi32, #tpu.memory_space<vmem>>) semaphore(%arg18 : memref<!tpu.dma_semaphore, #tpu.memory_space<semaphore_mem>>)
      %dma_start3A_340 = arith.constant 1 : i32
      %dma_start3A_341 = arith.constant 128 : i32
      %dma_start3A_342 = arith.constant 0 : i32
      %dma_start3A_343 = tpu.memref_slice %arg16[%dma_start3A_341, %dma_start3A_342] : memref<512x16xf32, #tpu.memory_space<vmem>> -> memref<128x16xf32, #tpu.memory_space<vmem>>
      %dma_start3A_344 = arith.constant 0 : i32
      %dma_start3A_345 = tpu.memref_slice %arg8[%dma_start3A_340, %dma_start3A_344] : memref<4x128xi32, #tpu.memory_space<vmem>> -> memref<1x128xi32, #tpu.memory_space<vmem>>
      %dma_start3A_346 = tpu.memref_squeeze %dma_start3A_345 : memref<1x128xi32, #tpu.memory_space<vmem>> -> memref<128xi32, #tpu.memory_space<vmem>>
      %dma_start3A_347 = arith.constant 0 : i32
      %dma_start3A_348 = arith.constant 0 : i32
      %dma_start3A_349 = tpu.memref_slice %arg2[%dma_start3A_347, %dma_start3A_348] : memref<200192x16xf32, #tpu.memory_space<hbm>> -> memref<200192x16xf32, #tpu.memory_space<hbm>>
      tpu.enqueue_indirect_dma source(%dma_start3A_349 : memref<200192x16xf32, #tpu.memory_space<hbm>>) target(%dma_start3A_343 : memref<128x16xf32, #tpu.memory_space<vmem>>) offsets(%dma_start3A_346 : memref<128xi32, #tpu.memory_space<vmem>>) semaphore(%arg18 : memref<!tpu.dma_semaphore, #tpu.memory_space<semaphore_mem>>)
      %dma_start3A_350 = arith.constant 2 : i32
      %dma_start3A_351 = arith.constant 256 : i32
      %dma_start3A_352 = arith.constant 0 : i32
      %dma_start3A_353 = tpu.memref_slice %arg16[%dma_start3A_351, %dma_start3A_352] : memref<512x16xf32, #tpu.memory_space<vmem>> -> memref<128x16xf32, #tpu.memory_space<vmem>>
      %dma_start3A_354 = arith.constant 0 : i32
      %dma_start3A_355 = tpu.memref_slice %arg8[%dma_start3A_350, %dma_start3A_354] : memref<4x128xi32, #tpu.memory_space<vmem>> -> memref<1x128xi32, #tpu.memory_space<vmem>>
      %dma_start3A_356 = tpu.memref_squeeze %dma_start3A_355 : memref<1x128xi32, #tpu.memory_space<vmem>> -> memref<128xi32, #tpu.memory_space<vmem>>
      %dma_start3A_357 = arith.constant 0 : i32
      %dma_start3A_358 = arith.constant 0 : i32
      %dma_start3A_359 = tpu.memref_slice %arg2[%dma_start3A_357, %dma_start3A_358] : memref<200192x16xf32, #tpu.memory_space<hbm>> -> memref<200192x16xf32, #tpu.memory_space<hbm>>
      tpu.enqueue_indirect_dma source(%dma_start3A_359 : memref<200192x16xf32, #tpu.memory_space<hbm>>) target(%dma_start3A_353 : memref<128x16xf32, #tpu.memory_space<vmem>>) offsets(%dma_start3A_356 : memref<128xi32, #tpu.memory_space<vmem>>) semaphore(%arg18 : memref<!tpu.dma_semaphore, #tpu.memory_space<semaphore_mem>>)
      %dma_start3A_360 = arith.constant 3 : i32
      %dma_start3A_361 = arith.constant 384 : i32
      %dma_start3A_362 = arith.constant 0 : i32
      %dma_start3A_363 = tpu.memref_slice %arg16[%dma_start3A_361, %dma_start3A_362] : memref<512x16xf32, #tpu.memory_space<vmem>> -> memref<128x16xf32, #tpu.memory_space<vmem>>
      %dma_start3A_364 = arith.constant 0 : i32
      %dma_start3A_365 = tpu.memref_slice %arg8[%dma_start3A_360, %dma_start3A_364] : memref<4x128xi32, #tpu.memory_space<vmem>> -> memref<1x128xi32, #tpu.memory_space<vmem>>
      %dma_start3A_366 = tpu.memref_squeeze %dma_start3A_365 : memref<1x128xi32, #tpu.memory_space<vmem>> -> memref<128xi32, #tpu.memory_space<vmem>>
      %dma_start3A_367 = arith.constant 0 : i32
      %dma_start3A_368 = arith.constant 0 : i32
      %dma_start3A_369 = tpu.memref_slice %arg2[%dma_start3A_367, %dma_start3A_368] : memref<200192x16xf32, #tpu.memory_space<hbm>> -> memref<200192x16xf32, #tpu.memory_space<hbm>>
      tpu.enqueue_indirect_dma source(%dma_start3A_369 : memref<200192x16xf32, #tpu.memory_space<hbm>>) target(%dma_start3A_363 : memref<128x16xf32, #tpu.memory_space<vmem>>) offsets(%dma_start3A_366 : memref<128xi32, #tpu.memory_space<vmem>>) semaphore(%arg18 : memref<!tpu.dma_semaphore, #tpu.memory_space<semaphore_mem>>)
      %dma_wait3A_370 = arith.constant 0 : i32
      %dma_wait3A_371 = arith.constant 0 : i32
      %dma_wait3A_372 = arith.constant 0 : i32
      %dma_wait3A_373 = tpu.memref_slice %arg16[%dma_wait3A_371, %dma_wait3A_372] : memref<512x16xf32, #tpu.memory_space<vmem>> -> memref<128x16xf32, #tpu.memory_space<vmem>>
      %dma_wait3A_374 = arith.constant 0 : i32
      %dma_wait3A_375 = tpu.memref_slice %arg8[%dma_wait3A_370, %dma_wait3A_374] : memref<4x128xi32, #tpu.memory_space<vmem>> -> memref<1x128xi32, #tpu.memory_space<vmem>>
      %dma_wait3A_376 = tpu.memref_squeeze %dma_wait3A_375 : memref<1x128xi32, #tpu.memory_space<vmem>> -> memref<128xi32, #tpu.memory_space<vmem>>
      %dma_wait3A_377 = arith.constant 0 : i32
      %dma_wait3A_378 = arith.constant 0 : i32
      %dma_wait3A_379 = tpu.memref_slice %arg2[%dma_wait3A_377, %dma_wait3A_378] : memref<200192x16xf32, #tpu.memory_space<hbm>> -> memref<200192x16xf32, #tpu.memory_space<hbm>>
      tpu.wait_indirect_dma semaphore(%arg18 : memref<!tpu.dma_semaphore, #tpu.memory_space<semaphore_mem>>) src(%dma_wait3A_379 : memref<200192x16xf32, #tpu.memory_space<hbm>>) dst(%dma_wait3A_373 : memref<128x16xf32, #tpu.memory_space<vmem>>)
      %dma_wait3A_380 = arith.constant 1 : i32
      %dma_wait3A_381 = arith.constant 128 : i32
      %dma_wait3A_382 = arith.constant 0 : i32
      %dma_wait3A_383 = tpu.memref_slice %arg16[%dma_wait3A_381, %dma_wait3A_382] : memref<512x16xf32, #tpu.memory_space<vmem>> -> memref<128x16xf32, #tpu.memory_space<vmem>>
      %dma_wait3A_384 = arith.constant 0 : i32
      %dma_wait3A_385 = tpu.memref_slice %arg8[%dma_wait3A_380, %dma_wait3A_384] : memref<4x128xi32, #tpu.memory_space<vmem>> -> memref<1x128xi32, #tpu.memory_space<vmem>>
      %dma_wait3A_386 = tpu.memref_squeeze %dma_wait3A_385 : memref<1x128xi32, #tpu.memory_space<vmem>> -> memref<128xi32, #tpu.memory_space<vmem>>
      %dma_wait3A_387 = arith.constant 0 : i32
      %dma_wait3A_388 = arith.constant 0 : i32
      %dma_wait3A_389 = tpu.memref_slice %arg2[%dma_wait3A_387, %dma_wait3A_388] : memref<200192x16xf32, #tpu.memory_space<hbm>> -> memref<200192x16xf32, #tpu.memory_space<hbm>>
      tpu.wait_indirect_dma semaphore(%arg18 : memref<!tpu.dma_semaphore, #tpu.memory_space<semaphore_mem>>) src(%dma_wait3A_389 : memref<200192x16xf32, #tpu.memory_space<hbm>>) dst(%dma_wait3A_383 : memref<128x16xf32, #tpu.memory_space<vmem>>)
      %dma_wait3A_390 = arith.constant 2 : i32
      %dma_wait3A_391 = arith.constant 256 : i32
      %dma_wait3A_392 = arith.constant 0 : i32
      %dma_wait3A_393 = tpu.memref_slice %arg16[%dma_wait3A_391, %dma_wait3A_392] : memref<512x16xf32, #tpu.memory_space<vmem>> -> memref<128x16xf32, #tpu.memory_space<vmem>>
      %dma_wait3A_394 = arith.constant 0 : i32
      %dma_wait3A_395 = tpu.memref_slice %arg8[%dma_wait3A_390, %dma_wait3A_394] : memref<4x128xi32, #tpu.memory_space<vmem>> -> memref<1x128xi32, #tpu.memory_space<vmem>>
      %dma_wait3A_396 = tpu.memref_squeeze %dma_wait3A_395 : memref<1x128xi32, #tpu.memory_space<vmem>> -> memref<128xi32, #tpu.memory_space<vmem>>
      %dma_wait3A_397 = arith.constant 0 : i32
      %dma_wait3A_398 = arith.constant 0 : i32
      %dma_wait3A_399 = tpu.memref_slice %arg2[%dma_wait3A_397, %dma_wait3A_398] : memref<200192x16xf32, #tpu.memory_space<hbm>> -> memref<200192x16xf32, #tpu.memory_space<hbm>>
      tpu.wait_indirect_dma semaphore(%arg18 : memref<!tpu.dma_semaphore, #tpu.memory_space<semaphore_mem>>) src(%dma_wait3A_399 : memref<200192x16xf32, #tpu.memory_space<hbm>>) dst(%dma_wait3A_393 : memref<128x16xf32, #tpu.memory_space<vmem>>)
      %dma_wait3A_400 = arith.constant 3 : i32
      %dma_wait3A_401 = arith.constant 384 : i32
      %dma_wait3A_402 = arith.constant 0 : i32
      %dma_wait3A_403 = tpu.memref_slice %arg16[%dma_wait3A_401, %dma_wait3A_402] : memref<512x16xf32, #tpu.memory_space<vmem>> -> memref<128x16xf32, #tpu.memory_space<vmem>>
      %dma_wait3A_404 = arith.constant 0 : i32
      %dma_wait3A_405 = tpu.memref_slice %arg8[%dma_wait3A_400, %dma_wait3A_404] : memref<4x128xi32, #tpu.memory_space<vmem>> -> memref<1x128xi32, #tpu.memory_space<vmem>>
      %dma_wait3A_406 = tpu.memref_squeeze %dma_wait3A_405 : memref<1x128xi32, #tpu.memory_space<vmem>> -> memref<128xi32, #tpu.memory_space<vmem>>
      %dma_wait3A_407 = arith.constant 0 : i32
      %dma_wait3A_408 = arith.constant 0 : i32
      %dma_wait3A_409 = tpu.memref_slice %arg2[%dma_wait3A_407, %dma_wait3A_408] : memref<200192x16xf32, #tpu.memory_space<hbm>> -> memref<200192x16xf32, #tpu.memory_space<hbm>>
      tpu.wait_indirect_dma semaphore(%arg18 : memref<!tpu.dma_semaphore, #tpu.memory_space<semaphore_mem>>) src(%dma_wait3A_409 : memref<200192x16xf32, #tpu.memory_space<hbm>>) dst(%dma_wait3A_403 : memref<128x16xf32, #tpu.memory_space<vmem>>)
      %dma_start3A_410 = arith.constant 0 : i32
      %dma_start3A_411 = arith.constant 0 : i32
      %dma_start3A_412 = arith.constant 0 : i32
      %dma_start3A_413 = tpu.memref_slice %arg16[%dma_start3A_411, %dma_start3A_412] : memref<512x16xf32, #tpu.memory_space<vmem>> -> memref<128x16xf32, #tpu.memory_space<vmem>>
      %dma_start3A_414 = arith.constant 0 : i32
      %dma_start3A_415 = tpu.memref_slice %arg12[%dma_start3A_410, %dma_start3A_414] : memref<4x128xi32, #tpu.memory_space<vmem>> -> memref<1x128xi32, #tpu.memory_space<vmem>>
      %dma_start3A_416 = tpu.memref_squeeze %dma_start3A_415 : memref<1x128xi32, #tpu.memory_space<vmem>> -> memref<128xi32, #tpu.memory_space<vmem>>
      %dma_start3A_417 = arith.constant 0 : i32
      %dma_start3A_418 = arith.constant 0 : i32
      %dma_start3A_419 = tpu.memref_slice %arg17[%dma_start3A_417, %dma_start3A_418] : memref<100096x16xf32, #tpu.memory_space<vmem_shared>> -> memref<100096x16xf32, #tpu.memory_space<vmem_shared>>
      tpu.enqueue_indirect_dma source(%dma_start3A_413 : memref<128x16xf32, #tpu.memory_space<vmem>>) target(%dma_start3A_419 : memref<100096x16xf32, #tpu.memory_space<vmem_shared>>) offsets(%dma_start3A_416 : memref<128xi32, #tpu.memory_space<vmem>>) semaphore(%arg20 : memref<!tpu.dma_semaphore, #tpu.memory_space<semaphore_mem>>) {add = true}
      %dma_start3A_420 = arith.constant 1 : i32
      %dma_start3A_421 = arith.constant 128 : i32
      %dma_start3A_422 = arith.constant 0 : i32
      %dma_start3A_423 = tpu.memref_slice %arg16[%dma_start3A_421, %dma_start3A_422] : memref<512x16xf32, #tpu.memory_space<vmem>> -> memref<128x16xf32, #tpu.memory_space<vmem>>
      %dma_start3A_424 = arith.constant 0 : i32
      %dma_start3A_425 = tpu.memref_slice %arg12[%dma_start3A_420, %dma_start3A_424] : memref<4x128xi32, #tpu.memory_space<vmem>> -> memref<1x128xi32, #tpu.memory_space<vmem>>
      %dma_start3A_426 = tpu.memref_squeeze %dma_start3A_425 : memref<1x128xi32, #tpu.memory_space<vmem>> -> memref<128xi32, #tpu.memory_space<vmem>>
      %dma_start3A_427 = arith.constant 0 : i32
      %dma_start3A_428 = arith.constant 0 : i32
      %dma_start3A_429 = tpu.memref_slice %arg17[%dma_start3A_427, %dma_start3A_428] : memref<100096x16xf32, #tpu.memory_space<vmem_shared>> -> memref<100096x16xf32, #tpu.memory_space<vmem_shared>>
      tpu.enqueue_indirect_dma source(%dma_start3A_423 : memref<128x16xf32, #tpu.memory_space<vmem>>) target(%dma_start3A_429 : memref<100096x16xf32, #tpu.memory_space<vmem_shared>>) offsets(%dma_start3A_426 : memref<128xi32, #tpu.memory_space<vmem>>) semaphore(%arg20 : memref<!tpu.dma_semaphore, #tpu.memory_space<semaphore_mem>>) {add = true}
      %dma_start3A_430 = arith.constant 2 : i32
      %dma_start3A_431 = arith.constant 256 : i32
      %dma_start3A_432 = arith.constant 0 : i32
      %dma_start3A_433 = tpu.memref_slice %arg16[%dma_start3A_431, %dma_start3A_432] : memref<512x16xf32, #tpu.memory_space<vmem>> -> memref<128x16xf32, #tpu.memory_space<vmem>>
      %dma_start3A_434 = arith.constant 0 : i32
      %dma_start3A_435 = tpu.memref_slice %arg12[%dma_start3A_430, %dma_start3A_434] : memref<4x128xi32, #tpu.memory_space<vmem>> -> memref<1x128xi32, #tpu.memory_space<vmem>>
      %dma_start3A_436 = tpu.memref_squeeze %dma_start3A_435 : memref<1x128xi32, #tpu.memory_space<vmem>> -> memref<128xi32, #tpu.memory_space<vmem>>
      %dma_start3A_437 = arith.constant 0 : i32
      %dma_start3A_438 = arith.constant 0 : i32
      %dma_start3A_439 = tpu.memref_slice %arg17[%dma_start3A_437, %dma_start3A_438] : memref<100096x16xf32, #tpu.memory_space<vmem_shared>> -> memref<100096x16xf32, #tpu.memory_space<vmem_shared>>
      tpu.enqueue_indirect_dma source(%dma_start3A_433 : memref<128x16xf32, #tpu.memory_space<vmem>>) target(%dma_start3A_439 : memref<100096x16xf32, #tpu.memory_space<vmem_shared>>) offsets(%dma_start3A_436 : memref<128xi32, #tpu.memory_space<vmem>>) semaphore(%arg20 : memref<!tpu.dma_semaphore, #tpu.memory_space<semaphore_mem>>) {add = true}
      %dma_start3A_440 = arith.constant 3 : i32
      %dma_start3A_441 = arith.constant 384 : i32
      %dma_start3A_442 = arith.constant 0 : i32
      %dma_start3A_443 = tpu.memref_slice %arg16[%dma_start3A_441, %dma_start3A_442] : memref<512x16xf32, #tpu.memory_space<vmem>> -> memref<128x16xf32, #tpu.memory_space<vmem>>
      %dma_start3A_444 = arith.constant 0 : i32
      %dma_start3A_445 = tpu.memref_slice %arg12[%dma_start3A_440, %dma_start3A_444] : memref<4x128xi32, #tpu.memory_space<vmem>> -> memref<1x128xi32, #tpu.memory_space<vmem>>
      %dma_start3A_446 = tpu.memref_squeeze %dma_start3A_445 : memref<1x128xi32, #tpu.memory_space<vmem>> -> memref<128xi32, #tpu.memory_space<vmem>>
      %dma_start3A_447 = arith.constant 0 : i32
      %dma_start3A_448 = arith.constant 0 : i32
      %dma_start3A_449 = tpu.memref_slice %arg17[%dma_start3A_447, %dma_start3A_448] : memref<100096x16xf32, #tpu.memory_space<vmem_shared>> -> memref<100096x16xf32, #tpu.memory_space<vmem_shared>>
      tpu.enqueue_indirect_dma source(%dma_start3A_443 : memref<128x16xf32, #tpu.memory_space<vmem>>) target(%dma_start3A_449 : memref<100096x16xf32, #tpu.memory_space<vmem_shared>>) offsets(%dma_start3A_446 : memref<128xi32, #tpu.memory_space<vmem>>) semaphore(%arg20 : memref<!tpu.dma_semaphore, #tpu.memory_space<semaphore_mem>>) {add = true}
      %mul3A_450 = arith.constant 4 : i32
      %mul3A_451 = arith.muli %scan3A_138, %mul3A_450 : i32
      %add3A_452 = arith.constant 2 : i32
      %add3A_453 = arith.addi %mul3A_451, %add3A_452 : i32
      %dma_wait3A_454 = arith.constant 0 : i32
      %dma_wait3A_455 = arith.constant 0 : i32
      %dma_wait3A_456 = tpu.memref_slice %arg15[%dma_wait3A_454, %dma_wait3A_455] : memref<512x16xf32, #tpu.memory_space<vmem>> -> memref<128x16xf32, #tpu.memory_space<vmem>>
      %dma_wait3A_457 = arith.constant 0 : i32
      %dma_wait3A_458 = arith.constant 0 : i32
      %dma_wait3A_459 = tpu.memref_slice %arg5[%dma_wait3A_457, %dma_wait3A_458] : memref<100096x16xf32, #tpu.memory_space<hbm>> -> memref<128x16xf32, #tpu.memory_space<hbm>>
      %dma_wait3A_460 = arith.constant 0 : i32
      %dma_wait3A_461 = arith.constant 0 : i32
      %dma_wait3A_462 = tpu.memref_slice %arg15[%dma_wait3A_460, %dma_wait3A_461] : memref<512x16xf32, #tpu.memory_space<vmem>> -> memref<128x16xf32, #tpu.memory_space<vmem>>
      %dma_wait3A_463 = arith.constant 0 : i32
      %dma_wait3A_464 = arith.constant 0 : i32
      %dma_wait3A_465 = tpu.memref_slice %arg5[%dma_wait3A_463, %dma_wait3A_464] : memref<100096x16xf32, #tpu.memory_space<hbm>> -> memref<128x16xf32, #tpu.memory_space<hbm>>
      tpu.wait_dma2 semaphore(%arg19 : memref<!tpu.dma_semaphore, #tpu.memory_space<semaphore_mem>>) src(%dma_wait3A_465 : memref<128x16xf32, #tpu.memory_space<hbm>>) dst(%dma_wait3A_462 : memref<128x16xf32, #tpu.memory_space<vmem>>)
      %dma_wait3A_466 = arith.constant 0 : i32
      %dma_wait3A_467 = arith.constant 0 : i32
      %dma_wait3A_468 = tpu.memref_slice %arg15[%dma_wait3A_466, %dma_wait3A_467] : memref<512x16xf32, #tpu.memory_space<vmem>> -> memref<128x16xf32, #tpu.memory_space<vmem>>
      %dma_wait3A_469 = arith.constant 0 : i32
      %dma_wait3A_470 = arith.constant 0 : i32
      %dma_wait3A_471 = tpu.memref_slice %arg5[%dma_wait3A_469, %dma_wait3A_470] : memref<100096x16xf32, #tpu.memory_space<hbm>> -> memref<128x16xf32, #tpu.memory_space<hbm>>
      %dma_wait3A_472 = arith.constant 0 : i32
      %dma_wait3A_473 = arith.constant 0 : i32
      %dma_wait3A_474 = tpu.memref_slice %arg15[%dma_wait3A_472, %dma_wait3A_473] : memref<512x16xf32, #tpu.memory_space<vmem>> -> memref<128x16xf32, #tpu.memory_space<vmem>>
      %dma_wait3A_475 = arith.constant 0 : i32
      %dma_wait3A_476 = arith.constant 0 : i32
      %dma_wait3A_477 = tpu.memref_slice %arg5[%dma_wait3A_475, %dma_wait3A_476] : memref<100096x16xf32, #tpu.memory_space<hbm>> -> memref<128x16xf32, #tpu.memory_space<hbm>>
      tpu.wait_dma2 semaphore(%arg19 : memref<!tpu.dma_semaphore, #tpu.memory_space<semaphore_mem>>) src(%dma_wait3A_477 : memref<128x16xf32, #tpu.memory_space<hbm>>) dst(%dma_wait3A_474 : memref<128x16xf32, #tpu.memory_space<vmem>>)
      %dma_wait3A_478 = arith.constant 0 : i32
      %dma_wait3A_479 = arith.constant 0 : i32
      %dma_wait3A_480 = tpu.memref_slice %arg15[%dma_wait3A_478, %dma_wait3A_479] : memref<512x16xf32, #tpu.memory_space<vmem>> -> memref<128x16xf32, #tpu.memory_space<vmem>>
      %dma_wait3A_481 = arith.constant 0 : i32
      %dma_wait3A_482 = arith.constant 0 : i32
      %dma_wait3A_483 = tpu.memref_slice %arg5[%dma_wait3A_481, %dma_wait3A_482] : memref<100096x16xf32, #tpu.memory_space<hbm>> -> memref<128x16xf32, #tpu.memory_space<hbm>>
      %dma_wait3A_484 = arith.constant 0 : i32
      %dma_wait3A_485 = arith.constant 0 : i32
      %dma_wait3A_486 = tpu.memref_slice %arg15[%dma_wait3A_484, %dma_wait3A_485] : memref<512x16xf32, #tpu.memory_space<vmem>> -> memref<128x16xf32, #tpu.memory_space<vmem>>
      %dma_wait3A_487 = arith.constant 0 : i32
      %dma_wait3A_488 = arith.constant 0 : i32
      %dma_wait3A_489 = tpu.memref_slice %arg5[%dma_wait3A_487, %dma_wait3A_488] : memref<100096x16xf32, #tpu.memory_space<hbm>> -> memref<128x16xf32, #tpu.memory_space<hbm>>
      tpu.wait_dma2 semaphore(%arg19 : memref<!tpu.dma_semaphore, #tpu.memory_space<semaphore_mem>>) src(%dma_wait3A_489 : memref<128x16xf32, #tpu.memory_space<hbm>>) dst(%dma_wait3A_486 : memref<128x16xf32, #tpu.memory_space<vmem>>)
      %dma_wait3A_490 = arith.constant 0 : i32
      %dma_wait3A_491 = arith.constant 0 : i32
      %dma_wait3A_492 = tpu.memref_slice %arg15[%dma_wait3A_490, %dma_wait3A_491] : memref<512x16xf32, #tpu.memory_space<vmem>> -> memref<128x16xf32, #tpu.memory_space<vmem>>
      %dma_wait3A_493 = arith.constant 0 : i32
      %dma_wait3A_494 = arith.constant 0 : i32
      %dma_wait3A_495 = tpu.memref_slice %arg5[%dma_wait3A_493, %dma_wait3A_494] : memref<100096x16xf32, #tpu.memory_space<hbm>> -> memref<128x16xf32, #tpu.memory_space<hbm>>
      %dma_wait3A_496 = arith.constant 0 : i32
      %dma_wait3A_497 = arith.constant 0 : i32
      %dma_wait3A_498 = tpu.memref_slice %arg15[%dma_wait3A_496, %dma_wait3A_497] : memref<512x16xf32, #tpu.memory_space<vmem>> -> memref<128x16xf32, #tpu.memory_space<vmem>>
      %dma_wait3A_499 = arith.constant 0 : i32
      %dma_wait3A_500 = arith.constant 0 : i32
      %dma_wait3A_501 = tpu.memref_slice %arg5[%dma_wait3A_499, %dma_wait3A_500] : memref<100096x16xf32, #tpu.memory_space<hbm>> -> memref<128x16xf32, #tpu.memory_space<hbm>>
      tpu.wait_dma2 semaphore(%arg19 : memref<!tpu.dma_semaphore, #tpu.memory_space<semaphore_mem>>) src(%dma_wait3A_501 : memref<128x16xf32, #tpu.memory_space<hbm>>) dst(%dma_wait3A_498 : memref<128x16xf32, #tpu.memory_space<vmem>>)
      %lt3A = arith.constant 48 : i32
      %lt3A_502 = arith.cmpi slt, %scan3A_138, %lt3A : i32
      %convert_element_type3A_503 = arith.extui %lt3A_502 : i1 to i32
      %cond3A_504 = arith.constant 0 : i32
      %cond3A_505 = arith.cmpi ne, %convert_element_type3A_503, %cond3A_504 : i32
      scf.if %cond3A_505 {
        %add3A_827 = arith.constant 2 : i32
        %add3A_828 = arith.addi %add3A_453, %add3A_827 : i32
        %mul3A_829 = arith.constant 4 : i32
        %mul3A_830 = arith.muli %add3A_828, %mul3A_829 : i32
        %add3A_831 = arith.addi %add3A, %mul3A_830 : i32
        %dma_start3A_832 = arith.constant 0 : i32
        %dma_start3A_833 = tpu.memref_slice %arg3[%add3A_831, %dma_start3A_832] : memref<25088x128xi32, #tpu.memory_space<hbm>> -> memref<4x128xi32, #tpu.memory_space<hbm>>
        %dma_start3A_834 = arith.constant 0 : i32
        %dma_start3A_835 = tpu.memref_slice %arg3[%add3A_831, %dma_start3A_834] : memref<25088x128xi32, #tpu.memory_space<hbm>> -> memref<4x128xi32, #tpu.memory_space<hbm>>
        tpu.enqueue_dma source(%dma_start3A_835 : memref<4x128xi32, #tpu.memory_space<hbm>>) target(%arg7 : memref<4x128xi32, #tpu.memory_space<vmem>>) target_semaphore(%arg21 : memref<!tpu.dma_semaphore, #tpu.memory_space<semaphore_mem>>)
        %mul3A_836 = arith.constant 4 : i32
        %mul3A_837 = arith.muli %add3A_828, %mul3A_836 : i32
        %add3A_838 = arith.addi %mul3A_6, %mul3A_837 : i32
        %dma_start3A_839 = arith.constant 0 : i32
        %dma_start3A_840 = tpu.memref_slice %arg4[%add3A_838, %dma_start3A_839] : memref<12544x128xi32, #tpu.memory_space<hbm>> -> memref<4x128xi32, #tpu.memory_space<hbm>>
        %dma_start3A_841 = arith.constant 0 : i32
        %dma_start3A_842 = tpu.memref_slice %arg4[%add3A_838, %dma_start3A_841] : memref<12544x128xi32, #tpu.memory_space<hbm>> -> memref<4x128xi32, #tpu.memory_space<hbm>>
        tpu.enqueue_dma source(%dma_start3A_842 : memref<4x128xi32, #tpu.memory_space<hbm>>) target(%arg11 : memref<4x128xi32, #tpu.memory_space<vmem>>) target_semaphore(%arg21 : memref<!tpu.dma_semaphore, #tpu.memory_space<semaphore_mem>>)
      } else {
      }
      %dma_wait3A_506 = arith.constant 0 : i32
      %dma_wait3A_507 = arith.constant 0 : i32
      %dma_wait3A_508 = tpu.memref_slice %arg3[%dma_wait3A_506, %dma_wait3A_507] : memref<25088x128xi32, #tpu.memory_space<hbm>> -> memref<4x128xi32, #tpu.memory_space<hbm>>
      %dma_wait3A_509 = arith.constant 0 : i32
      %dma_wait3A_510 = arith.constant 0 : i32
      %dma_wait3A_511 = tpu.memref_slice %arg3[%dma_wait3A_509, %dma_wait3A_510] : memref<25088x128xi32, #tpu.memory_space<hbm>> -> memref<4x128xi32, #tpu.memory_space<hbm>>
      tpu.wait_dma2 semaphore(%arg21 : memref<!tpu.dma_semaphore, #tpu.memory_space<semaphore_mem>>) src(%dma_wait3A_511 : memref<4x128xi32, #tpu.memory_space<hbm>>) dst(%arg9 : memref<4x128xi32, #tpu.memory_space<vmem>>)
      %dma_wait3A_512 = arith.constant 0 : i32
      %dma_wait3A_513 = arith.constant 0 : i32
      %dma_wait3A_514 = tpu.memref_slice %arg4[%dma_wait3A_512, %dma_wait3A_513] : memref<12544x128xi32, #tpu.memory_space<hbm>> -> memref<4x128xi32, #tpu.memory_space<hbm>>
      %dma_wait3A_515 = arith.constant 0 : i32
      %dma_wait3A_516 = arith.constant 0 : i32
      %dma_wait3A_517 = tpu.memref_slice %arg4[%dma_wait3A_515, %dma_wait3A_516] : memref<12544x128xi32, #tpu.memory_space<hbm>> -> memref<4x128xi32, #tpu.memory_space<hbm>>
      tpu.wait_dma2 semaphore(%arg21 : memref<!tpu.dma_semaphore, #tpu.memory_space<semaphore_mem>>) src(%dma_wait3A_517 : memref<4x128xi32, #tpu.memory_space<hbm>>) dst(%arg13 : memref<4x128xi32, #tpu.memory_space<vmem>>)
      %dma_start3A_518 = arith.constant 0 : i32
      %dma_start3A_519 = arith.constant 0 : i32
      %dma_start3A_520 = arith.constant 0 : i32
      %dma_start3A_521 = tpu.memref_slice %arg15[%dma_start3A_519, %dma_start3A_520] : memref<512x16xf32, #tpu.memory_space<vmem>> -> memref<128x16xf32, #tpu.memory_space<vmem>>
      %dma_start3A_522 = arith.constant 0 : i32
      %dma_start3A_523 = tpu.memref_slice %arg9[%dma_start3A_518, %dma_start3A_522] : memref<4x128xi32, #tpu.memory_space<vmem>> -> memref<1x128xi32, #tpu.memory_space<vmem>>
      %dma_start3A_524 = tpu.memref_squeeze %dma_start3A_523 : memref<1x128xi32, #tpu.memory_space<vmem>> -> memref<128xi32, #tpu.memory_space<vmem>>
      %dma_start3A_525 = arith.constant 0 : i32
      %dma_start3A_526 = arith.constant 0 : i32
      %dma_start3A_527 = tpu.memref_slice %arg2[%dma_start3A_525, %dma_start3A_526] : memref<200192x16xf32, #tpu.memory_space<hbm>> -> memref<200192x16xf32, #tpu.memory_space<hbm>>
      tpu.enqueue_indirect_dma source(%dma_start3A_527 : memref<200192x16xf32, #tpu.memory_space<hbm>>) target(%dma_start3A_521 : memref<128x16xf32, #tpu.memory_space<vmem>>) offsets(%dma_start3A_524 : memref<128xi32, #tpu.memory_space<vmem>>) semaphore(%arg18 : memref<!tpu.dma_semaphore, #tpu.memory_space<semaphore_mem>>)
      %dma_start3A_528 = arith.constant 1 : i32
      %dma_start3A_529 = arith.constant 128 : i32
      %dma_start3A_530 = arith.constant 0 : i32
      %dma_start3A_531 = tpu.memref_slice %arg15[%dma_start3A_529, %dma_start3A_530] : memref<512x16xf32, #tpu.memory_space<vmem>> -> memref<128x16xf32, #tpu.memory_space<vmem>>
      %dma_start3A_532 = arith.constant 0 : i32
      %dma_start3A_533 = tpu.memref_slice %arg9[%dma_start3A_528, %dma_start3A_532] : memref<4x128xi32, #tpu.memory_space<vmem>> -> memref<1x128xi32, #tpu.memory_space<vmem>>
      %dma_start3A_534 = tpu.memref_squeeze %dma_start3A_533 : memref<1x128xi32, #tpu.memory_space<vmem>> -> memref<128xi32, #tpu.memory_space<vmem>>
      %dma_start3A_535 = arith.constant 0 : i32
      %dma_start3A_536 = arith.constant 0 : i32
      %dma_start3A_537 = tpu.memref_slice %arg2[%dma_start3A_535, %dma_start3A_536] : memref<200192x16xf32, #tpu.memory_space<hbm>> -> memref<200192x16xf32, #tpu.memory_space<hbm>>
      tpu.enqueue_indirect_dma source(%dma_start3A_537 : memref<200192x16xf32, #tpu.memory_space<hbm>>) target(%dma_start3A_531 : memref<128x16xf32, #tpu.memory_space<vmem>>) offsets(%dma_start3A_534 : memref<128xi32, #tpu.memory_space<vmem>>) semaphore(%arg18 : memref<!tpu.dma_semaphore, #tpu.memory_space<semaphore_mem>>)
      %dma_start3A_538 = arith.constant 2 : i32
      %dma_start3A_539 = arith.constant 256 : i32
      %dma_start3A_540 = arith.constant 0 : i32
      %dma_start3A_541 = tpu.memref_slice %arg15[%dma_start3A_539, %dma_start3A_540] : memref<512x16xf32, #tpu.memory_space<vmem>> -> memref<128x16xf32, #tpu.memory_space<vmem>>
      %dma_start3A_542 = arith.constant 0 : i32
      %dma_start3A_543 = tpu.memref_slice %arg9[%dma_start3A_538, %dma_start3A_542] : memref<4x128xi32, #tpu.memory_space<vmem>> -> memref<1x128xi32, #tpu.memory_space<vmem>>
      %dma_start3A_544 = tpu.memref_squeeze %dma_start3A_543 : memref<1x128xi32, #tpu.memory_space<vmem>> -> memref<128xi32, #tpu.memory_space<vmem>>
      %dma_start3A_545 = arith.constant 0 : i32
      %dma_start3A_546 = arith.constant 0 : i32
      %dma_start3A_547 = tpu.memref_slice %arg2[%dma_start3A_545, %dma_start3A_546] : memref<200192x16xf32, #tpu.memory_space<hbm>> -> memref<200192x16xf32, #tpu.memory_space<hbm>>
      tpu.enqueue_indirect_dma source(%dma_start3A_547 : memref<200192x16xf32, #tpu.memory_space<hbm>>) target(%dma_start3A_541 : memref<128x16xf32, #tpu.memory_space<vmem>>) offsets(%dma_start3A_544 : memref<128xi32, #tpu.memory_space<vmem>>) semaphore(%arg18 : memref<!tpu.dma_semaphore, #tpu.memory_space<semaphore_mem>>)
      %dma_start3A_548 = arith.constant 3 : i32
      %dma_start3A_549 = arith.constant 384 : i32
      %dma_start3A_550 = arith.constant 0 : i32
      %dma_start3A_551 = tpu.memref_slice %arg15[%dma_start3A_549, %dma_start3A_550] : memref<512x16xf32, #tpu.memory_space<vmem>> -> memref<128x16xf32, #tpu.memory_space<vmem>>
      %dma_start3A_552 = arith.constant 0 : i32
      %dma_start3A_553 = tpu.memref_slice %arg9[%dma_start3A_548, %dma_start3A_552] : memref<4x128xi32, #tpu.memory_space<vmem>> -> memref<1x128xi32, #tpu.memory_space<vmem>>
      %dma_start3A_554 = tpu.memref_squeeze %dma_start3A_553 : memref<1x128xi32, #tpu.memory_space<vmem>> -> memref<128xi32, #tpu.memory_space<vmem>>
      %dma_start3A_555 = arith.constant 0 : i32
      %dma_start3A_556 = arith.constant 0 : i32
      %dma_start3A_557 = tpu.memref_slice %arg2[%dma_start3A_555, %dma_start3A_556] : memref<200192x16xf32, #tpu.memory_space<hbm>> -> memref<200192x16xf32, #tpu.memory_space<hbm>>
      tpu.enqueue_indirect_dma source(%dma_start3A_557 : memref<200192x16xf32, #tpu.memory_space<hbm>>) target(%dma_start3A_551 : memref<128x16xf32, #tpu.memory_space<vmem>>) offsets(%dma_start3A_554 : memref<128xi32, #tpu.memory_space<vmem>>) semaphore(%arg18 : memref<!tpu.dma_semaphore, #tpu.memory_space<semaphore_mem>>)
      %dma_wait3A_558 = arith.constant 0 : i32
      %dma_wait3A_559 = arith.constant 0 : i32
      %dma_wait3A_560 = arith.constant 0 : i32
      %dma_wait3A_561 = tpu.memref_slice %arg15[%dma_wait3A_559, %dma_wait3A_560] : memref<512x16xf32, #tpu.memory_space<vmem>> -> memref<128x16xf32, #tpu.memory_space<vmem>>
      %dma_wait3A_562 = arith.constant 0 : i32
      %dma_wait3A_563 = tpu.memref_slice %arg9[%dma_wait3A_558, %dma_wait3A_562] : memref<4x128xi32, #tpu.memory_space<vmem>> -> memref<1x128xi32, #tpu.memory_space<vmem>>
      %dma_wait3A_564 = tpu.memref_squeeze %dma_wait3A_563 : memref<1x128xi32, #tpu.memory_space<vmem>> -> memref<128xi32, #tpu.memory_space<vmem>>
      %dma_wait3A_565 = arith.constant 0 : i32
      %dma_wait3A_566 = arith.constant 0 : i32
      %dma_wait3A_567 = tpu.memref_slice %arg2[%dma_wait3A_565, %dma_wait3A_566] : memref<200192x16xf32, #tpu.memory_space<hbm>> -> memref<200192x16xf32, #tpu.memory_space<hbm>>
      tpu.wait_indirect_dma semaphore(%arg18 : memref<!tpu.dma_semaphore, #tpu.memory_space<semaphore_mem>>) src(%dma_wait3A_567 : memref<200192x16xf32, #tpu.memory_space<hbm>>) dst(%dma_wait3A_561 : memref<128x16xf32, #tpu.memory_space<vmem>>)
      %dma_wait3A_568 = arith.constant 1 : i32
      %dma_wait3A_569 = arith.constant 128 : i32
      %dma_wait3A_570 = arith.constant 0 : i32
      %dma_wait3A_571 = tpu.memref_slice %arg15[%dma_wait3A_569, %dma_wait3A_570] : memref<512x16xf32, #tpu.memory_space<vmem>> -> memref<128x16xf32, #tpu.memory_space<vmem>>
      %dma_wait3A_572 = arith.constant 0 : i32
      %dma_wait3A_573 = tpu.memref_slice %arg9[%dma_wait3A_568, %dma_wait3A_572] : memref<4x128xi32, #tpu.memory_space<vmem>> -> memref<1x128xi32, #tpu.memory_space<vmem>>
      %dma_wait3A_574 = tpu.memref_squeeze %dma_wait3A_573 : memref<1x128xi32, #tpu.memory_space<vmem>> -> memref<128xi32, #tpu.memory_space<vmem>>
      %dma_wait3A_575 = arith.constant 0 : i32
      %dma_wait3A_576 = arith.constant 0 : i32
      %dma_wait3A_577 = tpu.memref_slice %arg2[%dma_wait3A_575, %dma_wait3A_576] : memref<200192x16xf32, #tpu.memory_space<hbm>> -> memref<200192x16xf32, #tpu.memory_space<hbm>>
      tpu.wait_indirect_dma semaphore(%arg18 : memref<!tpu.dma_semaphore, #tpu.memory_space<semaphore_mem>>) src(%dma_wait3A_577 : memref<200192x16xf32, #tpu.memory_space<hbm>>) dst(%dma_wait3A_571 : memref<128x16xf32, #tpu.memory_space<vmem>>)
      %dma_wait3A_578 = arith.constant 2 : i32
      %dma_wait3A_579 = arith.constant 256 : i32
      %dma_wait3A_580 = arith.constant 0 : i32
      %dma_wait3A_581 = tpu.memref_slice %arg15[%dma_wait3A_579, %dma_wait3A_580] : memref<512x16xf32, #tpu.memory_space<vmem>> -> memref<128x16xf32, #tpu.memory_space<vmem>>
      %dma_wait3A_582 = arith.constant 0 : i32
      %dma_wait3A_583 = tpu.memref_slice %arg9[%dma_wait3A_578, %dma_wait3A_582] : memref<4x128xi32, #tpu.memory_space<vmem>> -> memref<1x128xi32, #tpu.memory_space<vmem>>
      %dma_wait3A_584 = tpu.memref_squeeze %dma_wait3A_583 : memref<1x128xi32, #tpu.memory_space<vmem>> -> memref<128xi32, #tpu.memory_space<vmem>>
      %dma_wait3A_585 = arith.constant 0 : i32
      %dma_wait3A_586 = arith.constant 0 : i32
      %dma_wait3A_587 = tpu.memref_slice %arg2[%dma_wait3A_585, %dma_wait3A_586] : memref<200192x16xf32, #tpu.memory_space<hbm>> -> memref<200192x16xf32, #tpu.memory_space<hbm>>
      tpu.wait_indirect_dma semaphore(%arg18 : memref<!tpu.dma_semaphore, #tpu.memory_space<semaphore_mem>>) src(%dma_wait3A_587 : memref<200192x16xf32, #tpu.memory_space<hbm>>) dst(%dma_wait3A_581 : memref<128x16xf32, #tpu.memory_space<vmem>>)
      %dma_wait3A_588 = arith.constant 3 : i32
      %dma_wait3A_589 = arith.constant 384 : i32
      %dma_wait3A_590 = arith.constant 0 : i32
      %dma_wait3A_591 = tpu.memref_slice %arg15[%dma_wait3A_589, %dma_wait3A_590] : memref<512x16xf32, #tpu.memory_space<vmem>> -> memref<128x16xf32, #tpu.memory_space<vmem>>
      %dma_wait3A_592 = arith.constant 0 : i32
      %dma_wait3A_593 = tpu.memref_slice %arg9[%dma_wait3A_588, %dma_wait3A_592] : memref<4x128xi32, #tpu.memory_space<vmem>> -> memref<1x128xi32, #tpu.memory_space<vmem>>
      %dma_wait3A_594 = tpu.memref_squeeze %dma_wait3A_593 : memref<1x128xi32, #tpu.memory_space<vmem>> -> memref<128xi32, #tpu.memory_space<vmem>>
      %dma_wait3A_595 = arith.constant 0 : i32
      %dma_wait3A_596 = arith.constant 0 : i32
      %dma_wait3A_597 = tpu.memref_slice %arg2[%dma_wait3A_595, %dma_wait3A_596] : memref<200192x16xf32, #tpu.memory_space<hbm>> -> memref<200192x16xf32, #tpu.memory_space<hbm>>
      tpu.wait_indirect_dma semaphore(%arg18 : memref<!tpu.dma_semaphore, #tpu.memory_space<semaphore_mem>>) src(%dma_wait3A_597 : memref<200192x16xf32, #tpu.memory_space<hbm>>) dst(%dma_wait3A_591 : memref<128x16xf32, #tpu.memory_space<vmem>>)
      %dma_start3A_598 = arith.constant 0 : i32
      %dma_start3A_599 = arith.constant 0 : i32
      %dma_start3A_600 = arith.constant 0 : i32
      %dma_start3A_601 = tpu.memref_slice %arg15[%dma_start3A_599, %dma_start3A_600] : memref<512x16xf32, #tpu.memory_space<vmem>> -> memref<128x16xf32, #tpu.memory_space<vmem>>
      %dma_start3A_602 = arith.constant 0 : i32
      %dma_start3A_603 = tpu.memref_slice %arg13[%dma_start3A_598, %dma_start3A_602] : memref<4x128xi32, #tpu.memory_space<vmem>> -> memref<1x128xi32, #tpu.memory_space<vmem>>
      %dma_start3A_604 = tpu.memref_squeeze %dma_start3A_603 : memref<1x128xi32, #tpu.memory_space<vmem>> -> memref<128xi32, #tpu.memory_space<vmem>>
      %dma_start3A_605 = arith.constant 0 : i32
      %dma_start3A_606 = arith.constant 0 : i32
      %dma_start3A_607 = tpu.memref_slice %arg17[%dma_start3A_605, %dma_start3A_606] : memref<100096x16xf32, #tpu.memory_space<vmem_shared>> -> memref<100096x16xf32, #tpu.memory_space<vmem_shared>>
      tpu.enqueue_indirect_dma source(%dma_start3A_601 : memref<128x16xf32, #tpu.memory_space<vmem>>) target(%dma_start3A_607 : memref<100096x16xf32, #tpu.memory_space<vmem_shared>>) offsets(%dma_start3A_604 : memref<128xi32, #tpu.memory_space<vmem>>) semaphore(%arg19 : memref<!tpu.dma_semaphore, #tpu.memory_space<semaphore_mem>>) {add = true}
      %dma_start3A_608 = arith.constant 1 : i32
      %dma_start3A_609 = arith.constant 128 : i32
      %dma_start3A_610 = arith.constant 0 : i32
      %dma_start3A_611 = tpu.memref_slice %arg15[%dma_start3A_609, %dma_start3A_610] : memref<512x16xf32, #tpu.memory_space<vmem>> -> memref<128x16xf32, #tpu.memory_space<vmem>>
      %dma_start3A_612 = arith.constant 0 : i32
      %dma_start3A_613 = tpu.memref_slice %arg13[%dma_start3A_608, %dma_start3A_612] : memref<4x128xi32, #tpu.memory_space<vmem>> -> memref<1x128xi32, #tpu.memory_space<vmem>>
      %dma_start3A_614 = tpu.memref_squeeze %dma_start3A_613 : memref<1x128xi32, #tpu.memory_space<vmem>> -> memref<128xi32, #tpu.memory_space<vmem>>
      %dma_start3A_615 = arith.constant 0 : i32
      %dma_start3A_616 = arith.constant 0 : i32
      %dma_start3A_617 = tpu.memref_slice %arg17[%dma_start3A_615, %dma_start3A_616] : memref<100096x16xf32, #tpu.memory_space<vmem_shared>> -> memref<100096x16xf32, #tpu.memory_space<vmem_shared>>
      tpu.enqueue_indirect_dma source(%dma_start3A_611 : memref<128x16xf32, #tpu.memory_space<vmem>>) target(%dma_start3A_617 : memref<100096x16xf32, #tpu.memory_space<vmem_shared>>) offsets(%dma_start3A_614 : memref<128xi32, #tpu.memory_space<vmem>>) semaphore(%arg19 : memref<!tpu.dma_semaphore, #tpu.memory_space<semaphore_mem>>) {add = true}
      %dma_start3A_618 = arith.constant 2 : i32
      %dma_start3A_619 = arith.constant 256 : i32
      %dma_start3A_620 = arith.constant 0 : i32
      %dma_start3A_621 = tpu.memref_slice %arg15[%dma_start3A_619, %dma_start3A_620] : memref<512x16xf32, #tpu.memory_space<vmem>> -> memref<128x16xf32, #tpu.memory_space<vmem>>
      %dma_start3A_622 = arith.constant 0 : i32
      %dma_start3A_623 = tpu.memref_slice %arg13[%dma_start3A_618, %dma_start3A_622] : memref<4x128xi32, #tpu.memory_space<vmem>> -> memref<1x128xi32, #tpu.memory_space<vmem>>
      %dma_start3A_624 = tpu.memref_squeeze %dma_start3A_623 : memref<1x128xi32, #tpu.memory_space<vmem>> -> memref<128xi32, #tpu.memory_space<vmem>>
      %dma_start3A_625 = arith.constant 0 : i32
      %dma_start3A_626 = arith.constant 0 : i32
      %dma_start3A_627 = tpu.memref_slice %arg17[%dma_start3A_625, %dma_start3A_626] : memref<100096x16xf32, #tpu.memory_space<vmem_shared>> -> memref<100096x16xf32, #tpu.memory_space<vmem_shared>>
      tpu.enqueue_indirect_dma source(%dma_start3A_621 : memref<128x16xf32, #tpu.memory_space<vmem>>) target(%dma_start3A_627 : memref<100096x16xf32, #tpu.memory_space<vmem_shared>>) offsets(%dma_start3A_624 : memref<128xi32, #tpu.memory_space<vmem>>) semaphore(%arg19 : memref<!tpu.dma_semaphore, #tpu.memory_space<semaphore_mem>>) {add = true}
      %dma_start3A_628 = arith.constant 3 : i32
      %dma_start3A_629 = arith.constant 384 : i32
      %dma_start3A_630 = arith.constant 0 : i32
      %dma_start3A_631 = tpu.memref_slice %arg15[%dma_start3A_629, %dma_start3A_630] : memref<512x16xf32, #tpu.memory_space<vmem>> -> memref<128x16xf32, #tpu.memory_space<vmem>>
      %dma_start3A_632 = arith.constant 0 : i32
      %dma_start3A_633 = tpu.memref_slice %arg13[%dma_start3A_628, %dma_start3A_632] : memref<4x128xi32, #tpu.memory_space<vmem>> -> memref<1x128xi32, #tpu.memory_space<vmem>>
      %dma_start3A_634 = tpu.memref_squeeze %dma_start3A_633 : memref<1x128xi32, #tpu.memory_space<vmem>> -> memref<128xi32, #tpu.memory_space<vmem>>
      %dma_start3A_635 = arith.constant 0 : i32
      %dma_start3A_636 = arith.constant 0 : i32
      %dma_start3A_637 = tpu.memref_slice %arg17[%dma_start3A_635, %dma_start3A_636] : memref<100096x16xf32, #tpu.memory_space<vmem_shared>> -> memref<100096x16xf32, #tpu.memory_space<vmem_shared>>
      tpu.enqueue_indirect_dma source(%dma_start3A_631 : memref<128x16xf32, #tpu.memory_space<vmem>>) target(%dma_start3A_637 : memref<100096x16xf32, #tpu.memory_space<vmem_shared>>) offsets(%dma_start3A_634 : memref<128xi32, #tpu.memory_space<vmem>>) semaphore(%arg19 : memref<!tpu.dma_semaphore, #tpu.memory_space<semaphore_mem>>) {add = true}
      %mul3A_638 = arith.constant 4 : i32
      %mul3A_639 = arith.muli %scan3A_138, %mul3A_638 : i32
      %add3A_640 = arith.constant 3 : i32
      %add3A_641 = arith.addi %mul3A_639, %add3A_640 : i32
      %dma_wait3A_642 = arith.constant 0 : i32
      %dma_wait3A_643 = arith.constant 0 : i32
      %dma_wait3A_644 = tpu.memref_slice %arg16[%dma_wait3A_642, %dma_wait3A_643] : memref<512x16xf32, #tpu.memory_space<vmem>> -> memref<128x16xf32, #tpu.memory_space<vmem>>
      %dma_wait3A_645 = arith.constant 0 : i32
      %dma_wait3A_646 = arith.constant 0 : i32
      %dma_wait3A_647 = tpu.memref_slice %arg5[%dma_wait3A_645, %dma_wait3A_646] : memref<100096x16xf32, #tpu.memory_space<hbm>> -> memref<128x16xf32, #tpu.memory_space<hbm>>
      %dma_wait3A_648 = arith.constant 0 : i32
      %dma_wait3A_649 = arith.constant 0 : i32
      %dma_wait3A_650 = tpu.memref_slice %arg16[%dma_wait3A_648, %dma_wait3A_649] : memref<512x16xf32, #tpu.memory_space<vmem>> -> memref<128x16xf32, #tpu.memory_space<vmem>>
      %dma_wait3A_651 = arith.constant 0 : i32
      %dma_wait3A_652 = arith.constant 0 : i32
      %dma_wait3A_653 = tpu.memref_slice %arg5[%dma_wait3A_651, %dma_wait3A_652] : memref<100096x16xf32, #tpu.memory_space<hbm>> -> memref<128x16xf32, #tpu.memory_space<hbm>>
      tpu.wait_dma2 semaphore(%arg20 : memref<!tpu.dma_semaphore, #tpu.memory_space<semaphore_mem>>) src(%dma_wait3A_653 : memref<128x16xf32, #tpu.memory_space<hbm>>) dst(%dma_wait3A_650 : memref<128x16xf32, #tpu.memory_space<vmem>>)
      %dma_wait3A_654 = arith.constant 0 : i32
      %dma_wait3A_655 = arith.constant 0 : i32
      %dma_wait3A_656 = tpu.memref_slice %arg16[%dma_wait3A_654, %dma_wait3A_655] : memref<512x16xf32, #tpu.memory_space<vmem>> -> memref<128x16xf32, #tpu.memory_space<vmem>>
      %dma_wait3A_657 = arith.constant 0 : i32
      %dma_wait3A_658 = arith.constant 0 : i32
      %dma_wait3A_659 = tpu.memref_slice %arg5[%dma_wait3A_657, %dma_wait3A_658] : memref<100096x16xf32, #tpu.memory_space<hbm>> -> memref<128x16xf32, #tpu.memory_space<hbm>>
      %dma_wait3A_660 = arith.constant 0 : i32
      %dma_wait3A_661 = arith.constant 0 : i32
      %dma_wait3A_662 = tpu.memref_slice %arg16[%dma_wait3A_660, %dma_wait3A_661] : memref<512x16xf32, #tpu.memory_space<vmem>> -> memref<128x16xf32, #tpu.memory_space<vmem>>
      %dma_wait3A_663 = arith.constant 0 : i32
      %dma_wait3A_664 = arith.constant 0 : i32
      %dma_wait3A_665 = tpu.memref_slice %arg5[%dma_wait3A_663, %dma_wait3A_664] : memref<100096x16xf32, #tpu.memory_space<hbm>> -> memref<128x16xf32, #tpu.memory_space<hbm>>
      tpu.wait_dma2 semaphore(%arg20 : memref<!tpu.dma_semaphore, #tpu.memory_space<semaphore_mem>>) src(%dma_wait3A_665 : memref<128x16xf32, #tpu.memory_space<hbm>>) dst(%dma_wait3A_662 : memref<128x16xf32, #tpu.memory_space<vmem>>)
      %dma_wait3A_666 = arith.constant 0 : i32
      %dma_wait3A_667 = arith.constant 0 : i32
      %dma_wait3A_668 = tpu.memref_slice %arg16[%dma_wait3A_666, %dma_wait3A_667] : memref<512x16xf32, #tpu.memory_space<vmem>> -> memref<128x16xf32, #tpu.memory_space<vmem>>
      %dma_wait3A_669 = arith.constant 0 : i32
      %dma_wait3A_670 = arith.constant 0 : i32
      %dma_wait3A_671 = tpu.memref_slice %arg5[%dma_wait3A_669, %dma_wait3A_670] : memref<100096x16xf32, #tpu.memory_space<hbm>> -> memref<128x16xf32, #tpu.memory_space<hbm>>
      %dma_wait3A_672 = arith.constant 0 : i32
      %dma_wait3A_673 = arith.constant 0 : i32
      %dma_wait3A_674 = tpu.memref_slice %arg16[%dma_wait3A_672, %dma_wait3A_673] : memref<512x16xf32, #tpu.memory_space<vmem>> -> memref<128x16xf32, #tpu.memory_space<vmem>>
      %dma_wait3A_675 = arith.constant 0 : i32
      %dma_wait3A_676 = arith.constant 0 : i32
      %dma_wait3A_677 = tpu.memref_slice %arg5[%dma_wait3A_675, %dma_wait3A_676] : memref<100096x16xf32, #tpu.memory_space<hbm>> -> memref<128x16xf32, #tpu.memory_space<hbm>>
      tpu.wait_dma2 semaphore(%arg20 : memref<!tpu.dma_semaphore, #tpu.memory_space<semaphore_mem>>) src(%dma_wait3A_677 : memref<128x16xf32, #tpu.memory_space<hbm>>) dst(%dma_wait3A_674 : memref<128x16xf32, #tpu.memory_space<vmem>>)
      %dma_wait3A_678 = arith.constant 0 : i32
      %dma_wait3A_679 = arith.constant 0 : i32
      %dma_wait3A_680 = tpu.memref_slice %arg16[%dma_wait3A_678, %dma_wait3A_679] : memref<512x16xf32, #tpu.memory_space<vmem>> -> memref<128x16xf32, #tpu.memory_space<vmem>>
      %dma_wait3A_681 = arith.constant 0 : i32
      %dma_wait3A_682 = arith.constant 0 : i32
      %dma_wait3A_683 = tpu.memref_slice %arg5[%dma_wait3A_681, %dma_wait3A_682] : memref<100096x16xf32, #tpu.memory_space<hbm>> -> memref<128x16xf32, #tpu.memory_space<hbm>>
      %dma_wait3A_684 = arith.constant 0 : i32
      %dma_wait3A_685 = arith.constant 0 : i32
      %dma_wait3A_686 = tpu.memref_slice %arg16[%dma_wait3A_684, %dma_wait3A_685] : memref<512x16xf32, #tpu.memory_space<vmem>> -> memref<128x16xf32, #tpu.memory_space<vmem>>
      %dma_wait3A_687 = arith.constant 0 : i32
      %dma_wait3A_688 = arith.constant 0 : i32
      %dma_wait3A_689 = tpu.memref_slice %arg5[%dma_wait3A_687, %dma_wait3A_688] : memref<100096x16xf32, #tpu.memory_space<hbm>> -> memref<128x16xf32, #tpu.memory_space<hbm>>
      tpu.wait_dma2 semaphore(%arg20 : memref<!tpu.dma_semaphore, #tpu.memory_space<semaphore_mem>>) src(%dma_wait3A_689 : memref<128x16xf32, #tpu.memory_space<hbm>>) dst(%dma_wait3A_686 : memref<128x16xf32, #tpu.memory_space<vmem>>)
      %lt3A_690 = arith.constant 48 : i32
      %lt3A_691 = arith.cmpi slt, %scan3A_138, %lt3A_690 : i32
      %convert_element_type3A_692 = arith.extui %lt3A_691 : i1 to i32
      %cond3A_693 = arith.constant 0 : i32
      %cond3A_694 = arith.cmpi ne, %convert_element_type3A_692, %cond3A_693 : i32
      scf.if %cond3A_694 {
        %add3A_827 = arith.constant 2 : i32
        %add3A_828 = arith.addi %add3A_641, %add3A_827 : i32
        %mul3A_829 = arith.constant 4 : i32
        %mul3A_830 = arith.muli %add3A_828, %mul3A_829 : i32
        %add3A_831 = arith.addi %add3A, %mul3A_830 : i32
        %dma_start3A_832 = arith.constant 0 : i32
        %dma_start3A_833 = tpu.memref_slice %arg3[%add3A_831, %dma_start3A_832] : memref<25088x128xi32, #tpu.memory_space<hbm>> -> memref<4x128xi32, #tpu.memory_space<hbm>>
        %dma_start3A_834 = arith.constant 0 : i32
        %dma_start3A_835 = tpu.memref_slice %arg3[%add3A_831, %dma_start3A_834] : memref<25088x128xi32, #tpu.memory_space<hbm>> -> memref<4x128xi32, #tpu.memory_space<hbm>>
        tpu.enqueue_dma source(%dma_start3A_835 : memref<4x128xi32, #tpu.memory_space<hbm>>) target(%arg8 : memref<4x128xi32, #tpu.memory_space<vmem>>) target_semaphore(%arg21 : memref<!tpu.dma_semaphore, #tpu.memory_space<semaphore_mem>>)
        %mul3A_836 = arith.constant 4 : i32
        %mul3A_837 = arith.muli %add3A_828, %mul3A_836 : i32
        %add3A_838 = arith.addi %mul3A_6, %mul3A_837 : i32
        %dma_start3A_839 = arith.constant 0 : i32
        %dma_start3A_840 = tpu.memref_slice %arg4[%add3A_838, %dma_start3A_839] : memref<12544x128xi32, #tpu.memory_space<hbm>> -> memref<4x128xi32, #tpu.memory_space<hbm>>
        %dma_start3A_841 = arith.constant 0 : i32
        %dma_start3A_842 = tpu.memref_slice %arg4[%add3A_838, %dma_start3A_841] : memref<12544x128xi32, #tpu.memory_space<hbm>> -> memref<4x128xi32, #tpu.memory_space<hbm>>
        tpu.enqueue_dma source(%dma_start3A_842 : memref<4x128xi32, #tpu.memory_space<hbm>>) target(%arg12 : memref<4x128xi32, #tpu.memory_space<vmem>>) target_semaphore(%arg21 : memref<!tpu.dma_semaphore, #tpu.memory_space<semaphore_mem>>)
      } else {
      }
      %dma_wait3A_695 = arith.constant 0 : i32
      %dma_wait3A_696 = arith.constant 0 : i32
      %dma_wait3A_697 = tpu.memref_slice %arg3[%dma_wait3A_695, %dma_wait3A_696] : memref<25088x128xi32, #tpu.memory_space<hbm>> -> memref<4x128xi32, #tpu.memory_space<hbm>>
      %dma_wait3A_698 = arith.constant 0 : i32
      %dma_wait3A_699 = arith.constant 0 : i32
      %dma_wait3A_700 = tpu.memref_slice %arg3[%dma_wait3A_698, %dma_wait3A_699] : memref<25088x128xi32, #tpu.memory_space<hbm>> -> memref<4x128xi32, #tpu.memory_space<hbm>>
      tpu.wait_dma2 semaphore(%arg21 : memref<!tpu.dma_semaphore, #tpu.memory_space<semaphore_mem>>) src(%dma_wait3A_700 : memref<4x128xi32, #tpu.memory_space<hbm>>) dst(%arg10 : memref<4x128xi32, #tpu.memory_space<vmem>>)
      %dma_wait3A_701 = arith.constant 0 : i32
      %dma_wait3A_702 = arith.constant 0 : i32
      %dma_wait3A_703 = tpu.memref_slice %arg4[%dma_wait3A_701, %dma_wait3A_702] : memref<12544x128xi32, #tpu.memory_space<hbm>> -> memref<4x128xi32, #tpu.memory_space<hbm>>
      %dma_wait3A_704 = arith.constant 0 : i32
      %dma_wait3A_705 = arith.constant 0 : i32
      %dma_wait3A_706 = tpu.memref_slice %arg4[%dma_wait3A_704, %dma_wait3A_705] : memref<12544x128xi32, #tpu.memory_space<hbm>> -> memref<4x128xi32, #tpu.memory_space<hbm>>
      tpu.wait_dma2 semaphore(%arg21 : memref<!tpu.dma_semaphore, #tpu.memory_space<semaphore_mem>>) src(%dma_wait3A_706 : memref<4x128xi32, #tpu.memory_space<hbm>>) dst(%arg14 : memref<4x128xi32, #tpu.memory_space<vmem>>)
      %dma_start3A_707 = arith.constant 0 : i32
      %dma_start3A_708 = arith.constant 0 : i32
      %dma_start3A_709 = arith.constant 0 : i32
      %dma_start3A_710 = tpu.memref_slice %arg16[%dma_start3A_708, %dma_start3A_709] : memref<512x16xf32, #tpu.memory_space<vmem>> -> memref<128x16xf32, #tpu.memory_space<vmem>>
      %dma_start3A_711 = arith.constant 0 : i32
      %dma_start3A_712 = tpu.memref_slice %arg10[%dma_start3A_707, %dma_start3A_711] : memref<4x128xi32, #tpu.memory_space<vmem>> -> memref<1x128xi32, #tpu.memory_space<vmem>>
      %dma_start3A_713 = tpu.memref_squeeze %dma_start3A_712 : memref<1x128xi32, #tpu.memory_space<vmem>> -> memref<128xi32, #tpu.memory_space<vmem>>
      %dma_start3A_714 = arith.constant 0 : i32
      %dma_start3A_715 = arith.constant 0 : i32
      %dma_start3A_716 = tpu.memref_slice %arg2[%dma_start3A_714, %dma_start3A_715] : memref<200192x16xf32, #tpu.memory_space<hbm>> -> memref<200192x16xf32, #tpu.memory_space<hbm>>
      tpu.enqueue_indirect_dma source(%dma_start3A_716 : memref<200192x16xf32, #tpu.memory_space<hbm>>) target(%dma_start3A_710 : memref<128x16xf32, #tpu.memory_space<vmem>>) offsets(%dma_start3A_713 : memref<128xi32, #tpu.memory_space<vmem>>) semaphore(%arg18 : memref<!tpu.dma_semaphore, #tpu.memory_space<semaphore_mem>>)
      %dma_start3A_717 = arith.constant 1 : i32
      %dma_start3A_718 = arith.constant 128 : i32
      %dma_start3A_719 = arith.constant 0 : i32
      %dma_start3A_720 = tpu.memref_slice %arg16[%dma_start3A_718, %dma_start3A_719] : memref<512x16xf32, #tpu.memory_space<vmem>> -> memref<128x16xf32, #tpu.memory_space<vmem>>
      %dma_start3A_721 = arith.constant 0 : i32
      %dma_start3A_722 = tpu.memref_slice %arg10[%dma_start3A_717, %dma_start3A_721] : memref<4x128xi32, #tpu.memory_space<vmem>> -> memref<1x128xi32, #tpu.memory_space<vmem>>
      %dma_start3A_723 = tpu.memref_squeeze %dma_start3A_722 : memref<1x128xi32, #tpu.memory_space<vmem>> -> memref<128xi32, #tpu.memory_space<vmem>>
      %dma_start3A_724 = arith.constant 0 : i32
      %dma_start3A_725 = arith.constant 0 : i32
      %dma_start3A_726 = tpu.memref_slice %arg2[%dma_start3A_724, %dma_start3A_725] : memref<200192x16xf32, #tpu.memory_space<hbm>> -> memref<200192x16xf32, #tpu.memory_space<hbm>>
      tpu.enqueue_indirect_dma source(%dma_start3A_726 : memref<200192x16xf32, #tpu.memory_space<hbm>>) target(%dma_start3A_720 : memref<128x16xf32, #tpu.memory_space<vmem>>) offsets(%dma_start3A_723 : memref<128xi32, #tpu.memory_space<vmem>>) semaphore(%arg18 : memref<!tpu.dma_semaphore, #tpu.memory_space<semaphore_mem>>)
      %dma_start3A_727 = arith.constant 2 : i32
      %dma_start3A_728 = arith.constant 256 : i32
      %dma_start3A_729 = arith.constant 0 : i32
      %dma_start3A_730 = tpu.memref_slice %arg16[%dma_start3A_728, %dma_start3A_729] : memref<512x16xf32, #tpu.memory_space<vmem>> -> memref<128x16xf32, #tpu.memory_space<vmem>>
      %dma_start3A_731 = arith.constant 0 : i32
      %dma_start3A_732 = tpu.memref_slice %arg10[%dma_start3A_727, %dma_start3A_731] : memref<4x128xi32, #tpu.memory_space<vmem>> -> memref<1x128xi32, #tpu.memory_space<vmem>>
      %dma_start3A_733 = tpu.memref_squeeze %dma_start3A_732 : memref<1x128xi32, #tpu.memory_space<vmem>> -> memref<128xi32, #tpu.memory_space<vmem>>
      %dma_start3A_734 = arith.constant 0 : i32
      %dma_start3A_735 = arith.constant 0 : i32
      %dma_start3A_736 = tpu.memref_slice %arg2[%dma_start3A_734, %dma_start3A_735] : memref<200192x16xf32, #tpu.memory_space<hbm>> -> memref<200192x16xf32, #tpu.memory_space<hbm>>
      tpu.enqueue_indirect_dma source(%dma_start3A_736 : memref<200192x16xf32, #tpu.memory_space<hbm>>) target(%dma_start3A_730 : memref<128x16xf32, #tpu.memory_space<vmem>>) offsets(%dma_start3A_733 : memref<128xi32, #tpu.memory_space<vmem>>) semaphore(%arg18 : memref<!tpu.dma_semaphore, #tpu.memory_space<semaphore_mem>>)
      %dma_start3A_737 = arith.constant 3 : i32
      %dma_start3A_738 = arith.constant 384 : i32
      %dma_start3A_739 = arith.constant 0 : i32
      %dma_start3A_740 = tpu.memref_slice %arg16[%dma_start3A_738, %dma_start3A_739] : memref<512x16xf32, #tpu.memory_space<vmem>> -> memref<128x16xf32, #tpu.memory_space<vmem>>
      %dma_start3A_741 = arith.constant 0 : i32
      %dma_start3A_742 = tpu.memref_slice %arg10[%dma_start3A_737, %dma_start3A_741] : memref<4x128xi32, #tpu.memory_space<vmem>> -> memref<1x128xi32, #tpu.memory_space<vmem>>
      %dma_start3A_743 = tpu.memref_squeeze %dma_start3A_742 : memref<1x128xi32, #tpu.memory_space<vmem>> -> memref<128xi32, #tpu.memory_space<vmem>>
      %dma_start3A_744 = arith.constant 0 : i32
      %dma_start3A_745 = arith.constant 0 : i32
      %dma_start3A_746 = tpu.memref_slice %arg2[%dma_start3A_744, %dma_start3A_745] : memref<200192x16xf32, #tpu.memory_space<hbm>> -> memref<200192x16xf32, #tpu.memory_space<hbm>>
      tpu.enqueue_indirect_dma source(%dma_start3A_746 : memref<200192x16xf32, #tpu.memory_space<hbm>>) target(%dma_start3A_740 : memref<128x16xf32, #tpu.memory_space<vmem>>) offsets(%dma_start3A_743 : memref<128xi32, #tpu.memory_space<vmem>>) semaphore(%arg18 : memref<!tpu.dma_semaphore, #tpu.memory_space<semaphore_mem>>)
      %dma_wait3A_747 = arith.constant 0 : i32
      %dma_wait3A_748 = arith.constant 0 : i32
      %dma_wait3A_749 = arith.constant 0 : i32
      %dma_wait3A_750 = tpu.memref_slice %arg16[%dma_wait3A_748, %dma_wait3A_749] : memref<512x16xf32, #tpu.memory_space<vmem>> -> memref<128x16xf32, #tpu.memory_space<vmem>>
      %dma_wait3A_751 = arith.constant 0 : i32
      %dma_wait3A_752 = tpu.memref_slice %arg10[%dma_wait3A_747, %dma_wait3A_751] : memref<4x128xi32, #tpu.memory_space<vmem>> -> memref<1x128xi32, #tpu.memory_space<vmem>>
      %dma_wait3A_753 = tpu.memref_squeeze %dma_wait3A_752 : memref<1x128xi32, #tpu.memory_space<vmem>> -> memref<128xi32, #tpu.memory_space<vmem>>
      %dma_wait3A_754 = arith.constant 0 : i32
      %dma_wait3A_755 = arith.constant 0 : i32
      %dma_wait3A_756 = tpu.memref_slice %arg2[%dma_wait3A_754, %dma_wait3A_755] : memref<200192x16xf32, #tpu.memory_space<hbm>> -> memref<200192x16xf32, #tpu.memory_space<hbm>>
      tpu.wait_indirect_dma semaphore(%arg18 : memref<!tpu.dma_semaphore, #tpu.memory_space<semaphore_mem>>) src(%dma_wait3A_756 : memref<200192x16xf32, #tpu.memory_space<hbm>>) dst(%dma_wait3A_750 : memref<128x16xf32, #tpu.memory_space<vmem>>)
      %dma_wait3A_757 = arith.constant 1 : i32
      %dma_wait3A_758 = arith.constant 128 : i32
      %dma_wait3A_759 = arith.constant 0 : i32
      %dma_wait3A_760 = tpu.memref_slice %arg16[%dma_wait3A_758, %dma_wait3A_759] : memref<512x16xf32, #tpu.memory_space<vmem>> -> memref<128x16xf32, #tpu.memory_space<vmem>>
      %dma_wait3A_761 = arith.constant 0 : i32
      %dma_wait3A_762 = tpu.memref_slice %arg10[%dma_wait3A_757, %dma_wait3A_761] : memref<4x128xi32, #tpu.memory_space<vmem>> -> memref<1x128xi32, #tpu.memory_space<vmem>>
      %dma_wait3A_763 = tpu.memref_squeeze %dma_wait3A_762 : memref<1x128xi32, #tpu.memory_space<vmem>> -> memref<128xi32, #tpu.memory_space<vmem>>
      %dma_wait3A_764 = arith.constant 0 : i32
      %dma_wait3A_765 = arith.constant 0 : i32
      %dma_wait3A_766 = tpu.memref_slice %arg2[%dma_wait3A_764, %dma_wait3A_765] : memref<200192x16xf32, #tpu.memory_space<hbm>> -> memref<200192x16xf32, #tpu.memory_space<hbm>>
      tpu.wait_indirect_dma semaphore(%arg18 : memref<!tpu.dma_semaphore, #tpu.memory_space<semaphore_mem>>) src(%dma_wait3A_766 : memref<200192x16xf32, #tpu.memory_space<hbm>>) dst(%dma_wait3A_760 : memref<128x16xf32, #tpu.memory_space<vmem>>)
      %dma_wait3A_767 = arith.constant 2 : i32
      %dma_wait3A_768 = arith.constant 256 : i32
      %dma_wait3A_769 = arith.constant 0 : i32
      %dma_wait3A_770 = tpu.memref_slice %arg16[%dma_wait3A_768, %dma_wait3A_769] : memref<512x16xf32, #tpu.memory_space<vmem>> -> memref<128x16xf32, #tpu.memory_space<vmem>>
      %dma_wait3A_771 = arith.constant 0 : i32
      %dma_wait3A_772 = tpu.memref_slice %arg10[%dma_wait3A_767, %dma_wait3A_771] : memref<4x128xi32, #tpu.memory_space<vmem>> -> memref<1x128xi32, #tpu.memory_space<vmem>>
      %dma_wait3A_773 = tpu.memref_squeeze %dma_wait3A_772 : memref<1x128xi32, #tpu.memory_space<vmem>> -> memref<128xi32, #tpu.memory_space<vmem>>
      %dma_wait3A_774 = arith.constant 0 : i32
      %dma_wait3A_775 = arith.constant 0 : i32
      %dma_wait3A_776 = tpu.memref_slice %arg2[%dma_wait3A_774, %dma_wait3A_775] : memref<200192x16xf32, #tpu.memory_space<hbm>> -> memref<200192x16xf32, #tpu.memory_space<hbm>>
      tpu.wait_indirect_dma semaphore(%arg18 : memref<!tpu.dma_semaphore, #tpu.memory_space<semaphore_mem>>) src(%dma_wait3A_776 : memref<200192x16xf32, #tpu.memory_space<hbm>>) dst(%dma_wait3A_770 : memref<128x16xf32, #tpu.memory_space<vmem>>)
      %dma_wait3A_777 = arith.constant 3 : i32
      %dma_wait3A_778 = arith.constant 384 : i32
      %dma_wait3A_779 = arith.constant 0 : i32
      %dma_wait3A_780 = tpu.memref_slice %arg16[%dma_wait3A_778, %dma_wait3A_779] : memref<512x16xf32, #tpu.memory_space<vmem>> -> memref<128x16xf32, #tpu.memory_space<vmem>>
      %dma_wait3A_781 = arith.constant 0 : i32
      %dma_wait3A_782 = tpu.memref_slice %arg10[%dma_wait3A_777, %dma_wait3A_781] : memref<4x128xi32, #tpu.memory_space<vmem>> -> memref<1x128xi32, #tpu.memory_space<vmem>>
      %dma_wait3A_783 = tpu.memref_squeeze %dma_wait3A_782 : memref<1x128xi32, #tpu.memory_space<vmem>> -> memref<128xi32, #tpu.memory_space<vmem>>
      %dma_wait3A_784 = arith.constant 0 : i32
      %dma_wait3A_785 = arith.constant 0 : i32
      %dma_wait3A_786 = tpu.memref_slice %arg2[%dma_wait3A_784, %dma_wait3A_785] : memref<200192x16xf32, #tpu.memory_space<hbm>> -> memref<200192x16xf32, #tpu.memory_space<hbm>>
      tpu.wait_indirect_dma semaphore(%arg18 : memref<!tpu.dma_semaphore, #tpu.memory_space<semaphore_mem>>) src(%dma_wait3A_786 : memref<200192x16xf32, #tpu.memory_space<hbm>>) dst(%dma_wait3A_780 : memref<128x16xf32, #tpu.memory_space<vmem>>)
      %dma_start3A_787 = arith.constant 0 : i32
      %dma_start3A_788 = arith.constant 0 : i32
      %dma_start3A_789 = arith.constant 0 : i32
      %dma_start3A_790 = tpu.memref_slice %arg16[%dma_start3A_788, %dma_start3A_789] : memref<512x16xf32, #tpu.memory_space<vmem>> -> memref<128x16xf32, #tpu.memory_space<vmem>>
      %dma_start3A_791 = arith.constant 0 : i32
      %dma_start3A_792 = tpu.memref_slice %arg14[%dma_start3A_787, %dma_start3A_791] : memref<4x128xi32, #tpu.memory_space<vmem>> -> memref<1x128xi32, #tpu.memory_space<vmem>>
      %dma_start3A_793 = tpu.memref_squeeze %dma_start3A_792 : memref<1x128xi32, #tpu.memory_space<vmem>> -> memref<128xi32, #tpu.memory_space<vmem>>
      %dma_start3A_794 = arith.constant 0 : i32
      %dma_start3A_795 = arith.constant 0 : i32
      %dma_start3A_796 = tpu.memref_slice %arg17[%dma_start3A_794, %dma_start3A_795] : memref<100096x16xf32, #tpu.memory_space<vmem_shared>> -> memref<100096x16xf32, #tpu.memory_space<vmem_shared>>
      tpu.enqueue_indirect_dma source(%dma_start3A_790 : memref<128x16xf32, #tpu.memory_space<vmem>>) target(%dma_start3A_796 : memref<100096x16xf32, #tpu.memory_space<vmem_shared>>) offsets(%dma_start3A_793 : memref<128xi32, #tpu.memory_space<vmem>>) semaphore(%arg20 : memref<!tpu.dma_semaphore, #tpu.memory_space<semaphore_mem>>) {add = true}
      %dma_start3A_797 = arith.constant 1 : i32
      %dma_start3A_798 = arith.constant 128 : i32
      %dma_start3A_799 = arith.constant 0 : i32
      %dma_start3A_800 = tpu.memref_slice %arg16[%dma_start3A_798, %dma_start3A_799] : memref<512x16xf32, #tpu.memory_space<vmem>> -> memref<128x16xf32, #tpu.memory_space<vmem>>
      %dma_start3A_801 = arith.constant 0 : i32
      %dma_start3A_802 = tpu.memref_slice %arg14[%dma_start3A_797, %dma_start3A_801] : memref<4x128xi32, #tpu.memory_space<vmem>> -> memref<1x128xi32, #tpu.memory_space<vmem>>
      %dma_start3A_803 = tpu.memref_squeeze %dma_start3A_802 : memref<1x128xi32, #tpu.memory_space<vmem>> -> memref<128xi32, #tpu.memory_space<vmem>>
      %dma_start3A_804 = arith.constant 0 : i32
      %dma_start3A_805 = arith.constant 0 : i32
      %dma_start3A_806 = tpu.memref_slice %arg17[%dma_start3A_804, %dma_start3A_805] : memref<100096x16xf32, #tpu.memory_space<vmem_shared>> -> memref<100096x16xf32, #tpu.memory_space<vmem_shared>>
      tpu.enqueue_indirect_dma source(%dma_start3A_800 : memref<128x16xf32, #tpu.memory_space<vmem>>) target(%dma_start3A_806 : memref<100096x16xf32, #tpu.memory_space<vmem_shared>>) offsets(%dma_start3A_803 : memref<128xi32, #tpu.memory_space<vmem>>) semaphore(%arg20 : memref<!tpu.dma_semaphore, #tpu.memory_space<semaphore_mem>>) {add = true}
      %dma_start3A_807 = arith.constant 2 : i32
      %dma_start3A_808 = arith.constant 256 : i32
      %dma_start3A_809 = arith.constant 0 : i32
      %dma_start3A_810 = tpu.memref_slice %arg16[%dma_start3A_808, %dma_start3A_809] : memref<512x16xf32, #tpu.memory_space<vmem>> -> memref<128x16xf32, #tpu.memory_space<vmem>>
      %dma_start3A_811 = arith.constant 0 : i32
      %dma_start3A_812 = tpu.memref_slice %arg14[%dma_start3A_807, %dma_start3A_811] : memref<4x128xi32, #tpu.memory_space<vmem>> -> memref<1x128xi32, #tpu.memory_space<vmem>>
      %dma_start3A_813 = tpu.memref_squeeze %dma_start3A_812 : memref<1x128xi32, #tpu.memory_space<vmem>> -> memref<128xi32, #tpu.memory_space<vmem>>
      %dma_start3A_814 = arith.constant 0 : i32
      %dma_start3A_815 = arith.constant 0 : i32
      %dma_start3A_816 = tpu.memref_slice %arg17[%dma_start3A_814, %dma_start3A_815] : memref<100096x16xf32, #tpu.memory_space<vmem_shared>> -> memref<100096x16xf32, #tpu.memory_space<vmem_shared>>
      tpu.enqueue_indirect_dma source(%dma_start3A_810 : memref<128x16xf32, #tpu.memory_space<vmem>>) target(%dma_start3A_816 : memref<100096x16xf32, #tpu.memory_space<vmem_shared>>) offsets(%dma_start3A_813 : memref<128xi32, #tpu.memory_space<vmem>>) semaphore(%arg20 : memref<!tpu.dma_semaphore, #tpu.memory_space<semaphore_mem>>) {add = true}
      %dma_start3A_817 = arith.constant 3 : i32
      %dma_start3A_818 = arith.constant 384 : i32
      %dma_start3A_819 = arith.constant 0 : i32
      %dma_start3A_820 = tpu.memref_slice %arg16[%dma_start3A_818, %dma_start3A_819] : memref<512x16xf32, #tpu.memory_space<vmem>> -> memref<128x16xf32, #tpu.memory_space<vmem>>
      %dma_start3A_821 = arith.constant 0 : i32
      %dma_start3A_822 = tpu.memref_slice %arg14[%dma_start3A_817, %dma_start3A_821] : memref<4x128xi32, #tpu.memory_space<vmem>> -> memref<1x128xi32, #tpu.memory_space<vmem>>
      %dma_start3A_823 = tpu.memref_squeeze %dma_start3A_822 : memref<1x128xi32, #tpu.memory_space<vmem>> -> memref<128xi32, #tpu.memory_space<vmem>>
      %dma_start3A_824 = arith.constant 0 : i32
      %dma_start3A_825 = arith.constant 0 : i32
      %dma_start3A_826 = tpu.memref_slice %arg17[%dma_start3A_824, %dma_start3A_825] : memref<100096x16xf32, #tpu.memory_space<vmem_shared>> -> memref<100096x16xf32, #tpu.memory_space<vmem_shared>>
      tpu.enqueue_indirect_dma source(%dma_start3A_820 : memref<128x16xf32, #tpu.memory_space<vmem>>) target(%dma_start3A_826 : memref<100096x16xf32, #tpu.memory_space<vmem_shared>>) offsets(%dma_start3A_823 : memref<128xi32, #tpu.memory_space<vmem>>) semaphore(%arg20 : memref<!tpu.dma_semaphore, #tpu.memory_space<semaphore_mem>>) {add = true}
    }
    %scan3A_34 = arith.constant 49 : i32
    %dma_wait3A = arith.constant 0 : i32
    %dma_wait3A_35 = arith.constant 0 : i32
    %dma_wait3A_36 = tpu.memref_slice %arg15[%dma_wait3A, %dma_wait3A_35] : memref<512x16xf32, #tpu.memory_space<vmem>> -> memref<128x16xf32, #tpu.memory_space<vmem>>
    %dma_wait3A_37 = arith.constant 0 : i32
    %dma_wait3A_38 = arith.constant 0 : i32
    %dma_wait3A_39 = tpu.memref_slice %arg5[%dma_wait3A_37, %dma_wait3A_38] : memref<100096x16xf32, #tpu.memory_space<hbm>> -> memref<128x16xf32, #tpu.memory_space<hbm>>
    %dma_wait3A_40 = arith.constant 0 : i32
    %dma_wait3A_41 = arith.constant 0 : i32
    %dma_wait3A_42 = tpu.memref_slice %arg15[%dma_wait3A_40, %dma_wait3A_41] : memref<512x16xf32, #tpu.memory_space<vmem>> -> memref<128x16xf32, #tpu.memory_space<vmem>>
    %dma_wait3A_43 = arith.constant 0 : i32
    %dma_wait3A_44 = arith.constant 0 : i32
    %dma_wait3A_45 = tpu.memref_slice %arg5[%dma_wait3A_43, %dma_wait3A_44] : memref<100096x16xf32, #tpu.memory_space<hbm>> -> memref<128x16xf32, #tpu.memory_space<hbm>>
    tpu.wait_dma2 semaphore(%arg19 : memref<!tpu.dma_semaphore, #tpu.memory_space<semaphore_mem>>) src(%dma_wait3A_45 : memref<128x16xf32, #tpu.memory_space<hbm>>) dst(%dma_wait3A_42 : memref<128x16xf32, #tpu.memory_space<vmem>>)
    %dma_wait3A_46 = arith.constant 0 : i32
    %dma_wait3A_47 = arith.constant 0 : i32
    %dma_wait3A_48 = tpu.memref_slice %arg15[%dma_wait3A_46, %dma_wait3A_47] : memref<512x16xf32, #tpu.memory_space<vmem>> -> memref<128x16xf32, #tpu.memory_space<vmem>>
    %dma_wait3A_49 = arith.constant 0 : i32
    %dma_wait3A_50 = arith.constant 0 : i32
    %dma_wait3A_51 = tpu.memref_slice %arg5[%dma_wait3A_49, %dma_wait3A_50] : memref<100096x16xf32, #tpu.memory_space<hbm>> -> memref<128x16xf32, #tpu.memory_space<hbm>>
    %dma_wait3A_52 = arith.constant 0 : i32
    %dma_wait3A_53 = arith.constant 0 : i32
    %dma_wait3A_54 = tpu.memref_slice %arg15[%dma_wait3A_52, %dma_wait3A_53] : memref<512x16xf32, #tpu.memory_space<vmem>> -> memref<128x16xf32, #tpu.memory_space<vmem>>
    %dma_wait3A_55 = arith.constant 0 : i32
    %dma_wait3A_56 = arith.constant 0 : i32
    %dma_wait3A_57 = tpu.memref_slice %arg5[%dma_wait3A_55, %dma_wait3A_56] : memref<100096x16xf32, #tpu.memory_space<hbm>> -> memref<128x16xf32, #tpu.memory_space<hbm>>
    tpu.wait_dma2 semaphore(%arg19 : memref<!tpu.dma_semaphore, #tpu.memory_space<semaphore_mem>>) src(%dma_wait3A_57 : memref<128x16xf32, #tpu.memory_space<hbm>>) dst(%dma_wait3A_54 : memref<128x16xf32, #tpu.memory_space<vmem>>)
    %dma_wait3A_58 = arith.constant 0 : i32
    %dma_wait3A_59 = arith.constant 0 : i32
    %dma_wait3A_60 = tpu.memref_slice %arg15[%dma_wait3A_58, %dma_wait3A_59] : memref<512x16xf32, #tpu.memory_space<vmem>> -> memref<128x16xf32, #tpu.memory_space<vmem>>
    %dma_wait3A_61 = arith.constant 0 : i32
    %dma_wait3A_62 = arith.constant 0 : i32
    %dma_wait3A_63 = tpu.memref_slice %arg5[%dma_wait3A_61, %dma_wait3A_62] : memref<100096x16xf32, #tpu.memory_space<hbm>> -> memref<128x16xf32, #tpu.memory_space<hbm>>
    %dma_wait3A_64 = arith.constant 0 : i32
    %dma_wait3A_65 = arith.constant 0 : i32
    %dma_wait3A_66 = tpu.memref_slice %arg15[%dma_wait3A_64, %dma_wait3A_65] : memref<512x16xf32, #tpu.memory_space<vmem>> -> memref<128x16xf32, #tpu.memory_space<vmem>>
    %dma_wait3A_67 = arith.constant 0 : i32
    %dma_wait3A_68 = arith.constant 0 : i32
    %dma_wait3A_69 = tpu.memref_slice %arg5[%dma_wait3A_67, %dma_wait3A_68] : memref<100096x16xf32, #tpu.memory_space<hbm>> -> memref<128x16xf32, #tpu.memory_space<hbm>>
    tpu.wait_dma2 semaphore(%arg19 : memref<!tpu.dma_semaphore, #tpu.memory_space<semaphore_mem>>) src(%dma_wait3A_69 : memref<128x16xf32, #tpu.memory_space<hbm>>) dst(%dma_wait3A_66 : memref<128x16xf32, #tpu.memory_space<vmem>>)
    %dma_wait3A_70 = arith.constant 0 : i32
    %dma_wait3A_71 = arith.constant 0 : i32
    %dma_wait3A_72 = tpu.memref_slice %arg15[%dma_wait3A_70, %dma_wait3A_71] : memref<512x16xf32, #tpu.memory_space<vmem>> -> memref<128x16xf32, #tpu.memory_space<vmem>>
    %dma_wait3A_73 = arith.constant 0 : i32
    %dma_wait3A_74 = arith.constant 0 : i32
    %dma_wait3A_75 = tpu.memref_slice %arg5[%dma_wait3A_73, %dma_wait3A_74] : memref<100096x16xf32, #tpu.memory_space<hbm>> -> memref<128x16xf32, #tpu.memory_space<hbm>>
    %dma_wait3A_76 = arith.constant 0 : i32
    %dma_wait3A_77 = arith.constant 0 : i32
    %dma_wait3A_78 = tpu.memref_slice %arg15[%dma_wait3A_76, %dma_wait3A_77] : memref<512x16xf32, #tpu.memory_space<vmem>> -> memref<128x16xf32, #tpu.memory_space<vmem>>
    %dma_wait3A_79 = arith.constant 0 : i32
    %dma_wait3A_80 = arith.constant 0 : i32
    %dma_wait3A_81 = tpu.memref_slice %arg5[%dma_wait3A_79, %dma_wait3A_80] : memref<100096x16xf32, #tpu.memory_space<hbm>> -> memref<128x16xf32, #tpu.memory_space<hbm>>
    tpu.wait_dma2 semaphore(%arg19 : memref<!tpu.dma_semaphore, #tpu.memory_space<semaphore_mem>>) src(%dma_wait3A_81 : memref<128x16xf32, #tpu.memory_space<hbm>>) dst(%dma_wait3A_78 : memref<128x16xf32, #tpu.memory_space<vmem>>)
    %dma_wait3A_82 = arith.constant 0 : i32
    %dma_wait3A_83 = arith.constant 0 : i32
    %dma_wait3A_84 = tpu.memref_slice %arg16[%dma_wait3A_82, %dma_wait3A_83] : memref<512x16xf32, #tpu.memory_space<vmem>> -> memref<128x16xf32, #tpu.memory_space<vmem>>
    %dma_wait3A_85 = arith.constant 0 : i32
    %dma_wait3A_86 = arith.constant 0 : i32
    %dma_wait3A_87 = tpu.memref_slice %arg5[%dma_wait3A_85, %dma_wait3A_86] : memref<100096x16xf32, #tpu.memory_space<hbm>> -> memref<128x16xf32, #tpu.memory_space<hbm>>
    %dma_wait3A_88 = arith.constant 0 : i32
    %dma_wait3A_89 = arith.constant 0 : i32
    %dma_wait3A_90 = tpu.memref_slice %arg16[%dma_wait3A_88, %dma_wait3A_89] : memref<512x16xf32, #tpu.memory_space<vmem>> -> memref<128x16xf32, #tpu.memory_space<vmem>>
    %dma_wait3A_91 = arith.constant 0 : i32
    %dma_wait3A_92 = arith.constant 0 : i32
    %dma_wait3A_93 = tpu.memref_slice %arg5[%dma_wait3A_91, %dma_wait3A_92] : memref<100096x16xf32, #tpu.memory_space<hbm>> -> memref<128x16xf32, #tpu.memory_space<hbm>>
    tpu.wait_dma2 semaphore(%arg20 : memref<!tpu.dma_semaphore, #tpu.memory_space<semaphore_mem>>) src(%dma_wait3A_93 : memref<128x16xf32, #tpu.memory_space<hbm>>) dst(%dma_wait3A_90 : memref<128x16xf32, #tpu.memory_space<vmem>>)
    %dma_wait3A_94 = arith.constant 0 : i32
    %dma_wait3A_95 = arith.constant 0 : i32
    %dma_wait3A_96 = tpu.memref_slice %arg16[%dma_wait3A_94, %dma_wait3A_95] : memref<512x16xf32, #tpu.memory_space<vmem>> -> memref<128x16xf32, #tpu.memory_space<vmem>>
    %dma_wait3A_97 = arith.constant 0 : i32
    %dma_wait3A_98 = arith.constant 0 : i32
    %dma_wait3A_99 = tpu.memref_slice %arg5[%dma_wait3A_97, %dma_wait3A_98] : memref<100096x16xf32, #tpu.memory_space<hbm>> -> memref<128x16xf32, #tpu.memory_space<hbm>>
    %dma_wait3A_100 = arith.constant 0 : i32
    %dma_wait3A_101 = arith.constant 0 : i32
    %dma_wait3A_102 = tpu.memref_slice %arg16[%dma_wait3A_100, %dma_wait3A_101] : memref<512x16xf32, #tpu.memory_space<vmem>> -> memref<128x16xf32, #tpu.memory_space<vmem>>
    %dma_wait3A_103 = arith.constant 0 : i32
    %dma_wait3A_104 = arith.constant 0 : i32
    %dma_wait3A_105 = tpu.memref_slice %arg5[%dma_wait3A_103, %dma_wait3A_104] : memref<100096x16xf32, #tpu.memory_space<hbm>> -> memref<128x16xf32, #tpu.memory_space<hbm>>
    tpu.wait_dma2 semaphore(%arg20 : memref<!tpu.dma_semaphore, #tpu.memory_space<semaphore_mem>>) src(%dma_wait3A_105 : memref<128x16xf32, #tpu.memory_space<hbm>>) dst(%dma_wait3A_102 : memref<128x16xf32, #tpu.memory_space<vmem>>)
    %dma_wait3A_106 = arith.constant 0 : i32
    %dma_wait3A_107 = arith.constant 0 : i32
    %dma_wait3A_108 = tpu.memref_slice %arg16[%dma_wait3A_106, %dma_wait3A_107] : memref<512x16xf32, #tpu.memory_space<vmem>> -> memref<128x16xf32, #tpu.memory_space<vmem>>
    %dma_wait3A_109 = arith.constant 0 : i32
    %dma_wait3A_110 = arith.constant 0 : i32
    %dma_wait3A_111 = tpu.memref_slice %arg5[%dma_wait3A_109, %dma_wait3A_110] : memref<100096x16xf32, #tpu.memory_space<hbm>> -> memref<128x16xf32, #tpu.memory_space<hbm>>
    %dma_wait3A_112 = arith.constant 0 : i32
    %dma_wait3A_113 = arith.constant 0 : i32
    %dma_wait3A_114 = tpu.memref_slice %arg16[%dma_wait3A_112, %dma_wait3A_113] : memref<512x16xf32, #tpu.memory_space<vmem>> -> memref<128x16xf32, #tpu.memory_space<vmem>>
    %dma_wait3A_115 = arith.constant 0 : i32
    %dma_wait3A_116 = arith.constant 0 : i32
    %dma_wait3A_117 = tpu.memref_slice %arg5[%dma_wait3A_115, %dma_wait3A_116] : memref<100096x16xf32, #tpu.memory_space<hbm>> -> memref<128x16xf32, #tpu.memory_space<hbm>>
    tpu.wait_dma2 semaphore(%arg20 : memref<!tpu.dma_semaphore, #tpu.memory_space<semaphore_mem>>) src(%dma_wait3A_117 : memref<128x16xf32, #tpu.memory_space<hbm>>) dst(%dma_wait3A_114 : memref<128x16xf32, #tpu.memory_space<vmem>>)
    %dma_wait3A_118 = arith.constant 0 : i32
    %dma_wait3A_119 = arith.constant 0 : i32
    %dma_wait3A_120 = tpu.memref_slice %arg16[%dma_wait3A_118, %dma_wait3A_119] : memref<512x16xf32, #tpu.memory_space<vmem>> -> memref<128x16xf32, #tpu.memory_space<vmem>>
    %dma_wait3A_121 = arith.constant 0 : i32
    %dma_wait3A_122 = arith.constant 0 : i32
    %dma_wait3A_123 = tpu.memref_slice %arg5[%dma_wait3A_121, %dma_wait3A_122] : memref<100096x16xf32, #tpu.memory_space<hbm>> -> memref<128x16xf32, #tpu.memory_space<hbm>>
    %dma_wait3A_124 = arith.constant 0 : i32
    %dma_wait3A_125 = arith.constant 0 : i32
    %dma_wait3A_126 = tpu.memref_slice %arg16[%dma_wait3A_124, %dma_wait3A_125] : memref<512x16xf32, #tpu.memory_space<vmem>> -> memref<128x16xf32, #tpu.memory_space<vmem>>
    %dma_wait3A_127 = arith.constant 0 : i32
    %dma_wait3A_128 = arith.constant 0 : i32
    %dma_wait3A_129 = tpu.memref_slice %arg5[%dma_wait3A_127, %dma_wait3A_128] : memref<100096x16xf32, #tpu.memory_space<hbm>> -> memref<128x16xf32, #tpu.memory_space<hbm>>
    tpu.wait_dma2 semaphore(%arg20 : memref<!tpu.dma_semaphore, #tpu.memory_space<semaphore_mem>>) src(%dma_wait3A_129 : memref<128x16xf32, #tpu.memory_space<hbm>>) dst(%dma_wait3A_126 : memref<128x16xf32, #tpu.memory_space<vmem>>)
    %barrier3A_130 = arith.constant 0 : index
    tpu.barrier barrier_id(%barrier3A_130)
    %mul3A_131 = arith.constant 6256 : i32
    %mul3A_132 = arith.muli %arg1, %mul3A_131 : i32
    %mul3A_133 = arith.constant 100096 : i32
    %mul3A_134 = arith.muli %arg0, %mul3A_133 : i32
    %mul3A_135 = arith.constant 6256 : i32
    %mul3A_136 = arith.muli %arg1, %mul3A_135 : i32
    %add3A_137 = arith.addi %mul3A_134, %mul3A_136 : i32
    "tpu.region"() ({
      %run_scoped3A = tpu.sem_alloc : memref<!tpu.dma_semaphore, #tpu.memory_space<semaphore_mem>>
      %dma_start3A_138 = arith.constant 0 : i32
      %dma_start3A_139 = tpu.memref_slice %arg6[%add3A_137, %dma_start3A_138] : memref<200192x16xf32, #tpu.memory_space<hbm>> -> memref<6256x16xf32, #tpu.memory_space<hbm>>
      %dma_start3A_140 = arith.constant 0 : i32
      %dma_start3A_141 = tpu.memref_slice %arg17[%mul3A_132, %dma_start3A_140] : memref<100096x16xf32, #tpu.memory_space<vmem_shared>> -> memref<6256x16xf32, #tpu.memory_space<vmem_shared>>
      tpu.enqueue_dma source(%dma_start3A_141 : memref<6256x16xf32, #tpu.memory_space<vmem_shared>>) target(%dma_start3A_139 : memref<6256x16xf32, #tpu.memory_space<hbm>>) target_semaphore(%run_scoped3A : memref<!tpu.dma_semaphore, #tpu.memory_space<semaphore_mem>>)
      %dma_wait3A_142 = arith.constant 0 : i32
      %dma_wait3A_143 = tpu.memref_slice %arg6[%add3A_137, %dma_wait3A_142] : memref<200192x16xf32, #tpu.memory_space<hbm>> -> memref<6256x16xf32, #tpu.memory_space<hbm>>
      %dma_wait3A_144 = arith.constant 0 : i32
      %dma_wait3A_145 = tpu.memref_slice %arg17[%mul3A_132, %dma_wait3A_144] : memref<100096x16xf32, #tpu.memory_space<vmem_shared>> -> memref<6256x16xf32, #tpu.memory_space<vmem_shared>>
      tpu.wait_dma2 semaphore(%run_scoped3A : memref<!tpu.dma_semaphore, #tpu.memory_space<semaphore_mem>>) src(%dma_wait3A_145 : memref<6256x16xf32, #tpu.memory_space<vmem_shared>>) dst(%dma_wait3A_143 : memref<6256x16xf32, #tpu.memory_space<hbm>>)
      tpu.yield
    }) : () -> ()
    return
  }
}

module attributes {stable_mosaic.version = 14 : i64} {
  func.func @_combine_mid_body(%arg0: i32, %arg1: i32, %arg2: memref<3128x128xf32, #tpu.memory_space<vmem>>, %arg3: memref<3128x128xf32, #tpu.memory_space<vmem>>, %arg4: memref<3128x128xf32, #tpu.memory_space<vmem>>, %arg5: memref<3128x128xf32, #tpu.memory_space<vmem>>, %arg6: memref<1x512x128xf32, #tpu.memory_space<vmem>>, %arg7: memref<1x1x128xf32, #tpu.memory_space<vmem>>, %arg8: memref<3128x128xf32, #tpu.memory_space<vmem>>) attributes {dimension_semantics = [#tpu.dimension_semantics<arbitrary>, #tpu.dimension_semantics<arbitrary>], iteration_bounds = array<i64: 4, 2>, scalar_prefetch = 0 : i64, scratch_operands = 0 : i64, tpu.core_type = #tpu.core_type<tc>, window_params = [{transform_indices = @transform_0, window_bounds = array<i64: 3128, 128>}, {transform_indices = @transform_1, window_bounds = array<i64: 3128, 128>}, {transform_indices = @transform_2, window_bounds = array<i64: 3128, 128>}, {transform_indices = @transform_3, window_bounds = array<i64: 3128, 128>}, {transform_indices = @transform_4, window_bounds = array<i64: 1, 512, 128>}, {transform_indices = @transform_5, window_bounds = array<i64: 1, 1, 128>}, {transform_indices = @transform_6, window_bounds = array<i64: 3128, 128>}]} {
    %get3A = arith.constant 0 : index
    %get3A_0 = arith.constant 0 : index
    %get3A_1 = arith.constant 0 : index
    %get3A_2 = vector.load %arg6[%get3A, %get3A_0, %get3A_1] : memref<1x512x128xf32, #tpu.memory_space<vmem>>, vector<1x512x128xf32>
    %get3A_3 = vector.shape_cast %get3A_2 : vector<1x512x128xf32> to vector<512x128xf32>
    %get3A_4 = arith.constant 0 : index
    %get3A_5 = arith.constant 0 : index
    %get3A_6 = vector.load %arg2[%get3A_4, %get3A_5] : memref<3128x128xf32, #tpu.memory_space<vmem>>, vector<3128x128xf32>
    %slice3A = vector.extract_strided_slice %get3A_3 {offsets = [0, 0], sizes = [128, 128], strides = [1, 1]} : vector<512x128xf32> to vector<128x128xf32>
    %dot_general3A = arith.constant dense<0.000000e+00> : vector<3128x128xf32>
    %dot_general3A_7 = tpu.matmul %get3A_6, %slice3A, %dot_general3A {dimension_numbers = #tpu.dot_dimension_numbers<[1], [0], [0], [1], [0, 0, 1, 1], [], []>, transpose_lhs_hint = false} : vector<3128x128xf32>, vector<128x128xf32>, vector<3128x128xf32> -> vector<3128x128xf32>
    %get3A_8 = arith.constant 0 : index
    %get3A_9 = arith.constant 0 : index
    %get3A_10 = vector.load %arg3[%get3A_8, %get3A_9] : memref<3128x128xf32, #tpu.memory_space<vmem>>, vector<3128x128xf32>
    %slice3A_11 = vector.extract_strided_slice %get3A_3 {offsets = [128, 0], sizes = [128, 128], strides = [1, 1]} : vector<512x128xf32> to vector<128x128xf32>
    %dot_general3A_12 = arith.constant dense<0.000000e+00> : vector<3128x128xf32>
    %dot_general3A_13 = tpu.matmul %get3A_10, %slice3A_11, %dot_general3A_12 {dimension_numbers = #tpu.dot_dimension_numbers<[1], [0], [0], [1], [0, 0, 1, 1], [], []>, transpose_lhs_hint = false} : vector<3128x128xf32>, vector<128x128xf32>, vector<3128x128xf32> -> vector<3128x128xf32>
    %add3A = arith.addf %dot_general3A_7, %dot_general3A_13 : vector<3128x128xf32>
    %get3A_14 = arith.constant 0 : index
    %get3A_15 = arith.constant 0 : index
    %get3A_16 = vector.load %arg4[%get3A_14, %get3A_15] : memref<3128x128xf32, #tpu.memory_space<vmem>>, vector<3128x128xf32>
    %slice3A_17 = vector.extract_strided_slice %get3A_3 {offsets = [256, 0], sizes = [128, 128], strides = [1, 1]} : vector<512x128xf32> to vector<128x128xf32>
    %dot_general3A_18 = arith.constant dense<0.000000e+00> : vector<3128x128xf32>
    %dot_general3A_19 = tpu.matmul %get3A_16, %slice3A_17, %dot_general3A_18 {dimension_numbers = #tpu.dot_dimension_numbers<[1], [0], [0], [1], [0, 0, 1, 1], [], []>, transpose_lhs_hint = false} : vector<3128x128xf32>, vector<128x128xf32>, vector<3128x128xf32> -> vector<3128x128xf32>
    %add3A_20 = arith.addf %add3A, %dot_general3A_19 : vector<3128x128xf32>
    %get3A_21 = arith.constant 0 : index
    %get3A_22 = arith.constant 0 : index
    %get3A_23 = vector.load %arg5[%get3A_21, %get3A_22] : memref<3128x128xf32, #tpu.memory_space<vmem>>, vector<3128x128xf32>
    %slice3A_24 = vector.extract_strided_slice %get3A_3 {offsets = [384, 0], sizes = [128, 128], strides = [1, 1]} : vector<512x128xf32> to vector<128x128xf32>
    %dot_general3A_25 = arith.constant dense<0.000000e+00> : vector<3128x128xf32>
    %dot_general3A_26 = tpu.matmul %get3A_23, %slice3A_24, %dot_general3A_25 {dimension_numbers = #tpu.dot_dimension_numbers<[1], [0], [0], [1], [0, 0, 1, 1], [], []>, transpose_lhs_hint = false} : vector<3128x128xf32>, vector<128x128xf32>, vector<3128x128xf32> -> vector<3128x128xf32>
    %add3A_27 = arith.addf %add3A_20, %dot_general3A_26 : vector<3128x128xf32>
    %get3A_28 = arith.constant 0 : index
    %get3A_29 = arith.constant 0 : index
    %get3A_30 = arith.constant 0 : index
    %get3A_31 = vector.load %arg7[%get3A_28, %get3A_29, %get3A_30] : memref<1x1x128xf32, #tpu.memory_space<vmem>>, vector<1x1x128xf32>
    %get3A_32 = vector.shape_cast %get3A_31 : vector<1x1x128xf32> to vector<1x128xf32>
    %add3A_33 = vector.broadcast %get3A_32 : vector<1x128xf32> to vector<3128x128xf32>
    %add3A_34 = arith.addf %add3A_27, %add3A_33 : vector<3128x128xf32>
    %max3A = arith.constant 0.000000e+00 : f32
    %max3A_35 = vector.broadcast %max3A : f32 to vector<3128x128xf32>
    %max3A_36 = arith.maximumf %add3A_34, %max3A_35 : vector<3128x128xf32>
    %swap3A = arith.constant 0 : index
    %swap3A_37 = arith.constant 0 : index
    %swap3A_38 = vector.load %arg8[%swap3A, %swap3A_37] : memref<3128x128xf32, #tpu.memory_space<vmem>>, vector<3128x128xf32>
    tpu.vector_store %arg8[%swap3A, %swap3A_37], %max3A_36 {strides = array<i32>} : memref<3128x128xf32, #tpu.memory_space<vmem>>, vector<3128x128xf32>,
    return
  }
  func.func @transform_0(%arg0: i32, %arg1: i32) -> (i32, i32) {
    %c0_i32 = arith.constant 0 : i32
    %c0_i32_0 = arith.constant 0 : i32
    return %arg0, %c0_i32 : i32, i32
  }
  func.func @transform_1(%arg0: i32, %arg1: i32) -> (i32, i32) {
    %add3A = arith.constant 4 : i32
    %add3A_0 = arith.addi %arg0, %add3A : i32
    %c0_i32 = arith.constant 0 : i32
    %c0_i32_1 = arith.constant 0 : i32
    return %add3A_0, %c0_i32 : i32, i32
  }
  func.func @transform_2(%arg0: i32, %arg1: i32) -> (i32, i32) {
    %c0_i32 = arith.constant 0 : i32
    %c0_i32_0 = arith.constant 0 : i32
    return %arg0, %c0_i32 : i32, i32
  }
  func.func @transform_3(%arg0: i32, %arg1: i32) -> (i32, i32) {
    %add3A = arith.constant 4 : i32
    %add3A_0 = arith.addi %arg0, %add3A : i32
    %c0_i32 = arith.constant 0 : i32
    %c0_i32_1 = arith.constant 0 : i32
    return %add3A_0, %c0_i32 : i32, i32
  }
  func.func @transform_4(%arg0: i32, %arg1: i32) -> (i32, i32, i32) {
    %c0_i32 = arith.constant 0 : i32
    %c0_i32_0 = arith.constant 0 : i32
    %c0_i32_1 = arith.constant 0 : i32
    return %arg1, %c0_i32, %c0_i32_0 : i32, i32, i32
  }
  func.func @transform_5(%arg0: i32, %arg1: i32) -> (i32, i32, i32) {
    %c0_i32 = arith.constant 0 : i32
    %c0_i32_0 = arith.constant 0 : i32
    %c0_i32_1 = arith.constant 0 : i32
    return %arg1, %c0_i32, %c0_i32_0 : i32, i32, i32
  }
  func.func @transform_6(%arg0: i32, %arg1: i32) -> (i32, i32) {
    %mul3A = arith.constant 4 : i32
    %mul3A_0 = arith.muli %arg1, %mul3A : i32
    %add3A = arith.addi %mul3A_0, %arg0 : i32
    %c0_i32 = arith.constant 0 : i32
    %c0_i32_1 = arith.constant 0 : i32
    return %add3A, %c0_i32 : i32, i32
  }
}

module attributes {stable_mosaic.version = 14 : i64} {
  func.func @_combine_final_body(%arg0: i32, %arg1: memref<3128x128xf32, #tpu.memory_space<vmem>>, %arg2: memref<3128x128xf32, #tpu.memory_space<vmem>>, %arg3: memref<3128x128xf32, #tpu.memory_space<vmem>>, %arg4: memref<3128x128xf32, #tpu.memory_space<vmem>>, %arg5: memref<512x256xf32, #tpu.memory_space<vmem>>, %arg6: memref<1x256xf32, #tpu.memory_space<vmem>>, %arg7: memref<3128x256xf32, #tpu.memory_space<vmem>>) attributes {dimension_semantics = [#tpu.dimension_semantics<arbitrary>], iteration_bounds = array<i64: 4>, scalar_prefetch = 0 : i64, scratch_operands = 0 : i64, tpu.core_type = #tpu.core_type<tc>, window_params = [{transform_indices = @transform_0, window_bounds = array<i64: 3128, 128>}, {transform_indices = @transform_1, window_bounds = array<i64: 3128, 128>}, {transform_indices = @transform_2, window_bounds = array<i64: 3128, 128>}, {transform_indices = @transform_3, window_bounds = array<i64: 3128, 128>}, {pipeline_mode = #tpu.pipeline_mode<synchronous>, transform_indices = @transform_4, window_bounds = array<i64: 512, 256>}, {pipeline_mode = #tpu.pipeline_mode<synchronous>, transform_indices = @transform_5, window_bounds = array<i64: 1, 256>}, {transform_indices = @transform_6, window_bounds = array<i64: 3128, 256>}]} {
    %get3A = arith.constant 0 : index
    %get3A_0 = arith.constant 0 : index
    %get3A_1 = vector.load %arg5[%get3A, %get3A_0] : memref<512x256xf32, #tpu.memory_space<vmem>>, vector<512x256xf32>
    %get3A_2 = arith.constant 0 : index
    %get3A_3 = arith.constant 0 : index
    %get3A_4 = vector.load %arg1[%get3A_2, %get3A_3] : memref<3128x128xf32, #tpu.memory_space<vmem>>, vector<3128x128xf32>
    %slice3A = vector.extract_strided_slice %get3A_1 {offsets = [0, 0], sizes = [128, 256], strides = [1, 1]} : vector<512x256xf32> to vector<128x256xf32>
    %dot_general3A = arith.constant dense<0.000000e+00> : vector<3128x256xf32>
    %dot_general3A_5 = tpu.matmul %get3A_4, %slice3A, %dot_general3A {dimension_numbers = #tpu.dot_dimension_numbers<[1], [0], [0], [1], [0, 0, 1, 1], [], []>, transpose_lhs_hint = false} : vector<3128x128xf32>, vector<128x256xf32>, vector<3128x256xf32> -> vector<3128x256xf32>
    %get3A_6 = arith.constant 0 : index
    %get3A_7 = arith.constant 0 : index
    %get3A_8 = vector.load %arg2[%get3A_6, %get3A_7] : memref<3128x128xf32, #tpu.memory_space<vmem>>, vector<3128x128xf32>
    %slice3A_9 = vector.extract_strided_slice %get3A_1 {offsets = [128, 0], sizes = [128, 256], strides = [1, 1]} : vector<512x256xf32> to vector<128x256xf32>
    %dot_general3A_10 = arith.constant dense<0.000000e+00> : vector<3128x256xf32>
    %dot_general3A_11 = tpu.matmul %get3A_8, %slice3A_9, %dot_general3A_10 {dimension_numbers = #tpu.dot_dimension_numbers<[1], [0], [0], [1], [0, 0, 1, 1], [], []>, transpose_lhs_hint = false} : vector<3128x128xf32>, vector<128x256xf32>, vector<3128x256xf32> -> vector<3128x256xf32>
    %add3A = arith.addf %dot_general3A_5, %dot_general3A_11 : vector<3128x256xf32>
    %get3A_12 = arith.constant 0 : index
    %get3A_13 = arith.constant 0 : index
    %get3A_14 = vector.load %arg3[%get3A_12, %get3A_13] : memref<3128x128xf32, #tpu.memory_space<vmem>>, vector<3128x128xf32>
    %slice3A_15 = vector.extract_strided_slice %get3A_1 {offsets = [256, 0], sizes = [128, 256], strides = [1, 1]} : vector<512x256xf32> to vector<128x256xf32>
    %dot_general3A_16 = arith.constant dense<0.000000e+00> : vector<3128x256xf32>
    %dot_general3A_17 = tpu.matmul %get3A_14, %slice3A_15, %dot_general3A_16 {dimension_numbers = #tpu.dot_dimension_numbers<[1], [0], [0], [1], [0, 0, 1, 1], [], []>, transpose_lhs_hint = false} : vector<3128x128xf32>, vector<128x256xf32>, vector<3128x256xf32> -> vector<3128x256xf32>
    %add3A_18 = arith.addf %add3A, %dot_general3A_17 : vector<3128x256xf32>
    %get3A_19 = arith.constant 0 : index
    %get3A_20 = arith.constant 0 : index
    %get3A_21 = vector.load %arg4[%get3A_19, %get3A_20] : memref<3128x128xf32, #tpu.memory_space<vmem>>, vector<3128x128xf32>
    %slice3A_22 = vector.extract_strided_slice %get3A_1 {offsets = [384, 0], sizes = [128, 256], strides = [1, 1]} : vector<512x256xf32> to vector<128x256xf32>
    %dot_general3A_23 = arith.constant dense<0.000000e+00> : vector<3128x256xf32>
    %dot_general3A_24 = tpu.matmul %get3A_21, %slice3A_22, %dot_general3A_23 {dimension_numbers = #tpu.dot_dimension_numbers<[1], [0], [0], [1], [0, 0, 1, 1], [], []>, transpose_lhs_hint = false} : vector<3128x128xf32>, vector<128x256xf32>, vector<3128x256xf32> -> vector<3128x256xf32>
    %add3A_25 = arith.addf %add3A_18, %dot_general3A_24 : vector<3128x256xf32>
    %get3A_26 = arith.constant 0 : index
    %get3A_27 = arith.constant 0 : index
    %get3A_28 = vector.load %arg6[%get3A_26, %get3A_27] : memref<1x256xf32, #tpu.memory_space<vmem>>, vector<1x256xf32>
    %add3A_29 = vector.broadcast %get3A_28 : vector<1x256xf32> to vector<3128x256xf32>
    %add3A_30 = arith.addf %add3A_25, %add3A_29 : vector<3128x256xf32>
    %swap3A = arith.constant 0 : index
    %swap3A_31 = arith.constant 0 : index
    %swap3A_32 = vector.load %arg7[%swap3A, %swap3A_31] : memref<3128x256xf32, #tpu.memory_space<vmem>>, vector<3128x256xf32>
    tpu.vector_store %arg7[%swap3A, %swap3A_31], %add3A_30 {strides = array<i32>} : memref<3128x256xf32, #tpu.memory_space<vmem>>, vector<3128x256xf32>,
    return
  }
  func.func @transform_0(%arg0: i32) -> (i32, i32) {
    %c0_i32 = arith.constant 0 : i32
    %c0_i32_0 = arith.constant 0 : i32
    return %arg0, %c0_i32 : i32, i32
  }
  func.func @transform_1(%arg0: i32) -> (i32, i32) {
    %add3A = arith.constant 4 : i32
    %add3A_0 = arith.addi %arg0, %add3A : i32
    %c0_i32 = arith.constant 0 : i32
    %c0_i32_1 = arith.constant 0 : i32
    return %add3A_0, %c0_i32 : i32, i32
  }
  func.func @transform_2(%arg0: i32) -> (i32, i32) {
    %c0_i32 = arith.constant 0 : i32
    %c0_i32_0 = arith.constant 0 : i32
    return %arg0, %c0_i32 : i32, i32
  }
  func.func @transform_3(%arg0: i32) -> (i32, i32) {
    %add3A = arith.constant 4 : i32
    %add3A_0 = arith.addi %arg0, %add3A : i32
    %c0_i32 = arith.constant 0 : i32
    %c0_i32_1 = arith.constant 0 : i32
    return %add3A_0, %c0_i32 : i32, i32
  }
  func.func @transform_4(%arg0: i32) -> (i32, i32) {
    %c0_i32 = arith.constant 0 : i32
    %c0_i32_0 = arith.constant 0 : i32
    %c0_i32_1 = arith.constant 0 : i32
    return %c0_i32, %c0_i32_0 : i32, i32
  }
  func.func @transform_5(%arg0: i32) -> (i32, i32) {
    %c0_i32 = arith.constant 0 : i32
    %c0_i32_0 = arith.constant 0 : i32
    %c0_i32_1 = arith.constant 0 : i32
    return %c0_i32, %c0_i32_0 : i32, i32
  }
  func.func @transform_6(%arg0: i32) -> (i32, i32) {
    %c0_i32 = arith.constant 0 : i32
    %c0_i32_0 = arith.constant 0 : i32
    return %arg0, %c0_i32 : i32, i32
  }
}

</mosaic_0001>

<sc_bundles>
// kernel: kernel.6.cloned.1.call-start
scs
__scs_entry_jumppad:
0x0: {  	(pc) =	sbr.rel $0x88, $3  }
0x1: {  	(tag) =	ssettag $0x0;
	lr =	simm.s32 $0x1  }
0x2: {  	[smem:$0x3F9B] =	sst lr;
	_ =	strace $0xD0000000  }
0x3: {  	_ = 	snop  }
0x4: {  	_ = 	snop  }
0x5: {  	_ = 	snop  }
0x6: {  	_ = 	snop  }
0x7: {  	_ = 	snop  }
__scs_overlays_trampoline_lowered:
0x8: {  	[smem:$0x3FAA] =	sst s0  }
0x9: {  	[smem:$0x3FAB] =	sst s1  }
0xa: {  	[smem:$0x3FAC] =	sst s2  }
0xb: {  	[smem:$0x3FAD] =	sst s3  }
0xc: {  	[smem:$0x3FAE] =	sst s4  }
0xd: {  	[smem:$0x3FAF] =	sst s5  }
0xe: {  	[smem:$0x3FB0] =	sst s6  }
0xf: {  	[smem:$0x3FB1] =	sst s7  }
0x10: {  	[smem:$0x3FB2] =	sst s8  }
0x11: {  	[smem:$0x3FB3] =	sst s9;
	s0 =	simm.s32 @!p0 $0x0  }
0x12: {  	s1 =	sld [smem:$0x3F99];
	s0 =	simm.s32 @p0 $0x1  }
0x13: {  	[smem:$0x3FB4] =	sst s0;
	s0 =	simm.s32 @!p1 $0x0  }
0x14: {  	s2 =	sld [smem:$0x3F98];
	s0 =	simm.s32 @p1 $0x1  }
0x15: {  	[smem:$0x3FB5] =	sst s0;
	s0 =	simm.s32 @!p2 $0x0  }
0x16: {  	s3 =	sld [smem:$0x3FDB];
	s0 =	simm.s32 @p2 $0x1  }
0x17: {  	s4 =	simm.s32 $0x1BF5;
	[smem:$0x3FB7] =	sst s0  }
0x18: {  	s0 =	sld [smem:$0x3F9A];
	_ =	swait.ge [sflag:s4], $0x0  }
0x19: {  	s7 =	sld [smem:$0x3F9B]  }
0x1a: {  	s8 =	sadd.s32 $0xFFFFE003, lr  }
0x1b: {  	s9 =	sadd.s32 $0xFFFFFEF7, lr;
	s5 =	simm.s32 $0xFFFFFFFF;
	p2 =	slt.u32 s8, $0xFFFFF086  }
0x1c: {  	p1 =	slt.u32 s9, $0xF7A;
	s5 =	simm.s32 @!p2 $0x0  }
0x1d: {  	s5 =	simm.s32 @p1 $0x1;
	p0 =	seq.s32 s7, s2  }
0x1e: {  	s7 =	smul.u32 @!p0 $0xF7A, s2;
	p2 =	seq.s32 @!p0 s5, $0x0  }
0x1f: {  	s9 =	smul.u32 $0xF7A, s1;
	s8 =	simm.s32 @!p0 $0x1BF5;
	p2 =	por !p2, p0  }
0x20: {  	[sflag:s8] =	ssyncset.s32 @!p0 $0xFFFFF086;
	s6 =	sadd.s32 @!p0 s3, s7;
	s7 =	simm.s32 @!p0 $0x108  }
0x21: {  	s3 =	sadd.s32 s3, s9;
	s6 =	sadd.s32 @!p0 $0x88, s6;
	s7 =	simm.s32 @p2 $0x1082  }
0x22: {  	[simem:s7], [sflag:s8] =	dma.local @!p0 [hbm:s6], $0xF7A  }
0x23: {  	s9 =	sor.u32 $0xD0000000, s2;
	s6 =	simm.s32 $0x108;
	_ =	swait.ge @!p0 [sflag:s8], $0x0  }
0x24: {  	s3 =	sadd.s32 $0x88, s3;
	s6 =	simm.s32 @!p1 $0x1082;
	[sflag:s4] =	ssyncset.s32 $0xFFFFF086  }
0x25: {  	[simem:s6], [sflag:s4] =	dma.local [hbm:s3], $0xF7A  }
0x26: {  	[smem:$0x3F9B] =	sst s1;
	(tag) =	ssettag s2;
	_ =	strace s9  }
0x27: {  	s1 =	sld [smem:$0x3FAB]  }
0x28: {  	s2 =	sld [smem:$0x3FAC]  }
0x29: {  	s4 =	sld [smem:$0x3FAE]  }
0x2a: {  	p0 =	seq.s32 s5, $0x0;
	s5 =	sld [smem:$0x3FAF]  }
0x2b: {  	s6 =	sld [smem:$0x3FB0]  }
0x2c: {  	s7 =	sld [smem:$0x3FB1]  }
0x2d: {  	s3 =	simm.s32 $0x108;
	s8 =	sld [smem:$0x3FB2]  }
0x2e: {  	s3 =	simm.s32 @!p0 $0x1082;
	s9 =	sld [smem:$0x3FB3]  }
0x2f: {  	lr =	sadd.s32 s0, s3;
	s0 =	sld [smem:$0x3FAA]  }
0x30: {  	s3 =	sld [smem:$0x3FAD]  }
0x31: {  	[smem:$0x3FB6] =	sst s10  }
0x32: {  	s10 =	sld [smem:$0x3FB4];
	_ =	sdelay $0x3  }
0x33: {  	p0 =	seq.s32 s10, $0x1;
	s10 =	sld [smem:$0x3FB6];
	_ =	sdelay $0x3  }
0x34: {  	[smem:$0x3FB6] =	sst s10  }
0x35: {  	s10 =	sld [smem:$0x3FB5];
	_ =	sdelay $0x3  }
0x36: {  	p1 =	seq.s32 s10, $0x1;
	s10 =	sld [smem:$0x3FB6];
	_ =	sdelay $0x3  }
0x37: {  	[smem:$0x3FB6] =	sst s10  }
0x38: {  	s10 =	sld [smem:$0x3FB7]  }
0x39: {  	_ = 	snop;
	(pc) =	sbr.ind lr, $3  }
0x3a: {  	_ = 	snop  }
0x3b: {  	_ = 	snop  }
0x3c: {  	p2 =	seq.s32 s10, $0x1;
	s10 =	sld [smem:$0x3FB6]  }
0x3d: {  	_ =	shalt  }
0x3e: {  	_ =	shalt  }
0x3f: {  	_ =	shalt  }
0x40: {  	_ =	shalt  }
0x41: {  	_ =	shalt  }
0x42: {  	_ =	shalt  }
0x43: {  	_ =	shalt  }
0x44: {  	_ =	shalt  }
0x45: {  	_ =	shalt  }
0x46: {  	_ =	shalt  }
0x47: {  	_ =	shalt  }
0x48: {  	_ =	shalt  }
0x49: {  	_ =	shalt  }
0x4a: {  	_ =	shalt  }
0x4b: {  	_ =	shalt  }
0x4c: {  	_ =	shalt  }
0x4d: {  	_ =	shalt  }
0x4e: {  	_ =	shalt  }
0x4f: {  	_ =	shalt  }
0x50: {  	_ =	shalt  }
0x51: {  	_ =	shalt  }
0x52: {  	_ =	shalt  }
0x53: {  	_ =	shalt  }
0x54: {  	_ =	shalt  }
0x55: {  	_ =	shalt  }
0x56: {  	_ =	shalt  }
0x57: {  	_ =	shalt  }
0x58: {  	_ =	shalt  }
0x59: {  	_ =	shalt  }
0x5a: {  	_ =	shalt  }
0x5b: {  	_ =	shalt  }
0x5c: {  	_ =	shalt  }
0x5d: {  	_ =	shalt  }
0x5e: {  	_ =	shalt  }
0x5f: {  	_ =	shalt  }
0x60: {  	_ =	shalt  }
0x61: {  	_ =	shalt  }
0x62: {  	_ =	shalt  }
0x63: {  	_ =	shalt  }
0x64: {  	_ =	shalt  }
0x65: {  	_ =	shalt  }
0x66: {  	_ =	shalt  }
0x67: {  	_ =	shalt  }
0x68: {  	_ =	shalt  }
0x69: {  	_ =	shalt  }
0x6a: {  	_ =	shalt  }
0x6b: {  	_ =	shalt  }
0x6c: {  	_ =	shalt  }
0x6d: {  	_ =	shalt  }
0x6e: {  	_ =	shalt  }
0x6f: {  	_ =	shalt  }
0x70: {  	_ =	shalt  }
0x71: {  	_ =	shalt  }
0x72: {  	_ =	shalt  }
0x73: {  	_ =	shalt  }
0x74: {  	_ =	shalt  }
0x75: {  	_ =	shalt  }
0x76: {  	_ =	shalt  }
0x77: {  	_ =	shalt  }
0x78: {  	_ =	shalt  }
0x79: {  	_ =	shalt  }
0x7a: {  	_ =	shalt  }
0x7b: {  	_ =	shalt  }
0x7c: {  	_ =	shalt  }
0x7d: {  	_ =	shalt  }
0x7e: {  	_ =	shalt  }
0x7f: {  	_ =	shalt  }
0x80: {  	_ =	shalt  }
0x81: {  	_ =	shalt  }
0x82: {  	_ =	shalt  }
0x83: {  	_ =	shalt  }
0x84: {  	_ =	shalt  }
0x85: {  	_ =	shalt  }
0x86: {  	_ =	shalt  }
0x87: {  	_ =	shalt  }
.Lfunc_end0:
.L_simem_size_0:
called_computation_lowered:
.L_overlay_start_0:
0x88: {  	s2 =	sld [smem:$0x3FD9]  }
0x89: {  	s3 =	sld [smem:$0x3FFE];
	_ =	sdelay $0x1  }
0x8a: {  	s1 =	srdreg.scid  }
0x8b: {  	s0 =	sand.u32 $0x1, s1  }
0x8c: {  	s16 =	sshll.u32 s0, $0xA;
	s2 =	sadd.s32 s3, s2  }
0x8d: {  	s2 =	sadd.s32 s2, s16  }
0x8e: {  	[smem:$0x3FC2] =	sst s2  }
0x8f: {  	_ = 	snop  }
0x90: {  	(tm) =	ssettm $0x1  }
0x91: {  	s17 =	sld [smem:$0x3FFB];
	_ =	sdelay $0x3  }
0x92: {  	_ =	strace s17  }
0x93: {  	s2 =	sld [smem:$0x3FFC];
	_ =	sdelay $0x3  }
0x94: {  	_ =	strace s2  }
0x95: {  	s2 =	sld [smem:$0x3FFD];
	_ =	sdelay $0x3  }
0x96: {  	_ =	strace s2  }
0x97: {  	_ =	strace $0x8FFFFFFF  }
0x98: {  	s18 =	sld [smem:$0x3FDB];
	_ =	sdelay $0x1  }
0x99: {  	s19 =	simm.s32 $_scs_section_size  }
0x9a: {  	s4 =	simm.s32 $_size__tile_overlayer_lowered;
	s5 =	simm.s32 $_tile_overlayer_lowered  }
0x9b: {  	s22 =	simm.s32 $0x1BFF;
	s21 =	sshll.u32 s5, $0x1;
	s2 =	sadd.s32 s19, s18  }
0x9c: {  	s6 =	simm.s32 $0x0;
	s20 =	sshll.u32 s4, $0x1;
	s4 =	sadd.s32 s21, s2  }
0x9d: {  	[timem:s6], [sflag:s22] =	dma.local [hbm:s4], s20  }
0x9e: {  	_ =	swait.ge [sflag:s22], s20  }
0x9f: {  	s3 =	ssub.s32 $0x0, s20;
	[sflag:s22] =	ssyncset.done $0x0  }
0xa0: {  	[sflag:s22] =	ssyncadd.s32 s3;
	_ =	sdelay $0x1  }
0xa1: {  	s23 =	simm.s32 $0x1B8B  }
0xa2: {  	_ =	swait.ge [sflag:s23], $0x1  }
0xa3: {  	[sflag:s23] =	ssyncset.done $0x0  }
0xa4: {  	s25 =	simm.s32 $0x1B8E;
	s24 =	sld [smem:$0x3FFE];
	[sflag:s23] =	ssyncadd.s32 $0xFFFFFFFF  }
0xa5: {  	s26 =	simm.s32 $execute0_lowered;
	[smem:$0x3FD2] =	sst s25  }
0xa6: {  	s4 =	sshll.u32 s26, $0x1;
	_ =	strace $0x80000046;
	[dreg:$0x1] =	wrdreg $0xFFFFFFFF  }
0xa7: {  	s28 =	simm.s32 $_size_execute0_lowered;
	s2 =	sadd.s32 s2, s4;
	[dreg:$0x0] =	wrdreg $0x0  }
0xa8: {  	s4 =	sshll.u32 s28, $0x1;
	[dreg:$0x2] =	wrdreg s2  }
0xa9: {  	[dreg:$0x3] =	wrdreg s4  }
0xaa: {  	[dreg:$0x4] =	wrdreg $0xC0  }
0xab: {  	_ =	task [dreg:s6], $0x5FFFF  }
0xac: {  	[dreg:$0x1] =	wrdreg $0xFFFFFFFF  }
0xad: {  	[dreg:$0x0] =	wrdreg $0x60  }
0xae: {  	[dreg:$0x2] =	wrdreg s24  }
0xaf: {  	[dreg:$0x3] =	wrdreg $0x50000  }
0xb0: {  	[dreg:$0x4] =	wrdreg $0x9  }
0xb1: {  	_ =	task.clear_ibuf [dreg:s6], $0x5FFFF;
	_ =	strace $0x90000046  }
0xb2: {  	s29 =	simm.s32 $0x9;
	_ =	strace $0x80000048  }
0xb3: {  	_ =	swait.ge [sflag:s29], $0x1  }
0xb4: {  	[sflag:s29] =	ssyncadd.s32 $0xFFFFFFFF  }
0xb5: {  	_ =	strace $0x90000048  }
0xb6: {  	_ =	sfence  }
0xb7: {  	s30 =	sld [smem:$0x0];
	_ =	sdelay $0x2  }
0xb8: {  	s31 =	sshll.u32 s1, $0xD;
	s1 =	sshrl.u32 s1, $0x2  }
0xb9: {  	s3 =	sand.u32 $0x4000, s31;
	s1 =	sadd.s32 s1, s30  }
0xba: {  	s0 =	sor.u32 s3, s0;
	s1 =	sshll.u32 s1, $0x11  }
0xbb: {  	s0 =	sor.u32 s1, s0  }
0xbc: {  	s0 =	sadd.s32 $0x8F2B, s0  }
0xbd: {  	[sflag:s0] =	ssyncadd.remote.s32 $0x1  }
0xbe: {  	_ =	sfence.sel $0xFFFF  }
0xbf: {  	[dreg:$0x0] =	wrdreg $0xFFFFFFFF;
	(pc) =	sbr.abs _section_cstart, $3  }
0xc0: {  	[dreg:$0x1] =	wrdreg $0xFFFFFFFF  }
0xc1: {  	_ =	task.clear_ibuf [dreg:s6], $0x2FFFF;
	_ =	strace $0x9FFFFFFF  }
0xc2: {  	(tm) =	ssettm $0x7FFFFFFF  }
0xc3: {  	_ =	shalt  }
tec
execute0_lowered:
.L_overlay_start_1:
0x0: {  	(tag) =	ssettag $0x1  }
0x1: {  	s0 =	rddreg [dreg:$0x0]  }
0x2: {  	s2 =	rddreg [dreg:$0x1];
	s13 =	stileid.u32  }
0x3: {  	s3 =	simm.s32 $0x0;
	s4 =	srdreg.scid;
	s12 =	simm.s32 $0x100  }
0x4: {  	s19 =	simm.s32 $0x180;
	s20 =	simm.s32 $0x880;
	s21 =	simm.s32 $0x900  }
0x5: {  	s22 =	simm.s32 $0x980;
	s24 =	simm.s32 $0x280;
	s25 =	simm.s32 $0x300  }
0x6: {  	s26 =	simm.s32 $0x380;
	s28 =	simm.s32 $0x1;
	[smem:$0x7FF] =	sst s3  }
0x7: {  	s29 =	simm.s32 $0x600;
	_ =	strace $0x80000047;
	[dreg:$0x3] =	wrdreg s12  }
0x8: {  	s30 =	simm.s32 $0xE00;
	s1 =	smul.u32 $0x3100, s13;
	[dreg:$0x4] =	wrdreg s19  }
0x9: {  	s31 =	simm.s32 $0x3000;
	s5 =	smul.u32 $0x18700, s13;
	[dreg:$0x5] =	wrdreg s20  }
0xa: {  	s6 =	sand.u32 $0x1, s4;
	s7 =	smul.u32 $0x30E0, s13;
	[dreg:$0x6] =	wrdreg s21  }
0xb: {  	s17 =	sshll.u32 s13, $0x6;
	s13 =	smul.u32 $0x310, s13;
	[dreg:$0x7] =	wrdreg s22  }
0xc: {  	s4 =	sadd.s32 $0x340A00, s0;
	s8 =	smul.u32 $0x30E00, s6;
	[dreg:$0x8] =	wrdreg s24  }
0xd: {  	s9 =	sadd.s32 $0x3A2600, s0;
	s18 =	smul.u32 $0x3100, s6;
	[dreg:$0x9] =	wrdreg s25  }
0xe: {  	s14 =	ssub.s32 $0x2, s6;
	[dreg:$0xa] =	wrdreg s26;
	s6 =	smul.u32 $0x31000, s6  }
0xf: {  	s19 =	simm.s32 $0xD00;
	s20 =	simm.s32 $0xD80;
	s21 =	simm.s32 $0x680  }
0x10: {  	s22 =	simm.s32 $0x700;
	s24 =	simm.s32 $0xE80;
	[dreg:$0x12] =	wrdreg s19  }
0x11: {  	s25 =	simm.s32 $0xF00;
	s26 =	simm.s32 $0xF80;
	[dreg:$0x13] =	wrdreg s20  }
0x12: {  	s10 =	sadd.s32 s1, s0;
	s11 =	sshrl.u32 s5, $0x3;
	[dreg:$0x14] =	wrdreg s21  }
0x13: {  	s15 =	sshrl.u32 s14, $0x1;
	s5 =	sadd.s32 s5, s2;
	[dreg:$0x15] =	wrdreg s22  }
0x14: {  	s19 =	simm.s32 $0x400;
	s20 =	simm.s32 $0xC00;
	[dreg:$0x17] =	wrdreg s24  }
0x15: {  	s21 =	simm.s32 $0x4;
	s22 =	simm.s32 $0x80;
	[dreg:$0x18] =	wrdreg s25  }
0x16: {  	s24 =	simm.s32 $0x1800;
	[dreg:$0x19] =	wrdreg s26;
	s7 =	sadd.s32 s7, s8  }
0x17: {  	s11 =	sadd.s32 s11, s0;
	s8 =	sadd.s32 $0x404600, s10;
	s10 =	sadd.s32 $0x404640, s10  }
0x18: {  	s0 =	sadd.s32 s7, s0;
	s16 =	sadd.s32 $0x435600, s11;
	[dreg:$0x1e] =	wrdreg s10  }
0x19: {  	s11 =	sadd.s32 s13, s18;
	s13 =	simm.s32 $0xB80;
	[dreg:$0x1a] =	wrdreg s16  }
0x1a: {  	s7 =	ssub.s32 s14, s15;
	s15 =	simm.s32 $0x480;
	[dreg:$0xd] =	wrdreg s13  }
0x1b: {  	s14 =	sor.u32 $0x1C05, s17;
	s17 =	simm.s32 $0x580;
	[dreg:$0xe] =	wrdreg s15  }
0x1c: {  	s25 =	simm.s32 $0x2000;
	s18 =	simm.s32 $0xC80;
	[dreg:$0x10] =	wrdreg s17  }
0x1d: {  	s26 =	simm.s32 $0x2800;
	s6 =	sadd.s32 s6, s9;
	[dreg:$0x11] =	wrdreg s18  }
0x1e: {  	s10 =	simm.s32 $0x3;
	s0 =	sadd.s32 $0x466400, s0;
	[dreg:$0x1b] =	wrdreg s14  }
0x1f: {  	s11 =	sshll.u32 s11, $0x4;
	s7 =	smax.u32 s7, $0x1;
	[dreg:$0x1f] =	wrdreg s0  }
0x20: {  	s16 =	simm.s32 $0x500;
	s13 =	sadd.s32 s1, s6;
	[smem:$0x7FC] =	sst s7  }
0x21: {  	s1 =	simm.s32 $0x4000;
	s23 =	sadd.s32 s9, s11;
	[dreg:$0xf] =	wrdreg s16  }
0x22: {  	s18 =	simm.s32 $0x800;
	s11 =	simm.s32 $0xA80;
	[dreg:$0x1c] =	wrdreg s23  }
0x23: {  	s7 =	sshrl.u32 s5, $0x3;
	s0 =	simm.s32 $0x3800;
	[dreg:$0xb] =	wrdreg s11  }
0x24: {  	s5 =	simm.s32 $0x4800;
	s12 =	sadd.s32 $0x40, s23;
	[smem:$0x7FD] =	sst s7  }
0x25: {  	s9 =	simm.s32 $0x2;
	s23 =	simm.s32 $0x780;
	[dreg:$0x1d] =	wrdreg s12  }
0x26: {  	s11 =	simm.s32 $0x5;
	s12 =	simm.s32 $0xB00;
	[dreg:$0x16] =	wrdreg s23  }
0x27: {  	s23 =	simm.s32 $0x1000;
	[dreg:$0xc] =	wrdreg s12;
	s12 =	simm.s32 $0x0  }
.LBB2_1:
0x28: {  	[smem:$0x7FB] =	sst s12  }
0x29: {  	s6 =	rddreg [dreg:$0x1a]  }
0x2a: {  	[spmem:s7], [sflag:s14] =	dma.local [hbm:s6], $0x30E0  }
0x2b: {  	_ =	swait.ge [sflag:s11], $0x30E0  }
0x2c: {  	[sflag:s11] =	ssyncset.done $0x0  }
0x2d: {  	[sflag:s11] =	ssyncadd.s32 $0xFFFFCF20  }
0x2e: {  	[bflag:$0x0] =	sbarrier.arrive $0xFFFF  }
0x2f: {  	s17 =	rddreg [dreg:$0x1c]  }
0x30: {  	[tilespmem:s3], [sflag:$0x4] =	stream.linear.gather [hbm4b:s17+s3], $0x200, $0x38;
	[tilespmem:$0x1D700] =	vst v63  }
0x31: {  	p0 =	por $0x1, $0x1;
	s14 =	simm.s32 $0x800  }
0x32: {  	[tilespmem:s14], [sflag:$0x4] =	stream.linear.gather [hbm4b:s8+s3], $0x200, $0x38;
	[tilespmem:$0x1D700] =	vst v63  }
0x33: {  	s15 =	simm.s32 $0x200;
	p0 =	por p0, p0;
	s7 =	rddreg [dreg:$0x1d]  }
0x34: {  	[tilespmem:s15], [sflag:$0x4] =	stream.linear.gather [hbm4b:s7+s3], $0x200, $0x38;
	[tilespmem:$0x1D700] =	vst v63  }
0x35: {  	s16 =	simm.s32 $0xA00;
	s6 =	simm.s32 @!p0 $0x2;
	s11 =	rddreg [dreg:$0x1e]  }
0x36: {  	[tilespmem:s16], [sflag:$0x4] =	stream.linear.gather [hbm4b:s11+s3], $0x200, $0x38;
	[tilespmem:$0x1D700] =	vst v63  }
0x37: {  	_ =	swait.ge @!p0 [sflag:s6], $0x800  }
0x38: {  	[sflag:s6] =	ssyncset.done @!p0 $0x0  }
0x39: {  	[sflag:s6] =	ssyncadd.s32 @!p0 $0xFFFFF800  }
0x3a: {  	_ =	swait.ge @!p0 [sflag:s6], $0x800  }
0x3b: {  	[sflag:s6] =	ssyncset.done @!p0 $0x0  }
0x3c: {  	[sflag:s6] =	ssyncadd.s32 @!p0 $0xFFFFF800  }
0x3d: {  	_ =	swait.ge @!p0 [sflag:s6], $0x800  }
0x3e: {  	[sflag:s6] =	ssyncset.done @!p0 $0x0  }
0x3f: {  	[sflag:s6] =	ssyncadd.s32 @!p0 $0xFFFFF800  }
0x40: {  	_ =	swait.ge @!p0 [sflag:s6], $0x800  }
0x41: {  	s7 =	sadd.s32 $0x0, s13;
	[sflag:s6] =	ssyncset.done @!p0 $0x0  }
0x42: {  	s12 =	sadd.s32 $0x80, s7;
	s11 =	sadd.s32 $0x0, s8;
	[sflag:s6] =	ssyncadd.s32 @!p0 $0xFFFFF800  }
0x43: {  	[tilespmem:s19], [sflag:$0x4] =	stream.linear.gather [hbm4b:s12+s3], $0x200, $0x38;
	[tilespmem:$0x1D700] =	vst v63  }
0x44: {  	s17 =	sadd.s32 $0x80, s11  }
0x45: {  	[tilespmem:s20], [sflag:$0x4] =	stream.linear.gather [hbm4b:s17+s3], $0x200, $0x38;
	[tilespmem:$0x1D700] =	vst v63  }
0x46: {  	_ =	swait.ge [sflag:s21], $0x200  }
0x47: {  	[sflag:s21] =	ssyncset.done $0x0  }
0x48: {  	[sflag:s21] =	ssyncadd.s32 $0xFFFFFE00  }
0x49: {  	_ =	swait.ge [sflag:s21], $0x200  }
0x4a: {  	[sflag:s21] =	ssyncset.done $0x0  }
0x4b: {  	[sflag:s21] =	ssyncadd.s32 $0xFFFFFE00  }
0x4c: {  	[tilespmem:s23], [sflag:$0x1] =	stream.indirect.gather [hbm4b:s4+s22], $0x10, s3, s22, $0xb8;
	[tilespmem:$0x1D700] =	vst v63  }
0x4d: {  	_ = 	snop  }
0x4e: {  	[tilespmem:s24], [sflag:$0x1] =	stream.indirect.gather [hbm4b:s4+s22], $0x10, s22, s22, $0xb8;
	[tilespmem:$0x1D700] =	vst v63  }
0x4f: {  	s12 =	rddreg [dreg:$0x3]  }
0x50: {  	[tilespmem:s25], [sflag:$0x1] =	stream.indirect.gather [hbm4b:s4+s22], $0x10, s12, s22, $0xb8;
	[tilespmem:$0x1D700] =	vst v63  }
0x51: {  	s17 =	rddreg [dreg:$0x4]  }
0x52: {  	[tilespmem:s26], [sflag:$0x1] =	stream.indirect.gather [hbm4b:s4+s22], $0x10, s17, s22, $0xb8;
	[tilespmem:$0x1D700] =	vst v63  }
0x53: {  	_ =	swait.ge [sflag:s28], $0x800  }
0x54: {  	[sflag:s28] =	ssyncset.done $0x0  }
0x55: {  	[sflag:s28] =	ssyncadd.s32 $0xFFFFF800  }
0x56: {  	_ =	swait.ge [sflag:s28], $0x800  }
0x57: {  	[sflag:s28] =	ssyncset.done $0x0  }
0x58: {  	[sflag:s28] =	ssyncadd.s32 $0xFFFFF800  }
0x59: {  	_ =	swait.ge [sflag:s28], $0x800  }
0x5a: {  	[sflag:s28] =	ssyncset.done $0x0  }
0x5b: {  	[sflag:s28] =	ssyncadd.s32 $0xFFFFF800  }
0x5c: {  	_ =	swait.ge [sflag:s28], $0x800  }
0x5d: {  	[sflag:s28] =	ssyncset.done $0x0  }
0x5e: {  	[sflag:s28] =	ssyncadd.s32 $0xFFFFF800  }
0x5f: {  	[spmem:s2] =	stream.indirect.scatter.add.f32 [tilespmem:s23], [sflag:$0x2], $0x10, s14, s22, $0xb8;
	[tilespmem:$0x1D700] =	vst v63  }
0x60: {  	s12 =	rddreg [dreg:$0x5]  }
0x61: {  	[spmem:s2] =	stream.indirect.scatter.add.f32 [tilespmem:s24], [sflag:$0x2], $0x10, s12, s22, $0xb8;
	[tilespmem:$0x1D700] =	vst v63  }
0x62: {  	s14 =	rddreg [dreg:$0x6]  }
0x63: {  	[spmem:s2] =	stream.indirect.scatter.add.f32 [tilespmem:s25], [sflag:$0x2], $0x10, s14, s22, $0xb8;
	[tilespmem:$0x1D700] =	vst v63  }
0x64: {  	s17 =	rddreg [dreg:$0x7];
	s12 =	simm.s32 @!p0 $0x3  }
0x65: {  	[spmem:s2] =	stream.indirect.scatter.add.f32 [tilespmem:s26], [sflag:$0x2], $0x10, s17, s22, $0xb8;
	[tilespmem:$0x1D700] =	vst v63  }
0x66: {  	_ =	swait.ge @!p0 [sflag:s12], $0x800  }
0x67: {  	[sflag:s12] =	ssyncset.done @!p0 $0x0  }
0x68: {  	[sflag:s12] =	ssyncadd.s32 @!p0 $0xFFFFF800  }
0x69: {  	_ =	swait.ge @!p0 [sflag:s12], $0x800  }
0x6a: {  	[sflag:s12] =	ssyncset.done @!p0 $0x0  }
0x6b: {  	[sflag:s12] =	ssyncadd.s32 @!p0 $0xFFFFF800  }
0x6c: {  	_ =	swait.ge @!p0 [sflag:s12], $0x800  }
0x6d: {  	[sflag:s12] =	ssyncset.done @!p0 $0x0  }
0x6e: {  	[sflag:s12] =	ssyncadd.s32 @!p0 $0xFFFFF800  }
0x6f: {  	_ =	swait.ge @!p0 [sflag:s12], $0x800  }
0x70: {  	[sflag:s12] =	ssyncset.done @!p0 $0x0  }
0x71: {  	s7 =	sadd.s32 $0xC0, s7;
	[sflag:s12] =	ssyncadd.s32 @!p0 $0xFFFFF800  }
0x72: {  	[tilespmem:s29], [sflag:$0x4] =	stream.linear.gather [hbm4b:s7+s3], $0x200, $0x38;
	[tilespmem:$0x1D700] =	vst v63  }
0x73: {  	s12 =	sadd.s32 $0xC0, s11  }
0x74: {  	[tilespmem:s30], [sflag:$0x4] =	stream.linear.gather [hbm4b:s12+s3], $0x200, $0x38;
	[tilespmem:$0x1D700] =	vst v63  }
0x75: {  	_ =	swait.ge [sflag:s21], $0x200  }
0x76: {  	[sflag:s21] =	ssyncset.done $0x0  }
0x77: {  	[sflag:s21] =	ssyncadd.s32 $0xFFFFFE00  }
0x78: {  	_ =	swait.ge [sflag:s21], $0x200  }
0x79: {  	[sflag:s21] =	ssyncset.done $0x0  }
0x7a: {  	[sflag:s21] =	ssyncadd.s32 $0xFFFFFE00  }
0x7b: {  	[tilespmem:s31], [sflag:$0x1] =	stream.indirect.gather [hbm4b:s4+s22], $0x10, s15, s22, $0xb8;
	[tilespmem:$0x1D700] =	vst v63  }
0x7c: {  	s14 =	rddreg [dreg:$0x8]  }
0x7d: {  	[tilespmem:s0], [sflag:$0x1] =	stream.indirect.gather [hbm4b:s4+s22], $0x10, s14, s22, $0xb8;
	[tilespmem:$0x1D700] =	vst v63  }
0x7e: {  	s15 =	rddreg [dreg:$0x9]  }
0x7f: {  	[tilespmem:s1], [sflag:$0x1] =	stream.indirect.gather [hbm4b:s4+s22], $0x10, s15, s22, $0xb8;
	[tilespmem:$0x1D700] =	vst v63  }
0x80: {  	s17 =	rddreg [dreg:$0xa]  }
0x81: {  	[tilespmem:s5], [sflag:$0x1] =	stream.indirect.gather [hbm4b:s4+s22], $0x10, s17, s22, $0xb8;
	[tilespmem:$0x1D700] =	vst v63  }
0x82: {  	_ =	swait.ge [sflag:s28], $0x800  }
0x83: {  	[sflag:s28] =	ssyncset.done $0x0  }
0x84: {  	[sflag:s28] =	ssyncadd.s32 $0xFFFFF800  }
0x85: {  	_ =	swait.ge [sflag:s28], $0x800  }
0x86: {  	[sflag:s28] =	ssyncset.done $0x0  }
0x87: {  	[sflag:s28] =	ssyncadd.s32 $0xFFFFF800  }
0x88: {  	_ =	swait.ge [sflag:s28], $0x800  }
0x89: {  	[sflag:s28] =	ssyncset.done $0x0  }
0x8a: {  	[sflag:s28] =	ssyncadd.s32 $0xFFFFF800  }
0x8b: {  	_ =	swait.ge [sflag:s28], $0x800  }
0x8c: {  	[sflag:s28] =	ssyncset.done $0x0  }
0x8d: {  	[sflag:s28] =	ssyncadd.s32 $0xFFFFF800  }
0x8e: {  	[spmem:s2] =	stream.indirect.scatter.add.f32 [tilespmem:s31], [sflag:$0x3], $0x10, s16, s22, $0xb8;
	[tilespmem:$0x1D700] =	vst v63  }
0x8f: {  	s11 =	rddreg [dreg:$0xb]  }
0x90: {  	[spmem:s2] =	stream.indirect.scatter.add.f32 [tilespmem:s0], [sflag:$0x3], $0x10, s11, s22, $0xb8;
	[tilespmem:$0x1D700] =	vst v63  }
0x91: {  	s12 =	rddreg [dreg:$0xc]  }
0x92: {  	[spmem:s2] =	stream.indirect.scatter.add.f32 [tilespmem:s1], [sflag:$0x3], $0x10, s12, s22, $0xb8;
	[tilespmem:$0x1D700] =	vst v63  }
0x93: {  	s14 =	rddreg [dreg:$0xd]  }
0x94: {  	[spmem:s2] =	stream.indirect.scatter.add.f32 [tilespmem:s5], [sflag:$0x3], $0x10, s14, s22, $0xb8;
	[tilespmem:$0x1D700] =	vst v63  }
0x95: {  	_ =	swait.ge [sflag:s9], $0x800  }
0x96: {  	[sflag:s9] =	ssyncset.done $0x0  }
0x97: {  	[sflag:s9] =	ssyncadd.s32 $0xFFFFF800  }
0x98: {  	_ =	swait.ge [sflag:s9], $0x800  }
0x99: {  	[sflag:s9] =	ssyncset.done $0x0  }
0x9a: {  	[sflag:s9] =	ssyncadd.s32 $0xFFFFF800  }
0x9b: {  	_ =	swait.ge [sflag:s9], $0x800  }
0x9c: {  	[sflag:s9] =	ssyncset.done $0x0  }
0x9d: {  	[sflag:s9] =	ssyncadd.s32 $0xFFFFF800  }
0x9e: {  	p0 =	por $0x0, $0x0;
	_ =	swait.ge [sflag:s9], $0x800  }
0x9f: {  	s6 =	sadd.s32 @!p0 $0x0, s13;
	s7 =	sadd.s32 @!p0 $0x0, s8;
	[sflag:s9] =	ssyncset.done $0x0  }
0xa0: {  	s11 =	sadd.s32 @!p0 $0x100, s6;
	s12 =	simm.s32 @!p0 $0x0;
	[sflag:s9] =	ssyncadd.s32 $0xFFFFF800  }
0xa1: {  	[tilespmem:s12], [sflag:$0x4] =	stream.linear.gather @!p0 [hbm4b:s11+s12], $0x200, $0x38;
	[tilespmem:$0x1D700] =	vst v63  }
0xa2: {  	s14 =	simm.s32 @!p0 $0x800;
	s11 =	sadd.s32 @!p0 $0x100, s7  }
0xa3: {  	[tilespmem:s14], [sflag:$0x4] =	stream.linear.gather @!p0 [hbm4b:s11+s12], $0x200, $0x38;
	[tilespmem:$0x1D700] =	vst v63  }
0xa4: {  	_ =	swait.ge [sflag:s21], $0x200  }
0xa5: {  	[sflag:s21] =	ssyncset.done $0x0  }
0xa6: {  	[sflag:s21] =	ssyncadd.s32 $0xFFFFFE00  }
0xa7: {  	_ =	swait.ge [sflag:s21], $0x200  }
0xa8: {  	[sflag:s21] =	ssyncset.done $0x0  }
0xa9: {  	[sflag:s21] =	ssyncadd.s32 $0xFFFFFE00  }
0xaa: {  	[tilespmem:s23], [sflag:$0x1] =	stream.indirect.gather [hbm4b:s4+s22], $0x10, s19, s22, $0xb8;
	[tilespmem:$0x1D700] =	vst v63  }
0xab: {  	s15 =	rddreg [dreg:$0xe]  }
0xac: {  	[tilespmem:s24], [sflag:$0x1] =	stream.indirect.gather [hbm4b:s4+s22], $0x10, s15, s22, $0xb8;
	[tilespmem:$0x1D700] =	vst v63  }
0xad: {  	s16 =	rddreg [dreg:$0xf]  }
0xae: {  	[tilespmem:s25], [sflag:$0x1] =	stream.indirect.gather [hbm4b:s4+s22], $0x10, s16, s22, $0xb8;
	[tilespmem:$0x1D700] =	vst v63  }
0xaf: {  	s17 =	rddreg [dreg:$0x10]  }
0xb0: {  	[tilespmem:s26], [sflag:$0x1] =	stream.indirect.gather [hbm4b:s4+s22], $0x10, s17, s22, $0xb8;
	[tilespmem:$0x1D700] =	vst v63  }
0xb1: {  	_ =	swait.ge [sflag:s28], $0x800  }
0xb2: {  	[sflag:s28] =	ssyncset.done $0x0  }
0xb3: {  	[sflag:s28] =	ssyncadd.s32 $0xFFFFF800  }
0xb4: {  	_ =	swait.ge [sflag:s28], $0x800  }
0xb5: {  	[sflag:s28] =	ssyncset.done $0x0  }
0xb6: {  	[sflag:s28] =	ssyncadd.s32 $0xFFFFF800  }
0xb7: {  	_ =	swait.ge [sflag:s28], $0x800  }
0xb8: {  	[sflag:s28] =	ssyncset.done $0x0  }
0xb9: {  	[sflag:s28] =	ssyncadd.s32 $0xFFFFF800  }
0xba: {  	_ =	swait.ge [sflag:s28], $0x800  }
0xbb: {  	[sflag:s28] =	ssyncset.done $0x0  }
0xbc: {  	[sflag:s28] =	ssyncadd.s32 $0xFFFFF800  }
0xbd: {  	[spmem:s2] =	stream.indirect.scatter.add.f32 [tilespmem:s23], [sflag:$0x2], $0x10, s20, s22, $0xb8;
	[tilespmem:$0x1D700] =	vst v63  }
0xbe: {  	s15 =	rddreg [dreg:$0x11]  }
0xbf: {  	[spmem:s2] =	stream.indirect.scatter.add.f32 [tilespmem:s24], [sflag:$0x2], $0x10, s15, s22, $0xb8;
	[tilespmem:$0x1D700] =	vst v63  }
0xc0: {  	s16 =	rddreg [dreg:$0x12]  }
0xc1: {  	[spmem:s2] =	stream.indirect.scatter.add.f32 [tilespmem:s25], [sflag:$0x2], $0x10, s16, s22, $0xb8;
	[tilespmem:$0x1D700] =	vst v63  }
0xc2: {  	s17 =	rddreg [dreg:$0x13]  }
0xc3: {  	[spmem:s2] =	stream.indirect.scatter.add.f32 [tilespmem:s26], [sflag:$0x2], $0x10, s17, s22, $0xb8;
	[tilespmem:$0x1D700] =	vst v63  }
0xc4: {  	_ =	swait.ge [sflag:s10], $0x800  }
0xc5: {  	[sflag:s10] =	ssyncset.done $0x0  }
0xc6: {  	[sflag:s10] =	ssyncadd.s32 $0xFFFFF800  }
0xc7: {  	_ =	swait.ge [sflag:s10], $0x800  }
0xc8: {  	[sflag:s10] =	ssyncset.done $0x0  }
0xc9: {  	[sflag:s10] =	ssyncadd.s32 $0xFFFFF800  }
0xca: {  	_ =	swait.ge [sflag:s10], $0x800  }
0xcb: {  	[sflag:s10] =	ssyncset.done $0x0  }
0xcc: {  	[sflag:s10] =	ssyncadd.s32 $0xFFFFF800  }
0xcd: {  	_ =	swait.ge [sflag:s10], $0x800  }
0xce: {  	[sflag:s10] =	ssyncset.done $0x0  }
0xcf: {  	s6 =	sadd.s32 @!p0 $0x140, s6;
	s11 =	simm.s32 @!p0 $0x200;
	[sflag:s10] =	ssyncadd.s32 $0xFFFFF800  }
0xd0: {  	[tilespmem:s11], [sflag:$0x4] =	stream.linear.gather @!p0 [hbm4b:s6+s12], $0x200, $0x38;
	[tilespmem:$0x1D700] =	vst v63  }
0xd1: {  	s6 =	sadd.s32 @!p0 $0x140, s7;
	s7 =	simm.s32 @!p0 $0xA00  }
0xd2: {  	[tilespmem:s7], [sflag:$0x4] =	stream.linear.gather @!p0 [hbm4b:s6+s12], $0x200, $0x38;
	[tilespmem:$0x1D700] =	vst v63  }
0xd3: {  	_ =	swait.ge [sflag:s21], $0x200  }
0xd4: {  	[sflag:s21] =	ssyncset.done $0x0  }
0xd5: {  	[sflag:s21] =	ssyncadd.s32 $0xFFFFFE00  }
0xd6: {  	_ =	swait.ge [sflag:s21], $0x200  }
0xd7: {  	[sflag:s21] =	ssyncset.done $0x0  }
0xd8: {  	[sflag:s21] =	ssyncadd.s32 $0xFFFFFE00  }
0xd9: {  	[tilespmem:s31], [sflag:$0x1] =	stream.indirect.gather [hbm4b:s4+s22], $0x10, s29, s22, $0xb8;
	[tilespmem:$0x1D700] =	vst v63  }
0xda: {  	s12 =	rddreg [dreg:$0x14]  }
0xdb: {  	[tilespmem:s0], [sflag:$0x1] =	stream.indirect.gather [hbm4b:s4+s22], $0x10, s12, s22, $0xb8;
	[tilespmem:$0x1D700] =	vst v63  }
0xdc: {  	s14 =	rddreg [dreg:$0x15]  }
0xdd: {  	[tilespmem:s1], [sflag:$0x1] =	stream.indirect.gather [hbm4b:s4+s22], $0x10, s14, s22, $0xb8;
	[tilespmem:$0x1D700] =	vst v63  }
0xde: {  	s15 =	rddreg [dreg:$0x16]  }
0xdf: {  	[tilespmem:s5], [sflag:$0x1] =	stream.indirect.gather [hbm4b:s4+s22], $0x10, s15, s22, $0xb8;
	[tilespmem:$0x1D700] =	vst v63  }
0xe0: {  	_ =	swait.ge [sflag:s28], $0x800  }
0xe1: {  	[sflag:s28] =	ssyncset.done $0x0  }
0xe2: {  	[sflag:s28] =	ssyncadd.s32 $0xFFFFF800  }
0xe3: {  	_ =	swait.ge [sflag:s28], $0x800  }
0xe4: {  	[sflag:s28] =	ssyncset.done $0x0  }
0xe5: {  	[sflag:s28] =	ssyncadd.s32 $0xFFFFF800  }
0xe6: {  	_ =	swait.ge [sflag:s28], $0x800  }
0xe7: {  	[sflag:s28] =	ssyncset.done $0x0  }
0xe8: {  	[sflag:s28] =	ssyncadd.s32 $0xFFFFF800  }
0xe9: {  	_ =	swait.ge [sflag:s28], $0x800  }
0xea: {  	[sflag:s28] =	ssyncset.done $0x0  }
0xeb: {  	s16 =	rddreg [dreg:$0x17];
	[sflag:s28] =	ssyncadd.s32 $0xFFFFF800  }
0xec: {  	[spmem:s2] =	stream.indirect.scatter.add.f32 [tilespmem:s31], [sflag:$0x3], $0x10, s30, s22, $0xb8;
	[tilespmem:$0x1D700] =	vst v63  }
0xed: {  	p6 =	por $0x0, $0x0;
	s7 =	simm.s32 $0x200;
	s17 =	rddreg [dreg:$0x18]  }
0xee: {  	[spmem:s2] =	stream.indirect.scatter.add.f32 [tilespmem:s0], [sflag:$0x3], $0x10, s16, s22, $0xb8;
	[tilespmem:$0x1D700] =	vst v63  }
0xef: {  	p0 =	por p6, p6;
	s12 =	simm.s32 $0x100;
	s6 =	rddreg [dreg:$0x19]  }
0xf0: {  	[spmem:s2] =	stream.indirect.scatter.add.f32 [tilespmem:s1], [sflag:$0x3], $0x10, s17, s22, $0xb8;
	[tilespmem:$0x1D700] =	vst v63  }
.LBB2_2:
0xf1: {  	[spmem:s2] =	stream.indirect.scatter.add.f32 [tilespmem:s5], [sflag:$0x3], $0x10, s6, s22, $0xb8;
	[tilespmem:$0x1D700] =	vst v63  }
0xf2: {  	s11 =	simm.s32 @!p0 $0x2  }
0xf3: {  	_ =	swait.ge @!p0 [sflag:s11], $0x800  }
0xf4: {  	[sflag:s11] =	ssyncset.done @!p0 $0x0  }
0xf5: {  	[sflag:s11] =	ssyncadd.s32 @!p0 $0xFFFFF800  }
0xf6: {  	_ =	swait.ge @!p0 [sflag:s11], $0x800  }
0xf7: {  	[sflag:s11] =	ssyncset.done @!p0 $0x0  }
0xf8: {  	[sflag:s11] =	ssyncadd.s32 @!p0 $0xFFFFF800  }
0xf9: {  	_ =	swait.ge @!p0 [sflag:s11], $0x800  }
0xfa: {  	[sflag:s11] =	ssyncset.done @!p0 $0x0  }
0xfb: {  	[sflag:s11] =	ssyncadd.s32 @!p0 $0xFFFFF800  }
0xfc: {  	_ =	swait.ge @!p0 [sflag:s11], $0x800  }
0xfd: {  	s15 =	sadd.s32 s12, s13;
	[sflag:s11] =	ssyncset.done @!p0 $0x0  }
0xfe: {  	s14 =	sadd.s32 s12, s8;
	s17 =	sadd.s32 $0x80, s15;
	[sflag:s11] =	ssyncadd.s32 @!p0 $0xFFFFF800  }
0xff: {  	[tilespmem:s19], [sflag:$0x4] =	stream.linear.gather [hbm4b:s17+s3], $0x200, $0x38;
	[tilespmem:$0x1D700] =	vst v63  }
0x100: {  	s16 =	sadd.s32 $0x80, s14  }
0x101: {  	[tilespmem:s20], [sflag:$0x4] =	stream.linear.gather [hbm4b:s16+s3], $0x200, $0x38;
	[tilespmem:$0x1D700] =	vst v63  }
0x102: {  	_ =	swait.ge [sflag:s21], $0x200  }
0x103: {  	[sflag:s21] =	ssyncset.done $0x0  }
0x104: {  	[sflag:s21] =	ssyncadd.s32 $0xFFFFFE00  }
0x105: {  	_ =	swait.ge [sflag:s21], $0x200  }
0x106: {  	[sflag:s21] =	ssyncset.done $0x0  }
0x107: {  	[sflag:s21] =	ssyncadd.s32 $0xFFFFFE00  }
0x108: {  	[tilespmem:s23], [sflag:$0x1] =	stream.indirect.gather [hbm4b:s4+s22], $0x10, s3, s22, $0xb8;
	[tilespmem:$0x1D700] =	vst v63  }
0x109: {  	_ = 	snop  }
0x10a: {  	[tilespmem:s24], [sflag:$0x1] =	stream.indirect.gather [hbm4b:s4+s22], $0x10, s22, s22, $0xb8;
	[tilespmem:$0x1D700] =	vst v63  }
0x10b: {  	s17 =	rddreg [dreg:$0x3]  }
0x10c: {  	[tilespmem:s25], [sflag:$0x1] =	stream.indirect.gather [hbm4b:s4+s22], $0x10, s17, s22, $0xb8;
	[tilespmem:$0x1D700] =	vst v63  }
0x10d: {  	s16 =	rddreg [dreg:$0x4]  }
0x10e: {  	[tilespmem:s26], [sflag:$0x1] =	stream.indirect.gather [hbm4b:s4+s22], $0x10, s16, s22, $0xb8;
	[tilespmem:$0x1D700] =	vst v63  }
0x10f: {  	_ =	swait.ge [sflag:s28], $0x800  }
0x110: {  	[sflag:s28] =	ssyncset.done $0x0  }
0x111: {  	[sflag:s28] =	ssyncadd.s32 $0xFFFFF800  }
0x112: {  	_ =	swait.ge [sflag:s28], $0x800  }
0x113: {  	[sflag:s28] =	ssyncset.done $0x0  }
0x114: {  	[sflag:s28] =	ssyncadd.s32 $0xFFFFF800  }
0x115: {  	_ =	swait.ge [sflag:s28], $0x800  }
0x116: {  	[sflag:s28] =	ssyncset.done $0x0  }
0x117: {  	[sflag:s28] =	ssyncadd.s32 $0xFFFFF800  }
0x118: {  	_ =	swait.ge [sflag:s28], $0x800  }
0x119: {  	[sflag:s28] =	ssyncset.done $0x0  }
0x11a: {  	[sflag:s28] =	ssyncadd.s32 $0xFFFFF800  }
0x11b: {  	[spmem:s2] =	stream.indirect.scatter.add.f32 [tilespmem:s23], [sflag:$0x2], $0x10, s18, s22, $0xb8;
	[tilespmem:$0x1D700] =	vst v63  }
0x11c: {  	s17 =	rddreg [dreg:$0x5]  }
0x11d: {  	[spmem:s2] =	stream.indirect.scatter.add.f32 [tilespmem:s24], [sflag:$0x2], $0x10, s17, s22, $0xb8;
	[tilespmem:$0x1D700] =	vst v63  }
0x11e: {  	s16 =	rddreg [dreg:$0x6]  }
0x11f: {  	[spmem:s2] =	stream.indirect.scatter.add.f32 [tilespmem:s25], [sflag:$0x2], $0x10, s16, s22, $0xb8;
	[tilespmem:$0x1D700] =	vst v63  }
0x120: {  	s17 =	rddreg [dreg:$0x7];
	s16 =	simm.s32 @!p0 $0x3  }
0x121: {  	[spmem:s2] =	stream.indirect.scatter.add.f32 [tilespmem:s26], [sflag:$0x2], $0x10, s17, s22, $0xb8;
	[tilespmem:$0x1D700] =	vst v63  }
0x122: {  	_ =	swait.ge @!p0 [sflag:s16], $0x800  }
0x123: {  	[sflag:s16] =	ssyncset.done @!p0 $0x0  }
0x124: {  	[sflag:s16] =	ssyncadd.s32 @!p0 $0xFFFFF800  }
0x125: {  	_ =	swait.ge @!p0 [sflag:s16], $0x800  }
0x126: {  	[sflag:s16] =	ssyncset.done @!p0 $0x0  }
0x127: {  	[sflag:s16] =	ssyncadd.s32 @!p0 $0xFFFFF800  }
0x128: {  	_ =	swait.ge @!p0 [sflag:s16], $0x800  }
0x129: {  	[sflag:s16] =	ssyncset.done @!p0 $0x0  }
0x12a: {  	[sflag:s16] =	ssyncadd.s32 @!p0 $0xFFFFF800  }
0x12b: {  	_ =	swait.ge @!p0 [sflag:s16], $0x800  }
0x12c: {  	[sflag:s16] =	ssyncset.done @!p0 $0x0  }
0x12d: {  	s17 =	sadd.s32 $0xC0, s15;
	[sflag:s16] =	ssyncadd.s32 @!p0 $0xFFFFF800  }
0x12e: {  	[tilespmem:s29], [sflag:$0x4] =	stream.linear.gather [hbm4b:s17+s3], $0x200, $0x38;
	[tilespmem:$0x1D700] =	vst v63  }
0x12f: {  	s14 =	sadd.s32 $0xC0, s14  }
0x130: {  	[tilespmem:s30], [sflag:$0x4] =	stream.linear.gather [hbm4b:s14+s3], $0x200, $0x38;
	[tilespmem:$0x1D700] =	vst v63  }
0x131: {  	_ =	swait.ge [sflag:s21], $0x200  }
0x132: {  	[sflag:s21] =	ssyncset.done $0x0  }
0x133: {  	[sflag:s21] =	ssyncadd.s32 $0xFFFFFE00  }
0x134: {  	_ =	swait.ge [sflag:s21], $0x200  }
0x135: {  	[sflag:s21] =	ssyncset.done $0x0  }
0x136: {  	s16 =	simm.s32 $0x200;
	[sflag:s21] =	ssyncadd.s32 $0xFFFFFE00  }
0x137: {  	[tilespmem:s31], [sflag:$0x1] =	stream.indirect.gather [hbm4b:s4+s22], $0x10, s16, s22, $0xb8;
	[tilespmem:$0x1D700] =	vst v63  }
0x138: {  	s15 =	rddreg [dreg:$0x8]  }
0x139: {  	[tilespmem:s0], [sflag:$0x1] =	stream.indirect.gather [hbm4b:s4+s22], $0x10, s15, s22, $0xb8;
	[tilespmem:$0x1D700] =	vst v63  }
0x13a: {  	s17 =	rddreg [dreg:$0x9]  }
0x13b: {  	[tilespmem:s1], [sflag:$0x1] =	stream.indirect.gather [hbm4b:s4+s22], $0x10, s17, s22, $0xb8;
	[tilespmem:$0x1D700] =	vst v63  }
0x13c: {  	s15 =	rddreg [dreg:$0xa]  }
0x13d: {  	[tilespmem:s5], [sflag:$0x1] =	stream.indirect.gather [hbm4b:s4+s22], $0x10, s15, s22, $0xb8;
	[tilespmem:$0x1D700] =	vst v63  }
0x13e: {  	_ =	swait.ge [sflag:s28], $0x800  }
0x13f: {  	[sflag:s28] =	ssyncset.done $0x0  }
0x140: {  	[sflag:s28] =	ssyncadd.s32 $0xFFFFF800  }
0x141: {  	_ =	swait.ge [sflag:s28], $0x800  }
0x142: {  	[sflag:s28] =	ssyncset.done $0x0  }
0x143: {  	[sflag:s28] =	ssyncadd.s32 $0xFFFFF800  }
0x144: {  	_ =	swait.ge [sflag:s28], $0x800  }
0x145: {  	[sflag:s28] =	ssyncset.done $0x0  }
0x146: {  	[sflag:s28] =	ssyncadd.s32 $0xFFFFF800  }
0x147: {  	_ =	swait.ge [sflag:s28], $0x800  }
0x148: {  	[sflag:s28] =	ssyncset.done $0x0  }
0x149: {  	s17 =	simm.s32 $0xA00;
	[sflag:s28] =	ssyncadd.s32 $0xFFFFF800  }
0x14a: {  	[spmem:s2] =	stream.indirect.scatter.add.f32 [tilespmem:s31], [sflag:$0x3], $0x10, s17, s22, $0xb8;
	[tilespmem:$0x1D700] =	vst v63  }
0x14b: {  	s16 =	rddreg [dreg:$0xb]  }
0x14c: {  	[spmem:s2] =	stream.indirect.scatter.add.f32 [tilespmem:s0], [sflag:$0x3], $0x10, s16, s22, $0xb8;
	[tilespmem:$0x1D700] =	vst v63  }
0x14d: {  	s15 =	rddreg [dreg:$0xc]  }
0x14e: {  	[spmem:s2] =	stream.indirect.scatter.add.f32 [tilespmem:s1], [sflag:$0x3], $0x10, s15, s22, $0xb8;
	[tilespmem:$0x1D700] =	vst v63  }
0x14f: {  	s16 =	rddreg [dreg:$0xd]  }
0x150: {  	[spmem:s2] =	stream.indirect.scatter.add.f32 [tilespmem:s5], [sflag:$0x3], $0x10, s16, s22, $0xb8;
	[tilespmem:$0x1D700] =	vst v63  }
0x151: {  	_ =	swait.ge [sflag:s9], $0x800  }
0x152: {  	[sflag:s9] =	ssyncset.done $0x0  }
0x153: {  	[sflag:s9] =	ssyncadd.s32 $0xFFFFF800  }
0x154: {  	_ =	swait.ge [sflag:s9], $0x800  }
0x155: {  	[sflag:s9] =	ssyncset.done $0x0  }
0x156: {  	[sflag:s9] =	ssyncadd.s32 $0xFFFFF800  }
0x157: {  	_ =	swait.ge [sflag:s9], $0x800  }
0x158: {  	s6 =	smov.u32 s7;
	[sflag:s9] =	ssyncset.done $0x0  }
0x159: {  	p2 =	seq.s32 s6, $0x0;
	[sflag:s9] =	ssyncadd.s32 $0xFFFFF800  }
0x15a: {  	p0 =	por p2, p2;
	p2 =	seq.s32 s12, $0x3000;
	_ =	swait.ge [sflag:s9], $0x800  }
0x15b: {  	s11 =	sadd.s32 @!p2 s12, s13;
	s12 =	sadd.s32 @!p2 s12, s8;
	[sflag:s9] =	ssyncset.done $0x0  }
0x15c: {  	s14 =	simm.s32 @!p2 $0x0;
	s15 =	sadd.s32 @!p2 $0x100, s11;
	[sflag:s9] =	ssyncadd.s32 $0xFFFFF800  }
0x15d: {  	[tilespmem:s14], [sflag:$0x4] =	stream.linear.gather @!p2 [hbm4b:s15+s14], $0x200, $0x38;
	[tilespmem:$0x1D700] =	vst v63  }
0x15e: {  	s17 =	simm.s32 @!p2 $0x800;
	s16 =	sadd.s32 @!p2 $0x100, s12  }
0x15f: {  	[tilespmem:s17], [sflag:$0x4] =	stream.linear.gather @!p2 [hbm4b:s16+s14], $0x200, $0x38;
	[tilespmem:$0x1D700] =	vst v63  }
0x160: {  	_ =	swait.ge [sflag:s21], $0x200  }
0x161: {  	[sflag:s21] =	ssyncset.done $0x0  }
0x162: {  	[sflag:s21] =	ssyncadd.s32 $0xFFFFFE00  }
0x163: {  	_ =	swait.ge [sflag:s21], $0x200  }
0x164: {  	[sflag:s21] =	ssyncset.done $0x0  }
0x165: {  	[sflag:s21] =	ssyncadd.s32 $0xFFFFFE00  }
0x166: {  	[tilespmem:s23], [sflag:$0x1] =	stream.indirect.gather [hbm4b:s4+s22], $0x10, s19, s22, $0xb8;
	[tilespmem:$0x1D700] =	vst v63  }
0x167: {  	s17 =	rddreg [dreg:$0xe]  }
0x168: {  	[tilespmem:s24], [sflag:$0x1] =	stream.indirect.gather [hbm4b:s4+s22], $0x10, s17, s22, $0xb8;
	[tilespmem:$0x1D700] =	vst v63  }
0x169: {  	s16 =	rddreg [dreg:$0xf]  }
0x16a: {  	[tilespmem:s25], [sflag:$0x1] =	stream.indirect.gather [hbm4b:s4+s22], $0x10, s16, s22, $0xb8;
	[tilespmem:$0x1D700] =	vst v63  }
0x16b: {  	s17 =	rddreg [dreg:$0x10]  }
0x16c: {  	[tilespmem:s26], [sflag:$0x1] =	stream.indirect.gather [hbm4b:s4+s22], $0x10, s17, s22, $0xb8;
	[tilespmem:$0x1D700] =	vst v63  }
0x16d: {  	_ =	swait.ge [sflag:s28], $0x800  }
0x16e: {  	[sflag:s28] =	ssyncset.done $0x0  }
0x16f: {  	[sflag:s28] =	ssyncadd.s32 $0xFFFFF800  }
0x170: {  	_ =	swait.ge [sflag:s28], $0x800  }
0x171: {  	[sflag:s28] =	ssyncset.done $0x0  }
0x172: {  	[sflag:s28] =	ssyncadd.s32 $0xFFFFF800  }
0x173: {  	_ =	swait.ge [sflag:s28], $0x800  }
0x174: {  	[sflag:s28] =	ssyncset.done $0x0  }
0x175: {  	[sflag:s28] =	ssyncadd.s32 $0xFFFFF800  }
0x176: {  	_ =	swait.ge [sflag:s28], $0x800  }
0x177: {  	[sflag:s28] =	ssyncset.done $0x0  }
0x178: {  	[sflag:s28] =	ssyncadd.s32 $0xFFFFF800  }
0x179: {  	[spmem:s2] =	stream.indirect.scatter.add.f32 [tilespmem:s23], [sflag:$0x2], $0x10, s20, s22, $0xb8;
	[tilespmem:$0x1D700] =	vst v63  }
0x17a: {  	s17 =	rddreg [dreg:$0x11]  }
0x17b: {  	[spmem:s2] =	stream.indirect.scatter.add.f32 [tilespmem:s24], [sflag:$0x2], $0x10, s17, s22, $0xb8;
	[tilespmem:$0x1D700] =	vst v63  }
0x17c: {  	s16 =	rddreg [dreg:$0x12]  }
0x17d: {  	[spmem:s2] =	stream.indirect.scatter.add.f32 [tilespmem:s25], [sflag:$0x2], $0x10, s16, s22, $0xb8;
	[tilespmem:$0x1D700] =	vst v63  }
0x17e: {  	s17 =	rddreg [dreg:$0x13]  }
0x17f: {  	[spmem:s2] =	stream.indirect.scatter.add.f32 [tilespmem:s26], [sflag:$0x2], $0x10, s17, s22, $0xb8;
	[tilespmem:$0x1D700] =	vst v63  }
0x180: {  	_ =	swait.ge [sflag:s10], $0x800  }
0x181: {  	[sflag:s10] =	ssyncset.done $0x0  }
0x182: {  	[sflag:s10] =	ssyncadd.s32 $0xFFFFF800  }
0x183: {  	_ =	swait.ge [sflag:s10], $0x800  }
0x184: {  	[sflag:s10] =	ssyncset.done $0x0  }
0x185: {  	[sflag:s10] =	ssyncadd.s32 $0xFFFFF800  }
0x186: {  	_ =	swait.ge [sflag:s10], $0x800  }
0x187: {  	[sflag:s10] =	ssyncset.done $0x0  }
0x188: {  	[sflag:s10] =	ssyncadd.s32 $0xFFFFF800  }
0x189: {  	_ =	swait.ge [sflag:s10], $0x800  }
0x18a: {  	s15 =	sadd.s32 @!p2 $0x140, s11;
	s11 =	sadd.s32 @!p2 $0x140, s12;
	[sflag:s10] =	ssyncset.done $0x0  }
0x18b: {  	s12 =	smov.u32 s6;
	s6 =	simm.s32 @!p2 $0x200;
	[sflag:s10] =	ssyncadd.s32 $0xFFFFF800  }
0x18c: {  	[tilespmem:s6], [sflag:$0x4] =	stream.linear.gather @!p2 [hbm4b:s15+s14], $0x200, $0x38;
	[tilespmem:$0x1D700] =	vst v63  }
0x18d: {  	s6 =	simm.s32 @!p2 $0xA00  }
0x18e: {  	[tilespmem:s6], [sflag:$0x4] =	stream.linear.gather @!p2 [hbm4b:s11+s14], $0x200, $0x38;
	[tilespmem:$0x1D700] =	vst v63  }
0x18f: {  	_ =	swait.ge [sflag:s21], $0x200  }
0x190: {  	[sflag:s21] =	ssyncset.done $0x0  }
0x191: {  	[sflag:s21] =	ssyncadd.s32 $0xFFFFFE00  }
0x192: {  	_ =	swait.ge [sflag:s21], $0x200  }
0x193: {  	[sflag:s21] =	ssyncset.done $0x0  }
0x194: {  	[sflag:s21] =	ssyncadd.s32 $0xFFFFFE00  }
0x195: {  	[tilespmem:s31], [sflag:$0x1] =	stream.indirect.gather [hbm4b:s4+s22], $0x10, s29, s22, $0xb8;
	[tilespmem:$0x1D700] =	vst v63  }
0x196: {  	s11 =	rddreg [dreg:$0x14]  }
0x197: {  	[tilespmem:s0], [sflag:$0x1] =	stream.indirect.gather [hbm4b:s4+s22], $0x10, s11, s22, $0xb8;
	[tilespmem:$0x1D700] =	vst v63  }
0x198: {  	s14 =	rddreg [dreg:$0x15]  }
0x199: {  	[tilespmem:s1], [sflag:$0x1] =	stream.indirect.gather [hbm4b:s4+s22], $0x10, s14, s22, $0xb8;
	[tilespmem:$0x1D700] =	vst v63  }
0x19a: {  	s15 =	rddreg [dreg:$0x16]  }
0x19b: {  	[tilespmem:s5], [sflag:$0x1] =	stream.indirect.gather [hbm4b:s4+s22], $0x10, s15, s22, $0xb8;
	[tilespmem:$0x1D700] =	vst v63  }
0x19c: {  	_ =	swait.ge [sflag:s28], $0x800  }
0x19d: {  	[sflag:s28] =	ssyncset.done $0x0  }
0x19e: {  	[sflag:s28] =	ssyncadd.s32 $0xFFFFF800  }
0x19f: {  	_ =	swait.ge [sflag:s28], $0x800  }
0x1a0: {  	[sflag:s28] =	ssyncset.done $0x0  }
0x1a1: {  	[sflag:s28] =	ssyncadd.s32 $0xFFFFF800  }
0x1a2: {  	_ =	swait.ge [sflag:s28], $0x800  }
0x1a3: {  	[sflag:s28] =	ssyncset.done $0x0  }
0x1a4: {  	[sflag:s28] =	ssyncadd.s32 $0xFFFFF800  }
0x1a5: {  	_ =	swait.ge [sflag:s28], $0x800  }
0x1a6: {  	s7 =	sadd.s32 $0x100, s7;
	[sflag:s28] =	ssyncset.done $0x0  }
0x1a7: {  	p1 =	sne.s32 s7, $0x3100;
	[sflag:s28] =	ssyncadd.s32 $0xFFFFF800  }
0x1a8: {  	[spmem:s2] =	stream.indirect.scatter.add.f32 [tilespmem:s31], [sflag:$0x3], $0x10, s30, s22, $0xb8;
	[tilespmem:$0x1D700] =	vst v63  }
.Ltmp0:
0x1a9: {  	s16 =	rddreg [dreg:$0x17];
	(pc) =	sbr.rel @p1 .LBB2_2-.Ltmp0, $4  }
0x1aa: {  	s17 =	rddreg [dreg:$0x18]  }
0x1ab: {  	[spmem:s2] =	stream.indirect.scatter.add.f32 [tilespmem:s0], [sflag:$0x3], $0x10, s16, s22, $0xb8;
	[tilespmem:$0x1D700] =	vst v63  }
0x1ac: {  	s6 =	rddreg [dreg:$0x19]  }
0x1ad: {  	[spmem:s2] =	stream.indirect.scatter.add.f32 [tilespmem:s1], [sflag:$0x3], $0x10, s17, s22, $0xb8;
	[tilespmem:$0x1D700] =	vst v63  }
0x1ae: {  	[spmem:s2] =	stream.indirect.scatter.add.f32 [tilespmem:s5], [sflag:$0x3], $0x10, s6, s22, $0xb8;
	[tilespmem:$0x1D700] =	vst v63  }
0x1af: {  	s6 =	simm.s32 @!p0 $0x2  }
0x1b0: {  	_ =	swait.ge @!p0 [sflag:s6], $0x800  }
0x1b1: {  	[sflag:s6] =	ssyncset.done @!p0 $0x0  }
0x1b2: {  	[sflag:s6] =	ssyncadd.s32 @!p0 $0xFFFFF800  }
0x1b3: {  	_ =	swait.ge @!p0 [sflag:s6], $0x800  }
0x1b4: {  	[sflag:s6] =	ssyncset.done @!p0 $0x0  }
0x1b5: {  	[sflag:s6] =	ssyncadd.s32 @!p0 $0xFFFFF800  }
0x1b6: {  	_ =	swait.ge @!p0 [sflag:s6], $0x800  }
0x1b7: {  	[sflag:s6] =	ssyncset.done @!p0 $0x0  }
0x1b8: {  	[sflag:s6] =	ssyncadd.s32 @!p0 $0xFFFFF800  }
0x1b9: {  	_ =	swait.ge @!p0 [sflag:s6], $0x800  }
0x1ba: {  	s7 =	sadd.s32 s12, s13;
	[sflag:s6] =	ssyncset.done @!p0 $0x0  }
0x1bb: {  	s11 =	sadd.s32 s12, s8;
	s15 =	sadd.s32 $0x80, s7;
	[sflag:s6] =	ssyncadd.s32 @!p0 $0xFFFFF800  }
0x1bc: {  	[tilespmem:s19], [sflag:$0x4] =	stream.linear.gather [hbm4b:s15+s3], $0x200, $0x38;
	[tilespmem:$0x1D700] =	vst v63  }
0x1bd: {  	s16 =	sadd.s32 $0x80, s11  }
0x1be: {  	[tilespmem:s20], [sflag:$0x4] =	stream.linear.gather [hbm4b:s16+s3], $0x200, $0x38;
	[tilespmem:$0x1D700] =	vst v63  }
0x1bf: {  	_ =	swait.ge [sflag:s21], $0x200  }
0x1c0: {  	[sflag:s21] =	ssyncset.done $0x0  }
0x1c1: {  	[sflag:s21] =	ssyncadd.s32 $0xFFFFFE00  }
0x1c2: {  	_ =	swait.ge [sflag:s21], $0x200  }
0x1c3: {  	[sflag:s21] =	ssyncset.done $0x0  }
0x1c4: {  	[sflag:s21] =	ssyncadd.s32 $0xFFFFFE00  }
0x1c5: {  	[tilespmem:s23], [sflag:$0x1] =	stream.indirect.gather [hbm4b:s4+s22], $0x10, s3, s22, $0xb8;
	[tilespmem:$0x1D700] =	vst v63  }
0x1c6: {  	_ = 	snop  }
0x1c7: {  	[tilespmem:s24], [sflag:$0x1] =	stream.indirect.gather [hbm4b:s4+s22], $0x10, s22, s22, $0xb8;
	[tilespmem:$0x1D700] =	vst v63  }
0x1c8: {  	s17 =	rddreg [dreg:$0x3]  }
0x1c9: {  	[tilespmem:s25], [sflag:$0x1] =	stream.indirect.gather [hbm4b:s4+s22], $0x10, s17, s22, $0xb8;
	[tilespmem:$0x1D700] =	vst v63  }
0x1ca: {  	s14 =	rddreg [dreg:$0x4]  }
0x1cb: {  	[tilespmem:s26], [sflag:$0x1] =	stream.indirect.gather [hbm4b:s4+s22], $0x10, s14, s22, $0xb8;
	[tilespmem:$0x1D700] =	vst v63  }
0x1cc: {  	_ =	swait.ge [sflag:s28], $0x800  }
0x1cd: {  	[sflag:s28] =	ssyncset.done $0x0  }
0x1ce: {  	[sflag:s28] =	ssyncadd.s32 $0xFFFFF800  }
0x1cf: {  	_ =	swait.ge [sflag:s28], $0x800  }
0x1d0: {  	[sflag:s28] =	ssyncset.done $0x0  }
0x1d1: {  	[sflag:s28] =	ssyncadd.s32 $0xFFFFF800  }
0x1d2: {  	_ =	swait.ge [sflag:s28], $0x800  }
0x1d3: {  	[sflag:s28] =	ssyncset.done $0x0  }
0x1d4: {  	[sflag:s28] =	ssyncadd.s32 $0xFFFFF800  }
0x1d5: {  	_ =	swait.ge [sflag:s28], $0x800  }
0x1d6: {  	[sflag:s28] =	ssyncset.done $0x0  }
0x1d7: {  	[sflag:s28] =	ssyncadd.s32 $0xFFFFF800  }
0x1d8: {  	[spmem:s2] =	stream.indirect.scatter.add.f32 [tilespmem:s23], [sflag:$0x2], $0x10, s18, s22, $0xb8;
	[tilespmem:$0x1D700] =	vst v63  }
0x1d9: {  	s15 =	rddreg [dreg:$0x5]  }
0x1da: {  	[spmem:s2] =	stream.indirect.scatter.add.f32 [tilespmem:s24], [sflag:$0x2], $0x10, s15, s22, $0xb8;
	[tilespmem:$0x1D700] =	vst v63  }
0x1db: {  	s16 =	rddreg [dreg:$0x6]  }
0x1dc: {  	[spmem:s2] =	stream.indirect.scatter.add.f32 [tilespmem:s25], [sflag:$0x2], $0x10, s16, s22, $0xb8;
	[tilespmem:$0x1D700] =	vst v63  }
0x1dd: {  	s14 =	simm.s32 @!p0 $0x3;
	s17 =	rddreg [dreg:$0x7]  }
0x1de: {  	[spmem:s2] =	stream.indirect.scatter.add.f32 [tilespmem:s26], [sflag:$0x2], $0x10, s17, s22, $0xb8;
	[tilespmem:$0x1D700] =	vst v63  }
0x1df: {  	_ =	swait.ge @!p0 [sflag:s14], $0x800  }
0x1e0: {  	[sflag:s14] =	ssyncset.done @!p0 $0x0  }
0x1e1: {  	[sflag:s14] =	ssyncadd.s32 @!p0 $0xFFFFF800  }
0x1e2: {  	_ =	swait.ge @!p0 [sflag:s14], $0x800  }
0x1e3: {  	[sflag:s14] =	ssyncset.done @!p0 $0x0  }
0x1e4: {  	[sflag:s14] =	ssyncadd.s32 @!p0 $0xFFFFF800  }
0x1e5: {  	_ =	swait.ge @!p0 [sflag:s14], $0x800  }
0x1e6: {  	[sflag:s14] =	ssyncset.done @!p0 $0x0  }
0x1e7: {  	[sflag:s14] =	ssyncadd.s32 @!p0 $0xFFFFF800  }
0x1e8: {  	_ =	swait.ge @!p0 [sflag:s14], $0x800  }
0x1e9: {  	[sflag:s14] =	ssyncset.done @!p0 $0x0  }
0x1ea: {  	s15 =	sadd.s32 $0xC0, s7;
	[sflag:s14] =	ssyncadd.s32 @!p0 $0xFFFFF800  }
0x1eb: {  	[tilespmem:s29], [sflag:$0x4] =	stream.linear.gather [hbm4b:s15+s3], $0x200, $0x38;
	[tilespmem:$0x1D700] =	vst v63  }
0x1ec: {  	s16 =	sadd.s32 $0xC0, s11  }
0x1ed: {  	[tilespmem:s30], [sflag:$0x4] =	stream.linear.gather [hbm4b:s16+s3], $0x200, $0x38;
	[tilespmem:$0x1D700] =	vst v63  }
0x1ee: {  	_ =	swait.ge [sflag:s21], $0x200  }
0x1ef: {  	[sflag:s21] =	ssyncset.done $0x0  }
0x1f0: {  	[sflag:s21] =	ssyncadd.s32 $0xFFFFFE00  }
0x1f1: {  	_ =	swait.ge [sflag:s21], $0x200  }
0x1f2: {  	[sflag:s21] =	ssyncset.done $0x0  }
0x1f3: {  	s11 =	simm.s32 $0x200;
	[sflag:s21] =	ssyncadd.s32 $0xFFFFFE00  }
0x1f4: {  	[tilespmem:s31], [sflag:$0x1] =	stream.indirect.gather [hbm4b:s4+s22], $0x10, s11, s22, $0xb8;
	[tilespmem:$0x1D700] =	vst v63  }
0x1f5: {  	s17 =	rddreg [dreg:$0x8]  }
0x1f6: {  	[tilespmem:s0], [sflag:$0x1] =	stream.indirect.gather [hbm4b:s4+s22], $0x10, s17, s22, $0xb8;
	[tilespmem:$0x1D700] =	vst v63  }
0x1f7: {  	s14 =	rddreg [dreg:$0x9]  }
0x1f8: {  	[tilespmem:s1], [sflag:$0x1] =	stream.indirect.gather [hbm4b:s4+s22], $0x10, s14, s22, $0xb8;
	[tilespmem:$0x1D700] =	vst v63  }
0x1f9: {  	s15 =	rddreg [dreg:$0xa]  }
0x1fa: {  	[tilespmem:s5], [sflag:$0x1] =	stream.indirect.gather [hbm4b:s4+s22], $0x10, s15, s22, $0xb8;
	[tilespmem:$0x1D700] =	vst v63  }
0x1fb: {  	_ =	swait.ge [sflag:s28], $0x800  }
0x1fc: {  	[sflag:s28] =	ssyncset.done $0x0  }
0x1fd: {  	[sflag:s28] =	ssyncadd.s32 $0xFFFFF800  }
0x1fe: {  	_ =	swait.ge [sflag:s28], $0x800  }
0x1ff: {  	[sflag:s28] =	ssyncset.done $0x0  }
0x200: {  	[sflag:s28] =	ssyncadd.s32 $0xFFFFF800  }
0x201: {  	_ =	swait.ge [sflag:s28], $0x800  }
0x202: {  	[sflag:s28] =	ssyncset.done $0x0  }
0x203: {  	[sflag:s28] =	ssyncadd.s32 $0xFFFFF800  }
0x204: {  	_ =	swait.ge [sflag:s28], $0x800  }
0x205: {  	[sflag:s28] =	ssyncset.done $0x0  }
0x206: {  	s17 =	simm.s32 $0xA00;
	[sflag:s28] =	ssyncadd.s32 $0xFFFFF800  }
0x207: {  	[spmem:s2] =	stream.indirect.scatter.add.f32 [tilespmem:s31], [sflag:$0x3], $0x10, s17, s22, $0xb8;
	[tilespmem:$0x1D700] =	vst v63  }
0x208: {  	s16 =	rddreg [dreg:$0xb]  }
0x209: {  	[spmem:s2] =	stream.indirect.scatter.add.f32 [tilespmem:s0], [sflag:$0x3], $0x10, s16, s22, $0xb8;
	[tilespmem:$0x1D700] =	vst v63  }
0x20a: {  	s11 =	rddreg [dreg:$0xc]  }
0x20b: {  	[spmem:s2] =	stream.indirect.scatter.add.f32 [tilespmem:s1], [sflag:$0x3], $0x10, s11, s22, $0xb8;
	[tilespmem:$0x1D700] =	vst v63  }
0x20c: {  	s14 =	rddreg [dreg:$0xd]  }
0x20d: {  	[spmem:s2] =	stream.indirect.scatter.add.f32 [tilespmem:s5], [sflag:$0x3], $0x10, s14, s22, $0xb8;
	[tilespmem:$0x1D700] =	vst v63  }
0x20e: {  	_ =	swait.ge [sflag:s9], $0x800  }
0x20f: {  	[sflag:s9] =	ssyncset.done $0x0  }
0x210: {  	[sflag:s9] =	ssyncadd.s32 $0xFFFFF800  }
0x211: {  	_ =	swait.ge [sflag:s9], $0x800  }
0x212: {  	[sflag:s9] =	ssyncset.done $0x0  }
0x213: {  	[sflag:s9] =	ssyncadd.s32 $0xFFFFF800  }
0x214: {  	_ =	swait.ge [sflag:s9], $0x800  }
0x215: {  	[sflag:s9] =	ssyncset.done $0x0  }
0x216: {  	[sflag:s9] =	ssyncadd.s32 $0xFFFFF800  }
0x217: {  	p0 =	seq.s32 s12, $0x3000;
	_ =	swait.ge [sflag:s9], $0x800  }
0x218: {  	s6 =	sadd.s32 @!p0 s12, s13;
	s7 =	sadd.s32 @!p0 s12, s8;
	[sflag:s9] =	ssyncset.done $0x0  }
0x219: {  	s12 =	simm.s32 @!p0 $0x0;
	s11 =	sadd.s32 @!p0 $0x100, s6;
	[sflag:s9] =	ssyncadd.s32 $0xFFFFF800  }
0x21a: {  	[tilespmem:s12], [sflag:$0x4] =	stream.linear.gather @!p0 [hbm4b:s11+s12], $0x200, $0x38;
	[tilespmem:$0x1D700] =	vst v63  }
0x21b: {  	s14 =	simm.s32 @!p0 $0x800;
	s11 =	sadd.s32 @!p0 $0x100, s7  }
0x21c: {  	[tilespmem:s14], [sflag:$0x4] =	stream.linear.gather @!p0 [hbm4b:s11+s12], $0x200, $0x38;
	[tilespmem:$0x1D700] =	vst v63  }
0x21d: {  	_ =	swait.ge [sflag:s21], $0x200  }
0x21e: {  	[sflag:s21] =	ssyncset.done $0x0  }
0x21f: {  	[sflag:s21] =	ssyncadd.s32 $0xFFFFFE00  }
0x220: {  	_ =	swait.ge [sflag:s21], $0x200  }
0x221: {  	[sflag:s21] =	ssyncset.done $0x0  }
0x222: {  	[sflag:s21] =	ssyncadd.s32 $0xFFFFFE00  }
0x223: {  	[tilespmem:s23], [sflag:$0x1] =	stream.indirect.gather [hbm4b:s4+s22], $0x10, s19, s22, $0xb8;
	[tilespmem:$0x1D700] =	vst v63  }
0x224: {  	s15 =	rddreg [dreg:$0xe]  }
0x225: {  	[tilespmem:s24], [sflag:$0x1] =	stream.indirect.gather [hbm4b:s4+s22], $0x10, s15, s22, $0xb8;
	[tilespmem:$0x1D700] =	vst v63  }
0x226: {  	s16 =	rddreg [dreg:$0xf]  }
0x227: {  	[tilespmem:s25], [sflag:$0x1] =	stream.indirect.gather [hbm4b:s4+s22], $0x10, s16, s22, $0xb8;
	[tilespmem:$0x1D700] =	vst v63  }
0x228: {  	s17 =	rddreg [dreg:$0x10]  }
0x229: {  	[tilespmem:s26], [sflag:$0x1] =	stream.indirect.gather [hbm4b:s4+s22], $0x10, s17, s22, $0xb8;
	[tilespmem:$0x1D700] =	vst v63  }
0x22a: {  	_ =	swait.ge [sflag:s28], $0x800  }
0x22b: {  	[sflag:s28] =	ssyncset.done $0x0  }
0x22c: {  	[sflag:s28] =	ssyncadd.s32 $0xFFFFF800  }
0x22d: {  	_ =	swait.ge [sflag:s28], $0x800  }
0x22e: {  	[sflag:s28] =	ssyncset.done $0x0  }
0x22f: {  	[sflag:s28] =	ssyncadd.s32 $0xFFFFF800  }
0x230: {  	_ =	swait.ge [sflag:s28], $0x800  }
0x231: {  	[sflag:s28] =	ssyncset.done $0x0  }
0x232: {  	[sflag:s28] =	ssyncadd.s32 $0xFFFFF800  }
0x233: {  	_ =	swait.ge [sflag:s28], $0x800  }
0x234: {  	[sflag:s28] =	ssyncset.done $0x0  }
0x235: {  	[sflag:s28] =	ssyncadd.s32 $0xFFFFF800  }
0x236: {  	[spmem:s2] =	stream.indirect.scatter.add.f32 [tilespmem:s23], [sflag:$0x2], $0x10, s20, s22, $0xb8;
	[tilespmem:$0x1D700] =	vst v63  }
0x237: {  	s15 =	rddreg [dreg:$0x11]  }
0x238: {  	[spmem:s2] =	stream.indirect.scatter.add.f32 [tilespmem:s24], [sflag:$0x2], $0x10, s15, s22, $0xb8;
	[tilespmem:$0x1D700] =	vst v63  }
0x239: {  	s16 =	rddreg [dreg:$0x12]  }
0x23a: {  	[spmem:s2] =	stream.indirect.scatter.add.f32 [tilespmem:s25], [sflag:$0x2], $0x10, s16, s22, $0xb8;
	[tilespmem:$0x1D700] =	vst v63  }
0x23b: {  	s17 =	rddreg [dreg:$0x13]  }
0x23c: {  	[spmem:s2] =	stream.indirect.scatter.add.f32 [tilespmem:s26], [sflag:$0x2], $0x10, s17, s22, $0xb8;
	[tilespmem:$0x1D700] =	vst v63  }
0x23d: {  	_ =	swait.ge [sflag:s10], $0x800  }
0x23e: {  	[sflag:s10] =	ssyncset.done $0x0  }
0x23f: {  	[sflag:s10] =	ssyncadd.s32 $0xFFFFF800  }
0x240: {  	_ =	swait.ge [sflag:s10], $0x800  }
0x241: {  	[sflag:s10] =	ssyncset.done $0x0  }
0x242: {  	[sflag:s10] =	ssyncadd.s32 $0xFFFFF800  }
0x243: {  	_ =	swait.ge [sflag:s10], $0x800  }
0x244: {  	[sflag:s10] =	ssyncset.done $0x0  }
0x245: {  	[sflag:s10] =	ssyncadd.s32 $0xFFFFF800  }
0x246: {  	_ =	swait.ge [sflag:s10], $0x800  }
0x247: {  	[sflag:s10] =	ssyncset.done $0x0  }
0x248: {  	s6 =	sadd.s32 @!p0 $0x140, s6;
	s11 =	simm.s32 @!p0 $0x200;
	[sflag:s10] =	ssyncadd.s32 $0xFFFFF800  }
0x249: {  	[tilespmem:s11], [sflag:$0x4] =	stream.linear.gather @!p0 [hbm4b:s6+s12], $0x200, $0x38;
	[tilespmem:$0x1D700] =	vst v63  }
0x24a: {  	s6 =	sadd.s32 @!p0 $0x140, s7;
	s7 =	simm.s32 @!p0 $0xA00  }
0x24b: {  	[tilespmem:s7], [sflag:$0x4] =	stream.linear.gather @!p0 [hbm4b:s6+s12], $0x200, $0x38;
	[tilespmem:$0x1D700] =	vst v63  }
0x24c: {  	_ =	swait.ge [sflag:s21], $0x200  }
0x24d: {  	[sflag:s21] =	ssyncset.done $0x0  }
0x24e: {  	[sflag:s21] =	ssyncadd.s32 $0xFFFFFE00  }
0x24f: {  	_ =	swait.ge [sflag:s21], $0x200  }
0x250: {  	[sflag:s21] =	ssyncset.done $0x0  }
0x251: {  	[sflag:s21] =	ssyncadd.s32 $0xFFFFFE00  }
0x252: {  	[tilespmem:s31], [sflag:$0x1] =	stream.indirect.gather [hbm4b:s4+s22], $0x10, s29, s22, $0xb8;
	[tilespmem:$0x1D700] =	vst v63  }
0x253: {  	s15 =	rddreg [dreg:$0x14]  }
0x254: {  	[tilespmem:s0], [sflag:$0x1] =	stream.indirect.gather [hbm4b:s4+s22], $0x10, s15, s22, $0xb8;
	[tilespmem:$0x1D700] =	vst v63  }
0x255: {  	s16 =	rddreg [dreg:$0x15]  }
0x256: {  	[tilespmem:s1], [sflag:$0x1] =	stream.indirect.gather [hbm4b:s4+s22], $0x10, s16, s22, $0xb8;
	[tilespmem:$0x1D700] =	vst v63  }
0x257: {  	s17 =	rddreg [dreg:$0x16]  }
0x258: {  	[tilespmem:s5], [sflag:$0x1] =	stream.indirect.gather [hbm4b:s4+s22], $0x10, s17, s22, $0xb8;
	[tilespmem:$0x1D700] =	vst v63  }
0x259: {  	_ =	swait.ge [sflag:s28], $0x800  }
0x25a: {  	[sflag:s28] =	ssyncset.done $0x0  }
0x25b: {  	[sflag:s28] =	ssyncadd.s32 $0xFFFFF800  }
0x25c: {  	_ =	swait.ge [sflag:s28], $0x800  }
0x25d: {  	[sflag:s28] =	ssyncset.done $0x0  }
0x25e: {  	[sflag:s28] =	ssyncadd.s32 $0xFFFFF800  }
0x25f: {  	_ =	swait.ge [sflag:s28], $0x800  }
0x260: {  	[sflag:s28] =	ssyncset.done $0x0  }
0x261: {  	[sflag:s28] =	ssyncadd.s32 $0xFFFFF800  }
0x262: {  	_ =	swait.ge [sflag:s28], $0x800  }
0x263: {  	[sflag:s28] =	ssyncset.done $0x0  }
0x264: {  	[sflag:s28] =	ssyncadd.s32 $0xFFFFF800  }
0x265: {  	[spmem:s2] =	stream.indirect.scatter.add.f32 [tilespmem:s31], [sflag:$0x3], $0x10, s30, s22, $0xb8;
	[tilespmem:$0x1D700] =	vst v63  }
0x266: {  	s11 =	rddreg [dreg:$0x17]  }
0x267: {  	[spmem:s2] =	stream.indirect.scatter.add.f32 [tilespmem:s0], [sflag:$0x3], $0x10, s11, s22, $0xb8;
	[tilespmem:$0x1D700] =	vst v63  }
0x268: {  	s12 =	rddreg [dreg:$0x18]  }
0x269: {  	[spmem:s2] =	stream.indirect.scatter.add.f32 [tilespmem:s1], [sflag:$0x3], $0x10, s12, s22, $0xb8;
	[tilespmem:$0x1D700] =	vst v63  }
0x26a: {  	s14 =	rddreg [dreg:$0x19]  }
0x26b: {  	[spmem:s2] =	stream.indirect.scatter.add.f32 [tilespmem:s5], [sflag:$0x3], $0x10, s14, s22, $0xb8;
	[tilespmem:$0x1D700] =	vst v63  }
0x26c: {  	_ =	swait.ge [sflag:s9], $0x800  }
0x26d: {  	[sflag:s9] =	ssyncset.done $0x0  }
0x26e: {  	[sflag:s9] =	ssyncadd.s32 $0xFFFFF800  }
0x26f: {  	_ =	swait.ge [sflag:s9], $0x800  }
0x270: {  	[sflag:s9] =	ssyncset.done $0x0  }
0x271: {  	[sflag:s9] =	ssyncadd.s32 $0xFFFFF800  }
0x272: {  	_ =	swait.ge [sflag:s9], $0x800  }
0x273: {  	[sflag:s9] =	ssyncset.done $0x0  }
0x274: {  	[sflag:s9] =	ssyncadd.s32 $0xFFFFF800  }
0x275: {  	_ =	swait.ge [sflag:s9], $0x800  }
0x276: {  	[sflag:s9] =	ssyncset.done $0x0  }
0x277: {  	[sflag:s9] =	ssyncadd.s32 $0xFFFFF800  }
0x278: {  	_ =	swait.ge [sflag:s10], $0x800  }
0x279: {  	[sflag:s10] =	ssyncset.done $0x0  }
0x27a: {  	[sflag:s10] =	ssyncadd.s32 $0xFFFFF800  }
0x27b: {  	_ =	swait.ge [sflag:s10], $0x800  }
0x27c: {  	[sflag:s10] =	ssyncset.done $0x0  }
0x27d: {  	[sflag:s10] =	ssyncadd.s32 $0xFFFFF800  }
0x27e: {  	_ =	swait.ge [sflag:s10], $0x800  }
0x27f: {  	[sflag:s10] =	ssyncset.done $0x0  }
0x280: {  	[sflag:s10] =	ssyncadd.s32 $0xFFFFF800  }
0x281: {  	_ =	swait.ge [sflag:s10], $0x800  }
0x282: {  	[sflag:s10] =	ssyncset.done $0x0  }
0x283: {  	[sflag:s10] =	ssyncadd.s32 $0xFFFFF800  }
0x284: {  	[bflag:$0x0] =	sbarrier.arrive $0xFFFF  }
0x285: {  	s7 =	sld [smem:$0x7FD]  }
0x286: {  	s14 =	rddreg [dreg:$0x1b]  }
0x287: {  	s11 =	simm.s32 $0x5;
	s15 =	rddreg [dreg:$0x1f]  }
0x288: {  	[hbm:s15], [sflag:s14] =	dma.local [spmem:s7], $0x30E0  }
0x289: {  	_ =	swait.ge [sflag:s11], $0x30E0  }
0x28a: {  	s16 =	sld [smem:$0x7FB]  }
0x28b: {  	s17 =	sld [smem:$0x7FC];
	_ =	sdelay $0x1  }
0x28c: {  	s12 =	sadd.s32 $0x1, s16  }
0x28d: {  	p0 =	sne.s32 s12, s17  }
.Ltmp1:
0x28e: {  	_ = 	snop;
	(pc) =	sbr.rel @p0 .LBB2_1-.Ltmp1, $3  }
0x28f: {  	_ =	sdelay $0x1  }
0x290: {  	[sflag:s11] =	ssyncset.done $0x0  }
0x291: {  	[sflag:s11] =	ssyncadd.s32 $0xFFFFCF20  }
0x292: {  	_ =	sfence.sel $0x180000  }
0x293: {  	[bflag:$0x0] =	sbarrier.arrive $0xFFFF  }
0x294: {  	_ =	strace $0x90000047  }
0x295: {  	s0 =	stileid.u32;
	[bflag:$0x2] =	sbarrier.arrive $0xFFFF  }
0x296: {  	p0 =	sne.s32 s0, $0x0;
	s0 =	rddreg [dreg:$0x2]  }
0x297: {  	s0 =	sadd.s32 @!p0 $0x100000, s0  }
0x298: {  	[sflag:s0] =	ssyncadd.tile.s32 @!p0 $0x1;
	_ =	shalt  }
.Lfunc_end2:
_tile_overlayer_lowered:
.L_overlay_start_2:
0x299: {  	(tag) =	ssettag $0x2  }
0x29a: {  	s0 =	rddreg [dreg:$0x0];
	s2 =	stileid.u32  }
0x29b: {  	s1 =	rddreg [dreg:$0x1];
	p0 =	sne.s32 s2, $0x0  }
0x29c: {  	s3 =	rddreg [dreg:$0x2];
	[bflag:$0x3] =	sbarrier.arrive $0xFFFF;
	s2 =	simm.s32 @!p0 $0x1C05  }
0x29d: {  	[timem:s3], [sflag:s2] =	dma.local @!p0 [hbm:s0], s1  }
0x29e: {  	s0 =	simm.s32 @!p0 $0x5  }
0x29f: {  	_ =	swait.ge @!p0 [sflag:s0], s1  }
0x2a0: {  	s1 =	ssub.s32 @!p0 $0x0, s1;
	[sflag:s0] =	ssyncset.done @!p0 $0x0  }
0x2a1: {  	[sflag:s0] =	ssyncadd.s32 @!p0 s1  }
0x2a2: {  	[bflag:$0x3] =	sbarrier.arrive $0xFFFF  }
0x2a3: {  	_ =	shalt  }

// kernel: kernel.9.cloned.1.call-start
scs
__scs_entry_jumppad:
0x0: {  	(pc) =	sbr.rel $0x88, $3  }
0x1: {  	(tag) =	ssettag $0x0;
	lr =	simm.s32 $0x1  }
0x2: {  	[smem:$0x3F9B] =	sst lr;
	_ =	strace $0xD0000000  }
0x3: {  	_ = 	snop  }
0x4: {  	_ = 	snop  }
0x5: {  	_ = 	snop  }
0x6: {  	_ = 	snop  }
0x7: {  	_ = 	snop  }
__scs_overlays_trampoline_lowered:
0x8: {  	[smem:$0x3FAA] =	sst s0  }
0x9: {  	[smem:$0x3FAB] =	sst s1  }
0xa: {  	[smem:$0x3FAC] =	sst s2  }
0xb: {  	[smem:$0x3FAD] =	sst s3  }
0xc: {  	[smem:$0x3FAE] =	sst s4  }
0xd: {  	[smem:$0x3FAF] =	sst s5  }
0xe: {  	[smem:$0x3FB0] =	sst s6  }
0xf: {  	[smem:$0x3FB1] =	sst s7  }
0x10: {  	[smem:$0x3FB2] =	sst s8  }
0x11: {  	[smem:$0x3FB3] =	sst s9;
	s0 =	simm.s32 @!p0 $0x0  }
0x12: {  	s1 =	sld [smem:$0x3F99];
	s0 =	simm.s32 @p0 $0x1  }
0x13: {  	[smem:$0x3FB4] =	sst s0;
	s0 =	simm.s32 @!p1 $0x0  }
0x14: {  	s2 =	sld [smem:$0x3F98];
	s0 =	simm.s32 @p1 $0x1  }
0x15: {  	[smem:$0x3FB5] =	sst s0;
	s0 =	simm.s32 @!p2 $0x0  }
0x16: {  	s3 =	sld [smem:$0x3FDB];
	s0 =	simm.s32 @p2 $0x1  }
0x17: {  	s4 =	simm.s32 $0x1BF5;
	[smem:$0x3FB7] =	sst s0  }
0x18: {  	s0 =	sld [smem:$0x3F9A];
	_ =	swait.ge [sflag:s4], $0x0  }
0x19: {  	s7 =	sld [smem:$0x3F9B]  }
0x1a: {  	s8 =	sadd.s32 $0xFFFFE003, lr  }
0x1b: {  	s9 =	sadd.s32 $0xFFFFFEF7, lr;
	s5 =	simm.s32 $0xFFFFFFFF;
	p2 =	slt.u32 s8, $0xFFFFF086  }
0x1c: {  	p1 =	slt.u32 s9, $0xF7A;
	s5 =	simm.s32 @!p2 $0x0  }
0x1d: {  	s5 =	simm.s32 @p1 $0x1;
	p0 =	seq.s32 s7, s2  }
0x1e: {  	s7 =	smul.u32 @!p0 $0xF7A, s2;
	p2 =	seq.s32 @!p0 s5, $0x0  }
0x1f: {  	s9 =	smul.u32 $0xF7A, s1;
	s8 =	simm.s32 @!p0 $0x1BF5;
	p2 =	por !p2, p0  }
0x20: {  	[sflag:s8] =	ssyncset.s32 @!p0 $0xFFFFF086;
	s6 =	sadd.s32 @!p0 s3, s7;
	s7 =	simm.s32 @!p0 $0x108  }
0x21: {  	s3 =	sadd.s32 s3, s9;
	s6 =	sadd.s32 @!p0 $0x88, s6;
	s7 =	simm.s32 @p2 $0x1082  }
0x22: {  	[simem:s7], [sflag:s8] =	dma.local @!p0 [hbm:s6], $0xF7A  }
0x23: {  	s9 =	sor.u32 $0xD0000000, s2;
	s6 =	simm.s32 $0x108;
	_ =	swait.ge @!p0 [sflag:s8], $0x0  }
0x24: {  	s3 =	sadd.s32 $0x88, s3;
	s6 =	simm.s32 @!p1 $0x1082;
	[sflag:s4] =	ssyncset.s32 $0xFFFFF086  }
0x25: {  	[simem:s6], [sflag:s4] =	dma.local [hbm:s3], $0xF7A  }
0x26: {  	[smem:$0x3F9B] =	sst s1;
	(tag) =	ssettag s2;
	_ =	strace s9  }
0x27: {  	s1 =	sld [smem:$0x3FAB]  }
0x28: {  	s2 =	sld [smem:$0x3FAC]  }
0x29: {  	s4 =	sld [smem:$0x3FAE]  }
0x2a: {  	p0 =	seq.s32 s5, $0x0;
	s5 =	sld [smem:$0x3FAF]  }
0x2b: {  	s6 =	sld [smem:$0x3FB0]  }
0x2c: {  	s7 =	sld [smem:$0x3FB1]  }
0x2d: {  	s3 =	simm.s32 $0x108;
	s8 =	sld [smem:$0x3FB2]  }
0x2e: {  	s3 =	simm.s32 @!p0 $0x1082;
	s9 =	sld [smem:$0x3FB3]  }
0x2f: {  	lr =	sadd.s32 s0, s3;
	s0 =	sld [smem:$0x3FAA]  }
0x30: {  	s3 =	sld [smem:$0x3FAD]  }
0x31: {  	[smem:$0x3FB6] =	sst s10  }
0x32: {  	s10 =	sld [smem:$0x3FB4];
	_ =	sdelay $0x3  }
0x33: {  	p0 =	seq.s32 s10, $0x1;
	s10 =	sld [smem:$0x3FB6];
	_ =	sdelay $0x3  }
0x34: {  	[smem:$0x3FB6] =	sst s10  }
0x35: {  	s10 =	sld [smem:$0x3FB5];
	_ =	sdelay $0x3  }
0x36: {  	p1 =	seq.s32 s10, $0x1;
	s10 =	sld [smem:$0x3FB6];
	_ =	sdelay $0x3  }
0x37: {  	[smem:$0x3FB6] =	sst s10  }
0x38: {  	s10 =	sld [smem:$0x3FB7]  }
0x39: {  	_ = 	snop;
	(pc) =	sbr.ind lr, $3  }
0x3a: {  	_ = 	snop  }
0x3b: {  	_ = 	snop  }
0x3c: {  	p2 =	seq.s32 s10, $0x1;
	s10 =	sld [smem:$0x3FB6]  }
0x3d: {  	_ =	shalt  }
0x3e: {  	_ =	shalt  }
0x3f: {  	_ =	shalt  }
0x40: {  	_ =	shalt  }
0x41: {  	_ =	shalt  }
0x42: {  	_ =	shalt  }
0x43: {  	_ =	shalt  }
0x44: {  	_ =	shalt  }
0x45: {  	_ =	shalt  }
0x46: {  	_ =	shalt  }
0x47: {  	_ =	shalt  }
0x48: {  	_ =	shalt  }
0x49: {  	_ =	shalt  }
0x4a: {  	_ =	shalt  }
0x4b: {  	_ =	shalt  }
0x4c: {  	_ =	shalt  }
0x4d: {  	_ =	shalt  }
0x4e: {  	_ =	shalt  }
0x4f: {  	_ =	shalt  }
0x50: {  	_ =	shalt  }
0x51: {  	_ =	shalt  }
0x52: {  	_ =	shalt  }
0x53: {  	_ =	shalt  }
0x54: {  	_ =	shalt  }
0x55: {  	_ =	shalt  }
0x56: {  	_ =	shalt  }
0x57: {  	_ =	shalt  }
0x58: {  	_ =	shalt  }
0x59: {  	_ =	shalt  }
0x5a: {  	_ =	shalt  }
0x5b: {  	_ =	shalt  }
0x5c: {  	_ =	shalt  }
0x5d: {  	_ =	shalt  }
0x5e: {  	_ =	shalt  }
0x5f: {  	_ =	shalt  }
0x60: {  	_ =	shalt  }
0x61: {  	_ =	shalt  }
0x62: {  	_ =	shalt  }
0x63: {  	_ =	shalt  }
0x64: {  	_ =	shalt  }
0x65: {  	_ =	shalt  }
0x66: {  	_ =	shalt  }
0x67: {  	_ =	shalt  }
0x68: {  	_ =	shalt  }
0x69: {  	_ =	shalt  }
0x6a: {  	_ =	shalt  }
0x6b: {  	_ =	shalt  }
0x6c: {  	_ =	shalt  }
0x6d: {  	_ =	shalt  }
0x6e: {  	_ =	shalt  }
0x6f: {  	_ =	shalt  }
0x70: {  	_ =	shalt  }
0x71: {  	_ =	shalt  }
0x72: {  	_ =	shalt  }
0x73: {  	_ =	shalt  }
0x74: {  	_ =	shalt  }
0x75: {  	_ =	shalt  }
0x76: {  	_ =	shalt  }
0x77: {  	_ =	shalt  }
0x78: {  	_ =	shalt  }
0x79: {  	_ =	shalt  }
0x7a: {  	_ =	shalt  }
0x7b: {  	_ =	shalt  }
0x7c: {  	_ =	shalt  }
0x7d: {  	_ =	shalt  }
0x7e: {  	_ =	shalt  }
0x7f: {  	_ =	shalt  }
0x80: {  	_ =	shalt  }
0x81: {  	_ =	shalt  }
0x82: {  	_ =	shalt  }
0x83: {  	_ =	shalt  }
0x84: {  	_ =	shalt  }
0x85: {  	_ =	shalt  }
0x86: {  	_ =	shalt  }
0x87: {  	_ =	shalt  }
.Lfunc_end0:
.L_simem_size_0:
called_computation.1_lowered:
.L_overlay_start_0:
0x88: {  	s2 =	sld [smem:$0x3FD9]  }
0x89: {  	s3 =	sld [smem:$0x3FFE];
	_ =	sdelay $0x1  }
0x8a: {  	s1 =	srdreg.scid  }
0x8b: {  	s0 =	sand.u32 $0x1, s1  }
0x8c: {  	s17 =	sshll.u32 s0, $0xA;
	s2 =	sadd.s32 s3, s2  }
0x8d: {  	s2 =	sadd.s32 s2, s17  }
0x8e: {  	[smem:$0x3FC2] =	sst s2  }
0x8f: {  	_ = 	snop  }
0x90: {  	s2 =	sld [smem:$0x3FD0];
	(tm) =	ssettm $0x1  }
0x91: {  	s18 =	sld [smem:$0x3FFB];
	_ =	sdelay $0x3  }
0x92: {  	_ =	strace s18  }
0x93: {  	s3 =	sld [smem:$0x3FFC];
	_ =	sdelay $0x3  }
0x94: {  	_ =	strace s3  }
0x95: {  	s3 =	sld [smem:$0x3FFD];
	_ =	sdelay $0x3  }
0x96: {  	_ =	strace s3  }
0x97: {  	_ =	strace $0x8FFFFFFF  }
0x98: {  	s19 =	sld [smem:$0x3FDB];
	_ =	sdelay $0x1  }
0x99: {  	s4 =	simm.s32 $_scs_section_size  }
0x9a: {  	s5 =	simm.s32 $_size__tile_overlayer_lowered;
	s6 =	simm.s32 $_tile_overlayer_lowered  }
0x9b: {  	s22 =	simm.s32 $0x1BFF;
	s21 =	sshll.u32 s6, $0x1;
	s3 =	sadd.s32 s4, s19  }
0x9c: {  	s7 =	simm.s32 $0x0;
	s20 =	sshll.u32 s5, $0x1;
	s5 =	sadd.s32 s21, s3  }
0x9d: {  	[timem:s7], [sflag:s22] =	dma.local [hbm:s5], s20  }
0x9e: {  	_ =	swait.ge [sflag:s22], s20  }
0x9f: {  	s4 =	ssub.s32 $0x0, s20;
	[sflag:s22] =	ssyncset.done $0x0  }
0xa0: {  	[sflag:s22] =	ssyncadd.s32 s4;
	_ =	sdelay $0x1  }
0xa1: {  	s23 =	simm.s32 $0x1B8B  }
0xa2: {  	_ =	swait.ge [sflag:s23], $0x1  }
0xa3: {  	[sflag:s23] =	ssyncset.done $0x0  }
0xa4: {  	s25 =	simm.s32 $0x1B8E;
	s24 =	sld [smem:$0x3FFE];
	[sflag:s23] =	ssyncadd.s32 $0xFFFFFFFF  }
0xa5: {  	s26 =	simm.s32 $execute0_lowered;
	[smem:$0x3FD2] =	sst s25  }
0xa6: {  	s5 =	sshll.u32 s26, $0x1;
	_ =	strace $0x80000049;
	[dreg:$0x1] =	wrdreg $0xFFFFFFFF  }
0xa7: {  	s28 =	simm.s32 $_size_execute0_lowered;
	s3 =	sadd.s32 s3, s5;
	[dreg:$0x0] =	wrdreg $0x0  }
0xa8: {  	s5 =	sshll.u32 s28, $0x1;
	[dreg:$0x2] =	wrdreg s3  }
0xa9: {  	[dreg:$0x3] =	wrdreg s5  }
0xaa: {  	[dreg:$0x4] =	wrdreg $0xC0  }
0xab: {  	_ =	task [dreg:s7], $0x5FFFF  }
0xac: {  	[dreg:$0x1] =	wrdreg $0xFFFFFFFF  }
0xad: {  	[dreg:$0x0] =	wrdreg $0x60  }
0xae: {  	[dreg:$0x2] =	wrdreg s2  }
0xaf: {  	[dreg:$0x3] =	wrdreg s24  }
0xb0: {  	[dreg:$0x4] =	wrdreg $0x50000  }
0xb1: {  	[dreg:$0x5] =	wrdreg $0x9  }
0xb2: {  	_ =	task.clear_ibuf [dreg:s7], $0x6FFFF;
	_ =	strace $0x90000049  }
0xb3: {  	s29 =	simm.s32 $0x9;
	_ =	strace $0x8000004B  }
0xb4: {  	_ =	swait.ge [sflag:s29], $0x1  }
0xb5: {  	[sflag:s29] =	ssyncadd.s32 $0xFFFFFFFF  }
0xb6: {  	_ =	strace $0x9000004B  }
0xb7: {  	_ =	sfence  }
0xb8: {  	s30 =	sld [smem:$0x0];
	_ =	sdelay $0x2  }
0xb9: {  	s31 =	sshll.u32 s1, $0xD;
	s1 =	sshrl.u32 s1, $0x2  }
0xba: {  	s3 =	sand.u32 $0x4000, s31;
	s1 =	sadd.s32 s1, s30  }
0xbb: {  	s0 =	sor.u32 s3, s0;
	s1 =	sshll.u32 s1, $0x11  }
0xbc: {  	s0 =	sor.u32 s1, s0  }
0xbd: {  	s0 =	sadd.s32 $0x8F2B, s0  }
0xbe: {  	[sflag:s0] =	ssyncadd.remote.s32 $0x1  }
0xbf: {  	_ =	sfence.sel $0xFFFF  }
0xc0: {  	[dreg:$0x0] =	wrdreg $0xFFFFFFFF;
	(pc) =	sbr.abs _section_cstart, $3  }
0xc1: {  	[dreg:$0x1] =	wrdreg $0xFFFFFFFF  }
0xc2: {  	_ =	task.clear_ibuf [dreg:s7], $0x2FFFF;
	_ =	strace $0x9FFFFFFF  }
0xc3: {  	(tm) =	ssettm $0x7FFFFFFF  }
tec
execute0_lowered:
.L_overlay_start_1:
0x0: {  	(tag) =	ssettag $0x1  }
0x1: {  	s2 =	rddreg [dreg:$0x0]  }
0x2: {  	s0 =	rddreg [dreg:$0x1]  }
0x3: {  	s3 =	rddreg [dreg:$0x2]  }
0x4: {  	s13 =	stileid.u32;
	s6 =	srdreg.scid;
	s4 =	simm.s32 $0x0  }
0x5: {  	s12 =	simm.s32 $0x100;
	s19 =	simm.s32 $0x180;
	s20 =	simm.s32 $0x880  }
0x6: {  	s21 =	simm.s32 $0x900;
	s22 =	simm.s32 $0x980;
	s24 =	simm.s32 $0x280  }
0x7: {  	s25 =	simm.s32 $0x300;
	s26 =	simm.s32 $0x380;
	[smem:$0x7FF] =	sst s4  }
0x8: {  	s28 =	simm.s32 $0x1;
	_ =	strace $0x8000004A;
	[dreg:$0x4] =	wrdreg s12  }
0x9: {  	s29 =	simm.s32 $0x600;
	s1 =	smul.u32 $0x3100, s13;
	[dreg:$0x5] =	wrdreg s19  }
0xa: {  	s30 =	simm.s32 $0xE00;
	s5 =	smul.u32 $0x18700, s13;
	[dreg:$0x6] =	wrdreg s20  }
0xb: {  	s6 =	sand.u32 $0x1, s6;
	s7 =	smul.u32 $0x30E0, s13;
	[dreg:$0x7] =	wrdreg s21  }
0xc: {  	s17 =	sshll.u32 s13, $0x6;
	s13 =	smul.u32 $0x310, s13;
	[dreg:$0x8] =	wrdreg s22  }
0xd: {  	s31 =	simm.s32 $0x3000;
	s8 =	smul.u32 $0x30E00, s6;
	[dreg:$0x9] =	wrdreg s24  }
0xe: {  	s9 =	sadd.s32 $0x3A2600, s0;
	s18 =	smul.u32 $0x3100, s6;
	[dreg:$0xa] =	wrdreg s25  }
0xf: {  	s14 =	ssub.s32 $0x2, s6;
	[dreg:$0xb] =	wrdreg s26;
	s6 =	smul.u32 $0x31000, s6  }
0x10: {  	s19 =	simm.s32 $0xD00;
	s20 =	simm.s32 $0xD80;
	s21 =	simm.s32 $0x680  }
0x11: {  	s22 =	simm.s32 $0x700;
	s24 =	simm.s32 $0xE80;
	[dreg:$0x13] =	wrdreg s19  }
0x12: {  	s25 =	simm.s32 $0xF00;
	s26 =	simm.s32 $0xF80;
	[dreg:$0x14] =	wrdreg s20  }
0x13: {  	s10 =	sadd.s32 s1, s0;
	s11 =	sshrl.u32 s5, $0x3;
	[dreg:$0x15] =	wrdreg s21  }
0x14: {  	s15 =	sshrl.u32 s14, $0x1;
	s5 =	sadd.s32 s5, s3;
	[dreg:$0x16] =	wrdreg s22  }
0x15: {  	s19 =	simm.s32 $0x400;
	s20 =	simm.s32 $0xC00;
	[dreg:$0x18] =	wrdreg s24  }
0x16: {  	s21 =	simm.s32 $0x4;
	s22 =	simm.s32 $0x80;
	[dreg:$0x19] =	wrdreg s25  }
0x17: {  	s24 =	simm.s32 $0x1800;
	[dreg:$0x1a] =	wrdreg s26;
	s7 =	sadd.s32 s7, s8  }
0x18: {  	s11 =	sadd.s32 s11, s0;
	s8 =	sadd.s32 $0x404600, s10;
	s10 =	sadd.s32 $0x404640, s10  }
0x19: {  	s0 =	sadd.s32 s7, s0;
	s16 =	sadd.s32 $0x435600, s11;
	[dreg:$0x1f] =	wrdreg s10  }
0x1a: {  	s11 =	sadd.s32 s13, s18;
	s13 =	simm.s32 $0xB80;
	[dreg:$0x1b] =	wrdreg s16  }
0x1b: {  	s7 =	ssub.s32 s14, s15;
	s15 =	simm.s32 $0x480;
	[dreg:$0xe] =	wrdreg s13  }
0x1c: {  	s14 =	sor.u32 $0x1C05, s17;
	s17 =	simm.s32 $0x580;
	[dreg:$0xf] =	wrdreg s15  }
0x1d: {  	s25 =	simm.s32 $0x2000;
	s18 =	simm.s32 $0xC80;
	[dreg:$0x11] =	wrdreg s17  }
0x1e: {  	s26 =	simm.s32 $0x2800;
	s6 =	sadd.s32 s6, s9;
	[dreg:$0x12] =	wrdreg s18  }
0x1f: {  	s10 =	simm.s32 $0x3;
	s0 =	sadd.s32 $0x1C00, s0;
	[dreg:$0x1c] =	wrdreg s14  }
0x20: {  	s11 =	sshll.u32 s11, $0x4;
	s7 =	smax.u32 s7, $0x1;
	[smem:$0x7FB] =	sst s0  }
0x21: {  	s16 =	simm.s32 $0x500;
	s13 =	sadd.s32 s1, s6;
	[smem:$0x7FC] =	sst s7  }
0x22: {  	s1 =	simm.s32 $0x4000;
	s23 =	sadd.s32 s9, s11;
	[dreg:$0x10] =	wrdreg s16  }
0x23: {  	s18 =	simm.s32 $0x800;
	s11 =	simm.s32 $0xA80;
	[dreg:$0x1d] =	wrdreg s23  }
0x24: {  	s7 =	sshrl.u32 s5, $0x3;
	s0 =	simm.s32 $0x3800;
	[dreg:$0xc] =	wrdreg s11  }
0x25: {  	s5 =	simm.s32 $0x4800;
	s12 =	sadd.s32 $0x40, s23;
	[smem:$0x7FD] =	sst s7  }
0x26: {  	s9 =	simm.s32 $0x2;
	s23 =	simm.s32 $0x780;
	[dreg:$0x1e] =	wrdreg s12  }
0x27: {  	s11 =	simm.s32 $0x5;
	s12 =	simm.s32 $0xB00;
	[dreg:$0x17] =	wrdreg s23  }
0x28: {  	s23 =	simm.s32 $0x1000;
	[dreg:$0xd] =	wrdreg s12;
	s12 =	simm.s32 $0x0  }
.LBB2_1:
0x29: {  	[smem:$0x7FA] =	sst s12  }
0x2a: {  	s6 =	rddreg [dreg:$0x1b]  }
0x2b: {  	[spmem:s7], [sflag:s14] =	dma.local [hbm:s6], $0x30E0  }
0x2c: {  	_ =	swait.ge [sflag:s11], $0x30E0  }
0x2d: {  	[sflag:s11] =	ssyncset.done $0x0  }
0x2e: {  	[sflag:s11] =	ssyncadd.s32 $0xFFFFCF20  }
0x2f: {  	[bflag:$0x0] =	sbarrier.arrive $0xFFFF  }
0x30: {  	s17 =	rddreg [dreg:$0x1d]  }
0x31: {  	[tilespmem:s4], [sflag:$0x4] =	stream.linear.gather [hbm4b:s17+s4], $0x200, $0x38;
	[tilespmem:$0x1D700] =	vst v63  }
0x32: {  	p0 =	por $0x1, $0x1;
	s14 =	simm.s32 $0x800  }
0x33: {  	[tilespmem:s14], [sflag:$0x4] =	stream.linear.gather [hbm4b:s8+s4], $0x200, $0x38;
	[tilespmem:$0x1D700] =	vst v63  }
0x34: {  	s15 =	simm.s32 $0x200;
	p0 =	por p0, p0;
	s7 =	rddreg [dreg:$0x1e]  }
0x35: {  	[tilespmem:s15], [sflag:$0x4] =	stream.linear.gather [hbm4b:s7+s4], $0x200, $0x38;
	[tilespmem:$0x1D700] =	vst v63  }
0x36: {  	s16 =	simm.s32 $0xA00;
	s6 =	simm.s32 @!p0 $0x2;
	s11 =	rddreg [dreg:$0x1f]  }
0x37: {  	[tilespmem:s16], [sflag:$0x4] =	stream.linear.gather [hbm4b:s11+s4], $0x200, $0x38;
	[tilespmem:$0x1D700] =	vst v63  }
0x38: {  	_ =	swait.ge @!p0 [sflag:s6], $0x800  }
0x39: {  	[sflag:s6] =	ssyncset.done @!p0 $0x0  }
0x3a: {  	[sflag:s6] =	ssyncadd.s32 @!p0 $0xFFFFF800  }
0x3b: {  	_ =	swait.ge @!p0 [sflag:s6], $0x800  }
0x3c: {  	[sflag:s6] =	ssyncset.done @!p0 $0x0  }
0x3d: {  	[sflag:s6] =	ssyncadd.s32 @!p0 $0xFFFFF800  }
0x3e: {  	_ =	swait.ge @!p0 [sflag:s6], $0x800  }
0x3f: {  	[sflag:s6] =	ssyncset.done @!p0 $0x0  }
0x40: {  	[sflag:s6] =	ssyncadd.s32 @!p0 $0xFFFFF800  }
0x41: {  	_ =	swait.ge @!p0 [sflag:s6], $0x800  }
0x42: {  	s7 =	sadd.s32 $0x0, s13;
	[sflag:s6] =	ssyncset.done @!p0 $0x0  }
0x43: {  	s12 =	sadd.s32 $0x80, s7;
	s11 =	sadd.s32 $0x0, s8;
	[sflag:s6] =	ssyncadd.s32 @!p0 $0xFFFFF800  }
0x44: {  	[tilespmem:s19], [sflag:$0x4] =	stream.linear.gather [hbm4b:s12+s4], $0x200, $0x38;
	[tilespmem:$0x1D700] =	vst v63  }
0x45: {  	s17 =	sadd.s32 $0x80, s11  }
0x46: {  	[tilespmem:s20], [sflag:$0x4] =	stream.linear.gather [hbm4b:s17+s4], $0x200, $0x38;
	[tilespmem:$0x1D700] =	vst v63  }
0x47: {  	_ =	swait.ge [sflag:s21], $0x200  }
0x48: {  	[sflag:s21] =	ssyncset.done $0x0  }
0x49: {  	[sflag:s21] =	ssyncadd.s32 $0xFFFFFE00  }
0x4a: {  	_ =	swait.ge [sflag:s21], $0x200  }
0x4b: {  	[sflag:s21] =	ssyncset.done $0x0  }
0x4c: {  	[sflag:s21] =	ssyncadd.s32 $0xFFFFFE00  }
0x4d: {  	[tilespmem:s23], [sflag:$0x1] =	stream.indirect.gather [hbm4b:s2+s22], $0x10, s4, s22, $0xb8;
	[tilespmem:$0x1D700] =	vst v63  }
0x4e: {  	_ = 	snop  }
0x4f: {  	[tilespmem:s24], [sflag:$0x1] =	stream.indirect.gather [hbm4b:s2+s22], $0x10, s22, s22, $0xb8;
	[tilespmem:$0x1D700] =	vst v63  }
0x50: {  	s12 =	rddreg [dreg:$0x4]  }
0x51: {  	[tilespmem:s25], [sflag:$0x1] =	stream.indirect.gather [hbm4b:s2+s22], $0x10, s12, s22, $0xb8;
	[tilespmem:$0x1D700] =	vst v63  }
0x52: {  	s17 =	rddreg [dreg:$0x5]  }
0x53: {  	[tilespmem:s26], [sflag:$0x1] =	stream.indirect.gather [hbm4b:s2+s22], $0x10, s17, s22, $0xb8;
	[tilespmem:$0x1D700] =	vst v63  }
0x54: {  	_ =	swait.ge [sflag:s28], $0x800  }
0x55: {  	[sflag:s28] =	ssyncset.done $0x0  }
0x56: {  	[sflag:s28] =	ssyncadd.s32 $0xFFFFF800  }
0x57: {  	_ =	swait.ge [sflag:s28], $0x800  }
0x58: {  	[sflag:s28] =	ssyncset.done $0x0  }
0x59: {  	[sflag:s28] =	ssyncadd.s32 $0xFFFFF800  }
0x5a: {  	_ =	swait.ge [sflag:s28], $0x800  }
0x5b: {  	[sflag:s28] =	ssyncset.done $0x0  }
0x5c: {  	[sflag:s28] =	ssyncadd.s32 $0xFFFFF800  }
0x5d: {  	_ =	swait.ge [sflag:s28], $0x800  }
0x5e: {  	[sflag:s28] =	ssyncset.done $0x0  }
0x5f: {  	[sflag:s28] =	ssyncadd.s32 $0xFFFFF800  }
0x60: {  	[spmem:s3] =	stream.indirect.scatter.add.f32 [tilespmem:s23], [sflag:$0x2], $0x10, s14, s22, $0xb8;
	[tilespmem:$0x1D700] =	vst v63  }
0x61: {  	s12 =	rddreg [dreg:$0x6]  }
0x62: {  	[spmem:s3] =	stream.indirect.scatter.add.f32 [tilespmem:s24], [sflag:$0x2], $0x10, s12, s22, $0xb8;
	[tilespmem:$0x1D700] =	vst v63  }
0x63: {  	s14 =	rddreg [dreg:$0x7]  }
0x64: {  	[spmem:s3] =	stream.indirect.scatter.add.f32 [tilespmem:s25], [sflag:$0x2], $0x10, s14, s22, $0xb8;
	[tilespmem:$0x1D700] =	vst v63  }
0x65: {  	s17 =	rddreg [dreg:$0x8];
	s12 =	simm.s32 @!p0 $0x3  }
0x66: {  	[spmem:s3] =	stream.indirect.scatter.add.f32 [tilespmem:s26], [sflag:$0x2], $0x10, s17, s22, $0xb8;
	[tilespmem:$0x1D700] =	vst v63  }
0x67: {  	_ =	swait.ge @!p0 [sflag:s12], $0x800  }
0x68: {  	[sflag:s12] =	ssyncset.done @!p0 $0x0  }
0x69: {  	[sflag:s12] =	ssyncadd.s32 @!p0 $0xFFFFF800  }
0x6a: {  	_ =	swait.ge @!p0 [sflag:s12], $0x800  }
0x6b: {  	[sflag:s12] =	ssyncset.done @!p0 $0x0  }
0x6c: {  	[sflag:s12] =	ssyncadd.s32 @!p0 $0xFFFFF800  }
0x6d: {  	_ =	swait.ge @!p0 [sflag:s12], $0x800  }
0x6e: {  	[sflag:s12] =	ssyncset.done @!p0 $0x0  }
0x6f: {  	[sflag:s12] =	ssyncadd.s32 @!p0 $0xFFFFF800  }
0x70: {  	_ =	swait.ge @!p0 [sflag:s12], $0x800  }
0x71: {  	[sflag:s12] =	ssyncset.done @!p0 $0x0  }
0x72: {  	s7 =	sadd.s32 $0xC0, s7;
	[sflag:s12] =	ssyncadd.s32 @!p0 $0xFFFFF800  }
0x73: {  	[tilespmem:s29], [sflag:$0x4] =	stream.linear.gather [hbm4b:s7+s4], $0x200, $0x38;
	[tilespmem:$0x1D700] =	vst v63  }
0x74: {  	s12 =	sadd.s32 $0xC0, s11  }
0x75: {  	[tilespmem:s30], [sflag:$0x4] =	stream.linear.gather [hbm4b:s12+s4], $0x200, $0x38;
	[tilespmem:$0x1D700] =	vst v63  }
0x76: {  	_ =	swait.ge [sflag:s21], $0x200  }
0x77: {  	[sflag:s21] =	ssyncset.done $0x0  }
0x78: {  	[sflag:s21] =	ssyncadd.s32 $0xFFFFFE00  }
0x79: {  	_ =	swait.ge [sflag:s21], $0x200  }
0x7a: {  	[sflag:s21] =	ssyncset.done $0x0  }
0x7b: {  	[sflag:s21] =	ssyncadd.s32 $0xFFFFFE00  }
0x7c: {  	[tilespmem:s31], [sflag:$0x1] =	stream.indirect.gather [hbm4b:s2+s22], $0x10, s15, s22, $0xb8;
	[tilespmem:$0x1D700] =	vst v63  }
0x7d: {  	s14 =	rddreg [dreg:$0x9]  }
0x7e: {  	[tilespmem:s0], [sflag:$0x1] =	stream.indirect.gather [hbm4b:s2+s22], $0x10, s14, s22, $0xb8;
	[tilespmem:$0x1D700] =	vst v63  }
0x7f: {  	s15 =	rddreg [dreg:$0xa]  }
0x80: {  	[tilespmem:s1], [sflag:$0x1] =	stream.indirect.gather [hbm4b:s2+s22], $0x10, s15, s22, $0xb8;
	[tilespmem:$0x1D700] =	vst v63  }
0x81: {  	s17 =	rddreg [dreg:$0xb]  }
0x82: {  	[tilespmem:s5], [sflag:$0x1] =	stream.indirect.gather [hbm4b:s2+s22], $0x10, s17, s22, $0xb8;
	[tilespmem:$0x1D700] =	vst v63  }
0x83: {  	_ =	swait.ge [sflag:s28], $0x800  }
0x84: {  	[sflag:s28] =	ssyncset.done $0x0  }
0x85: {  	[sflag:s28] =	ssyncadd.s32 $0xFFFFF800  }
0x86: {  	_ =	swait.ge [sflag:s28], $0x800  }
0x87: {  	[sflag:s28] =	ssyncset.done $0x0  }
0x88: {  	[sflag:s28] =	ssyncadd.s32 $0xFFFFF800  }
0x89: {  	_ =	swait.ge [sflag:s28], $0x800  }
0x8a: {  	[sflag:s28] =	ssyncset.done $0x0  }
0x8b: {  	[sflag:s28] =	ssyncadd.s32 $0xFFFFF800  }
0x8c: {  	_ =	swait.ge [sflag:s28], $0x800  }
0x8d: {  	[sflag:s28] =	ssyncset.done $0x0  }
0x8e: {  	[sflag:s28] =	ssyncadd.s32 $0xFFFFF800  }
0x8f: {  	[spmem:s3] =	stream.indirect.scatter.add.f32 [tilespmem:s31], [sflag:$0x3], $0x10, s16, s22, $0xb8;
	[tilespmem:$0x1D700] =	vst v63  }
0x90: {  	s11 =	rddreg [dreg:$0xc]  }
0x91: {  	[spmem:s3] =	stream.indirect.scatter.add.f32 [tilespmem:s0], [sflag:$0x3], $0x10, s11, s22, $0xb8;
	[tilespmem:$0x1D700] =	vst v63  }
0x92: {  	s12 =	rddreg [dreg:$0xd]  }
0x93: {  	[spmem:s3] =	stream.indirect.scatter.add.f32 [tilespmem:s1], [sflag:$0x3], $0x10, s12, s22, $0xb8;
	[tilespmem:$0x1D700] =	vst v63  }
0x94: {  	s14 =	rddreg [dreg:$0xe]  }
0x95: {  	[spmem:s3] =	stream.indirect.scatter.add.f32 [tilespmem:s5], [sflag:$0x3], $0x10, s14, s22, $0xb8;
	[tilespmem:$0x1D700] =	vst v63  }
0x96: {  	_ =	swait.ge [sflag:s9], $0x800  }
0x97: {  	[sflag:s9] =	ssyncset.done $0x0  }
0x98: {  	[sflag:s9] =	ssyncadd.s32 $0xFFFFF800  }
0x99: {  	_ =	swait.ge [sflag:s9], $0x800  }
0x9a: {  	[sflag:s9] =	ssyncset.done $0x0  }
0x9b: {  	[sflag:s9] =	ssyncadd.s32 $0xFFFFF800  }
0x9c: {  	_ =	swait.ge [sflag:s9], $0x800  }
0x9d: {  	[sflag:s9] =	ssyncset.done $0x0  }
0x9e: {  	[sflag:s9] =	ssyncadd.s32 $0xFFFFF800  }
0x9f: {  	p0 =	por $0x0, $0x0;
	_ =	swait.ge [sflag:s9], $0x800  }
0xa0: {  	s6 =	sadd.s32 @!p0 $0x0, s13;
	s7 =	sadd.s32 @!p0 $0x0, s8;
	[sflag:s9] =	ssyncset.done $0x0  }
0xa1: {  	s11 =	sadd.s32 @!p0 $0x100, s6;
	s12 =	simm.s32 @!p0 $0x0;
	[sflag:s9] =	ssyncadd.s32 $0xFFFFF800  }
0xa2: {  	[tilespmem:s12], [sflag:$0x4] =	stream.linear.gather @!p0 [hbm4b:s11+s12], $0x200, $0x38;
	[tilespmem:$0x1D700] =	vst v63  }
0xa3: {  	s14 =	simm.s32 @!p0 $0x800;
	s11 =	sadd.s32 @!p0 $0x100, s7  }
0xa4: {  	[tilespmem:s14], [sflag:$0x4] =	stream.linear.gather @!p0 [hbm4b:s11+s12], $0x200, $0x38;
	[tilespmem:$0x1D700] =	vst v63  }
0xa5: {  	_ =	swait.ge [sflag:s21], $0x200  }
0xa6: {  	[sflag:s21] =	ssyncset.done $0x0  }
0xa7: {  	[sflag:s21] =	ssyncadd.s32 $0xFFFFFE00  }
0xa8: {  	_ =	swait.ge [sflag:s21], $0x200  }
0xa9: {  	[sflag:s21] =	ssyncset.done $0x0  }
0xaa: {  	[sflag:s21] =	ssyncadd.s32 $0xFFFFFE00  }
0xab: {  	[tilespmem:s23], [sflag:$0x1] =	stream.indirect.gather [hbm4b:s2+s22], $0x10, s19, s22, $0xb8;
	[tilespmem:$0x1D700] =	vst v63  }
0xac: {  	s15 =	rddreg [dreg:$0xf]  }
0xad: {  	[tilespmem:s24], [sflag:$0x1] =	stream.indirect.gather [hbm4b:s2+s22], $0x10, s15, s22, $0xb8;
	[tilespmem:$0x1D700] =	vst v63  }
0xae: {  	s16 =	rddreg [dreg:$0x10]  }
0xaf: {  	[tilespmem:s25], [sflag:$0x1] =	stream.indirect.gather [hbm4b:s2+s22], $0x10, s16, s22, $0xb8;
	[tilespmem:$0x1D700] =	vst v63  }
0xb0: {  	s17 =	rddreg [dreg:$0x11]  }
0xb1: {  	[tilespmem:s26], [sflag:$0x1] =	stream.indirect.gather [hbm4b:s2+s22], $0x10, s17, s22, $0xb8;
	[tilespmem:$0x1D700] =	vst v63  }
0xb2: {  	_ =	swait.ge [sflag:s28], $0x800  }
0xb3: {  	[sflag:s28] =	ssyncset.done $0x0  }
0xb4: {  	[sflag:s28] =	ssyncadd.s32 $0xFFFFF800  }
0xb5: {  	_ =	swait.ge [sflag:s28], $0x800  }
0xb6: {  	[sflag:s28] =	ssyncset.done $0x0  }
0xb7: {  	[sflag:s28] =	ssyncadd.s32 $0xFFFFF800  }
0xb8: {  	_ =	swait.ge [sflag:s28], $0x800  }
0xb9: {  	[sflag:s28] =	ssyncset.done $0x0  }
0xba: {  	[sflag:s28] =	ssyncadd.s32 $0xFFFFF800  }
0xbb: {  	_ =	swait.ge [sflag:s28], $0x800  }
0xbc: {  	[sflag:s28] =	ssyncset.done $0x0  }
0xbd: {  	[sflag:s28] =	ssyncadd.s32 $0xFFFFF800  }
0xbe: {  	[spmem:s3] =	stream.indirect.scatter.add.f32 [tilespmem:s23], [sflag:$0x2], $0x10, s20, s22, $0xb8;
	[tilespmem:$0x1D700] =	vst v63  }
0xbf: {  	s15 =	rddreg [dreg:$0x12]  }
0xc0: {  	[spmem:s3] =	stream.indirect.scatter.add.f32 [tilespmem:s24], [sflag:$0x2], $0x10, s15, s22, $0xb8;
	[tilespmem:$0x1D700] =	vst v63  }
0xc1: {  	s16 =	rddreg [dreg:$0x13]  }
0xc2: {  	[spmem:s3] =	stream.indirect.scatter.add.f32 [tilespmem:s25], [sflag:$0x2], $0x10, s16, s22, $0xb8;
	[tilespmem:$0x1D700] =	vst v63  }
0xc3: {  	s17 =	rddreg [dreg:$0x14]  }
0xc4: {  	[spmem:s3] =	stream.indirect.scatter.add.f32 [tilespmem:s26], [sflag:$0x2], $0x10, s17, s22, $0xb8;
	[tilespmem:$0x1D700] =	vst v63  }
0xc5: {  	_ =	swait.ge [sflag:s10], $0x800  }
0xc6: {  	[sflag:s10] =	ssyncset.done $0x0  }
0xc7: {  	[sflag:s10] =	ssyncadd.s32 $0xFFFFF800  }
0xc8: {  	_ =	swait.ge [sflag:s10], $0x800  }
0xc9: {  	[sflag:s10] =	ssyncset.done $0x0  }
0xca: {  	[sflag:s10] =	ssyncadd.s32 $0xFFFFF800  }
0xcb: {  	_ =	swait.ge [sflag:s10], $0x800  }
0xcc: {  	[sflag:s10] =	ssyncset.done $0x0  }
0xcd: {  	[sflag:s10] =	ssyncadd.s32 $0xFFFFF800  }
0xce: {  	_ =	swait.ge [sflag:s10], $0x800  }
0xcf: {  	[sflag:s10] =	ssyncset.done $0x0  }
0xd0: {  	s6 =	sadd.s32 @!p0 $0x140, s6;
	s11 =	simm.s32 @!p0 $0x200;
	[sflag:s10] =	ssyncadd.s32 $0xFFFFF800  }
0xd1: {  	[tilespmem:s11], [sflag:$0x4] =	stream.linear.gather @!p0 [hbm4b:s6+s12], $0x200, $0x38;
	[tilespmem:$0x1D700] =	vst v63  }
0xd2: {  	s6 =	sadd.s32 @!p0 $0x140, s7;
	s7 =	simm.s32 @!p0 $0xA00  }
0xd3: {  	[tilespmem:s7], [sflag:$0x4] =	stream.linear.gather @!p0 [hbm4b:s6+s12], $0x200, $0x38;
	[tilespmem:$0x1D700] =	vst v63  }
0xd4: {  	_ =	swait.ge [sflag:s21], $0x200  }
0xd5: {  	[sflag:s21] =	ssyncset.done $0x0  }
0xd6: {  	[sflag:s21] =	ssyncadd.s32 $0xFFFFFE00  }
0xd7: {  	_ =	swait.ge [sflag:s21], $0x200  }
0xd8: {  	[sflag:s21] =	ssyncset.done $0x0  }
0xd9: {  	[sflag:s21] =	ssyncadd.s32 $0xFFFFFE00  }
0xda: {  	[tilespmem:s31], [sflag:$0x1] =	stream.indirect.gather [hbm4b:s2+s22], $0x10, s29, s22, $0xb8;
	[tilespmem:$0x1D700] =	vst v63  }
0xdb: {  	s12 =	rddreg [dreg:$0x15]  }
0xdc: {  	[tilespmem:s0], [sflag:$0x1] =	stream.indirect.gather [hbm4b:s2+s22], $0x10, s12, s22, $0xb8;
	[tilespmem:$0x1D700] =	vst v63  }
0xdd: {  	s14 =	rddreg [dreg:$0x16]  }
0xde: {  	[tilespmem:s1], [sflag:$0x1] =	stream.indirect.gather [hbm4b:s2+s22], $0x10, s14, s22, $0xb8;
	[tilespmem:$0x1D700] =	vst v63  }
0xdf: {  	s15 =	rddreg [dreg:$0x17]  }
0xe0: {  	[tilespmem:s5], [sflag:$0x1] =	stream.indirect.gather [hbm4b:s2+s22], $0x10, s15, s22, $0xb8;
	[tilespmem:$0x1D700] =	vst v63  }
0xe1: {  	_ =	swait.ge [sflag:s28], $0x800  }
0xe2: {  	[sflag:s28] =	ssyncset.done $0x0  }
0xe3: {  	[sflag:s28] =	ssyncadd.s32 $0xFFFFF800  }
0xe4: {  	_ =	swait.ge [sflag:s28], $0x800  }
0xe5: {  	[sflag:s28] =	ssyncset.done $0x0  }
0xe6: {  	[sflag:s28] =	ssyncadd.s32 $0xFFFFF800  }
0xe7: {  	_ =	swait.ge [sflag:s28], $0x800  }
0xe8: {  	[sflag:s28] =	ssyncset.done $0x0  }
0xe9: {  	[sflag:s28] =	ssyncadd.s32 $0xFFFFF800  }
0xea: {  	_ =	swait.ge [sflag:s28], $0x800  }
0xeb: {  	[sflag:s28] =	ssyncset.done $0x0  }
0xec: {  	s16 =	rddreg [dreg:$0x18];
	[sflag:s28] =	ssyncadd.s32 $0xFFFFF800  }
0xed: {  	[spmem:s3] =	stream.indirect.scatter.add.f32 [tilespmem:s31], [sflag:$0x3], $0x10, s30, s22, $0xb8;
	[tilespmem:$0x1D700] =	vst v63  }
0xee: {  	p6 =	por $0x0, $0x0;
	s7 =	simm.s32 $0x200;
	s17 =	rddreg [dreg:$0x19]  }
0xef: {  	[spmem:s3] =	stream.indirect.scatter.add.f32 [tilespmem:s0], [sflag:$0x3], $0x10, s16, s22, $0xb8;
	[tilespmem:$0x1D700] =	vst v63  }
0xf0: {  	p0 =	por p6, p6;
	s12 =	simm.s32 $0x100;
	s6 =	rddreg [dreg:$0x1a]  }
0xf1: {  	[spmem:s3] =	stream.indirect.scatter.add.f32 [tilespmem:s1], [sflag:$0x3], $0x10, s17, s22, $0xb8;
	[tilespmem:$0x1D700] =	vst v63  }
.LBB2_2:
0xf2: {  	[spmem:s3] =	stream.indirect.scatter.add.f32 [tilespmem:s5], [sflag:$0x3], $0x10, s6, s22, $0xb8;
	[tilespmem:$0x1D700] =	vst v63  }
0xf3: {  	s11 =	simm.s32 @!p0 $0x2  }
0xf4: {  	_ =	swait.ge @!p0 [sflag:s11], $0x800  }
0xf5: {  	[sflag:s11] =	ssyncset.done @!p0 $0x0  }
0xf6: {  	[sflag:s11] =	ssyncadd.s32 @!p0 $0xFFFFF800  }
0xf7: {  	_ =	swait.ge @!p0 [sflag:s11], $0x800  }
0xf8: {  	[sflag:s11] =	ssyncset.done @!p0 $0x0  }
0xf9: {  	[sflag:s11] =	ssyncadd.s32 @!p0 $0xFFFFF800  }
0xfa: {  	_ =	swait.ge @!p0 [sflag:s11], $0x800  }
0xfb: {  	[sflag:s11] =	ssyncset.done @!p0 $0x0  }
0xfc: {  	[sflag:s11] =	ssyncadd.s32 @!p0 $0xFFFFF800  }
0xfd: {  	_ =	swait.ge @!p0 [sflag:s11], $0x800  }
0xfe: {  	s15 =	sadd.s32 s12, s13;
	[sflag:s11] =	ssyncset.done @!p0 $0x0  }
0xff: {  	s14 =	sadd.s32 s12, s8;
	s17 =	sadd.s32 $0x80, s15;
	[sflag:s11] =	ssyncadd.s32 @!p0 $0xFFFFF800  }
0x100: {  	[tilespmem:s19], [sflag:$0x4] =	stream.linear.gather [hbm4b:s17+s4], $0x200, $0x38;
	[tilespmem:$0x1D700] =	vst v63  }
0x101: {  	s16 =	sadd.s32 $0x80, s14  }
0x102: {  	[tilespmem:s20], [sflag:$0x4] =	stream.linear.gather [hbm4b:s16+s4], $0x200, $0x38;
	[tilespmem:$0x1D700] =	vst v63  }
0x103: {  	_ =	swait.ge [sflag:s21], $0x200  }
0x104: {  	[sflag:s21] =	ssyncset.done $0x0  }
0x105: {  	[sflag:s21] =	ssyncadd.s32 $0xFFFFFE00  }
0x106: {  	_ =	swait.ge [sflag:s21], $0x200  }
0x107: {  	[sflag:s21] =	ssyncset.done $0x0  }
0x108: {  	[sflag:s21] =	ssyncadd.s32 $0xFFFFFE00  }
0x109: {  	[tilespmem:s23], [sflag:$0x1] =	stream.indirect.gather [hbm4b:s2+s22], $0x10, s4, s22, $0xb8;
	[tilespmem:$0x1D700] =	vst v63  }
0x10a: {  	_ = 	snop  }
0x10b: {  	[tilespmem:s24], [sflag:$0x1] =	stream.indirect.gather [hbm4b:s2+s22], $0x10, s22, s22, $0xb8;
	[tilespmem:$0x1D700] =	vst v63  }
0x10c: {  	s17 =	rddreg [dreg:$0x4]  }
0x10d: {  	[tilespmem:s25], [sflag:$0x1] =	stream.indirect.gather [hbm4b:s2+s22], $0x10, s17, s22, $0xb8;
	[tilespmem:$0x1D700] =	vst v63  }
0x10e: {  	s16 =	rddreg [dreg:$0x5]  }
0x10f: {  	[tilespmem:s26], [sflag:$0x1] =	stream.indirect.gather [hbm4b:s2+s22], $0x10, s16, s22, $0xb8;
	[tilespmem:$0x1D700] =	vst v63  }
0x110: {  	_ =	swait.ge [sflag:s28], $0x800  }
0x111: {  	[sflag:s28] =	ssyncset.done $0x0  }
0x112: {  	[sflag:s28] =	ssyncadd.s32 $0xFFFFF800  }
0x113: {  	_ =	swait.ge [sflag:s28], $0x800  }
0x114: {  	[sflag:s28] =	ssyncset.done $0x0  }
0x115: {  	[sflag:s28] =	ssyncadd.s32 $0xFFFFF800  }
0x116: {  	_ =	swait.ge [sflag:s28], $0x800  }
0x117: {  	[sflag:s28] =	ssyncset.done $0x0  }
0x118: {  	[sflag:s28] =	ssyncadd.s32 $0xFFFFF800  }
0x119: {  	_ =	swait.ge [sflag:s28], $0x800  }
0x11a: {  	[sflag:s28] =	ssyncset.done $0x0  }
0x11b: {  	[sflag:s28] =	ssyncadd.s32 $0xFFFFF800  }
0x11c: {  	[spmem:s3] =	stream.indirect.scatter.add.f32 [tilespmem:s23], [sflag:$0x2], $0x10, s18, s22, $0xb8;
	[tilespmem:$0x1D700] =	vst v63  }
0x11d: {  	s17 =	rddreg [dreg:$0x6]  }
0x11e: {  	[spmem:s3] =	stream.indirect.scatter.add.f32 [tilespmem:s24], [sflag:$0x2], $0x10, s17, s22, $0xb8;
	[tilespmem:$0x1D700] =	vst v63  }
0x11f: {  	s16 =	rddreg [dreg:$0x7]  }
0x120: {  	[spmem:s3] =	stream.indirect.scatter.add.f32 [tilespmem:s25], [sflag:$0x2], $0x10, s16, s22, $0xb8;
	[tilespmem:$0x1D700] =	vst v63  }
0x121: {  	s17 =	rddreg [dreg:$0x8];
	s16 =	simm.s32 @!p0 $0x3  }
0x122: {  	[spmem:s3] =	stream.indirect.scatter.add.f32 [tilespmem:s26], [sflag:$0x2], $0x10, s17, s22, $0xb8;
	[tilespmem:$0x1D700] =	vst v63  }
0x123: {  	_ =	swait.ge @!p0 [sflag:s16], $0x800  }
0x124: {  	[sflag:s16] =	ssyncset.done @!p0 $0x0  }
0x125: {  	[sflag:s16] =	ssyncadd.s32 @!p0 $0xFFFFF800  }
0x126: {  	_ =	swait.ge @!p0 [sflag:s16], $0x800  }
0x127: {  	[sflag:s16] =	ssyncset.done @!p0 $0x0  }
0x128: {  	[sflag:s16] =	ssyncadd.s32 @!p0 $0xFFFFF800  }
0x129: {  	_ =	swait.ge @!p0 [sflag:s16], $0x800  }
0x12a: {  	[sflag:s16] =	ssyncset.done @!p0 $0x0  }
0x12b: {  	[sflag:s16] =	ssyncadd.s32 @!p0 $0xFFFFF800  }
0x12c: {  	_ =	swait.ge @!p0 [sflag:s16], $0x800  }
0x12d: {  	[sflag:s16] =	ssyncset.done @!p0 $0x0  }
0x12e: {  	s17 =	sadd.s32 $0xC0, s15;
	[sflag:s16] =	ssyncadd.s32 @!p0 $0xFFFFF800  }
0x12f: {  	[tilespmem:s29], [sflag:$0x4] =	stream.linear.gather [hbm4b:s17+s4], $0x200, $0x38;
	[tilespmem:$0x1D700] =	vst v63  }
0x130: {  	s14 =	sadd.s32 $0xC0, s14  }
0x131: {  	[tilespmem:s30], [sflag:$0x4] =	stream.linear.gather [hbm4b:s14+s4], $0x200, $0x38;
	[tilespmem:$0x1D700] =	vst v63  }
0x132: {  	_ =	swait.ge [sflag:s21], $0x200  }
0x133: {  	[sflag:s21] =	ssyncset.done $0x0  }
0x134: {  	[sflag:s21] =	ssyncadd.s32 $0xFFFFFE00  }
0x135: {  	_ =	swait.ge [sflag:s21], $0x200  }
0x136: {  	[sflag:s21] =	ssyncset.done $0x0  }
0x137: {  	s16 =	simm.s32 $0x200;
	[sflag:s21] =	ssyncadd.s32 $0xFFFFFE00  }
0x138: {  	[tilespmem:s31], [sflag:$0x1] =	stream.indirect.gather [hbm4b:s2+s22], $0x10, s16, s22, $0xb8;
	[tilespmem:$0x1D700] =	vst v63  }
0x139: {  	s15 =	rddreg [dreg:$0x9]  }
0x13a: {  	[tilespmem:s0], [sflag:$0x1] =	stream.indirect.gather [hbm4b:s2+s22], $0x10, s15, s22, $0xb8;
	[tilespmem:$0x1D700] =	vst v63  }
0x13b: {  	s17 =	rddreg [dreg:$0xa]  }
0x13c: {  	[tilespmem:s1], [sflag:$0x1] =	stream.indirect.gather [hbm4b:s2+s22], $0x10, s17, s22, $0xb8;
	[tilespmem:$0x1D700] =	vst v63  }
0x13d: {  	s15 =	rddreg [dreg:$0xb]  }
0x13e: {  	[tilespmem:s5], [sflag:$0x1] =	stream.indirect.gather [hbm4b:s2+s22], $0x10, s15, s22, $0xb8;
	[tilespmem:$0x1D700] =	vst v63  }
0x13f: {  	_ =	swait.ge [sflag:s28], $0x800  }
0x140: {  	[sflag:s28] =	ssyncset.done $0x0  }
0x141: {  	[sflag:s28] =	ssyncadd.s32 $0xFFFFF800  }
0x142: {  	_ =	swait.ge [sflag:s28], $0x800  }
0x143: {  	[sflag:s28] =	ssyncset.done $0x0  }
0x144: {  	[sflag:s28] =	ssyncadd.s32 $0xFFFFF800  }
0x145: {  	_ =	swait.ge [sflag:s28], $0x800  }
0x146: {  	[sflag:s28] =	ssyncset.done $0x0  }
0x147: {  	[sflag:s28] =	ssyncadd.s32 $0xFFFFF800  }
0x148: {  	_ =	swait.ge [sflag:s28], $0x800  }
0x149: {  	[sflag:s28] =	ssyncset.done $0x0  }
0x14a: {  	s17 =	simm.s32 $0xA00;
	[sflag:s28] =	ssyncadd.s32 $0xFFFFF800  }
0x14b: {  	[spmem:s3] =	stream.indirect.scatter.add.f32 [tilespmem:s31], [sflag:$0x3], $0x10, s17, s22, $0xb8;
	[tilespmem:$0x1D700] =	vst v63  }
0x14c: {  	s16 =	rddreg [dreg:$0xc]  }
0x14d: {  	[spmem:s3] =	stream.indirect.scatter.add.f32 [tilespmem:s0], [sflag:$0x3], $0x10, s16, s22, $0xb8;
	[tilespmem:$0x1D700] =	vst v63  }
0x14e: {  	s15 =	rddreg [dreg:$0xd]  }
0x14f: {  	[spmem:s3] =	stream.indirect.scatter.add.f32 [tilespmem:s1], [sflag:$0x3], $0x10, s15, s22, $0xb8;
	[tilespmem:$0x1D700] =	vst v63  }
0x150: {  	s16 =	rddreg [dreg:$0xe]  }
0x151: {  	[spmem:s3] =	stream.indirect.scatter.add.f32 [tilespmem:s5], [sflag:$0x3], $0x10, s16, s22, $0xb8;
	[tilespmem:$0x1D700] =	vst v63  }
0x152: {  	_ =	swait.ge [sflag:s9], $0x800  }
0x153: {  	[sflag:s9] =	ssyncset.done $0x0  }
0x154: {  	[sflag:s9] =	ssyncadd.s32 $0xFFFFF800  }
0x155: {  	_ =	swait.ge [sflag:s9], $0x800  }
0x156: {  	[sflag:s9] =	ssyncset.done $0x0  }
0x157: {  	[sflag:s9] =	ssyncadd.s32 $0xFFFFF800  }
0x158: {  	_ =	swait.ge [sflag:s9], $0x800  }
0x159: {  	s6 =	smov.u32 s7;
	[sflag:s9] =	ssyncset.done $0x0  }
0x15a: {  	p2 =	seq.s32 s6, $0x0;
	[sflag:s9] =	ssyncadd.s32 $0xFFFFF800  }
0x15b: {  	p0 =	por p2, p2;
	p2 =	seq.s32 s12, $0x3000;
	_ =	swait.ge [sflag:s9], $0x800  }
0x15c: {  	s11 =	sadd.s32 @!p2 s12, s13;
	s12 =	sadd.s32 @!p2 s12, s8;
	[sflag:s9] =	ssyncset.done $0x0  }
0x15d: {  	s14 =	simm.s32 @!p2 $0x0;
	s15 =	sadd.s32 @!p2 $0x100, s11;
	[sflag:s9] =	ssyncadd.s32 $0xFFFFF800  }
0x15e: {  	[tilespmem:s14], [sflag:$0x4] =	stream.linear.gather @!p2 [hbm4b:s15+s14], $0x200, $0x38;
	[tilespmem:$0x1D700] =	vst v63  }
0x15f: {  	s17 =	simm.s32 @!p2 $0x800;
	s16 =	sadd.s32 @!p2 $0x100, s12  }
0x160: {  	[tilespmem:s17], [sflag:$0x4] =	stream.linear.gather @!p2 [hbm4b:s16+s14], $0x200, $0x38;
	[tilespmem:$0x1D700] =	vst v63  }
0x161: {  	_ =	swait.ge [sflag:s21], $0x200  }
0x162: {  	[sflag:s21] =	ssyncset.done $0x0  }
0x163: {  	[sflag:s21] =	ssyncadd.s32 $0xFFFFFE00  }
0x164: {  	_ =	swait.ge [sflag:s21], $0x200  }
0x165: {  	[sflag:s21] =	ssyncset.done $0x0  }
0x166: {  	[sflag:s21] =	ssyncadd.s32 $0xFFFFFE00  }
0x167: {  	[tilespmem:s23], [sflag:$0x1] =	stream.indirect.gather [hbm4b:s2+s22], $0x10, s19, s22, $0xb8;
	[tilespmem:$0x1D700] =	vst v63  }
0x168: {  	s17 =	rddreg [dreg:$0xf]  }
0x169: {  	[tilespmem:s24], [sflag:$0x1] =	stream.indirect.gather [hbm4b:s2+s22], $0x10, s17, s22, $0xb8;
	[tilespmem:$0x1D700] =	vst v63  }
0x16a: {  	s16 =	rddreg [dreg:$0x10]  }
0x16b: {  	[tilespmem:s25], [sflag:$0x1] =	stream.indirect.gather [hbm4b:s2+s22], $0x10, s16, s22, $0xb8;
	[tilespmem:$0x1D700] =	vst v63  }
0x16c: {  	s17 =	rddreg [dreg:$0x11]  }
0x16d: {  	[tilespmem:s26], [sflag:$0x1] =	stream.indirect.gather [hbm4b:s2+s22], $0x10, s17, s22, $0xb8;
	[tilespmem:$0x1D700] =	vst v63  }
0x16e: {  	_ =	swait.ge [sflag:s28], $0x800  }
0x16f: {  	[sflag:s28] =	ssyncset.done $0x0  }
0x170: {  	[sflag:s28] =	ssyncadd.s32 $0xFFFFF800  }
0x171: {  	_ =	swait.ge [sflag:s28], $0x800  }
0x172: {  	[sflag:s28] =	ssyncset.done $0x0  }
0x173: {  	[sflag:s28] =	ssyncadd.s32 $0xFFFFF800  }
0x174: {  	_ =	swait.ge [sflag:s28], $0x800  }
0x175: {  	[sflag:s28] =	ssyncset.done $0x0  }
0x176: {  	[sflag:s28] =	ssyncadd.s32 $0xFFFFF800  }
0x177: {  	_ =	swait.ge [sflag:s28], $0x800  }
0x178: {  	[sflag:s28] =	ssyncset.done $0x0  }
0x179: {  	[sflag:s28] =	ssyncadd.s32 $0xFFFFF800  }
0x17a: {  	[spmem:s3] =	stream.indirect.scatter.add.f32 [tilespmem:s23], [sflag:$0x2], $0x10, s20, s22, $0xb8;
	[tilespmem:$0x1D700] =	vst v63  }
0x17b: {  	s17 =	rddreg [dreg:$0x12]  }
0x17c: {  	[spmem:s3] =	stream.indirect.scatter.add.f32 [tilespmem:s24], [sflag:$0x2], $0x10, s17, s22, $0xb8;
	[tilespmem:$0x1D700] =	vst v63  }
0x17d: {  	s16 =	rddreg [dreg:$0x13]  }
0x17e: {  	[spmem:s3] =	stream.indirect.scatter.add.f32 [tilespmem:s25], [sflag:$0x2], $0x10, s16, s22, $0xb8;
	[tilespmem:$0x1D700] =	vst v63  }
0x17f: {  	s17 =	rddreg [dreg:$0x14]  }
0x180: {  	[spmem:s3] =	stream.indirect.scatter.add.f32 [tilespmem:s26], [sflag:$0x2], $0x10, s17, s22, $0xb8;
	[tilespmem:$0x1D700] =	vst v63  }
0x181: {  	_ =	swait.ge [sflag:s10], $0x800  }
0x182: {  	[sflag:s10] =	ssyncset.done $0x0  }
0x183: {  	[sflag:s10] =	ssyncadd.s32 $0xFFFFF800  }
0x184: {  	_ =	swait.ge [sflag:s10], $0x800  }
0x185: {  	[sflag:s10] =	ssyncset.done $0x0  }
0x186: {  	[sflag:s10] =	ssyncadd.s32 $0xFFFFF800  }
0x187: {  	_ =	swait.ge [sflag:s10], $0x800  }
0x188: {  	[sflag:s10] =	ssyncset.done $0x0  }
0x189: {  	[sflag:s10] =	ssyncadd.s32 $0xFFFFF800  }
0x18a: {  	_ =	swait.ge [sflag:s10], $0x800  }
0x18b: {  	s15 =	sadd.s32 @!p2 $0x140, s11;
	s11 =	sadd.s32 @!p2 $0x140, s12;
	[sflag:s10] =	ssyncset.done $0x0  }
0x18c: {  	s12 =	smov.u32 s6;
	s6 =	simm.s32 @!p2 $0x200;
	[sflag:s10] =	ssyncadd.s32 $0xFFFFF800  }
0x18d: {  	[tilespmem:s6], [sflag:$0x4] =	stream.linear.gather @!p2 [hbm4b:s15+s14], $0x200, $0x38;
	[tilespmem:$0x1D700] =	vst v63  }
0x18e: {  	s6 =	simm.s32 @!p2 $0xA00  }
0x18f: {  	[tilespmem:s6], [sflag:$0x4] =	stream.linear.gather @!p2 [hbm4b:s11+s14], $0x200, $0x38;
	[tilespmem:$0x1D700] =	vst v63  }
0x190: {  	_ =	swait.ge [sflag:s21], $0x200  }
0x191: {  	[sflag:s21] =	ssyncset.done $0x0  }
0x192: {  	[sflag:s21] =	ssyncadd.s32 $0xFFFFFE00  }
0x193: {  	_ =	swait.ge [sflag:s21], $0x200  }
0x194: {  	[sflag:s21] =	ssyncset.done $0x0  }
0x195: {  	[sflag:s21] =	ssyncadd.s32 $0xFFFFFE00  }
0x196: {  	[tilespmem:s31], [sflag:$0x1] =	stream.indirect.gather [hbm4b:s2+s22], $0x10, s29, s22, $0xb8;
	[tilespmem:$0x1D700] =	vst v63  }
0x197: {  	s11 =	rddreg [dreg:$0x15]  }
0x198: {  	[tilespmem:s0], [sflag:$0x1] =	stream.indirect.gather [hbm4b:s2+s22], $0x10, s11, s22, $0xb8;
	[tilespmem:$0x1D700] =	vst v63  }
0x199: {  	s14 =	rddreg [dreg:$0x16]  }
0x19a: {  	[tilespmem:s1], [sflag:$0x1] =	stream.indirect.gather [hbm4b:s2+s22], $0x10, s14, s22, $0xb8;
	[tilespmem:$0x1D700] =	vst v63  }
0x19b: {  	s15 =	rddreg [dreg:$0x17]  }
0x19c: {  	[tilespmem:s5], [sflag:$0x1] =	stream.indirect.gather [hbm4b:s2+s22], $0x10, s15, s22, $0xb8;
	[tilespmem:$0x1D700] =	vst v63  }
0x19d: {  	_ =	swait.ge [sflag:s28], $0x800  }
0x19e: {  	[sflag:s28] =	ssyncset.done $0x0  }
0x19f: {  	[sflag:s28] =	ssyncadd.s32 $0xFFFFF800  }
0x1a0: {  	_ =	swait.ge [sflag:s28], $0x800  }
0x1a1: {  	[sflag:s28] =	ssyncset.done $0x0  }
0x1a2: {  	[sflag:s28] =	ssyncadd.s32 $0xFFFFF800  }
0x1a3: {  	_ =	swait.ge [sflag:s28], $0x800  }
0x1a4: {  	[sflag:s28] =	ssyncset.done $0x0  }
0x1a5: {  	[sflag:s28] =	ssyncadd.s32 $0xFFFFF800  }
0x1a6: {  	_ =	swait.ge [sflag:s28], $0x800  }
0x1a7: {  	s7 =	sadd.s32 $0x100, s7;
	[sflag:s28] =	ssyncset.done $0x0  }
0x1a8: {  	p1 =	sne.s32 s7, $0x3100;
	[sflag:s28] =	ssyncadd.s32 $0xFFFFF800  }
0x1a9: {  	[spmem:s3] =	stream.indirect.scatter.add.f32 [tilespmem:s31], [sflag:$0x3], $0x10, s30, s22, $0xb8;
	[tilespmem:$0x1D700] =	vst v63  }
.Ltmp0:
0x1aa: {  	s16 =	rddreg [dreg:$0x18];
	(pc) =	sbr.rel @p1 .LBB2_2-.Ltmp0, $4  }
0x1ab: {  	s17 =	rddreg [dreg:$0x19]  }
0x1ac: {  	[spmem:s3] =	stream.indirect.scatter.add.f32 [tilespmem:s0], [sflag:$0x3], $0x10, s16, s22, $0xb8;
	[tilespmem:$0x1D700] =	vst v63  }
0x1ad: {  	s6 =	rddreg [dreg:$0x1a]  }
0x1ae: {  	[spmem:s3] =	stream.indirect.scatter.add.f32 [tilespmem:s1], [sflag:$0x3], $0x10, s17, s22, $0xb8;
	[tilespmem:$0x1D700] =	vst v63  }
0x1af: {  	[spmem:s3] =	stream.indirect.scatter.add.f32 [tilespmem:s5], [sflag:$0x3], $0x10, s6, s22, $0xb8;
	[tilespmem:$0x1D700] =	vst v63  }
0x1b0: {  	s6 =	simm.s32 @!p0 $0x2  }
0x1b1: {  	_ =	swait.ge @!p0 [sflag:s6], $0x800  }
0x1b2: {  	[sflag:s6] =	ssyncset.done @!p0 $0x0  }
0x1b3: {  	[sflag:s6] =	ssyncadd.s32 @!p0 $0xFFFFF800  }
0x1b4: {  	_ =	swait.ge @!p0 [sflag:s6], $0x800  }
0x1b5: {  	[sflag:s6] =	ssyncset.done @!p0 $0x0  }
0x1b6: {  	[sflag:s6] =	ssyncadd.s32 @!p0 $0xFFFFF800  }
0x1b7: {  	_ =	swait.ge @!p0 [sflag:s6], $0x800  }
0x1b8: {  	[sflag:s6] =	ssyncset.done @!p0 $0x0  }
0x1b9: {  	[sflag:s6] =	ssyncadd.s32 @!p0 $0xFFFFF800  }
0x1ba: {  	_ =	swait.ge @!p0 [sflag:s6], $0x800  }
0x1bb: {  	s7 =	sadd.s32 s12, s13;
	[sflag:s6] =	ssyncset.done @!p0 $0x0  }
0x1bc: {  	s11 =	sadd.s32 s12, s8;
	s15 =	sadd.s32 $0x80, s7;
	[sflag:s6] =	ssyncadd.s32 @!p0 $0xFFFFF800  }
0x1bd: {  	[tilespmem:s19], [sflag:$0x4] =	stream.linear.gather [hbm4b:s15+s4], $0x200, $0x38;
	[tilespmem:$0x1D700] =	vst v63  }
0x1be: {  	s16 =	sadd.s32 $0x80, s11  }
0x1bf: {  	[tilespmem:s20], [sflag:$0x4] =	stream.linear.gather [hbm4b:s16+s4], $0x200, $0x38;
	[tilespmem:$0x1D700] =	vst v63  }
0x1c0: {  	_ =	swait.ge [sflag:s21], $0x200  }
0x1c1: {  	[sflag:s21] =	ssyncset.done $0x0  }
0x1c2: {  	[sflag:s21] =	ssyncadd.s32 $0xFFFFFE00  }
0x1c3: {  	_ =	swait.ge [sflag:s21], $0x200  }
0x1c4: {  	[sflag:s21] =	ssyncset.done $0x0  }
0x1c5: {  	[sflag:s21] =	ssyncadd.s32 $0xFFFFFE00  }
0x1c6: {  	[tilespmem:s23], [sflag:$0x1] =	stream.indirect.gather [hbm4b:s2+s22], $0x10, s4, s22, $0xb8;
	[tilespmem:$0x1D700] =	vst v63  }
0x1c7: {  	_ = 	snop  }
0x1c8: {  	[tilespmem:s24], [sflag:$0x1] =	stream.indirect.gather [hbm4b:s2+s22], $0x10, s22, s22, $0xb8;
	[tilespmem:$0x1D700] =	vst v63  }
0x1c9: {  	s17 =	rddreg [dreg:$0x4]  }
0x1ca: {  	[tilespmem:s25], [sflag:$0x1] =	stream.indirect.gather [hbm4b:s2+s22], $0x10, s17, s22, $0xb8;
	[tilespmem:$0x1D700] =	vst v63  }
0x1cb: {  	s14 =	rddreg [dreg:$0x5]  }
0x1cc: {  	[tilespmem:s26], [sflag:$0x1] =	stream.indirect.gather [hbm4b:s2+s22], $0x10, s14, s22, $0xb8;
	[tilespmem:$0x1D700] =	vst v63  }
0x1cd: {  	_ =	swait.ge [sflag:s28], $0x800  }
0x1ce: {  	[sflag:s28] =	ssyncset.done $0x0  }
0x1cf: {  	[sflag:s28] =	ssyncadd.s32 $0xFFFFF800  }
0x1d0: {  	_ =	swait.ge [sflag:s28], $0x800  }
0x1d1: {  	[sflag:s28] =	ssyncset.done $0x0  }
0x1d2: {  	[sflag:s28] =	ssyncadd.s32 $0xFFFFF800  }
0x1d3: {  	_ =	swait.ge [sflag:s28], $0x800  }
0x1d4: {  	[sflag:s28] =	ssyncset.done $0x0  }
0x1d5: {  	[sflag:s28] =	ssyncadd.s32 $0xFFFFF800  }
0x1d6: {  	_ =	swait.ge [sflag:s28], $0x800  }
0x1d7: {  	[sflag:s28] =	ssyncset.done $0x0  }
0x1d8: {  	[sflag:s28] =	ssyncadd.s32 $0xFFFFF800  }
0x1d9: {  	[spmem:s3] =	stream.indirect.scatter.add.f32 [tilespmem:s23], [sflag:$0x2], $0x10, s18, s22, $0xb8;
	[tilespmem:$0x1D700] =	vst v63  }
0x1da: {  	s15 =	rddreg [dreg:$0x6]  }
0x1db: {  	[spmem:s3] =	stream.indirect.scatter.add.f32 [tilespmem:s24], [sflag:$0x2], $0x10, s15, s22, $0xb8;
	[tilespmem:$0x1D700] =	vst v63  }
0x1dc: {  	s16 =	rddreg [dreg:$0x7]  }
0x1dd: {  	[spmem:s3] =	stream.indirect.scatter.add.f32 [tilespmem:s25], [sflag:$0x2], $0x10, s16, s22, $0xb8;
	[tilespmem:$0x1D700] =	vst v63  }
0x1de: {  	s14 =	simm.s32 @!p0 $0x3;
	s17 =	rddreg [dreg:$0x8]  }
0x1df: {  	[spmem:s3] =	stream.indirect.scatter.add.f32 [tilespmem:s26], [sflag:$0x2], $0x10, s17, s22, $0xb8;
	[tilespmem:$0x1D700] =	vst v63  }
0x1e0: {  	_ =	swait.ge @!p0 [sflag:s14], $0x800  }
0x1e1: {  	[sflag:s14] =	ssyncset.done @!p0 $0x0  }
0x1e2: {  	[sflag:s14] =	ssyncadd.s32 @!p0 $0xFFFFF800  }
0x1e3: {  	_ =	swait.ge @!p0 [sflag:s14], $0x800  }
0x1e4: {  	[sflag:s14] =	ssyncset.done @!p0 $0x0  }
0x1e5: {  	[sflag:s14] =	ssyncadd.s32 @!p0 $0xFFFFF800  }
0x1e6: {  	_ =	swait.ge @!p0 [sflag:s14], $0x800  }
0x1e7: {  	[sflag:s14] =	ssyncset.done @!p0 $0x0  }
0x1e8: {  	[sflag:s14] =	ssyncadd.s32 @!p0 $0xFFFFF800  }
0x1e9: {  	_ =	swait.ge @!p0 [sflag:s14], $0x800  }
0x1ea: {  	[sflag:s14] =	ssyncset.done @!p0 $0x0  }
0x1eb: {  	s15 =	sadd.s32 $0xC0, s7;
	[sflag:s14] =	ssyncadd.s32 @!p0 $0xFFFFF800  }
0x1ec: {  	[tilespmem:s29], [sflag:$0x4] =	stream.linear.gather [hbm4b:s15+s4], $0x200, $0x38;
	[tilespmem:$0x1D700] =	vst v63  }
0x1ed: {  	s16 =	sadd.s32 $0xC0, s11  }
0x1ee: {  	[tilespmem:s30], [sflag:$0x4] =	stream.linear.gather [hbm4b:s16+s4], $0x200, $0x38;
	[tilespmem:$0x1D700] =	vst v63  }
0x1ef: {  	_ =	swait.ge [sflag:s21], $0x200  }
0x1f0: {  	[sflag:s21] =	ssyncset.done $0x0  }
0x1f1: {  	[sflag:s21] =	ssyncadd.s32 $0xFFFFFE00  }
0x1f2: {  	_ =	swait.ge [sflag:s21], $0x200  }
0x1f3: {  	[sflag:s21] =	ssyncset.done $0x0  }
0x1f4: {  	s11 =	simm.s32 $0x200;
	[sflag:s21] =	ssyncadd.s32 $0xFFFFFE00  }
0x1f5: {  	[tilespmem:s31], [sflag:$0x1] =	stream.indirect.gather [hbm4b:s2+s22], $0x10, s11, s22, $0xb8;
	[tilespmem:$0x1D700] =	vst v63  }
0x1f6: {  	s17 =	rddreg [dreg:$0x9]  }
0x1f7: {  	[tilespmem:s0], [sflag:$0x1] =	stream.indirect.gather [hbm4b:s2+s22], $0x10, s17, s22, $0xb8;
	[tilespmem:$0x1D700] =	vst v63  }
0x1f8: {  	s14 =	rddreg [dreg:$0xa]  }
0x1f9: {  	[tilespmem:s1], [sflag:$0x1] =	stream.indirect.gather [hbm4b:s2+s22], $0x10, s14, s22, $0xb8;
	[tilespmem:$0x1D700] =	vst v63  }
0x1fa: {  	s15 =	rddreg [dreg:$0xb]  }
0x1fb: {  	[tilespmem:s5], [sflag:$0x1] =	stream.indirect.gather [hbm4b:s2+s22], $0x10, s15, s22, $0xb8;
	[tilespmem:$0x1D700] =	vst v63  }
0x1fc: {  	_ =	swait.ge [sflag:s28], $0x800  }
0x1fd: {  	[sflag:s28] =	ssyncset.done $0x0  }
0x1fe: {  	[sflag:s28] =	ssyncadd.s32 $0xFFFFF800  }
0x1ff: {  	_ =	swait.ge [sflag:s28], $0x800  }
0x200: {  	[sflag:s28] =	ssyncset.done $0x0  }
0x201: {  	[sflag:s28] =	ssyncadd.s32 $0xFFFFF800  }
0x202: {  	_ =	swait.ge [sflag:s28], $0x800  }
0x203: {  	[sflag:s28] =	ssyncset.done $0x0  }
0x204: {  	[sflag:s28] =	ssyncadd.s32 $0xFFFFF800  }
0x205: {  	_ =	swait.ge [sflag:s28], $0x800  }
0x206: {  	[sflag:s28] =	ssyncset.done $0x0  }
0x207: {  	s17 =	simm.s32 $0xA00;
	[sflag:s28] =	ssyncadd.s32 $0xFFFFF800  }
0x208: {  	[spmem:s3] =	stream.indirect.scatter.add.f32 [tilespmem:s31], [sflag:$0x3], $0x10, s17, s22, $0xb8;
	[tilespmem:$0x1D700] =	vst v63  }
0x209: {  	s16 =	rddreg [dreg:$0xc]  }
0x20a: {  	[spmem:s3] =	stream.indirect.scatter.add.f32 [tilespmem:s0], [sflag:$0x3], $0x10, s16, s22, $0xb8;
	[tilespmem:$0x1D700] =	vst v63  }
0x20b: {  	s11 =	rddreg [dreg:$0xd]  }
0x20c: {  	[spmem:s3] =	stream.indirect.scatter.add.f32 [tilespmem:s1], [sflag:$0x3], $0x10, s11, s22, $0xb8;
	[tilespmem:$0x1D700] =	vst v63  }
0x20d: {  	s14 =	rddreg [dreg:$0xe]  }
0x20e: {  	[spmem:s3] =	stream.indirect.scatter.add.f32 [tilespmem:s5], [sflag:$0x3], $0x10, s14, s22, $0xb8;
	[tilespmem:$0x1D700] =	vst v63  }
0x20f: {  	_ =	swait.ge [sflag:s9], $0x800  }
0x210: {  	[sflag:s9] =	ssyncset.done $0x0  }
0x211: {  	[sflag:s9] =	ssyncadd.s32 $0xFFFFF800  }
0x212: {  	_ =	swait.ge [sflag:s9], $0x800  }
0x213: {  	[sflag:s9] =	ssyncset.done $0x0  }
0x214: {  	[sflag:s9] =	ssyncadd.s32 $0xFFFFF800  }
0x215: {  	_ =	swait.ge [sflag:s9], $0x800  }
0x216: {  	[sflag:s9] =	ssyncset.done $0x0  }
0x217: {  	[sflag:s9] =	ssyncadd.s32 $0xFFFFF800  }
0x218: {  	p0 =	seq.s32 s12, $0x3000;
	_ =	swait.ge [sflag:s9], $0x800  }
0x219: {  	s6 =	sadd.s32 @!p0 s12, s13;
	s7 =	sadd.s32 @!p0 s12, s8;
	[sflag:s9] =	ssyncset.done $0x0  }
0x21a: {  	s12 =	simm.s32 @!p0 $0x0;
	s11 =	sadd.s32 @!p0 $0x100, s6;
	[sflag:s9] =	ssyncadd.s32 $0xFFFFF800  }
0x21b: {  	[tilespmem:s12], [sflag:$0x4] =	stream.linear.gather @!p0 [hbm4b:s11+s12], $0x200, $0x38;
	[tilespmem:$0x1D700] =	vst v63  }
0x21c: {  	s14 =	simm.s32 @!p0 $0x800;
	s11 =	sadd.s32 @!p0 $0x100, s7  }
0x21d: {  	[tilespmem:s14], [sflag:$0x4] =	stream.linear.gather @!p0 [hbm4b:s11+s12], $0x200, $0x38;
	[tilespmem:$0x1D700] =	vst v63  }
0x21e: {  	_ =	swait.ge [sflag:s21], $0x200  }
0x21f: {  	[sflag:s21] =	ssyncset.done $0x0  }
0x220: {  	[sflag:s21] =	ssyncadd.s32 $0xFFFFFE00  }
0x221: {  	_ =	swait.ge [sflag:s21], $0x200  }
0x222: {  	[sflag:s21] =	ssyncset.done $0x0  }
0x223: {  	[sflag:s21] =	ssyncadd.s32 $0xFFFFFE00  }
0x224: {  	[tilespmem:s23], [sflag:$0x1] =	stream.indirect.gather [hbm4b:s2+s22], $0x10, s19, s22, $0xb8;
	[tilespmem:$0x1D700] =	vst v63  }
0x225: {  	s15 =	rddreg [dreg:$0xf]  }
0x226: {  	[tilespmem:s24], [sflag:$0x1] =	stream.indirect.gather [hbm4b:s2+s22], $0x10, s15, s22, $0xb8;
	[tilespmem:$0x1D700] =	vst v63  }
0x227: {  	s16 =	rddreg [dreg:$0x10]  }
0x228: {  	[tilespmem:s25], [sflag:$0x1] =	stream.indirect.gather [hbm4b:s2+s22], $0x10, s16, s22, $0xb8;
	[tilespmem:$0x1D700] =	vst v63  }
0x229: {  	s17 =	rddreg [dreg:$0x11]  }
0x22a: {  	[tilespmem:s26], [sflag:$0x1] =	stream.indirect.gather [hbm4b:s2+s22], $0x10, s17, s22, $0xb8;
	[tilespmem:$0x1D700] =	vst v63  }
0x22b: {  	_ =	swait.ge [sflag:s28], $0x800  }
0x22c: {  	[sflag:s28] =	ssyncset.done $0x0  }
0x22d: {  	[sflag:s28] =	ssyncadd.s32 $0xFFFFF800  }
0x22e: {  	_ =	swait.ge [sflag:s28], $0x800  }
0x22f: {  	[sflag:s28] =	ssyncset.done $0x0  }
0x230: {  	[sflag:s28] =	ssyncadd.s32 $0xFFFFF800  }
0x231: {  	_ =	swait.ge [sflag:s28], $0x800  }
0x232: {  	[sflag:s28] =	ssyncset.done $0x0  }
0x233: {  	[sflag:s28] =	ssyncadd.s32 $0xFFFFF800  }
0x234: {  	_ =	swait.ge [sflag:s28], $0x800  }
0x235: {  	[sflag:s28] =	ssyncset.done $0x0  }
0x236: {  	[sflag:s28] =	ssyncadd.s32 $0xFFFFF800  }
0x237: {  	[spmem:s3] =	stream.indirect.scatter.add.f32 [tilespmem:s23], [sflag:$0x2], $0x10, s20, s22, $0xb8;
	[tilespmem:$0x1D700] =	vst v63  }
0x238: {  	s15 =	rddreg [dreg:$0x12]  }
0x239: {  	[spmem:s3] =	stream.indirect.scatter.add.f32 [tilespmem:s24], [sflag:$0x2], $0x10, s15, s22, $0xb8;
	[tilespmem:$0x1D700] =	vst v63  }
0x23a: {  	s16 =	rddreg [dreg:$0x13]  }
0x23b: {  	[spmem:s3] =	stream.indirect.scatter.add.f32 [tilespmem:s25], [sflag:$0x2], $0x10, s16, s22, $0xb8;
	[tilespmem:$0x1D700] =	vst v63  }
0x23c: {  	s17 =	rddreg [dreg:$0x14]  }
0x23d: {  	[spmem:s3] =	stream.indirect.scatter.add.f32 [tilespmem:s26], [sflag:$0x2], $0x10, s17, s22, $0xb8;
	[tilespmem:$0x1D700] =	vst v63  }
0x23e: {  	_ =	swait.ge [sflag:s10], $0x800  }
0x23f: {  	[sflag:s10] =	ssyncset.done $0x0  }
0x240: {  	[sflag:s10] =	ssyncadd.s32 $0xFFFFF800  }
0x241: {  	_ =	swait.ge [sflag:s10], $0x800  }
0x242: {  	[sflag:s10] =	ssyncset.done $0x0  }
0x243: {  	[sflag:s10] =	ssyncadd.s32 $0xFFFFF800  }
0x244: {  	_ =	swait.ge [sflag:s10], $0x800  }
0x245: {  	[sflag:s10] =	ssyncset.done $0x0  }
0x246: {  	[sflag:s10] =	ssyncadd.s32 $0xFFFFF800  }
0x247: {  	_ =	swait.ge [sflag:s10], $0x800  }
0x248: {  	[sflag:s10] =	ssyncset.done $0x0  }
0x249: {  	s6 =	sadd.s32 @!p0 $0x140, s6;
	s11 =	simm.s32 @!p0 $0x200;
	[sflag:s10] =	ssyncadd.s32 $0xFFFFF800  }
0x24a: {  	[tilespmem:s11], [sflag:$0x4] =	stream.linear.gather @!p0 [hbm4b:s6+s12], $0x200, $0x38;
	[tilespmem:$0x1D700] =	vst v63  }
0x24b: {  	s6 =	sadd.s32 @!p0 $0x140, s7;
	s7 =	simm.s32 @!p0 $0xA00  }
0x24c: {  	[tilespmem:s7], [sflag:$0x4] =	stream.linear.gather @!p0 [hbm4b:s6+s12], $0x200, $0x38;
	[tilespmem:$0x1D700] =	vst v63  }
0x24d: {  	_ =	swait.ge [sflag:s21], $0x200  }
0x24e: {  	[sflag:s21] =	ssyncset.done $0x0  }
0x24f: {  	[sflag:s21] =	ssyncadd.s32 $0xFFFFFE00  }
0x250: {  	_ =	swait.ge [sflag:s21], $0x200  }
0x251: {  	[sflag:s21] =	ssyncset.done $0x0  }
0x252: {  	[sflag:s21] =	ssyncadd.s32 $0xFFFFFE00  }
0x253: {  	[tilespmem:s31], [sflag:$0x1] =	stream.indirect.gather [hbm4b:s2+s22], $0x10, s29, s22, $0xb8;
	[tilespmem:$0x1D700] =	vst v63  }
0x254: {  	s15 =	rddreg [dreg:$0x15]  }
0x255: {  	[tilespmem:s0], [sflag:$0x1] =	stream.indirect.gather [hbm4b:s2+s22], $0x10, s15, s22, $0xb8;
	[tilespmem:$0x1D700] =	vst v63  }
0x256: {  	s16 =	rddreg [dreg:$0x16]  }
0x257: {  	[tilespmem:s1], [sflag:$0x1] =	stream.indirect.gather [hbm4b:s2+s22], $0x10, s16, s22, $0xb8;
	[tilespmem:$0x1D700] =	vst v63  }
0x258: {  	s17 =	rddreg [dreg:$0x17]  }
0x259: {  	[tilespmem:s5], [sflag:$0x1] =	stream.indirect.gather [hbm4b:s2+s22], $0x10, s17, s22, $0xb8;
	[tilespmem:$0x1D700] =	vst v63  }
0x25a: {  	_ =	swait.ge [sflag:s28], $0x800  }
0x25b: {  	[sflag:s28] =	ssyncset.done $0x0  }
0x25c: {  	[sflag:s28] =	ssyncadd.s32 $0xFFFFF800  }
0x25d: {  	_ =	swait.ge [sflag:s28], $0x800  }
0x25e: {  	[sflag:s28] =	ssyncset.done $0x0  }
0x25f: {  	[sflag:s28] =	ssyncadd.s32 $0xFFFFF800  }
0x260: {  	_ =	swait.ge [sflag:s28], $0x800  }
0x261: {  	[sflag:s28] =	ssyncset.done $0x0  }
0x262: {  	[sflag:s28] =	ssyncadd.s32 $0xFFFFF800  }
0x263: {  	_ =	swait.ge [sflag:s28], $0x800  }
0x264: {  	[sflag:s28] =	ssyncset.done $0x0  }
0x265: {  	[sflag:s28] =	ssyncadd.s32 $0xFFFFF800  }
0x266: {  	[spmem:s3] =	stream.indirect.scatter.add.f32 [tilespmem:s31], [sflag:$0x3], $0x10, s30, s22, $0xb8;
	[tilespmem:$0x1D700] =	vst v63  }
0x267: {  	s11 =	rddreg [dreg:$0x18]  }
0x268: {  	[spmem:s3] =	stream.indirect.scatter.add.f32 [tilespmem:s0], [sflag:$0x3], $0x10, s11, s22, $0xb8;
	[tilespmem:$0x1D700] =	vst v63  }
0x269: {  	s12 =	rddreg [dreg:$0x19]  }
0x26a: {  	[spmem:s3] =	stream.indirect.scatter.add.f32 [tilespmem:s1], [sflag:$0x3], $0x10, s12, s22, $0xb8;
	[tilespmem:$0x1D700] =	vst v63  }
0x26b: {  	s14 =	rddreg [dreg:$0x1a]  }
0x26c: {  	[spmem:s3] =	stream.indirect.scatter.add.f32 [tilespmem:s5], [sflag:$0x3], $0x10, s14, s22, $0xb8;
	[tilespmem:$0x1D700] =	vst v63  }
0x26d: {  	_ =	swait.ge [sflag:s9], $0x800  }
0x26e: {  	[sflag:s9] =	ssyncset.done $0x0  }
0x26f: {  	[sflag:s9] =	ssyncadd.s32 $0xFFFFF800  }
0x270: {  	_ =	swait.ge [sflag:s9], $0x800  }
0x271: {  	[sflag:s9] =	ssyncset.done $0x0  }
0x272: {  	[sflag:s9] =	ssyncadd.s32 $0xFFFFF800  }
0x273: {  	_ =	swait.ge [sflag:s9], $0x800  }
0x274: {  	[sflag:s9] =	ssyncset.done $0x0  }
0x275: {  	[sflag:s9] =	ssyncadd.s32 $0xFFFFF800  }
0x276: {  	_ =	swait.ge [sflag:s9], $0x800  }
0x277: {  	[sflag:s9] =	ssyncset.done $0x0  }
0x278: {  	[sflag:s9] =	ssyncadd.s32 $0xFFFFF800  }
0x279: {  	_ =	swait.ge [sflag:s10], $0x800  }
0x27a: {  	[sflag:s10] =	ssyncset.done $0x0  }
0x27b: {  	[sflag:s10] =	ssyncadd.s32 $0xFFFFF800  }
0x27c: {  	_ =	swait.ge [sflag:s10], $0x800  }
0x27d: {  	[sflag:s10] =	ssyncset.done $0x0  }
0x27e: {  	[sflag:s10] =	ssyncadd.s32 $0xFFFFF800  }
0x27f: {  	_ =	swait.ge [sflag:s10], $0x800  }
0x280: {  	[sflag:s10] =	ssyncset.done $0x0  }
0x281: {  	[sflag:s10] =	ssyncadd.s32 $0xFFFFF800  }
0x282: {  	_ =	swait.ge [sflag:s10], $0x800  }
0x283: {  	[sflag:s10] =	ssyncset.done $0x0  }
0x284: {  	[sflag:s10] =	ssyncadd.s32 $0xFFFFF800  }
0x285: {  	[bflag:$0x0] =	sbarrier.arrive $0xFFFF  }
0x286: {  	s15 =	sld [smem:$0x7FB]  }
0x287: {  	s7 =	sld [smem:$0x7FD];
	_ =	sdelay $0x1  }
0x288: {  	s11 =	simm.s32 $0x5;
	s14 =	rddreg [dreg:$0x1c]  }
0x289: {  	[hbm:s15], [sflag:s14] =	dma.local [spmem:s7], $0x30E0  }
0x28a: {  	_ =	swait.ge [sflag:s11], $0x30E0  }
0x28b: {  	s16 =	sld [smem:$0x7FA]  }
0x28c: {  	s17 =	sld [smem:$0x7FC];
	_ =	sdelay $0x1  }
0x28d: {  	s12 =	sadd.s32 $0x1, s16  }
0x28e: {  	p0 =	sne.s32 s12, s17  }
.Ltmp1:
0x28f: {  	_ = 	snop;
	(pc) =	sbr.rel @p0 .LBB2_1-.Ltmp1, $3  }
0x290: {  	_ =	sdelay $0x1  }
0x291: {  	[sflag:s11] =	ssyncset.done $0x0  }
0x292: {  	[sflag:s11] =	ssyncadd.s32 $0xFFFFCF20  }
0x293: {  	_ =	sfence.sel $0x180000  }
0x294: {  	[bflag:$0x0] =	sbarrier.arrive $0xFFFF  }
0x295: {  	_ =	strace $0x9000004A  }
0x296: {  	s0 =	stileid.u32;
	[bflag:$0x2] =	sbarrier.arrive $0xFFFF  }
0x297: {  	p0 =	sne.s32 s0, $0x0;
	s0 =	rddreg [dreg:$0x3]  }
0x298: {  	s0 =	sadd.s32 @!p0 $0x100000, s0  }
0x299: {  	[sflag:s0] =	ssyncadd.tile.s32 @!p0 $0x1;
	_ =	shalt  }
.Lfunc_end2:
_tile_overlayer_lowered:
.L_overlay_start_2:
0x29a: {  	(tag) =	ssettag $0x2  }
0x29b: {  	s0 =	rddreg [dreg:$0x0];
	s2 =	stileid.u32  }
0x29c: {  	s1 =	rddreg [dreg:$0x1];
	p0 =	sne.s32 s2, $0x0  }
0x29d: {  	s3 =	rddreg [dreg:$0x2];
	[bflag:$0x3] =	sbarrier.arrive $0xFFFF;
	s2 =	simm.s32 @!p0 $0x1C05  }
0x29e: {  	[timem:s3], [sflag:s2] =	dma.local @!p0 [hbm:s0], s1  }
0x29f: {  	s0 =	simm.s32 @!p0 $0x5  }
0x2a0: {  	_ =	swait.ge @!p0 [sflag:s0], s1  }
0x2a1: {  	s1 =	ssub.s32 @!p0 $0x0, s1;
	[sflag:s0] =	ssyncset.done @!p0 $0x0  }
0x2a2: {  	[sflag:s0] =	ssyncadd.s32 @!p0 s1  }
0x2a3: {  	[bflag:$0x3] =	sbarrier.arrive $0xFFFF  }
0x2a4: {  	_ =	shalt  }

</sc_bundles>
